<compile_context>
chip_gen: v7x
topology: tpu7x:2x2x1
jax: 0.10.2.dev20260603
libtpu: 0.0.44.dev20260713+nightly
codegen_flags: <defaults>
</compile_context>

<pallas_src>
import functools

import jax
import jax.numpy as jnp
from jax import lax
from jax.experimental import pallas as pl
from jax.experimental.pallas import tpu as pltpu
from jax.experimental.pallas import tpu_sc as plsc

V = 10000
E = 160000
D = 144
DA = 128
DB = 16
EB = 1280
NBLK = E // EB

_LMAP = (0, 1, 0, 1, 0, 1, 1, 1)


_G_CH = 512
_G_NGRP = 2 * E // _G_CH


def _gather_body(ta_hbm, tb_hbm, idx_hbm, outa_hbm, outb_hbm,
                 idx_v, rows_va, rows_vb, sem):
    c = lax.axis_index("c")
    s = lax.axis_index("s")
    wid = s * 2 + c

    def body(i, carry):
        g = i * 32 + wid

        @pl.when(g < _G_NGRP)
        def _():
            off = g * _G_CH
            pltpu.sync_copy(idx_hbm.at[pl.ds(off, _G_CH)], idx_v)
            cps = []
            for k in range(_G_CH // 128):
                iv = idx_v.at[pl.ds(k * 128, 128)]
                cps.append(pltpu.async_copy(
                    ta_hbm.at[iv], rows_va.at[pl.ds(k * 128, 128)], sem))
                cps.append(pltpu.async_copy(
                    tb_hbm.at[iv], rows_vb.at[pl.ds(k * 128, 128)], sem))
            for cp in cps:
                cp.wait()
            wps = [
                pltpu.async_copy(rows_va, outa_hbm.at[pl.ds(off, _G_CH)],
                                 sem),
                pltpu.async_copy(rows_vb, outb_hbm.at[pl.ds(off, _G_CH)],
                                 sem),
            ]
            for wp in wps:
                wp.wait()
        return carry

    lax.fori_loop(0, (_G_NGRP + 31) // 32, body, 0)


def _gather(xa, xb, idx_flat):
    k = functools.partial(
        pl.kernel,
        out_type=(jax.ShapeDtypeStruct((2 * E, DA), jnp.float32),
                  jax.ShapeDtypeStruct((2 * E, DB), jnp.float32)),
        mesh=plsc.VectorSubcoreMesh(core_axis_name="c", subcore_axis_name="s"),
        compiler_params=pltpu.CompilerParams(use_tc_tiling_on_sc=False),
        scratch_types=[
            pltpu.VMEM((_G_CH,), jnp.int32),
            pltpu.VMEM((_G_CH, DA), jnp.float32),
            pltpu.VMEM((_G_CH, DB), jnp.float32),
            pltpu.SemaphoreType.DMA,
        ],
    )(_gather_body)
    return k(xa, xb, idx_flat)



def _dense_body(xsa_ref, xda_ref, xsb_ref, xdb_ref, wf_ref, wi_ref, xe_ref,
                env_ref,
                rw1, rb1, rs1, rn1, rw2, rb2, rs2, rn2, rw3, rb3,
                c1m0w, c1m0b, c1m1w, c1m2w,
                c2m0w, c2m0b, c2m1w, c2m2w,
                outa_ref, outb_ref):
    f32 = jnp.float32
    (rw1, rb1, rs1, rn1, rw2, rb2, rs2, rn2, rw3, rb3,
     c1m0w, c1m0b, c1m1w, c1m2w, c2m0w, c2m0b, c2m1w, c2m2w) = (
        r[...] for r in (rw1, rb1, rs1, rn1, rw2, rb2, rs2, rn2, rw3, rb3,
                         c1m0w, c1m0b, c1m1w, c1m2w, c2m0w, c2m0b, c2m1w,
                         c2m2w))
    xsa = xsa_ref[...].T
    xda = xda_ref[...].T
    xsb = xsb_ref[...]
    xdb = xdb_ref[...]
    xe = xe_ref[...]
    env = env_ref[...]

    def jrow(xa, xb, j):
        return xb if j == 8 else xa[16 * j:16 * j + 16]

    rows = []
    for m in range(9):
        sa = wf_ref[m, 0:1, :] * xsa[0:16]
        da = wf_ref[m, 0:1, :] * xda[0:16]
        for j in range(1, 9):
            w = wf_ref[m, j:j + 1, :]
            sa = sa + w * jrow(xsa, xsb, j)
            da = da + w * jrow(xda, xdb, j)
        rows.append(sa)
        rows.append(da)
    xmsg = jnp.concatenate(rows, axis=0)

    h = jnp.dot(rw1, xe, preferred_element_type=f32) + rb1
    mu = jnp.mean(h, axis=0, keepdims=True)
    var = jnp.mean((h - mu) ** 2, axis=0, keepdims=True)
    h = (h - mu) * lax.rsqrt(var + 1e-5) * rs1 + rn1
    h = h * jax.nn.sigmoid(h)
    h = jnp.dot(rw2, h, preferred_element_type=f32) + rb2
    mu = jnp.mean(h, axis=0, keepdims=True)
    var = jnp.mean((h - mu) ** 2, axis=0, keepdims=True)
    h = (h - mu) * lax.rsqrt(var + 1e-5) * rs2 + rn2
    h = h * jax.nn.sigmoid(h)
    rad = jnp.dot(rw3, h, preferred_element_type=f32) + rb3

    x0 = xmsg[0:96] * rad[0:96]
    y0 = jnp.dot(c1m0w, x0, preferred_element_type=f32) + c1m0b
    gating = y0[0:64]
    out_m0 = y0[64:160]
    r1 = rad[96:160]
    t0 = xmsg[96:160] * r1
    t1 = xmsg[160:224] * r1
    y_t0 = jnp.dot(c1m1w, t0, preferred_element_type=f32)
    y_t1 = jnp.dot(c1m1w, t1, preferred_element_type=f32)
    m1_r = y_t0[0:64] - y_t1[64:128]
    m1_i = y_t1[0:64] + y_t0[64:128]
    r2 = rad[160:192]
    u0 = xmsg[224:256] * r2
    u1 = xmsg[256:288] * r2
    z0 = jnp.dot(c1m2w, u0, preferred_element_type=f32)
    z1 = jnp.dot(c1m2w, u1, preferred_element_type=f32)
    m2_r = z0[0:32] - z1[32:64]
    m2_i = z1[0:32] + z0[32:64]
    h1 = jnp.concatenate([out_m0, m1_r, m1_i, m2_r, m2_i], axis=0)

    g = jax.nn.sigmoid(gating)
    scal = h1[0:32]
    parts = [scal * jax.nn.sigmoid(scal)]
    for k in range(8):
        gl = g[32 * _LMAP[k]:32 * _LMAP[k] + 32]
        parts.append(h1[32 * (k + 1):32 * (k + 2)] * gl)
    h2 = jnp.concatenate(parts, axis=0)

    yb = jnp.dot(c2m0w, h2[0:96], preferred_element_type=f32) + c2m0b
    p0 = h2[96:160]
    p1 = h2[160:224]
    yb0 = jnp.dot(c2m1w, p0, preferred_element_type=f32)
    yb1 = jnp.dot(c2m1w, p1, preferred_element_type=f32)
    n1_r = yb0[0:32] - yb1[32:64]
    n1_i = yb1[0:32] + yb0[32:64]
    q0 = h2[224:256]
    q1 = h2[256:288]
    zb0 = jnp.dot(c2m2w, q0, preferred_element_type=f32)
    zb1 = jnp.dot(c2m2w, q1, preferred_element_type=f32)
    n2_r = zb0[0:16] - zb1[16:32]
    n2_i = zb1[0:16] + zb0[16:32]
    msg = jnp.concatenate([yb, n1_r, n1_i, n2_r, n2_i], axis=0)
    msg = msg * env

    outs = []
    for j in range(9):
        a = wi_ref[j, 0:1, :] * msg[0:16]
        for m in range(1, 9):
            a = a + wi_ref[j, m:m + 1, :] * msg[16 * m:16 * m + 16]
        outs.append(a)
    o = jnp.concatenate(outs, axis=0)
    outa_ref[...] = o[0:128].T
    outb_ref[...] = o[128:144]


def _dense_call(xsda, xsdb_fm, wf, wi, xe, env, weights):
    full = lambda shp: pl.BlockSpec(shp, lambda i: (0,) * len(shp))
    in_specs = [
        pl.BlockSpec((EB, DA), lambda i: (i, 0)),
        pl.BlockSpec((EB, DA), lambda i: (i + NBLK, 0)),
        pl.BlockSpec((DB, EB), lambda i: (0, i)),
        pl.BlockSpec((DB, EB), lambda i: (0, i + NBLK)),
        pl.BlockSpec((9, 9, EB), lambda i: (0, 0, i)),
        pl.BlockSpec((9, 9, EB), lambda i: (0, 0, i)),
        pl.BlockSpec((64, EB), lambda i: (0, i)),
        pl.BlockSpec((1, EB), lambda i: (0, i)),
    ] + [full(w.shape) for w in weights]
    return pl.pallas_call(
        _dense_body,
        grid=(NBLK,),
        in_specs=in_specs,
        out_specs=[
            pl.BlockSpec((EB, DA), lambda i: (i, 0)),
            pl.BlockSpec((DB, EB), lambda i: (0, i)),
        ],
        out_shape=[
            jax.ShapeDtypeStruct((E, DA), jnp.float32),
            jax.ShapeDtypeStruct((DB, E), jnp.float32),
        ],
    )(xsda, xsda, xsdb_fm, xsdb_fm, wf, wi, xe, env, *weights)



_S_NCH = E // 128
_ZCH = 200
_Z_NCH = V // _ZCH


def _scatter_body(msga_hbm, msgb_hbm, dst_hbm, za_hbm, zb_hbm,
                  outa_hbm, outb_hbm, idx_v, rows_va, rows_vb,
                  idx_v2, rows_va2, rows_vb2, acca, accb, sem):
    c = lax.axis_index("c")
    s = lax.axis_index("s")
    wid = s * 2 + c

    def zbody(i, carry):
        zc = i * 16 + s

        @pl.when(zc < _Z_NCH)
        def _():
            pltpu.sync_copy(za_hbm, acca.at[pl.ds(zc * _ZCH, _ZCH)])
            pltpu.sync_copy(zb_hbm, accb.at[pl.ds(zc * _ZCH, _ZCH)])
        return carry

    lax.fori_loop(0, (_Z_NCH + 15) // 16, zbody, 0)
    plsc.subcore_barrier()

    bufs = ((idx_v, rows_va, rows_vb), (idx_v2, rows_va2, rows_vb2))
    n_full = _S_NCH // 32
    rem = _S_NCH % 32

    def fire(ch, iv, rva, rvb):
        return [
            pltpu.async_copy(dst_hbm.at[pl.ds(ch * 128, 128)], iv, sem),
            pltpu.async_copy(msga_hbm.at[pl.ds(ch * 128, 128)], rva, sem),
            pltpu.async_copy(msgb_hbm.at[pl.ds(ch * 128, 128)], rvb, sem),
        ]

    def drain_add(hs, iv, rva, rvb):
        for cp in hs:
            cp.wait()
        pltpu.sync_copy(rva, acca.at[iv], add=True)
        pltpu.sync_copy(rvb, accb.at[iv], add=True)

    def body(i, carry):
        hs = [fire((2 * i + b) * 32 + wid, *bufs[b]) for b in range(2)]
        for b in range(2):
            drain_add(hs[b], *bufs[b])
        return carry

    lax.fori_loop(0, n_full // 2, body, 0)
    if n_full % 2:
        ch = (n_full - 1) * 32 + wid
        drain_add(fire(ch, *bufs[0]), *bufs[0])
    if rem:
        @pl.when(wid < rem)
        def _():
            ch = n_full * 32 + wid
            drain_add(fire(ch, *bufs[1]), *bufs[1])
    plsc.subcore_barrier()

    def pbody(i, carry):
        zc = i * 16 + s

        @pl.when(zc < _Z_NCH)
        def _():
            pltpu.sync_copy(
                acca.at[pl.ds(zc * _ZCH, _ZCH)],
                outa_hbm.at[pl.ds(c * V + zc * _ZCH, _ZCH)],
            )
            pltpu.sync_copy(
                accb.at[pl.ds(zc * _ZCH, _ZCH)],
                outb_hbm.at[pl.ds(c * V + zc * _ZCH, _ZCH)],
            )
        return carry

    lax.fori_loop(0, (_Z_NCH + 15) // 16, pbody, 0)


def _scatter(msga, msgb, dst, za, zb):
    k = functools.partial(
        pl.kernel,
        out_type=(jax.ShapeDtypeStruct((2 * V, DA), jnp.float32),
                  jax.ShapeDtypeStruct((2 * V, DB), jnp.float32)),
        mesh=plsc.VectorSubcoreMesh(core_axis_name="c", subcore_axis_name="s"),
        compiler_params=pltpu.CompilerParams(use_tc_tiling_on_sc=False),
        scratch_types=[
            pltpu.VMEM((128,), jnp.int32),
            pltpu.VMEM((128, DA), jnp.float32),
            pltpu.VMEM((128, DB), jnp.float32),
            pltpu.VMEM((128,), jnp.int32),
            pltpu.VMEM((128, DA), jnp.float32),
            pltpu.VMEM((128, DB), jnp.float32),
            pltpu.VMEM_SHARED((V, DA), jnp.float32),
            pltpu.VMEM_SHARED((V, DB), jnp.float32),
            pltpu.SemaphoreType.DMA,
        ],
    )(_scatter_body)
    return k(msga, msgb, dst, za, zb)



_C_B = 2000
_C_NB = V // _C_B


def _combine_body(a0_ref, a1_ref, b0_ref, b1_ref, o_ref):
    o_ref[:, 0:DA] = a0_ref[...] + a1_ref[...]
    o_ref[:, DA:D] = b0_ref[...] + b1_ref[...]


def _combine_call(pa, pb):
    return pl.pallas_call(
        _combine_body,
        grid=(_C_NB,),
        in_specs=[
            pl.BlockSpec((_C_B, DA), lambda i: (i, 0)),
            pl.BlockSpec((_C_B, DA), lambda i: (i + _C_NB, 0)),
            pl.BlockSpec((_C_B, DB), lambda i: (i, 0)),
            pl.BlockSpec((_C_B, DB), lambda i: (i + _C_NB, 0)),
        ],
        out_specs=pl.BlockSpec((_C_B, D), lambda i: (i, 0)),
        out_shape=jax.ShapeDtypeStruct((V, D), jnp.float32),
    )(pa, pa, pb, pb)




def _weights(params):
    col = lambda v: v.reshape(-1, 1)
    r0, r1, r2 = params['rad']
    c1, c2 = params['conv1'], params['conv2']
    return [
        r0['W'].T, col(r0['b']), col(r0['ln_scale']), col(r0['ln_bias']),
        r1['W'].T, col(r1['b']), col(r1['ln_scale']), col(r1['ln_bias']),
        r2['W'].T, col(r2['b']),
        c1['fc_m0_W'].T, col(c1['fc_m0_b']), c1['fc_m1_W'].T, c1['fc_m2_W'].T,
        c2['fc_m0_W'].T, col(c2['fc_m0_b']), c2['fc_m1_W'].T, c2['fc_m2_W'].T,
    ]


def kernel(x, x_edge, edge_distance, edge_index, wigner_and_M_mapping,
           wigner_and_M_mapping_inv, edge_envelope, params):
    del edge_distance
    x2 = x.reshape(V, D)
    xa = x2[:, 0:DA]
    xb = x2[:, DA:D]
    idx_flat = edge_index.reshape(2 * E)
    xsda, xsdb = _gather(xa, xb, idx_flat)
    msga, msgb = _dense_call(
        xsda,
        xsdb.T,
        wigner_and_M_mapping.transpose(1, 2, 0),
        wigner_and_M_mapping_inv.transpose(1, 2, 0),
        x_edge.T,
        edge_envelope.transpose(1, 2, 0).reshape(1, E),
        _weights(params),
    )
    pa, pb = _scatter(msga, msgb.T, edge_index[1],
                      jnp.zeros((_ZCH, DA), jnp.float32),
                      jnp.zeros((_ZCH, DB), jnp.float32))
    out = _combine_call(pa, pb)
    return out.reshape(V, 9, 16)

# --- scband reference (transcript-rebuilt; emitter-appended) ---
"""Pipeline reference for scband-edgewise-27547920236674 (READ-ONLY COPY).

The authoritative reference and input builder live on the scoring server;
editing this copy changes nothing except your own understanding.
"""

import jax, jax.numpy as jnp
import numpy as np

N_NODES = 10000
N_EDGES = 160000
LMAX = 2
MMAX = 2
SPHERE_CHANNELS = 16
HIDDEN_CHANNELS = 32
EDGE_CHANNELS_LIST = [64, 64, 64]
M_SIZE = [3, 4, 2]
NUM_COEFFS = (LMAX + 1) ** 2
NUM_M_COEFFS = sum(M_SIZE)
EXTRA_M0 = LMAX * HIDDEN_CHANNELS  # gate activation

# l value of each coefficient in m-primary layout: m=0 block (l=0..lmax), then for each m>0 two sign blocks (l=m..lmax)
_ls = list(range(LMAX + 1))
for _m in range(1, MMAX + 1):
    _ls += list(range(_m, LMAX + 1)) * 2
EXPAND_INDEX = jnp.asarray(np.array(_ls[1:], dtype=np.int32) - 1)


def _linear_init(key, fan_in, fan_out, bias=True):
    k1, k2 = jax.random.split(key)
    bound = 1.0 / np.sqrt(fan_in)
    W = jax.random.uniform(k1, (fan_in, fan_out), minval=-bound, maxval=bound, dtype=jnp.float32)
    if bias:
        b = jax.random.uniform(k2, (fan_out,), minval=-bound, maxval=bound, dtype=jnp.float32)
        return W, b
    return W


def _num_rad(in_ch):
    n = M_SIZE[0] * in_ch
    for m in range(1, MMAX + 1):
        n += (M_SIZE[m] // 2) * in_ch
    return n


def _make_so2_params(key, in_ch, out_ch, extra):
    ks = jax.random.split(key, MMAX + 1)
    p = {}
    W, b = _linear_init(ks[0], M_SIZE[0] * in_ch, M_SIZE[0] * out_ch + extra)
    p['fc_m0_W'] = W
    p['fc_m0_b'] = b
    for m in range(1, MMAX + 1):
        nc = M_SIZE[m] // 2
        p['fc_m%d_W' % m] = _linear_init(ks[m], nc * in_ch, 2 * nc * out_ch, bias=False)
    return p


def _make_params(key):
    k_rad, k_c1, k_c2 = jax.random.split(key, 3)
    ch = list(EDGE_CHANNELS_LIST) + [_num_rad(2 * SPHERE_CHANNELS)]
    rad = []
    rks = jax.random.split(k_rad, len(ch) - 1)
    for i in range(len(ch) - 1):
        W, b = _linear_init(rks[i], ch[i], ch[i + 1])
        rad.append({'W': W, 'b': b, 'ln_scale': jnp.ones((ch[i + 1],), jnp.float32), 'ln_bias': jnp.zeros((ch[i + 1],), jnp.float32)})
    return {'rad': rad,
            'conv1': _make_so2_params(k_c1, 2 * SPHERE_CHANNELS, HIDDEN_CHANNELS, EXTRA_M0),
            'conv2': _make_so2_params(k_c2, HIDDEN_CHANNELS, SPHERE_CHANNELS, 0)}


def _radial(x_edge, rad):
    h = x_edge
    n = len(rad)
    for i, layer in enumerate(rad):
        h = h @ layer['W'] + layer['b']
        if i < n - 1:
            mu = jnp.mean(h, axis=-1, keepdims=True)
            var = jnp.mean((h - mu) ** 2, axis=-1, keepdims=True)
            h = (h - mu) / jnp.sqrt(var + 1e-5)
            h = h * layer['ln_scale'] + layer['ln_bias']
            h = jax.nn.silu(h)
    return h


def _so2_conv(x, p, in_ch, out_ch, extra, x_edge_rad):
    E = x.shape[0]
    outs = []
    x_0 = x[:, :M_SIZE[0], :].reshape(E, M_SIZE[0] * in_ch)
    offset_rad = 0
    if x_edge_rad is not None:
        x_0 = x_0 * x_edge_rad[:, :M_SIZE[0] * in_ch]
        offset_rad = M_SIZE[0] * in_ch
    x_0 = x_0 @ p['fc_m0_W'] + p['fc_m0_b']
    x_0_extra = None
    if extra > 0:
        x_0_extra = x_0[:, :extra]
        x_0 = x_0[:, extra:]
    outs.append(x_0.reshape(E, M_SIZE[0], out_ch))
    offset = M_SIZE[0]
    for m in range(1, MMAX + 1):
        nc = M_SIZE[m] // 2
        num_in = nc * in_ch
        num_out = nc * out_ch
        x_m = x[:, offset:offset + M_SIZE[m], :].reshape(E, 2, num_in)
        if x_edge_rad is not None:
            x_m = x_m * x_edge_rad[:, offset_rad:offset_rad + num_in][:, None, :]
            offset_rad += num_in
        y = jnp.einsum('eti,io->eto', x_m, p['fc_m%d_W' % m])
        x_r = y[:, :, :num_out]
        x_i = y[:, :, num_out:]
        x_m_r = x_r[:, 0, :] - x_i[:, 1, :]
        x_m_i = x_r[:, 1, :] + x_i[:, 0, :]
        outs.append(jnp.stack([x_m_r, x_m_i], axis=1).reshape(E, M_SIZE[m], out_ch))
        offset += M_SIZE[m]
    out = jnp.concatenate(outs, axis=1)
    if extra > 0:
        return out, x_0_extra
    return out


def _gate(gating, x):
    E = x.shape[0]
    g = jax.nn.sigmoid(gating).reshape(E, LMAX, HIDDEN_CHANNELS)
    g = jnp.take(g, EXPAND_INDEX, axis=1)
    scalars = jax.nn.silu(x[:, :1, :])
    vectors = x[:, 1:, :] * g
    return jnp.concatenate([scalars, vectors], axis=1)


def _edgewise(x, x_edge, edge_distance, edge_index, wigner_and_M_mapping, wigner_and_M_mapping_inv, edge_envelope, params):
    x_source = x[edge_index[0]]
    x_target = x[edge_index[1]]
    x_message = jnp.concatenate([x_source, x_target], axis=2)
    x_message = jnp.einsum('nmj,njc->nmc', wigner_and_M_mapping, x_message)
    x_edge_rad = _radial(x_edge, params['rad'])
    x_message, x_0_gating = _so2_conv(x_message, params['conv1'], 2 * SPHERE_CHANNELS, HIDDEN_CHANNELS, EXTRA_M0, x_edge_rad)
    x_message = _gate(x_0_gating, x_message)
    x_message = _so2_conv(x_message, params['conv2'], HIDDEN_CHANNELS, SPHERE_CHANNELS, 0, None)
    x_message = x_message * edge_envelope
    x_message = jnp.einsum('njm,nmc->njc', wigner_and_M_mapping_inv, x_message)
    return jax.ops.segment_sum(x_message, edge_index[1], num_segments=x.shape[0])


def setup_inputs(seed: int = 0):
    key = jax.random.key(seed)
    ks = jax.random.split(key, 8)
    x = jax.random.normal(ks[0], (N_NODES, NUM_COEFFS, SPHERE_CHANNELS), dtype=jnp.float32)
    x_edge = jax.random.normal(ks[1], (N_EDGES, EDGE_CHANNELS_LIST[0]), dtype=jnp.float32)
    edge_distance = jax.random.uniform(ks[2], (N_EDGES,), dtype=jnp.float32)
    edge_index = jax.random.randint(ks[3], (2, N_EDGES), 0, N_NODES, dtype=jnp.int32)
    wigner_and_M_mapping = jax.random.normal(ks[4], (N_EDGES, NUM_M_COEFFS, NUM_COEFFS), dtype=jnp.float32) * 0.3
    wigner_and_M_mapping_inv = jax.random.normal(ks[5], (N_EDGES, NUM_COEFFS, NUM_M_COEFFS), dtype=jnp.float32) * 0.3
    edge_envelope = jax.random.uniform(ks[6], (N_EDGES, 1, 1), dtype=jnp.float32)
    params = _make_params(ks[7])
    return {'x': x, 'x_edge': x_edge, 'edge_distance': edge_distance, 'edge_index': edge_index,
            'wigner_and_M_mapping': wigner_and_M_mapping, 'wigner_and_M_mapping_inv': wigner_and_M_mapping_inv,
            'edge_envelope': edge_envelope, 'params': params}


def reference(x, x_edge, edge_distance, edge_index, wigner_and_M_mapping, wigner_and_M_mapping_inv, edge_envelope, params):
    return _edgewise(x, x_edge, edge_distance, edge_index, wigner_and_M_mapping, wigner_and_M_mapping_inv, edge_envelope, params)

if __name__ == "__main__":
    import jax
    _d = setup_inputs()
    print(jax.jit(kernel)(*tuple(_d.values())))

</pallas_src>

<mosaic_0001>
#map = affine_map<(d0, d1) -> (0, 0)>
#map1 = affine_map<(d0, d1) -> (0)>
module attributes {stable_mosaic.version = 14 : i64} {
  func.func @_scatter_body(%arg0: i32, %arg1: i32, %arg2: memref<160000x128xf32, #tpu.memory_space<hbm>>, %arg3: memref<160000x16xf32, #tpu.memory_space<hbm>>, %arg4: memref<160000xi32, #tpu.memory_space<hbm>>, %arg5: memref<200x128xf32, #tpu.memory_space<hbm>>, %arg6: memref<200x16xf32, #tpu.memory_space<hbm>>, %arg7: memref<20000x128xf32, #tpu.memory_space<hbm>>, %arg8: memref<20000x16xf32, #tpu.memory_space<hbm>>, %arg9: memref<128xi32, #tpu.memory_space<vmem>>, %arg10: memref<128x128xf32, #tpu.memory_space<vmem>>, %arg11: memref<128x16xf32, #tpu.memory_space<vmem>>, %arg12: memref<128xi32, #tpu.memory_space<vmem>>, %arg13: memref<128x128xf32, #tpu.memory_space<vmem>>, %arg14: memref<128x16xf32, #tpu.memory_space<vmem>>, %arg15: memref<10000x128xf32, #tpu.memory_space<vmem_shared>>, %arg16: memref<10000x16xf32, #tpu.memory_space<vmem_shared>>, %arg17: memref<!tpu.dma_semaphore, #tpu.memory_space<semaphore_mem>>) attributes {dimension_semantics = [#tpu.dimension_semantics<core_parallel>, #tpu.dimension_semantics<subcore_parallel>], iteration_bounds = array<i64: 2, 16>, scalar_prefetch = 0 : i64, scratch_operands = 9 : i64, tpu.core_type = #tpu.core_type<sc_vector_subcore>, window_params = [{transform_indices = #map}, {transform_indices = #map}, {transform_indices = #map1}, {transform_indices = #map}, {transform_indices = #map}, {transform_indices = #map}, {transform_indices = #map}]} {
    %mul3A = arith.constant 2 : i32
    %mul3A_0 = arith.muli %arg1, %mul3A : i32
    %add3A = arith.addi %mul3A_0, %arg0 : i32
    %scan3A = arith.constant 0 : i32
    %scan3A_1 = arith.constant 0 : i32
    %scan3A_2 = arith.constant 4 : i32
    %scan3A_3 = arith.addi %scan3A_1, %scan3A_2 : i32
    %scan3A_4 = arith.constant 1 : i32
    scf.for %scan3A_47 = %scan3A_1 to %scan3A_3 step %scan3A_4  : i32 {
      %mul3A_48 = arith.constant 16 : i32
      %mul3A_49 = arith.muli %scan3A_47, %mul3A_48 : i32
      %add3A_50 = arith.addi %mul3A_49, %arg1 : i32
      %lt3A_51 = arith.constant 50 : i32
      %lt3A_52 = arith.cmpi slt, %add3A_50, %lt3A_51 : i32
      %convert_element_type3A_53 = arith.extui %lt3A_52 : i1 to i32
      %cond3A_54 = arith.constant 0 : i32
      %cond3A_55 = arith.cmpi ne, %convert_element_type3A_53, %cond3A_54 : i32
      scf.if %cond3A_55 {
        %mul3A_56 = arith.constant 200 : i32
        %mul3A_57 = arith.muli %add3A_50, %mul3A_56 : i32
        "tpu.region"() ({
          %run_scoped3A = tpu.sem_alloc : memref<!tpu.dma_semaphore, #tpu.memory_space<semaphore_mem>>
          %dma_start3A_60 = arith.constant 0 : i32
          %dma_start3A_61 = tpu.memref_slice %arg15[%mul3A_57, %dma_start3A_60] : memref<10000x128xf32, #tpu.memory_space<vmem_shared>> -> memref<200x128xf32, #tpu.memory_space<vmem_shared>>
          tpu.enqueue_dma source(%arg5 : memref<200x128xf32, #tpu.memory_space<hbm>>) target(%dma_start3A_61 : memref<200x128xf32, #tpu.memory_space<vmem_shared>>) target_semaphore(%run_scoped3A : memref<!tpu.dma_semaphore, #tpu.memory_space<semaphore_mem>>)
          %dma_wait3A_62 = arith.constant 0 : i32
          %dma_wait3A_63 = tpu.memref_slice %arg15[%mul3A_57, %dma_wait3A_62] : memref<10000x128xf32, #tpu.memory_space<vmem_shared>> -> memref<200x128xf32, #tpu.memory_space<vmem_shared>>
          tpu.wait_dma2 semaphore(%run_scoped3A : memref<!tpu.dma_semaphore, #tpu.memory_space<semaphore_mem>>) src(%arg5 : memref<200x128xf32, #tpu.memory_space<hbm>>) dst(%dma_wait3A_63 : memref<200x128xf32, #tpu.memory_space<vmem_shared>>)
          tpu.yield
        }) : () -> ()
        %mul3A_58 = arith.constant 200 : i32
        %mul3A_59 = arith.muli %add3A_50, %mul3A_58 : i32
        "tpu.region"() ({
          %run_scoped3A = tpu.sem_alloc : memref<!tpu.dma_semaphore, #tpu.memory_space<semaphore_mem>>
          %dma_start3A_60 = arith.constant 0 : i32
          %dma_start3A_61 = tpu.memref_slice %arg16[%mul3A_59, %dma_start3A_60] : memref<10000x16xf32, #tpu.memory_space<vmem_shared>> -> memref<200x16xf32, #tpu.memory_space<vmem_shared>>
          tpu.enqueue_dma source(%arg6 : memref<200x16xf32, #tpu.memory_space<hbm>>) target(%dma_start3A_61 : memref<200x16xf32, #tpu.memory_space<vmem_shared>>) target_semaphore(%run_scoped3A : memref<!tpu.dma_semaphore, #tpu.memory_space<semaphore_mem>>)
          %dma_wait3A_62 = arith.constant 0 : i32
          %dma_wait3A_63 = tpu.memref_slice %arg16[%mul3A_59, %dma_wait3A_62] : memref<10000x16xf32, #tpu.memory_space<vmem_shared>> -> memref<200x16xf32, #tpu.memory_space<vmem_shared>>
          tpu.wait_dma2 semaphore(%run_scoped3A : memref<!tpu.dma_semaphore, #tpu.memory_space<semaphore_mem>>) src(%arg6 : memref<200x16xf32, #tpu.memory_space<hbm>>) dst(%dma_wait3A_63 : memref<200x16xf32, #tpu.memory_space<vmem_shared>>)
          tpu.yield
        }) : () -> ()
      } else {
      }
    }
    %scan3A_5 = arith.constant 4 : i32
    %barrier3A = arith.constant 0 : index
    tpu.barrier barrier_id(%barrier3A)
    %scan3A_6 = arith.constant 0 : i32
    %scan3A_7 = arith.constant 0 : i32
    %scan3A_8 = arith.constant 19 : i32
    %scan3A_9 = arith.addi %scan3A_7, %scan3A_8 : i32
    %scan3A_10 = arith.constant 1 : i32
    scf.for %scan3A_47 = %scan3A_7 to %scan3A_9 step %scan3A_10  : i32 {
      %mul3A_48 = arith.constant 2 : i32
      %mul3A_49 = arith.muli %mul3A_48, %scan3A_47 : i32
      %add3A_50 = arith.constant 0 : i32
      %add3A_51 = arith.addi %mul3A_49, %add3A_50 : i32
      %mul3A_52 = arith.constant 32 : i32
      %mul3A_53 = arith.muli %add3A_51, %mul3A_52 : i32
      %add3A_54 = arith.addi %mul3A_53, %add3A : i32
      %mul3A_55 = arith.constant 128 : i32
      %mul3A_56 = arith.muli %add3A_54, %mul3A_55 : i32
      %dma_start3A_57 = tpu.memref_slice %arg4[%mul3A_56] : memref<160000xi32, #tpu.memory_space<hbm>> -> memref<128xi32, #tpu.memory_space<hbm>>
      %dma_start3A_58 = tpu.memref_slice %arg4[%mul3A_56] : memref<160000xi32, #tpu.memory_space<hbm>> -> memref<128xi32, #tpu.memory_space<hbm>>
      tpu.enqueue_dma source(%dma_start3A_58 : memref<128xi32, #tpu.memory_space<hbm>>) target(%arg9 : memref<128xi32, #tpu.memory_space<vmem>>) target_semaphore(%arg17 : memref<!tpu.dma_semaphore, #tpu.memory_space<semaphore_mem>>)
      %mul3A_59 = arith.constant 128 : i32
      %mul3A_60 = arith.muli %add3A_54, %mul3A_59 : i32
      %dma_start3A_61 = arith.constant 0 : i32
      %dma_start3A_62 = tpu.memref_slice %arg2[%mul3A_60, %dma_start3A_61] : memref<160000x128xf32, #tpu.memory_space<hbm>> -> memref<128x128xf32, #tpu.memory_space<hbm>>
      %dma_start3A_63 = arith.constant 0 : i32
      %dma_start3A_64 = tpu.memref_slice %arg2[%mul3A_60, %dma_start3A_63] : memref<160000x128xf32, #tpu.memory_space<hbm>> -> memref<128x128xf32, #tpu.memory_space<hbm>>
      tpu.enqueue_dma source(%dma_start3A_64 : memref<128x128xf32, #tpu.memory_space<hbm>>) target(%arg10 : memref<128x128xf32, #tpu.memory_space<vmem>>) target_semaphore(%arg17 : memref<!tpu.dma_semaphore, #tpu.memory_space<semaphore_mem>>)
      %mul3A_65 = arith.constant 128 : i32
      %mul3A_66 = arith.muli %add3A_54, %mul3A_65 : i32
      %dma_start3A_67 = arith.constant 0 : i32
      %dma_start3A_68 = tpu.memref_slice %arg3[%mul3A_66, %dma_start3A_67] : memref<160000x16xf32, #tpu.memory_space<hbm>> -> memref<128x16xf32, #tpu.memory_space<hbm>>
      %dma_start3A_69 = arith.constant 0 : i32
      %dma_start3A_70 = tpu.memref_slice %arg3[%mul3A_66, %dma_start3A_69] : memref<160000x16xf32, #tpu.memory_space<hbm>> -> memref<128x16xf32, #tpu.memory_space<hbm>>
      tpu.enqueue_dma source(%dma_start3A_70 : memref<128x16xf32, #tpu.memory_space<hbm>>) target(%arg11 : memref<128x16xf32, #tpu.memory_space<vmem>>) target_semaphore(%arg17 : memref<!tpu.dma_semaphore, #tpu.memory_space<semaphore_mem>>)
      %mul3A_71 = arith.constant 2 : i32
      %mul3A_72 = arith.muli %mul3A_71, %scan3A_47 : i32
      %add3A_73 = arith.constant 1 : i32
      %add3A_74 = arith.addi %mul3A_72, %add3A_73 : i32
      %mul3A_75 = arith.constant 32 : i32
      %mul3A_76 = arith.muli %add3A_74, %mul3A_75 : i32
      %add3A_77 = arith.addi %mul3A_76, %add3A : i32
      %mul3A_78 = arith.constant 128 : i32
      %mul3A_79 = arith.muli %add3A_77, %mul3A_78 : i32
      %dma_start3A_80 = tpu.memref_slice %arg4[%mul3A_79] : memref<160000xi32, #tpu.memory_space<hbm>> -> memref<128xi32, #tpu.memory_space<hbm>>
      %dma_start3A_81 = tpu.memref_slice %arg4[%mul3A_79] : memref<160000xi32, #tpu.memory_space<hbm>> -> memref<128xi32, #tpu.memory_space<hbm>>
      tpu.enqueue_dma source(%dma_start3A_81 : memref<128xi32, #tpu.memory_space<hbm>>) target(%arg12 : memref<128xi32, #tpu.memory_space<vmem>>) target_semaphore(%arg17 : memref<!tpu.dma_semaphore, #tpu.memory_space<semaphore_mem>>)
      %mul3A_82 = arith.constant 128 : i32
      %mul3A_83 = arith.muli %add3A_77, %mul3A_82 : i32
      %dma_start3A_84 = arith.constant 0 : i32
      %dma_start3A_85 = tpu.memref_slice %arg2[%mul3A_83, %dma_start3A_84] : memref<160000x128xf32, #tpu.memory_space<hbm>> -> memref<128x128xf32, #tpu.memory_space<hbm>>
      %dma_start3A_86 = arith.constant 0 : i32
      %dma_start3A_87 = tpu.memref_slice %arg2[%mul3A_83, %dma_start3A_86] : memref<160000x128xf32, #tpu.memory_space<hbm>> -> memref<128x128xf32, #tpu.memory_space<hbm>>
      tpu.enqueue_dma source(%dma_start3A_87 : memref<128x128xf32, #tpu.memory_space<hbm>>) target(%arg13 : memref<128x128xf32, #tpu.memory_space<vmem>>) target_semaphore(%arg17 : memref<!tpu.dma_semaphore, #tpu.memory_space<semaphore_mem>>)
      %mul3A_88 = arith.constant 128 : i32
      %mul3A_89 = arith.muli %add3A_77, %mul3A_88 : i32
      %dma_start3A_90 = arith.constant 0 : i32
      %dma_start3A_91 = tpu.memref_slice %arg3[%mul3A_89, %dma_start3A_90] : memref<160000x16xf32, #tpu.memory_space<hbm>> -> memref<128x16xf32, #tpu.memory_space<hbm>>
      %dma_start3A_92 = arith.constant 0 : i32
      %dma_start3A_93 = tpu.memref_slice %arg3[%mul3A_89, %dma_start3A_92] : memref<160000x16xf32, #tpu.memory_space<hbm>> -> memref<128x16xf32, #tpu.memory_space<hbm>>
      tpu.enqueue_dma source(%dma_start3A_93 : memref<128x16xf32, #tpu.memory_space<hbm>>) target(%arg14 : memref<128x16xf32, #tpu.memory_space<vmem>>) target_semaphore(%arg17 : memref<!tpu.dma_semaphore, #tpu.memory_space<semaphore_mem>>)
      %dma_wait3A_94 = tpu.memref_slice %arg4[%mul3A_56] : memref<160000xi32, #tpu.memory_space<hbm>> -> memref<128xi32, #tpu.memory_space<hbm>>
      %dma_wait3A_95 = tpu.memref_slice %arg4[%mul3A_56] : memref<160000xi32, #tpu.memory_space<hbm>> -> memref<128xi32, #tpu.memory_space<hbm>>
      tpu.wait_dma2 semaphore(%arg17 : memref<!tpu.dma_semaphore, #tpu.memory_space<semaphore_mem>>) src(%dma_wait3A_95 : memref<128xi32, #tpu.memory_space<hbm>>) dst(%arg9 : memref<128xi32, #tpu.memory_space<vmem>>)
      %dma_wait3A_96 = arith.constant 0 : i32
      %dma_wait3A_97 = tpu.memref_slice %arg2[%mul3A_60, %dma_wait3A_96] : memref<160000x128xf32, #tpu.memory_space<hbm>> -> memref<128x128xf32, #tpu.memory_space<hbm>>
      %dma_wait3A_98 = arith.constant 0 : i32
      %dma_wait3A_99 = tpu.memref_slice %arg2[%mul3A_60, %dma_wait3A_98] : memref<160000x128xf32, #tpu.memory_space<hbm>> -> memref<128x128xf32, #tpu.memory_space<hbm>>
      tpu.wait_dma2 semaphore(%arg17 : memref<!tpu.dma_semaphore, #tpu.memory_space<semaphore_mem>>) src(%dma_wait3A_99 : memref<128x128xf32, #tpu.memory_space<hbm>>) dst(%arg10 : memref<128x128xf32, #tpu.memory_space<vmem>>)
      %dma_wait3A_100 = arith.constant 0 : i32
      %dma_wait3A_101 = tpu.memref_slice %arg3[%mul3A_66, %dma_wait3A_100] : memref<160000x16xf32, #tpu.memory_space<hbm>> -> memref<128x16xf32, #tpu.memory_space<hbm>>
      %dma_wait3A_102 = arith.constant 0 : i32
      %dma_wait3A_103 = tpu.memref_slice %arg3[%mul3A_66, %dma_wait3A_102] : memref<160000x16xf32, #tpu.memory_space<hbm>> -> memref<128x16xf32, #tpu.memory_space<hbm>>
      tpu.wait_dma2 semaphore(%arg17 : memref<!tpu.dma_semaphore, #tpu.memory_space<semaphore_mem>>) src(%dma_wait3A_103 : memref<128x16xf32, #tpu.memory_space<hbm>>) dst(%arg11 : memref<128x16xf32, #tpu.memory_space<vmem>>)
      "tpu.region"() ({
        %run_scoped3A = tpu.sem_alloc : memref<!tpu.dma_semaphore, #tpu.memory_space<semaphore_mem>>
        %dma_start3A_114 = arith.constant 0 : i32
        %dma_start3A_115 = arith.constant 0 : i32
        %dma_start3A_116 = tpu.memref_slice %arg15[%dma_start3A_114, %dma_start3A_115] : memref<10000x128xf32, #tpu.memory_space<vmem_shared>> -> memref<10000x128xf32, #tpu.memory_space<vmem_shared>>
        tpu.enqueue_indirect_dma source(%arg10 : memref<128x128xf32, #tpu.memory_space<vmem>>) target(%dma_start3A_116 : memref<10000x128xf32, #tpu.memory_space<vmem_shared>>) offsets(%arg9 : memref<128xi32, #tpu.memory_space<vmem>>) semaphore(%run_scoped3A : memref<!tpu.dma_semaphore, #tpu.memory_space<semaphore_mem>>) {add = true}
        %dma_wait3A_117 = arith.constant 0 : i32
        %dma_wait3A_118 = arith.constant 0 : i32
        %dma_wait3A_119 = tpu.memref_slice %arg15[%dma_wait3A_117, %dma_wait3A_118] : memref<10000x128xf32, #tpu.memory_space<vmem_shared>> -> memref<10000x128xf32, #tpu.memory_space<vmem_shared>>
        tpu.wait_indirect_dma semaphore(%run_scoped3A : memref<!tpu.dma_semaphore, #tpu.memory_space<semaphore_mem>>) src(%arg10 : memref<128x128xf32, #tpu.memory_space<vmem>>) dst(%dma_wait3A_119 : memref<10000x128xf32, #tpu.memory_space<vmem_shared>>)
        tpu.yield
      }) : () -> ()
      "tpu.region"() ({
        %run_scoped3A = tpu.sem_alloc : memref<!tpu.dma_semaphore, #tpu.memory_space<semaphore_mem>>
        %dma_start3A_114 = arith.constant 0 : i32
        %dma_start3A_115 = arith.constant 0 : i32
        %dma_start3A_116 = tpu.memref_slice %arg16[%dma_start3A_114, %dma_start3A_115] : memref<10000x16xf32, #tpu.memory_space<vmem_shared>> -> memref<10000x16xf32, #tpu.memory_space<vmem_shared>>
        tpu.enqueue_indirect_dma source(%arg11 : memref<128x16xf32, #tpu.memory_space<vmem>>) target(%dma_start3A_116 : memref<10000x16xf32, #tpu.memory_space<vmem_shared>>) offsets(%arg9 : memref<128xi32, #tpu.memory_space<vmem>>) semaphore(%run_scoped3A : memref<!tpu.dma_semaphore, #tpu.memory_space<semaphore_mem>>) {add = true}
        %dma_wait3A_117 = arith.constant 0 : i32
        %dma_wait3A_118 = arith.constant 0 : i32
        %dma_wait3A_119 = tpu.memref_slice %arg16[%dma_wait3A_117, %dma_wait3A_118] : memref<10000x16xf32, #tpu.memory_space<vmem_shared>> -> memref<10000x16xf32, #tpu.memory_space<vmem_shared>>
        tpu.wait_indirect_dma semaphore(%run_scoped3A : memref<!tpu.dma_semaphore, #tpu.memory_space<semaphore_mem>>) src(%arg11 : memref<128x16xf32, #tpu.memory_space<vmem>>) dst(%dma_wait3A_119 : memref<10000x16xf32, #tpu.memory_space<vmem_shared>>)
        tpu.yield
      }) : () -> ()
      %dma_wait3A_104 = tpu.memref_slice %arg4[%mul3A_79] : memref<160000xi32, #tpu.memory_space<hbm>> -> memref<128xi32, #tpu.memory_space<hbm>>
      %dma_wait3A_105 = tpu.memref_slice %arg4[%mul3A_79] : memref<160000xi32, #tpu.memory_space<hbm>> -> memref<128xi32, #tpu.memory_space<hbm>>
      tpu.wait_dma2 semaphore(%arg17 : memref<!tpu.dma_semaphore, #tpu.memory_space<semaphore_mem>>) src(%dma_wait3A_105 : memref<128xi32, #tpu.memory_space<hbm>>) dst(%arg12 : memref<128xi32, #tpu.memory_space<vmem>>)
      %dma_wait3A_106 = arith.constant 0 : i32
      %dma_wait3A_107 = tpu.memref_slice %arg2[%mul3A_83, %dma_wait3A_106] : memref<160000x128xf32, #tpu.memory_space<hbm>> -> memref<128x128xf32, #tpu.memory_space<hbm>>
      %dma_wait3A_108 = arith.constant 0 : i32
      %dma_wait3A_109 = tpu.memref_slice %arg2[%mul3A_83, %dma_wait3A_108] : memref<160000x128xf32, #tpu.memory_space<hbm>> -> memref<128x128xf32, #tpu.memory_space<hbm>>
      tpu.wait_dma2 semaphore(%arg17 : memref<!tpu.dma_semaphore, #tpu.memory_space<semaphore_mem>>) src(%dma_wait3A_109 : memref<128x128xf32, #tpu.memory_space<hbm>>) dst(%arg13 : memref<128x128xf32, #tpu.memory_space<vmem>>)
      %dma_wait3A_110 = arith.constant 0 : i32
      %dma_wait3A_111 = tpu.memref_slice %arg3[%mul3A_89, %dma_wait3A_110] : memref<160000x16xf32, #tpu.memory_space<hbm>> -> memref<128x16xf32, #tpu.memory_space<hbm>>
      %dma_wait3A_112 = arith.constant 0 : i32
      %dma_wait3A_113 = tpu.memref_slice %arg3[%mul3A_89, %dma_wait3A_112] : memref<160000x16xf32, #tpu.memory_space<hbm>> -> memref<128x16xf32, #tpu.memory_space<hbm>>
      tpu.wait_dma2 semaphore(%arg17 : memref<!tpu.dma_semaphore, #tpu.memory_space<semaphore_mem>>) src(%dma_wait3A_113 : memref<128x16xf32, #tpu.memory_space<hbm>>) dst(%arg14 : memref<128x16xf32, #tpu.memory_space<vmem>>)
      "tpu.region"() ({
        %run_scoped3A = tpu.sem_alloc : memref<!tpu.dma_semaphore, #tpu.memory_space<semaphore_mem>>
        %dma_start3A_114 = arith.constant 0 : i32
        %dma_start3A_115 = arith.constant 0 : i32
        %dma_start3A_116 = tpu.memref_slice %arg15[%dma_start3A_114, %dma_start3A_115] : memref<10000x128xf32, #tpu.memory_space<vmem_shared>> -> memref<10000x128xf32, #tpu.memory_space<vmem_shared>>
        tpu.enqueue_indirect_dma source(%arg13 : memref<128x128xf32, #tpu.memory_space<vmem>>) target(%dma_start3A_116 : memref<10000x128xf32, #tpu.memory_space<vmem_shared>>) offsets(%arg12 : memref<128xi32, #tpu.memory_space<vmem>>) semaphore(%run_scoped3A : memref<!tpu.dma_semaphore, #tpu.memory_space<semaphore_mem>>) {add = true}
        %dma_wait3A_117 = arith.constant 0 : i32
        %dma_wait3A_118 = arith.constant 0 : i32
        %dma_wait3A_119 = tpu.memref_slice %arg15[%dma_wait3A_117, %dma_wait3A_118] : memref<10000x128xf32, #tpu.memory_space<vmem_shared>> -> memref<10000x128xf32, #tpu.memory_space<vmem_shared>>
        tpu.wait_indirect_dma semaphore(%run_scoped3A : memref<!tpu.dma_semaphore, #tpu.memory_space<semaphore_mem>>) src(%arg13 : memref<128x128xf32, #tpu.memory_space<vmem>>) dst(%dma_wait3A_119 : memref<10000x128xf32, #tpu.memory_space<vmem_shared>>)
        tpu.yield
      }) : () -> ()
      "tpu.region"() ({
        %run_scoped3A = tpu.sem_alloc : memref<!tpu.dma_semaphore, #tpu.memory_space<semaphore_mem>>
        %dma_start3A_114 = arith.constant 0 : i32
        %dma_start3A_115 = arith.constant 0 : i32
        %dma_start3A_116 = tpu.memref_slice %arg16[%dma_start3A_114, %dma_start3A_115] : memref<10000x16xf32, #tpu.memory_space<vmem_shared>> -> memref<10000x16xf32, #tpu.memory_space<vmem_shared>>
        tpu.enqueue_indirect_dma source(%arg14 : memref<128x16xf32, #tpu.memory_space<vmem>>) target(%dma_start3A_116 : memref<10000x16xf32, #tpu.memory_space<vmem_shared>>) offsets(%arg12 : memref<128xi32, #tpu.memory_space<vmem>>) semaphore(%run_scoped3A : memref<!tpu.dma_semaphore, #tpu.memory_space<semaphore_mem>>) {add = true}
        %dma_wait3A_117 = arith.constant 0 : i32
        %dma_wait3A_118 = arith.constant 0 : i32
        %dma_wait3A_119 = tpu.memref_slice %arg16[%dma_wait3A_117, %dma_wait3A_118] : memref<10000x16xf32, #tpu.memory_space<vmem_shared>> -> memref<10000x16xf32, #tpu.memory_space<vmem_shared>>
        tpu.wait_indirect_dma semaphore(%run_scoped3A : memref<!tpu.dma_semaphore, #tpu.memory_space<semaphore_mem>>) src(%arg14 : memref<128x16xf32, #tpu.memory_space<vmem>>) dst(%dma_wait3A_119 : memref<10000x16xf32, #tpu.memory_space<vmem_shared>>)
        tpu.yield
      }) : () -> ()
    }
    %scan3A_11 = arith.constant 19 : i32
    %add3A_12 = arith.constant 1216 : i32
    %add3A_13 = arith.addi %add3A_12, %add3A : i32
    %mul3A_14 = arith.constant 128 : i32
    %mul3A_15 = arith.muli %add3A_13, %mul3A_14 : i32
    %dma_start3A = tpu.memref_slice %arg4[%mul3A_15] : memref<160000xi32, #tpu.memory_space<hbm>> -> memref<128xi32, #tpu.memory_space<hbm>>
    %dma_start3A_16 = tpu.memref_slice %arg4[%mul3A_15] : memref<160000xi32, #tpu.memory_space<hbm>> -> memref<128xi32, #tpu.memory_space<hbm>>
    tpu.enqueue_dma source(%dma_start3A_16 : memref<128xi32, #tpu.memory_space<hbm>>) target(%arg9 : memref<128xi32, #tpu.memory_space<vmem>>) target_semaphore(%arg17 : memref<!tpu.dma_semaphore, #tpu.memory_space<semaphore_mem>>)
    %mul3A_17 = arith.constant 128 : i32
    %mul3A_18 = arith.muli %add3A_13, %mul3A_17 : i32
    %dma_start3A_19 = arith.constant 0 : i32
    %dma_start3A_20 = tpu.memref_slice %arg2[%mul3A_18, %dma_start3A_19] : memref<160000x128xf32, #tpu.memory_space<hbm>> -> memref<128x128xf32, #tpu.memory_space<hbm>>
    %dma_start3A_21 = arith.constant 0 : i32
    %dma_start3A_22 = tpu.memref_slice %arg2[%mul3A_18, %dma_start3A_21] : memref<160000x128xf32, #tpu.memory_space<hbm>> -> memref<128x128xf32, #tpu.memory_space<hbm>>
    tpu.enqueue_dma source(%dma_start3A_22 : memref<128x128xf32, #tpu.memory_space<hbm>>) target(%arg10 : memref<128x128xf32, #tpu.memory_space<vmem>>) target_semaphore(%arg17 : memref<!tpu.dma_semaphore, #tpu.memory_space<semaphore_mem>>)
    %mul3A_23 = arith.constant 128 : i32
    %mul3A_24 = arith.muli %add3A_13, %mul3A_23 : i32
    %dma_start3A_25 = arith.constant 0 : i32
    %dma_start3A_26 = tpu.memref_slice %arg3[%mul3A_24, %dma_start3A_25] : memref<160000x16xf32, #tpu.memory_space<hbm>> -> memref<128x16xf32, #tpu.memory_space<hbm>>
    %dma_start3A_27 = arith.constant 0 : i32
    %dma_start3A_28 = tpu.memref_slice %arg3[%mul3A_24, %dma_start3A_27] : memref<160000x16xf32, #tpu.memory_space<hbm>> -> memref<128x16xf32, #tpu.memory_space<hbm>>
    tpu.enqueue_dma source(%dma_start3A_28 : memref<128x16xf32, #tpu.memory_space<hbm>>) target(%arg11 : memref<128x16xf32, #tpu.memory_space<vmem>>) target_semaphore(%arg17 : memref<!tpu.dma_semaphore, #tpu.memory_space<semaphore_mem>>)
    %dma_wait3A = tpu.memref_slice %arg4[%mul3A_15] : memref<160000xi32, #tpu.memory_space<hbm>> -> memref<128xi32, #tpu.memory_space<hbm>>
    %dma_wait3A_29 = tpu.memref_slice %arg4[%mul3A_15] : memref<160000xi32, #tpu.memory_space<hbm>> -> memref<128xi32, #tpu.memory_space<hbm>>
    tpu.wait_dma2 semaphore(%arg17 : memref<!tpu.dma_semaphore, #tpu.memory_space<semaphore_mem>>) src(%dma_wait3A_29 : memref<128xi32, #tpu.memory_space<hbm>>) dst(%arg9 : memref<128xi32, #tpu.memory_space<vmem>>)
    %dma_wait3A_30 = arith.constant 0 : i32
    %dma_wait3A_31 = tpu.memref_slice %arg2[%mul3A_18, %dma_wait3A_30] : memref<160000x128xf32, #tpu.memory_space<hbm>> -> memref<128x128xf32, #tpu.memory_space<hbm>>
    %dma_wait3A_32 = arith.constant 0 : i32
    %dma_wait3A_33 = tpu.memref_slice %arg2[%mul3A_18, %dma_wait3A_32] : memref<160000x128xf32, #tpu.memory_space<hbm>> -> memref<128x128xf32, #tpu.memory_space<hbm>>
    tpu.wait_dma2 semaphore(%arg17 : memref<!tpu.dma_semaphore, #tpu.memory_space<semaphore_mem>>) src(%dma_wait3A_33 : memref<128x128xf32, #tpu.memory_space<hbm>>) dst(%arg10 : memref<128x128xf32, #tpu.memory_space<vmem>>)
    %dma_wait3A_34 = arith.constant 0 : i32
    %dma_wait3A_35 = tpu.memref_slice %arg3[%mul3A_24, %dma_wait3A_34] : memref<160000x16xf32, #tpu.memory_space<hbm>> -> memref<128x16xf32, #tpu.memory_space<hbm>>
    %dma_wait3A_36 = arith.constant 0 : i32
    %dma_wait3A_37 = tpu.memref_slice %arg3[%mul3A_24, %dma_wait3A_36] : memref<160000x16xf32, #tpu.memory_space<hbm>> -> memref<128x16xf32, #tpu.memory_space<hbm>>
    tpu.wait_dma2 semaphore(%arg17 : memref<!tpu.dma_semaphore, #tpu.memory_space<semaphore_mem>>) src(%dma_wait3A_37 : memref<128x16xf32, #tpu.memory_space<hbm>>) dst(%arg11 : memref<128x16xf32, #tpu.memory_space<vmem>>)
    "tpu.region"() ({
      %run_scoped3A = tpu.sem_alloc : memref<!tpu.dma_semaphore, #tpu.memory_space<semaphore_mem>>
      %dma_start3A_47 = arith.constant 0 : i32
      %dma_start3A_48 = arith.constant 0 : i32
      %dma_start3A_49 = tpu.memref_slice %arg15[%dma_start3A_47, %dma_start3A_48] : memref<10000x128xf32, #tpu.memory_space<vmem_shared>> -> memref<10000x128xf32, #tpu.memory_space<vmem_shared>>
      tpu.enqueue_indirect_dma source(%arg10 : memref<128x128xf32, #tpu.memory_space<vmem>>) target(%dma_start3A_49 : memref<10000x128xf32, #tpu.memory_space<vmem_shared>>) offsets(%arg9 : memref<128xi32, #tpu.memory_space<vmem>>) semaphore(%run_scoped3A : memref<!tpu.dma_semaphore, #tpu.memory_space<semaphore_mem>>) {add = true}
      %dma_wait3A_50 = arith.constant 0 : i32
      %dma_wait3A_51 = arith.constant 0 : i32
      %dma_wait3A_52 = tpu.memref_slice %arg15[%dma_wait3A_50, %dma_wait3A_51] : memref<10000x128xf32, #tpu.memory_space<vmem_shared>> -> memref<10000x128xf32, #tpu.memory_space<vmem_shared>>
      tpu.wait_indirect_dma semaphore(%run_scoped3A : memref<!tpu.dma_semaphore, #tpu.memory_space<semaphore_mem>>) src(%arg10 : memref<128x128xf32, #tpu.memory_space<vmem>>) dst(%dma_wait3A_52 : memref<10000x128xf32, #tpu.memory_space<vmem_shared>>)
      tpu.yield
    }) : () -> ()
    "tpu.region"() ({
      %run_scoped3A = tpu.sem_alloc : memref<!tpu.dma_semaphore, #tpu.memory_space<semaphore_mem>>
      %dma_start3A_47 = arith.constant 0 : i32
      %dma_start3A_48 = arith.constant 0 : i32
      %dma_start3A_49 = tpu.memref_slice %arg16[%dma_start3A_47, %dma_start3A_48] : memref<10000x16xf32, #tpu.memory_space<vmem_shared>> -> memref<10000x16xf32, #tpu.memory_space<vmem_shared>>
      tpu.enqueue_indirect_dma source(%arg11 : memref<128x16xf32, #tpu.memory_space<vmem>>) target(%dma_start3A_49 : memref<10000x16xf32, #tpu.memory_space<vmem_shared>>) offsets(%arg9 : memref<128xi32, #tpu.memory_space<vmem>>) semaphore(%run_scoped3A : memref<!tpu.dma_semaphore, #tpu.memory_space<semaphore_mem>>) {add = true}
      %dma_wait3A_50 = arith.constant 0 : i32
      %dma_wait3A_51 = arith.constant 0 : i32
      %dma_wait3A_52 = tpu.memref_slice %arg16[%dma_wait3A_50, %dma_wait3A_51] : memref<10000x16xf32, #tpu.memory_space<vmem_shared>> -> memref<10000x16xf32, #tpu.memory_space<vmem_shared>>
      tpu.wait_indirect_dma semaphore(%run_scoped3A : memref<!tpu.dma_semaphore, #tpu.memory_space<semaphore_mem>>) src(%arg11 : memref<128x16xf32, #tpu.memory_space<vmem>>) dst(%dma_wait3A_52 : memref<10000x16xf32, #tpu.memory_space<vmem_shared>>)
      tpu.yield
    }) : () -> ()
    %lt3A = arith.constant 2 : i32
    %lt3A_38 = arith.cmpi slt, %add3A, %lt3A : i32
    %convert_element_type3A = arith.extui %lt3A_38 : i1 to i32
    %cond3A = arith.constant 0 : i32
    %cond3A_39 = arith.cmpi ne, %convert_element_type3A, %cond3A : i32
    scf.if %cond3A_39 {
      %add3A_47 = arith.constant 1248 : i32
      %add3A_48 = arith.addi %add3A_47, %add3A : i32
      %mul3A_49 = arith.constant 128 : i32
      %mul3A_50 = arith.muli %add3A_48, %mul3A_49 : i32
      %dma_start3A_51 = tpu.memref_slice %arg4[%mul3A_50] : memref<160000xi32, #tpu.memory_space<hbm>> -> memref<128xi32, #tpu.memory_space<hbm>>
      %dma_start3A_52 = tpu.memref_slice %arg4[%mul3A_50] : memref<160000xi32, #tpu.memory_space<hbm>> -> memref<128xi32, #tpu.memory_space<hbm>>
      tpu.enqueue_dma source(%dma_start3A_52 : memref<128xi32, #tpu.memory_space<hbm>>) target(%arg12 : memref<128xi32, #tpu.memory_space<vmem>>) target_semaphore(%arg17 : memref<!tpu.dma_semaphore, #tpu.memory_space<semaphore_mem>>)
      %mul3A_53 = arith.constant 128 : i32
      %mul3A_54 = arith.muli %add3A_48, %mul3A_53 : i32
      %dma_start3A_55 = arith.constant 0 : i32
      %dma_start3A_56 = tpu.memref_slice %arg2[%mul3A_54, %dma_start3A_55] : memref<160000x128xf32, #tpu.memory_space<hbm>> -> memref<128x128xf32, #tpu.memory_space<hbm>>
      %dma_start3A_57 = arith.constant 0 : i32
      %dma_start3A_58 = tpu.memref_slice %arg2[%mul3A_54, %dma_start3A_57] : memref<160000x128xf32, #tpu.memory_space<hbm>> -> memref<128x128xf32, #tpu.memory_space<hbm>>
      tpu.enqueue_dma source(%dma_start3A_58 : memref<128x128xf32, #tpu.memory_space<hbm>>) target(%arg13 : memref<128x128xf32, #tpu.memory_space<vmem>>) target_semaphore(%arg17 : memref<!tpu.dma_semaphore, #tpu.memory_space<semaphore_mem>>)
      %mul3A_59 = arith.constant 128 : i32
      %mul3A_60 = arith.muli %add3A_48, %mul3A_59 : i32
      %dma_start3A_61 = arith.constant 0 : i32
      %dma_start3A_62 = tpu.memref_slice %arg3[%mul3A_60, %dma_start3A_61] : memref<160000x16xf32, #tpu.memory_space<hbm>> -> memref<128x16xf32, #tpu.memory_space<hbm>>
      %dma_start3A_63 = arith.constant 0 : i32
      %dma_start3A_64 = tpu.memref_slice %arg3[%mul3A_60, %dma_start3A_63] : memref<160000x16xf32, #tpu.memory_space<hbm>> -> memref<128x16xf32, #tpu.memory_space<hbm>>
      tpu.enqueue_dma source(%dma_start3A_64 : memref<128x16xf32, #tpu.memory_space<hbm>>) target(%arg14 : memref<128x16xf32, #tpu.memory_space<vmem>>) target_semaphore(%arg17 : memref<!tpu.dma_semaphore, #tpu.memory_space<semaphore_mem>>)
      %dma_wait3A_65 = tpu.memref_slice %arg4[%mul3A_50] : memref<160000xi32, #tpu.memory_space<hbm>> -> memref<128xi32, #tpu.memory_space<hbm>>
      %dma_wait3A_66 = tpu.memref_slice %arg4[%mul3A_50] : memref<160000xi32, #tpu.memory_space<hbm>> -> memref<128xi32, #tpu.memory_space<hbm>>
      tpu.wait_dma2 semaphore(%arg17 : memref<!tpu.dma_semaphore, #tpu.memory_space<semaphore_mem>>) src(%dma_wait3A_66 : memref<128xi32, #tpu.memory_space<hbm>>) dst(%arg12 : memref<128xi32, #tpu.memory_space<vmem>>)
      %dma_wait3A_67 = arith.constant 0 : i32
      %dma_wait3A_68 = tpu.memref_slice %arg2[%mul3A_54, %dma_wait3A_67] : memref<160000x128xf32, #tpu.memory_space<hbm>> -> memref<128x128xf32, #tpu.memory_space<hbm>>
      %dma_wait3A_69 = arith.constant 0 : i32
      %dma_wait3A_70 = tpu.memref_slice %arg2[%mul3A_54, %dma_wait3A_69] : memref<160000x128xf32, #tpu.memory_space<hbm>> -> memref<128x128xf32, #tpu.memory_space<hbm>>
      tpu.wait_dma2 semaphore(%arg17 : memref<!tpu.dma_semaphore, #tpu.memory_space<semaphore_mem>>) src(%dma_wait3A_70 : memref<128x128xf32, #tpu.memory_space<hbm>>) dst(%arg13 : memref<128x128xf32, #tpu.memory_space<vmem>>)
      %dma_wait3A_71 = arith.constant 0 : i32
      %dma_wait3A_72 = tpu.memref_slice %arg3[%mul3A_60, %dma_wait3A_71] : memref<160000x16xf32, #tpu.memory_space<hbm>> -> memref<128x16xf32, #tpu.memory_space<hbm>>
      %dma_wait3A_73 = arith.constant 0 : i32
      %dma_wait3A_74 = tpu.memref_slice %arg3[%mul3A_60, %dma_wait3A_73] : memref<160000x16xf32, #tpu.memory_space<hbm>> -> memref<128x16xf32, #tpu.memory_space<hbm>>
      tpu.wait_dma2 semaphore(%arg17 : memref<!tpu.dma_semaphore, #tpu.memory_space<semaphore_mem>>) src(%dma_wait3A_74 : memref<128x16xf32, #tpu.memory_space<hbm>>) dst(%arg14 : memref<128x16xf32, #tpu.memory_space<vmem>>)
      "tpu.region"() ({
        %run_scoped3A = tpu.sem_alloc : memref<!tpu.dma_semaphore, #tpu.memory_space<semaphore_mem>>
        %dma_start3A_75 = arith.constant 0 : i32
        %dma_start3A_76 = arith.constant 0 : i32
        %dma_start3A_77 = tpu.memref_slice %arg15[%dma_start3A_75, %dma_start3A_76] : memref<10000x128xf32, #tpu.memory_space<vmem_shared>> -> memref<10000x128xf32, #tpu.memory_space<vmem_shared>>
        tpu.enqueue_indirect_dma source(%arg13 : memref<128x128xf32, #tpu.memory_space<vmem>>) target(%dma_start3A_77 : memref<10000x128xf32, #tpu.memory_space<vmem_shared>>) offsets(%arg12 : memref<128xi32, #tpu.memory_space<vmem>>) semaphore(%run_scoped3A : memref<!tpu.dma_semaphore, #tpu.memory_space<semaphore_mem>>) {add = true}
        %dma_wait3A_78 = arith.constant 0 : i32
        %dma_wait3A_79 = arith.constant 0 : i32
        %dma_wait3A_80 = tpu.memref_slice %arg15[%dma_wait3A_78, %dma_wait3A_79] : memref<10000x128xf32, #tpu.memory_space<vmem_shared>> -> memref<10000x128xf32, #tpu.memory_space<vmem_shared>>
        tpu.wait_indirect_dma semaphore(%run_scoped3A : memref<!tpu.dma_semaphore, #tpu.memory_space<semaphore_mem>>) src(%arg13 : memref<128x128xf32, #tpu.memory_space<vmem>>) dst(%dma_wait3A_80 : memref<10000x128xf32, #tpu.memory_space<vmem_shared>>)
        tpu.yield
      }) : () -> ()
      "tpu.region"() ({
        %run_scoped3A = tpu.sem_alloc : memref<!tpu.dma_semaphore, #tpu.memory_space<semaphore_mem>>
        %dma_start3A_75 = arith.constant 0 : i32
        %dma_start3A_76 = arith.constant 0 : i32
        %dma_start3A_77 = tpu.memref_slice %arg16[%dma_start3A_75, %dma_start3A_76] : memref<10000x16xf32, #tpu.memory_space<vmem_shared>> -> memref<10000x16xf32, #tpu.memory_space<vmem_shared>>
        tpu.enqueue_indirect_dma source(%arg14 : memref<128x16xf32, #tpu.memory_space<vmem>>) target(%dma_start3A_77 : memref<10000x16xf32, #tpu.memory_space<vmem_shared>>) offsets(%arg12 : memref<128xi32, #tpu.memory_space<vmem>>) semaphore(%run_scoped3A : memref<!tpu.dma_semaphore, #tpu.memory_space<semaphore_mem>>) {add = true}
        %dma_wait3A_78 = arith.constant 0 : i32
        %dma_wait3A_79 = arith.constant 0 : i32
        %dma_wait3A_80 = tpu.memref_slice %arg16[%dma_wait3A_78, %dma_wait3A_79] : memref<10000x16xf32, #tpu.memory_space<vmem_shared>> -> memref<10000x16xf32, #tpu.memory_space<vmem_shared>>
        tpu.wait_indirect_dma semaphore(%run_scoped3A : memref<!tpu.dma_semaphore, #tpu.memory_space<semaphore_mem>>) src(%arg14 : memref<128x16xf32, #tpu.memory_space<vmem>>) dst(%dma_wait3A_80 : memref<10000x16xf32, #tpu.memory_space<vmem_shared>>)
        tpu.yield
      }) : () -> ()
    } else {
    }
    %barrier3A_40 = arith.constant 0 : index
    tpu.barrier barrier_id(%barrier3A_40)
    %scan3A_41 = arith.constant 0 : i32
    %scan3A_42 = arith.constant 0 : i32
    %scan3A_43 = arith.constant 4 : i32
    %scan3A_44 = arith.addi %scan3A_42, %scan3A_43 : i32
    %scan3A_45 = arith.constant 1 : i32
    scf.for %scan3A_47 = %scan3A_42 to %scan3A_44 step %scan3A_45  : i32 {
      %mul3A_48 = arith.constant 16 : i32
      %mul3A_49 = arith.muli %scan3A_47, %mul3A_48 : i32
      %add3A_50 = arith.addi %mul3A_49, %arg1 : i32
      %lt3A_51 = arith.constant 50 : i32
      %lt3A_52 = arith.cmpi slt, %add3A_50, %lt3A_51 : i32
      %convert_element_type3A_53 = arith.extui %lt3A_52 : i1 to i32
      %cond3A_54 = arith.constant 0 : i32
      %cond3A_55 = arith.cmpi ne, %convert_element_type3A_53, %cond3A_54 : i32
      scf.if %cond3A_55 {
        %mul3A_56 = arith.constant 200 : i32
        %mul3A_57 = arith.muli %add3A_50, %mul3A_56 : i32
        %mul3A_58 = arith.constant 10000 : i32
        %mul3A_59 = arith.muli %arg0, %mul3A_58 : i32
        %mul3A_60 = arith.constant 200 : i32
        %mul3A_61 = arith.muli %add3A_50, %mul3A_60 : i32
        %add3A_62 = arith.addi %mul3A_59, %mul3A_61 : i32
        "tpu.region"() ({
          %run_scoped3A = tpu.sem_alloc : memref<!tpu.dma_semaphore, #tpu.memory_space<semaphore_mem>>
          %dma_start3A_70 = arith.constant 0 : i32
          %dma_start3A_71 = tpu.memref_slice %arg7[%add3A_62, %dma_start3A_70] : memref<20000x128xf32, #tpu.memory_space<hbm>> -> memref<200x128xf32, #tpu.memory_space<hbm>>
          %dma_start3A_72 = arith.constant 0 : i32
          %dma_start3A_73 = tpu.memref_slice %arg15[%mul3A_57, %dma_start3A_72] : memref<10000x128xf32, #tpu.memory_space<vmem_shared>> -> memref<200x128xf32, #tpu.memory_space<vmem_shared>>
          tpu.enqueue_dma source(%dma_start3A_73 : memref<200x128xf32, #tpu.memory_space<vmem_shared>>) target(%dma_start3A_71 : memref<200x128xf32, #tpu.memory_space<hbm>>) target_semaphore(%run_scoped3A : memref<!tpu.dma_semaphore, #tpu.memory_space<semaphore_mem>>)
          %dma_wait3A_74 = arith.constant 0 : i32
          %dma_wait3A_75 = tpu.memref_slice %arg7[%add3A_62, %dma_wait3A_74] : memref<20000x128xf32, #tpu.memory_space<hbm>> -> memref<200x128xf32, #tpu.memory_space<hbm>>
          %dma_wait3A_76 = arith.constant 0 : i32
          %dma_wait3A_77 = tpu.memref_slice %arg15[%mul3A_57, %dma_wait3A_76] : memref<10000x128xf32, #tpu.memory_space<vmem_shared>> -> memref<200x128xf32, #tpu.memory_space<vmem_shared>>
          tpu.wait_dma2 semaphore(%run_scoped3A : memref<!tpu.dma_semaphore, #tpu.memory_space<semaphore_mem>>) src(%dma_wait3A_77 : memref<200x128xf32, #tpu.memory_space<vmem_shared>>) dst(%dma_wait3A_75 : memref<200x128xf32, #tpu.memory_space<hbm>>)
          tpu.yield
        }) : () -> ()
        %mul3A_63 = arith.constant 200 : i32
        %mul3A_64 = arith.muli %add3A_50, %mul3A_63 : i32
        %mul3A_65 = arith.constant 10000 : i32
        %mul3A_66 = arith.muli %arg0, %mul3A_65 : i32
        %mul3A_67 = arith.constant 200 : i32
        %mul3A_68 = arith.muli %add3A_50, %mul3A_67 : i32
        %add3A_69 = arith.addi %mul3A_66, %mul3A_68 : i32
        "tpu.region"() ({
          %run_scoped3A = tpu.sem_alloc : memref<!tpu.dma_semaphore, #tpu.memory_space<semaphore_mem>>
          %dma_start3A_70 = arith.constant 0 : i32
          %dma_start3A_71 = tpu.memref_slice %arg8[%add3A_69, %dma_start3A_70] : memref<20000x16xf32, #tpu.memory_space<hbm>> -> memref<200x16xf32, #tpu.memory_space<hbm>>
          %dma_start3A_72 = arith.constant 0 : i32
          %dma_start3A_73 = tpu.memref_slice %arg16[%mul3A_64, %dma_start3A_72] : memref<10000x16xf32, #tpu.memory_space<vmem_shared>> -> memref<200x16xf32, #tpu.memory_space<vmem_shared>>
          tpu.enqueue_dma source(%dma_start3A_73 : memref<200x16xf32, #tpu.memory_space<vmem_shared>>) target(%dma_start3A_71 : memref<200x16xf32, #tpu.memory_space<hbm>>) target_semaphore(%run_scoped3A : memref<!tpu.dma_semaphore, #tpu.memory_space<semaphore_mem>>)
          %dma_wait3A_74 = arith.constant 0 : i32
          %dma_wait3A_75 = tpu.memref_slice %arg8[%add3A_69, %dma_wait3A_74] : memref<20000x16xf32, #tpu.memory_space<hbm>> -> memref<200x16xf32, #tpu.memory_space<hbm>>
          %dma_wait3A_76 = arith.constant 0 : i32
          %dma_wait3A_77 = tpu.memref_slice %arg16[%mul3A_64, %dma_wait3A_76] : memref<10000x16xf32, #tpu.memory_space<vmem_shared>> -> memref<200x16xf32, #tpu.memory_space<vmem_shared>>
          tpu.wait_dma2 semaphore(%run_scoped3A : memref<!tpu.dma_semaphore, #tpu.memory_space<semaphore_mem>>) src(%dma_wait3A_77 : memref<200x16xf32, #tpu.memory_space<vmem_shared>>) dst(%dma_wait3A_75 : memref<200x16xf32, #tpu.memory_space<hbm>>)
          tpu.yield
        }) : () -> ()
      } else {
      }
    }
    %scan3A_46 = arith.constant 4 : i32
    return
  }
}

#map = affine_map<(d0, d1) -> (0, 0)>
#map1 = affine_map<(d0, d1) -> (0)>
module attributes {stable_mosaic.version = 14 : i64} {
  func.func @_gather_body(%arg0: i32, %arg1: i32, %arg2: memref<10000x128xf32, #tpu.memory_space<hbm>>, %arg3: memref<10000x16xf32, #tpu.memory_space<hbm>>, %arg4: memref<320000xi32, #tpu.memory_space<hbm>>, %arg5: memref<320000x128xf32, #tpu.memory_space<hbm>>, %arg6: memref<320000x16xf32, #tpu.memory_space<hbm>>, %arg7: memref<512xi32, #tpu.memory_space<vmem>>, %arg8: memref<512x128xf32, #tpu.memory_space<vmem>>, %arg9: memref<512x16xf32, #tpu.memory_space<vmem>>, %arg10: memref<!tpu.dma_semaphore, #tpu.memory_space<semaphore_mem>>) attributes {dimension_semantics = [#tpu.dimension_semantics<core_parallel>, #tpu.dimension_semantics<subcore_parallel>], iteration_bounds = array<i64: 2, 16>, scalar_prefetch = 0 : i64, scratch_operands = 4 : i64, tpu.core_type = #tpu.core_type<sc_vector_subcore>, window_params = [{transform_indices = #map}, {transform_indices = #map}, {transform_indices = #map1}, {transform_indices = #map}, {transform_indices = #map}]} {
    %mul3A = arith.constant 2 : i32
    %mul3A_0 = arith.muli %arg1, %mul3A : i32
    %add3A = arith.addi %mul3A_0, %arg0 : i32
    %scan3A = arith.constant 0 : i32
    %scan3A_1 = arith.constant 0 : i32
    %scan3A_2 = arith.constant 20 : i32
    %scan3A_3 = arith.addi %scan3A_1, %scan3A_2 : i32
    %scan3A_4 = arith.constant 1 : i32
    scf.for %scan3A_6 = %scan3A_1 to %scan3A_3 step %scan3A_4  : i32 {
      %mul3A_7 = arith.constant 32 : i32
      %mul3A_8 = arith.muli %scan3A_6, %mul3A_7 : i32
      %add3A_9 = arith.addi %mul3A_8, %add3A : i32
      %lt3A = arith.constant 625 : i32
      %lt3A_10 = arith.cmpi slt, %add3A_9, %lt3A : i32
      %convert_element_type3A = arith.extui %lt3A_10 : i1 to i32
      %cond3A = arith.constant 0 : i32
      %cond3A_11 = arith.cmpi ne, %convert_element_type3A, %cond3A : i32
      scf.if %cond3A_11 {
        %mul3A_12 = arith.constant 512 : i32
        %mul3A_13 = arith.muli %add3A_9, %mul3A_12 : i32
        "tpu.region"() ({
          %run_scoped3A = tpu.sem_alloc : memref<!tpu.dma_semaphore, #tpu.memory_space<semaphore_mem>>
          %dma_start3A_156 = tpu.memref_slice %arg4[%mul3A_13] : memref<320000xi32, #tpu.memory_space<hbm>> -> memref<512xi32, #tpu.memory_space<hbm>>
          %dma_start3A_157 = tpu.memref_slice %arg4[%mul3A_13] : memref<320000xi32, #tpu.memory_space<hbm>> -> memref<512xi32, #tpu.memory_space<hbm>>
          tpu.enqueue_dma source(%dma_start3A_157 : memref<512xi32, #tpu.memory_space<hbm>>) target(%arg7 : memref<512xi32, #tpu.memory_space<vmem>>) target_semaphore(%run_scoped3A : memref<!tpu.dma_semaphore, #tpu.memory_space<semaphore_mem>>)
          %dma_wait3A_158 = tpu.memref_slice %arg4[%mul3A_13] : memref<320000xi32, #tpu.memory_space<hbm>> -> memref<512xi32, #tpu.memory_space<hbm>>
          %dma_wait3A_159 = tpu.memref_slice %arg4[%mul3A_13] : memref<320000xi32, #tpu.memory_space<hbm>> -> memref<512xi32, #tpu.memory_space<hbm>>
          tpu.wait_dma2 semaphore(%run_scoped3A : memref<!tpu.dma_semaphore, #tpu.memory_space<semaphore_mem>>) src(%dma_wait3A_159 : memref<512xi32, #tpu.memory_space<hbm>>) dst(%arg7 : memref<512xi32, #tpu.memory_space<vmem>>)
          tpu.yield
        }) : () -> ()
        %dma_start3A = arith.constant 0 : i32
        %dma_start3A_14 = arith.constant 0 : i32
        %dma_start3A_15 = tpu.memref_slice %arg8[%dma_start3A, %dma_start3A_14] : memref<512x128xf32, #tpu.memory_space<vmem>> -> memref<128x128xf32, #tpu.memory_space<vmem>>
        %dma_start3A_16 = arith.constant 0 : i32
        %dma_start3A_17 = tpu.memref_slice %arg7[%dma_start3A_16] : memref<512xi32, #tpu.memory_space<vmem>> -> memref<128xi32, #tpu.memory_space<vmem>>
        %dma_start3A_18 = arith.constant 0 : i32
        %dma_start3A_19 = arith.constant 0 : i32
        %dma_start3A_20 = tpu.memref_slice %arg2[%dma_start3A_18, %dma_start3A_19] : memref<10000x128xf32, #tpu.memory_space<hbm>> -> memref<10000x128xf32, #tpu.memory_space<hbm>>
        tpu.enqueue_indirect_dma source(%dma_start3A_20 : memref<10000x128xf32, #tpu.memory_space<hbm>>) target(%dma_start3A_15 : memref<128x128xf32, #tpu.memory_space<vmem>>) offsets(%dma_start3A_17 : memref<128xi32, #tpu.memory_space<vmem>>) semaphore(%arg10 : memref<!tpu.dma_semaphore, #tpu.memory_space<semaphore_mem>>)
        %dma_start3A_21 = arith.constant 0 : i32
        %dma_start3A_22 = arith.constant 0 : i32
        %dma_start3A_23 = tpu.memref_slice %arg9[%dma_start3A_21, %dma_start3A_22] : memref<512x16xf32, #tpu.memory_space<vmem>> -> memref<128x16xf32, #tpu.memory_space<vmem>>
        %dma_start3A_24 = arith.constant 0 : i32
        %dma_start3A_25 = tpu.memref_slice %arg7[%dma_start3A_24] : memref<512xi32, #tpu.memory_space<vmem>> -> memref<128xi32, #tpu.memory_space<vmem>>
        %dma_start3A_26 = arith.constant 0 : i32
        %dma_start3A_27 = arith.constant 0 : i32
        %dma_start3A_28 = tpu.memref_slice %arg3[%dma_start3A_26, %dma_start3A_27] : memref<10000x16xf32, #tpu.memory_space<hbm>> -> memref<10000x16xf32, #tpu.memory_space<hbm>>
        tpu.enqueue_indirect_dma source(%dma_start3A_28 : memref<10000x16xf32, #tpu.memory_space<hbm>>) target(%dma_start3A_23 : memref<128x16xf32, #tpu.memory_space<vmem>>) offsets(%dma_start3A_25 : memref<128xi32, #tpu.memory_space<vmem>>) semaphore(%arg10 : memref<!tpu.dma_semaphore, #tpu.memory_space<semaphore_mem>>)
        %dma_start3A_29 = arith.constant 128 : i32
        %dma_start3A_30 = arith.constant 0 : i32
        %dma_start3A_31 = tpu.memref_slice %arg8[%dma_start3A_29, %dma_start3A_30] : memref<512x128xf32, #tpu.memory_space<vmem>> -> memref<128x128xf32, #tpu.memory_space<vmem>>
        %dma_start3A_32 = arith.constant 128 : i32
        %dma_start3A_33 = tpu.memref_slice %arg7[%dma_start3A_32] : memref<512xi32, #tpu.memory_space<vmem>> -> memref<128xi32, #tpu.memory_space<vmem>>
        %dma_start3A_34 = arith.constant 0 : i32
        %dma_start3A_35 = arith.constant 0 : i32
        %dma_start3A_36 = tpu.memref_slice %arg2[%dma_start3A_34, %dma_start3A_35] : memref<10000x128xf32, #tpu.memory_space<hbm>> -> memref<10000x128xf32, #tpu.memory_space<hbm>>
        tpu.enqueue_indirect_dma source(%dma_start3A_36 : memref<10000x128xf32, #tpu.memory_space<hbm>>) target(%dma_start3A_31 : memref<128x128xf32, #tpu.memory_space<vmem>>) offsets(%dma_start3A_33 : memref<128xi32, #tpu.memory_space<vmem>>) semaphore(%arg10 : memref<!tpu.dma_semaphore, #tpu.memory_space<semaphore_mem>>)
        %dma_start3A_37 = arith.constant 128 : i32
        %dma_start3A_38 = arith.constant 0 : i32
        %dma_start3A_39 = tpu.memref_slice %arg9[%dma_start3A_37, %dma_start3A_38] : memref<512x16xf32, #tpu.memory_space<vmem>> -> memref<128x16xf32, #tpu.memory_space<vmem>>
        %dma_start3A_40 = arith.constant 128 : i32
        %dma_start3A_41 = tpu.memref_slice %arg7[%dma_start3A_40] : memref<512xi32, #tpu.memory_space<vmem>> -> memref<128xi32, #tpu.memory_space<vmem>>
        %dma_start3A_42 = arith.constant 0 : i32
        %dma_start3A_43 = arith.constant 0 : i32
        %dma_start3A_44 = tpu.memref_slice %arg3[%dma_start3A_42, %dma_start3A_43] : memref<10000x16xf32, #tpu.memory_space<hbm>> -> memref<10000x16xf32, #tpu.memory_space<hbm>>
        tpu.enqueue_indirect_dma source(%dma_start3A_44 : memref<10000x16xf32, #tpu.memory_space<hbm>>) target(%dma_start3A_39 : memref<128x16xf32, #tpu.memory_space<vmem>>) offsets(%dma_start3A_41 : memref<128xi32, #tpu.memory_space<vmem>>) semaphore(%arg10 : memref<!tpu.dma_semaphore, #tpu.memory_space<semaphore_mem>>)
        %dma_start3A_45 = arith.constant 256 : i32
        %dma_start3A_46 = arith.constant 0 : i32
        %dma_start3A_47 = tpu.memref_slice %arg8[%dma_start3A_45, %dma_start3A_46] : memref<512x128xf32, #tpu.memory_space<vmem>> -> memref<128x128xf32, #tpu.memory_space<vmem>>
        %dma_start3A_48 = arith.constant 256 : i32
        %dma_start3A_49 = tpu.memref_slice %arg7[%dma_start3A_48] : memref<512xi32, #tpu.memory_space<vmem>> -> memref<128xi32, #tpu.memory_space<vmem>>
        %dma_start3A_50 = arith.constant 0 : i32
        %dma_start3A_51 = arith.constant 0 : i32
        %dma_start3A_52 = tpu.memref_slice %arg2[%dma_start3A_50, %dma_start3A_51] : memref<10000x128xf32, #tpu.memory_space<hbm>> -> memref<10000x128xf32, #tpu.memory_space<hbm>>
        tpu.enqueue_indirect_dma source(%dma_start3A_52 : memref<10000x128xf32, #tpu.memory_space<hbm>>) target(%dma_start3A_47 : memref<128x128xf32, #tpu.memory_space<vmem>>) offsets(%dma_start3A_49 : memref<128xi32, #tpu.memory_space<vmem>>) semaphore(%arg10 : memref<!tpu.dma_semaphore, #tpu.memory_space<semaphore_mem>>)
        %dma_start3A_53 = arith.constant 256 : i32
        %dma_start3A_54 = arith.constant 0 : i32
        %dma_start3A_55 = tpu.memref_slice %arg9[%dma_start3A_53, %dma_start3A_54] : memref<512x16xf32, #tpu.memory_space<vmem>> -> memref<128x16xf32, #tpu.memory_space<vmem>>
        %dma_start3A_56 = arith.constant 256 : i32
        %dma_start3A_57 = tpu.memref_slice %arg7[%dma_start3A_56] : memref<512xi32, #tpu.memory_space<vmem>> -> memref<128xi32, #tpu.memory_space<vmem>>
        %dma_start3A_58 = arith.constant 0 : i32
        %dma_start3A_59 = arith.constant 0 : i32
        %dma_start3A_60 = tpu.memref_slice %arg3[%dma_start3A_58, %dma_start3A_59] : memref<10000x16xf32, #tpu.memory_space<hbm>> -> memref<10000x16xf32, #tpu.memory_space<hbm>>
        tpu.enqueue_indirect_dma source(%dma_start3A_60 : memref<10000x16xf32, #tpu.memory_space<hbm>>) target(%dma_start3A_55 : memref<128x16xf32, #tpu.memory_space<vmem>>) offsets(%dma_start3A_57 : memref<128xi32, #tpu.memory_space<vmem>>) semaphore(%arg10 : memref<!tpu.dma_semaphore, #tpu.memory_space<semaphore_mem>>)
        %dma_start3A_61 = arith.constant 384 : i32
        %dma_start3A_62 = arith.constant 0 : i32
        %dma_start3A_63 = tpu.memref_slice %arg8[%dma_start3A_61, %dma_start3A_62] : memref<512x128xf32, #tpu.memory_space<vmem>> -> memref<128x128xf32, #tpu.memory_space<vmem>>
        %dma_start3A_64 = arith.constant 384 : i32
        %dma_start3A_65 = tpu.memref_slice %arg7[%dma_start3A_64] : memref<512xi32, #tpu.memory_space<vmem>> -> memref<128xi32, #tpu.memory_space<vmem>>
        %dma_start3A_66 = arith.constant 0 : i32
        %dma_start3A_67 = arith.constant 0 : i32
        %dma_start3A_68 = tpu.memref_slice %arg2[%dma_start3A_66, %dma_start3A_67] : memref<10000x128xf32, #tpu.memory_space<hbm>> -> memref<10000x128xf32, #tpu.memory_space<hbm>>
        tpu.enqueue_indirect_dma source(%dma_start3A_68 : memref<10000x128xf32, #tpu.memory_space<hbm>>) target(%dma_start3A_63 : memref<128x128xf32, #tpu.memory_space<vmem>>) offsets(%dma_start3A_65 : memref<128xi32, #tpu.memory_space<vmem>>) semaphore(%arg10 : memref<!tpu.dma_semaphore, #tpu.memory_space<semaphore_mem>>)
        %dma_start3A_69 = arith.constant 384 : i32
        %dma_start3A_70 = arith.constant 0 : i32
        %dma_start3A_71 = tpu.memref_slice %arg9[%dma_start3A_69, %dma_start3A_70] : memref<512x16xf32, #tpu.memory_space<vmem>> -> memref<128x16xf32, #tpu.memory_space<vmem>>
        %dma_start3A_72 = arith.constant 384 : i32
        %dma_start3A_73 = tpu.memref_slice %arg7[%dma_start3A_72] : memref<512xi32, #tpu.memory_space<vmem>> -> memref<128xi32, #tpu.memory_space<vmem>>
        %dma_start3A_74 = arith.constant 0 : i32
        %dma_start3A_75 = arith.constant 0 : i32
        %dma_start3A_76 = tpu.memref_slice %arg3[%dma_start3A_74, %dma_start3A_75] : memref<10000x16xf32, #tpu.memory_space<hbm>> -> memref<10000x16xf32, #tpu.memory_space<hbm>>
        tpu.enqueue_indirect_dma source(%dma_start3A_76 : memref<10000x16xf32, #tpu.memory_space<hbm>>) target(%dma_start3A_71 : memref<128x16xf32, #tpu.memory_space<vmem>>) offsets(%dma_start3A_73 : memref<128xi32, #tpu.memory_space<vmem>>) semaphore(%arg10 : memref<!tpu.dma_semaphore, #tpu.memory_space<semaphore_mem>>)
        %dma_wait3A = arith.constant 0 : i32
        %dma_wait3A_77 = arith.constant 0 : i32
        %dma_wait3A_78 = tpu.memref_slice %arg8[%dma_wait3A, %dma_wait3A_77] : memref<512x128xf32, #tpu.memory_space<vmem>> -> memref<128x128xf32, #tpu.memory_space<vmem>>
        %dma_wait3A_79 = arith.constant 0 : i32
        %dma_wait3A_80 = tpu.memref_slice %arg7[%dma_wait3A_79] : memref<512xi32, #tpu.memory_space<vmem>> -> memref<128xi32, #tpu.memory_space<vmem>>
        %dma_wait3A_81 = arith.constant 0 : i32
        %dma_wait3A_82 = arith.constant 0 : i32
        %dma_wait3A_83 = tpu.memref_slice %arg2[%dma_wait3A_81, %dma_wait3A_82] : memref<10000x128xf32, #tpu.memory_space<hbm>> -> memref<10000x128xf32, #tpu.memory_space<hbm>>
        tpu.wait_indirect_dma semaphore(%arg10 : memref<!tpu.dma_semaphore, #tpu.memory_space<semaphore_mem>>) src(%dma_wait3A_83 : memref<10000x128xf32, #tpu.memory_space<hbm>>) dst(%dma_wait3A_78 : memref<128x128xf32, #tpu.memory_space<vmem>>)
        %dma_wait3A_84 = arith.constant 0 : i32
        %dma_wait3A_85 = arith.constant 0 : i32
        %dma_wait3A_86 = tpu.memref_slice %arg9[%dma_wait3A_84, %dma_wait3A_85] : memref<512x16xf32, #tpu.memory_space<vmem>> -> memref<128x16xf32, #tpu.memory_space<vmem>>
        %dma_wait3A_87 = arith.constant 0 : i32
        %dma_wait3A_88 = tpu.memref_slice %arg7[%dma_wait3A_87] : memref<512xi32, #tpu.memory_space<vmem>> -> memref<128xi32, #tpu.memory_space<vmem>>
        %dma_wait3A_89 = arith.constant 0 : i32
        %dma_wait3A_90 = arith.constant 0 : i32
        %dma_wait3A_91 = tpu.memref_slice %arg3[%dma_wait3A_89, %dma_wait3A_90] : memref<10000x16xf32, #tpu.memory_space<hbm>> -> memref<10000x16xf32, #tpu.memory_space<hbm>>
        tpu.wait_indirect_dma semaphore(%arg10 : memref<!tpu.dma_semaphore, #tpu.memory_space<semaphore_mem>>) src(%dma_wait3A_91 : memref<10000x16xf32, #tpu.memory_space<hbm>>) dst(%dma_wait3A_86 : memref<128x16xf32, #tpu.memory_space<vmem>>)
        %dma_wait3A_92 = arith.constant 128 : i32
        %dma_wait3A_93 = arith.constant 0 : i32
        %dma_wait3A_94 = tpu.memref_slice %arg8[%dma_wait3A_92, %dma_wait3A_93] : memref<512x128xf32, #tpu.memory_space<vmem>> -> memref<128x128xf32, #tpu.memory_space<vmem>>
        %dma_wait3A_95 = arith.constant 128 : i32
        %dma_wait3A_96 = tpu.memref_slice %arg7[%dma_wait3A_95] : memref<512xi32, #tpu.memory_space<vmem>> -> memref<128xi32, #tpu.memory_space<vmem>>
        %dma_wait3A_97 = arith.constant 0 : i32
        %dma_wait3A_98 = arith.constant 0 : i32
        %dma_wait3A_99 = tpu.memref_slice %arg2[%dma_wait3A_97, %dma_wait3A_98] : memref<10000x128xf32, #tpu.memory_space<hbm>> -> memref<10000x128xf32, #tpu.memory_space<hbm>>
        tpu.wait_indirect_dma semaphore(%arg10 : memref<!tpu.dma_semaphore, #tpu.memory_space<semaphore_mem>>) src(%dma_wait3A_99 : memref<10000x128xf32, #tpu.memory_space<hbm>>) dst(%dma_wait3A_94 : memref<128x128xf32, #tpu.memory_space<vmem>>)
        %dma_wait3A_100 = arith.constant 128 : i32
        %dma_wait3A_101 = arith.constant 0 : i32
        %dma_wait3A_102 = tpu.memref_slice %arg9[%dma_wait3A_100, %dma_wait3A_101] : memref<512x16xf32, #tpu.memory_space<vmem>> -> memref<128x16xf32, #tpu.memory_space<vmem>>
        %dma_wait3A_103 = arith.constant 128 : i32
        %dma_wait3A_104 = tpu.memref_slice %arg7[%dma_wait3A_103] : memref<512xi32, #tpu.memory_space<vmem>> -> memref<128xi32, #tpu.memory_space<vmem>>
        %dma_wait3A_105 = arith.constant 0 : i32
        %dma_wait3A_106 = arith.constant 0 : i32
        %dma_wait3A_107 = tpu.memref_slice %arg3[%dma_wait3A_105, %dma_wait3A_106] : memref<10000x16xf32, #tpu.memory_space<hbm>> -> memref<10000x16xf32, #tpu.memory_space<hbm>>
        tpu.wait_indirect_dma semaphore(%arg10 : memref<!tpu.dma_semaphore, #tpu.memory_space<semaphore_mem>>) src(%dma_wait3A_107 : memref<10000x16xf32, #tpu.memory_space<hbm>>) dst(%dma_wait3A_102 : memref<128x16xf32, #tpu.memory_space<vmem>>)
        %dma_wait3A_108 = arith.constant 256 : i32
        %dma_wait3A_109 = arith.constant 0 : i32
        %dma_wait3A_110 = tpu.memref_slice %arg8[%dma_wait3A_108, %dma_wait3A_109] : memref<512x128xf32, #tpu.memory_space<vmem>> -> memref<128x128xf32, #tpu.memory_space<vmem>>
        %dma_wait3A_111 = arith.constant 256 : i32
        %dma_wait3A_112 = tpu.memref_slice %arg7[%dma_wait3A_111] : memref<512xi32, #tpu.memory_space<vmem>> -> memref<128xi32, #tpu.memory_space<vmem>>
        %dma_wait3A_113 = arith.constant 0 : i32
        %dma_wait3A_114 = arith.constant 0 : i32
        %dma_wait3A_115 = tpu.memref_slice %arg2[%dma_wait3A_113, %dma_wait3A_114] : memref<10000x128xf32, #tpu.memory_space<hbm>> -> memref<10000x128xf32, #tpu.memory_space<hbm>>
        tpu.wait_indirect_dma semaphore(%arg10 : memref<!tpu.dma_semaphore, #tpu.memory_space<semaphore_mem>>) src(%dma_wait3A_115 : memref<10000x128xf32, #tpu.memory_space<hbm>>) dst(%dma_wait3A_110 : memref<128x128xf32, #tpu.memory_space<vmem>>)
        %dma_wait3A_116 = arith.constant 256 : i32
        %dma_wait3A_117 = arith.constant 0 : i32
        %dma_wait3A_118 = tpu.memref_slice %arg9[%dma_wait3A_116, %dma_wait3A_117] : memref<512x16xf32, #tpu.memory_space<vmem>> -> memref<128x16xf32, #tpu.memory_space<vmem>>
        %dma_wait3A_119 = arith.constant 256 : i32
        %dma_wait3A_120 = tpu.memref_slice %arg7[%dma_wait3A_119] : memref<512xi32, #tpu.memory_space<vmem>> -> memref<128xi32, #tpu.memory_space<vmem>>
        %dma_wait3A_121 = arith.constant 0 : i32
        %dma_wait3A_122 = arith.constant 0 : i32
        %dma_wait3A_123 = tpu.memref_slice %arg3[%dma_wait3A_121, %dma_wait3A_122] : memref<10000x16xf32, #tpu.memory_space<hbm>> -> memref<10000x16xf32, #tpu.memory_space<hbm>>
        tpu.wait_indirect_dma semaphore(%arg10 : memref<!tpu.dma_semaphore, #tpu.memory_space<semaphore_mem>>) src(%dma_wait3A_123 : memref<10000x16xf32, #tpu.memory_space<hbm>>) dst(%dma_wait3A_118 : memref<128x16xf32, #tpu.memory_space<vmem>>)
        %dma_wait3A_124 = arith.constant 384 : i32
        %dma_wait3A_125 = arith.constant 0 : i32
        %dma_wait3A_126 = tpu.memref_slice %arg8[%dma_wait3A_124, %dma_wait3A_125] : memref<512x128xf32, #tpu.memory_space<vmem>> -> memref<128x128xf32, #tpu.memory_space<vmem>>
        %dma_wait3A_127 = arith.constant 384 : i32
        %dma_wait3A_128 = tpu.memref_slice %arg7[%dma_wait3A_127] : memref<512xi32, #tpu.memory_space<vmem>> -> memref<128xi32, #tpu.memory_space<vmem>>
        %dma_wait3A_129 = arith.constant 0 : i32
        %dma_wait3A_130 = arith.constant 0 : i32
        %dma_wait3A_131 = tpu.memref_slice %arg2[%dma_wait3A_129, %dma_wait3A_130] : memref<10000x128xf32, #tpu.memory_space<hbm>> -> memref<10000x128xf32, #tpu.memory_space<hbm>>
        tpu.wait_indirect_dma semaphore(%arg10 : memref<!tpu.dma_semaphore, #tpu.memory_space<semaphore_mem>>) src(%dma_wait3A_131 : memref<10000x128xf32, #tpu.memory_space<hbm>>) dst(%dma_wait3A_126 : memref<128x128xf32, #tpu.memory_space<vmem>>)
        %dma_wait3A_132 = arith.constant 384 : i32
        %dma_wait3A_133 = arith.constant 0 : i32
        %dma_wait3A_134 = tpu.memref_slice %arg9[%dma_wait3A_132, %dma_wait3A_133] : memref<512x16xf32, #tpu.memory_space<vmem>> -> memref<128x16xf32, #tpu.memory_space<vmem>>
        %dma_wait3A_135 = arith.constant 384 : i32
        %dma_wait3A_136 = tpu.memref_slice %arg7[%dma_wait3A_135] : memref<512xi32, #tpu.memory_space<vmem>> -> memref<128xi32, #tpu.memory_space<vmem>>
        %dma_wait3A_137 = arith.constant 0 : i32
        %dma_wait3A_138 = arith.constant 0 : i32
        %dma_wait3A_139 = tpu.memref_slice %arg3[%dma_wait3A_137, %dma_wait3A_138] : memref<10000x16xf32, #tpu.memory_space<hbm>> -> memref<10000x16xf32, #tpu.memory_space<hbm>>
        tpu.wait_indirect_dma semaphore(%arg10 : memref<!tpu.dma_semaphore, #tpu.memory_space<semaphore_mem>>) src(%dma_wait3A_139 : memref<10000x16xf32, #tpu.memory_space<hbm>>) dst(%dma_wait3A_134 : memref<128x16xf32, #tpu.memory_space<vmem>>)
        %dma_start3A_140 = arith.constant 0 : i32
        %dma_start3A_141 = tpu.memref_slice %arg5[%mul3A_13, %dma_start3A_140] : memref<320000x128xf32, #tpu.memory_space<hbm>> -> memref<512x128xf32, #tpu.memory_space<hbm>>
        %dma_start3A_142 = arith.constant 0 : i32
        %dma_start3A_143 = tpu.memref_slice %arg5[%mul3A_13, %dma_start3A_142] : memref<320000x128xf32, #tpu.memory_space<hbm>> -> memref<512x128xf32, #tpu.memory_space<hbm>>
        tpu.enqueue_dma source(%arg8 : memref<512x128xf32, #tpu.memory_space<vmem>>) target(%dma_start3A_143 : memref<512x128xf32, #tpu.memory_space<hbm>>) target_semaphore(%arg10 : memref<!tpu.dma_semaphore, #tpu.memory_space<semaphore_mem>>)
        %dma_start3A_144 = arith.constant 0 : i32
        %dma_start3A_145 = tpu.memref_slice %arg6[%mul3A_13, %dma_start3A_144] : memref<320000x16xf32, #tpu.memory_space<hbm>> -> memref<512x16xf32, #tpu.memory_space<hbm>>
        %dma_start3A_146 = arith.constant 0 : i32
        %dma_start3A_147 = tpu.memref_slice %arg6[%mul3A_13, %dma_start3A_146] : memref<320000x16xf32, #tpu.memory_space<hbm>> -> memref<512x16xf32, #tpu.memory_space<hbm>>
        tpu.enqueue_dma source(%arg9 : memref<512x16xf32, #tpu.memory_space<vmem>>) target(%dma_start3A_147 : memref<512x16xf32, #tpu.memory_space<hbm>>) target_semaphore(%arg10 : memref<!tpu.dma_semaphore, #tpu.memory_space<semaphore_mem>>)
        %dma_wait3A_148 = arith.constant 0 : i32
        %dma_wait3A_149 = tpu.memref_slice %arg5[%mul3A_13, %dma_wait3A_148] : memref<320000x128xf32, #tpu.memory_space<hbm>> -> memref<512x128xf32, #tpu.memory_space<hbm>>
        %dma_wait3A_150 = arith.constant 0 : i32
        %dma_wait3A_151 = tpu.memref_slice %arg5[%mul3A_13, %dma_wait3A_150] : memref<320000x128xf32, #tpu.memory_space<hbm>> -> memref<512x128xf32, #tpu.memory_space<hbm>>
        tpu.wait_dma2 semaphore(%arg10 : memref<!tpu.dma_semaphore, #tpu.memory_space<semaphore_mem>>) src(%arg8 : memref<512x128xf32, #tpu.memory_space<vmem>>) dst(%dma_wait3A_151 : memref<512x128xf32, #tpu.memory_space<hbm>>)
        %dma_wait3A_152 = arith.constant 0 : i32
        %dma_wait3A_153 = tpu.memref_slice %arg6[%mul3A_13, %dma_wait3A_152] : memref<320000x16xf32, #tpu.memory_space<hbm>> -> memref<512x16xf32, #tpu.memory_space<hbm>>
        %dma_wait3A_154 = arith.constant 0 : i32
        %dma_wait3A_155 = tpu.memref_slice %arg6[%mul3A_13, %dma_wait3A_154] : memref<320000x16xf32, #tpu.memory_space<hbm>> -> memref<512x16xf32, #tpu.memory_space<hbm>>
        tpu.wait_dma2 semaphore(%arg10 : memref<!tpu.dma_semaphore, #tpu.memory_space<semaphore_mem>>) src(%arg9 : memref<512x16xf32, #tpu.memory_space<vmem>>) dst(%dma_wait3A_155 : memref<512x16xf32, #tpu.memory_space<hbm>>)
      } else {
      }
    }
    %scan3A_5 = arith.constant 20 : i32
    return
  }
}

module attributes {stable_mosaic.version = 14 : i64} {
  func.func @_dense_body(%arg0: i32, %arg1: memref<1280x128xf32, #tpu.memory_space<vmem>>, %arg2: memref<1280x128xf32, #tpu.memory_space<vmem>>, %arg3: memref<16x1280xf32, #tpu.memory_space<vmem>>, %arg4: memref<16x1280xf32, #tpu.memory_space<vmem>>, %arg5: memref<9x9x1280xf32, #tpu.memory_space<vmem>>, %arg6: memref<9x9x1280xf32, #tpu.memory_space<vmem>>, %arg7: memref<64x1280xf32, #tpu.memory_space<vmem>>, %arg8: memref<1x1280xf32, #tpu.memory_space<vmem>>, %arg9: memref<64x64xf32, #tpu.memory_space<vmem>>, %arg10: memref<64x1xf32, #tpu.memory_space<vmem>>, %arg11: memref<64x1xf32, #tpu.memory_space<vmem>>, %arg12: memref<64x1xf32, #tpu.memory_space<vmem>>, %arg13: memref<64x64xf32, #tpu.memory_space<vmem>>, %arg14: memref<64x1xf32, #tpu.memory_space<vmem>>, %arg15: memref<64x1xf32, #tpu.memory_space<vmem>>, %arg16: memref<64x1xf32, #tpu.memory_space<vmem>>, %arg17: memref<192x64xf32, #tpu.memory_space<vmem>>, %arg18: memref<192x1xf32, #tpu.memory_space<vmem>>, %arg19: memref<160x96xf32, #tpu.memory_space<vmem>>, %arg20: memref<160x1xf32, #tpu.memory_space<vmem>>, %arg21: memref<128x64xf32, #tpu.memory_space<vmem>>, %arg22: memref<64x32xf32, #tpu.memory_space<vmem>>, %arg23: memref<48x96xf32, #tpu.memory_space<vmem>>, %arg24: memref<48x1xf32, #tpu.memory_space<vmem>>, %arg25: memref<64x64xf32, #tpu.memory_space<vmem>>, %arg26: memref<32x32xf32, #tpu.memory_space<vmem>>, %arg27: memref<1280x128xf32, #tpu.memory_space<vmem>>, %arg28: memref<16x1280xf32, #tpu.memory_space<vmem>>) attributes {dimension_semantics = [#tpu.dimension_semantics<arbitrary>], iteration_bounds = array<i64: 125>, scalar_prefetch = 0 : i64, scratch_operands = 0 : i64, tpu.core_type = #tpu.core_type<tc>, window_params = [{transform_indices = @transform_0, window_bounds = array<i64: 1280, 128>}, {transform_indices = @transform_1, window_bounds = array<i64: 1280, 128>}, {transform_indices = @transform_2, window_bounds = array<i64: 16, 1280>}, {transform_indices = @transform_3, window_bounds = array<i64: 16, 1280>}, {transform_indices = @transform_4, window_bounds = array<i64: 9, 9, 1280>}, {transform_indices = @transform_5, window_bounds = array<i64: 9, 9, 1280>}, {transform_indices = @transform_6, window_bounds = array<i64: 64, 1280>}, {transform_indices = @transform_7, window_bounds = array<i64: 1, 1280>}, {pipeline_mode = #tpu.pipeline_mode<synchronous>, transform_indices = @transform_8, window_bounds = array<i64: 64, 64>}, {pipeline_mode = #tpu.pipeline_mode<synchronous>, transform_indices = @transform_9, window_bounds = array<i64: 64, 1>}, {pipeline_mode = #tpu.pipeline_mode<synchronous>, transform_indices = @transform_10, window_bounds = array<i64: 64, 1>}, {pipeline_mode = #tpu.pipeline_mode<synchronous>, transform_indices = @transform_11, window_bounds = array<i64: 64, 1>}, {pipeline_mode = #tpu.pipeline_mode<synchronous>, transform_indices = @transform_12, window_bounds = array<i64: 64, 64>}, {pipeline_mode = #tpu.pipeline_mode<synchronous>, transform_indices = @transform_13, window_bounds = array<i64: 64, 1>}, {pipeline_mode = #tpu.pipeline_mode<synchronous>, transform_indices = @transform_14, window_bounds = array<i64: 64, 1>}, {pipeline_mode = #tpu.pipeline_mode<synchronous>, transform_indices = @transform_15, window_bounds = array<i64: 64, 1>}, {pipeline_mode = #tpu.pipeline_mode<synchronous>, transform_indices = @transform_16, window_bounds = array<i64: 192, 64>}, {pipeline_mode = #tpu.pipeline_mode<synchronous>, transform_indices = @transform_17, window_bounds = array<i64: 192, 1>}, {pipeline_mode = #tpu.pipeline_mode<synchronous>, transform_indices = @transform_18, window_bounds = array<i64: 160, 96>}, {pipeline_mode = #tpu.pipeline_mode<synchronous>, transform_indices = @transform_19, window_bounds = array<i64: 160, 1>}, {pipeline_mode = #tpu.pipeline_mode<synchronous>, transform_indices = @transform_20, window_bounds = array<i64: 128, 64>}, {pipeline_mode = #tpu.pipeline_mode<synchronous>, transform_indices = @transform_21, window_bounds = array<i64: 64, 32>}, {pipeline_mode = #tpu.pipeline_mode<synchronous>, transform_indices = @transform_22, window_bounds = array<i64: 48, 96>}, {pipeline_mode = #tpu.pipeline_mode<synchronous>, transform_indices = @transform_23, window_bounds = array<i64: 48, 1>}, {pipeline_mode = #tpu.pipeline_mode<synchronous>, transform_indices = @transform_24, window_bounds = array<i64: 64, 64>}, {pipeline_mode = #tpu.pipeline_mode<synchronous>, transform_indices = @transform_25, window_bounds = array<i64: 32, 32>}, {transform_indices = @transform_26, window_bounds = array<i64: 1280, 128>}, {transform_indices = @transform_27, window_bounds = array<i64: 16, 1280>}]} {
    %get3A = arith.constant 0 : index
    %get3A_0 = arith.constant 0 : index
    %get3A_1 = vector.load %arg9[%get3A, %get3A_0] : memref<64x64xf32, #tpu.memory_space<vmem>>, vector<64x64xf32>
    %get3A_2 = arith.constant 0 : index
    %get3A_3 = arith.constant 0 : index
    %get3A_4 = vector.load %arg10[%get3A_2, %get3A_3] : memref<64x1xf32, #tpu.memory_space<vmem>>, vector<64x1xf32>
    %get3A_5 = arith.constant 0 : index
    %get3A_6 = arith.constant 0 : index
    %get3A_7 = vector.load %arg11[%get3A_5, %get3A_6] : memref<64x1xf32, #tpu.memory_space<vmem>>, vector<64x1xf32>
    %get3A_8 = arith.constant 0 : index
    %get3A_9 = arith.constant 0 : index
    %get3A_10 = vector.load %arg12[%get3A_8, %get3A_9] : memref<64x1xf32, #tpu.memory_space<vmem>>, vector<64x1xf32>
    %get3A_11 = arith.constant 0 : index
    %get3A_12 = arith.constant 0 : index
    %get3A_13 = vector.load %arg13[%get3A_11, %get3A_12] : memref<64x64xf32, #tpu.memory_space<vmem>>, vector<64x64xf32>
    %get3A_14 = arith.constant 0 : index
    %get3A_15 = arith.constant 0 : index
    %get3A_16 = vector.load %arg14[%get3A_14, %get3A_15] : memref<64x1xf32, #tpu.memory_space<vmem>>, vector<64x1xf32>
    %get3A_17 = arith.constant 0 : index
    %get3A_18 = arith.constant 0 : index
    %get3A_19 = vector.load %arg15[%get3A_17, %get3A_18] : memref<64x1xf32, #tpu.memory_space<vmem>>, vector<64x1xf32>
    %get3A_20 = arith.constant 0 : index
    %get3A_21 = arith.constant 0 : index
    %get3A_22 = vector.load %arg16[%get3A_20, %get3A_21] : memref<64x1xf32, #tpu.memory_space<vmem>>, vector<64x1xf32>
    %get3A_23 = arith.constant 0 : index
    %get3A_24 = arith.constant 0 : index
    %get3A_25 = vector.load %arg17[%get3A_23, %get3A_24] : memref<192x64xf32, #tpu.memory_space<vmem>>, vector<192x64xf32>
    %get3A_26 = arith.constant 0 : index
    %get3A_27 = arith.constant 0 : index
    %get3A_28 = vector.load %arg18[%get3A_26, %get3A_27] : memref<192x1xf32, #tpu.memory_space<vmem>>, vector<192x1xf32>
    %get3A_29 = arith.constant 0 : index
    %get3A_30 = arith.constant 0 : index
    %get3A_31 = vector.load %arg19[%get3A_29, %get3A_30] : memref<160x96xf32, #tpu.memory_space<vmem>>, vector<160x96xf32>
    %get3A_32 = arith.constant 0 : index
    %get3A_33 = arith.constant 0 : index
    %get3A_34 = vector.load %arg20[%get3A_32, %get3A_33] : memref<160x1xf32, #tpu.memory_space<vmem>>, vector<160x1xf32>
    %get3A_35 = arith.constant 0 : index
    %get3A_36 = arith.constant 0 : index
    %get3A_37 = vector.load %arg21[%get3A_35, %get3A_36] : memref<128x64xf32, #tpu.memory_space<vmem>>, vector<128x64xf32>
    %get3A_38 = arith.constant 0 : index
    %get3A_39 = arith.constant 0 : index
    %get3A_40 = vector.load %arg22[%get3A_38, %get3A_39] : memref<64x32xf32, #tpu.memory_space<vmem>>, vector<64x32xf32>
    %get3A_41 = arith.constant 0 : index
    %get3A_42 = arith.constant 0 : index
    %get3A_43 = vector.load %arg23[%get3A_41, %get3A_42] : memref<48x96xf32, #tpu.memory_space<vmem>>, vector<48x96xf32>
    %get3A_44 = arith.constant 0 : index
    %get3A_45 = arith.constant 0 : index
    %get3A_46 = vector.load %arg24[%get3A_44, %get3A_45] : memref<48x1xf32, #tpu.memory_space<vmem>>, vector<48x1xf32>
    %get3A_47 = arith.constant 0 : index
    %get3A_48 = arith.constant 0 : index
    %get3A_49 = vector.load %arg25[%get3A_47, %get3A_48] : memref<64x64xf32, #tpu.memory_space<vmem>>, vector<64x64xf32>
    %get3A_50 = arith.constant 0 : index
    %get3A_51 = arith.constant 0 : index
    %get3A_52 = vector.load %arg26[%get3A_50, %get3A_51] : memref<32x32xf32, #tpu.memory_space<vmem>>, vector<32x32xf32>
    %get3A_53 = arith.constant 0 : index
    %get3A_54 = arith.constant 0 : index
    %get3A_55 = vector.load %arg1[%get3A_53, %get3A_54] : memref<1280x128xf32, #tpu.memory_space<vmem>>, vector<1280x128xf32>
    %transpose3A = tpu.transpose %get3A_55, [1, 0] : vector<1280x128xf32> -> vector<128x1280xf32>
    %get3A_56 = arith.constant 0 : index
    %get3A_57 = arith.constant 0 : index
    %get3A_58 = vector.load %arg2[%get3A_56, %get3A_57] : memref<1280x128xf32, #tpu.memory_space<vmem>>, vector<1280x128xf32>
    %transpose3A_59 = tpu.transpose %get3A_58, [1, 0] : vector<1280x128xf32> -> vector<128x1280xf32>
    %get3A_60 = arith.constant 0 : index
    %get3A_61 = arith.constant 0 : index
    %get3A_62 = vector.load %arg3[%get3A_60, %get3A_61] : memref<16x1280xf32, #tpu.memory_space<vmem>>, vector<16x1280xf32>
    %get3A_63 = arith.constant 0 : index
    %get3A_64 = arith.constant 0 : index
    %get3A_65 = vector.load %arg4[%get3A_63, %get3A_64] : memref<16x1280xf32, #tpu.memory_space<vmem>>, vector<16x1280xf32>
    %get3A_66 = arith.constant 0 : index
    %get3A_67 = arith.constant 0 : index
    %get3A_68 = vector.load %arg7[%get3A_66, %get3A_67] : memref<64x1280xf32, #tpu.memory_space<vmem>>, vector<64x1280xf32>
    %get3A_69 = arith.constant 0 : index
    %get3A_70 = arith.constant 0 : index
    %get3A_71 = vector.load %arg8[%get3A_69, %get3A_70] : memref<1x1280xf32, #tpu.memory_space<vmem>>, vector<1x1280xf32>
    %get3A_72 = arith.constant 0 : index
    %get3A_73 = arith.constant 0 : index
    %get3A_74 = arith.constant 0 : index
    %get3A_75 = vector.load %arg5[%get3A_72, %get3A_73, %get3A_74] : memref<9x9x1280xf32, #tpu.memory_space<vmem>>, vector<1x1x1280xf32>
    %get3A_76 = vector.shape_cast %get3A_75 : vector<1x1x1280xf32> to vector<1x1280xf32>
    %slice3A = vector.extract_strided_slice %transpose3A {offsets = [0, 0], sizes = [16, 1280], strides = [1, 1]} : vector<128x1280xf32> to vector<16x1280xf32>
    %mul3A = vector.broadcast %get3A_76 : vector<1x1280xf32> to vector<16x1280xf32>
    %mul3A_77 = arith.mulf %mul3A, %slice3A : vector<16x1280xf32>
    %get3A_78 = arith.constant 0 : index
    %get3A_79 = arith.constant 0 : index
    %get3A_80 = arith.constant 0 : index
    %get3A_81 = vector.load %arg5[%get3A_78, %get3A_79, %get3A_80] : memref<9x9x1280xf32, #tpu.memory_space<vmem>>, vector<1x1x1280xf32>
    %get3A_82 = vector.shape_cast %get3A_81 : vector<1x1x1280xf32> to vector<1x1280xf32>
    %slice3A_83 = vector.extract_strided_slice %transpose3A_59 {offsets = [0, 0], sizes = [16, 1280], strides = [1, 1]} : vector<128x1280xf32> to vector<16x1280xf32>
    %mul3A_84 = vector.broadcast %get3A_82 : vector<1x1280xf32> to vector<16x1280xf32>
    %mul3A_85 = arith.mulf %mul3A_84, %slice3A_83 : vector<16x1280xf32>
    %get3A_86 = arith.constant 0 : index
    %get3A_87 = arith.constant 1 : index
    %get3A_88 = arith.constant 0 : index
    %get3A_89 = vector.load %arg5[%get3A_86, %get3A_87, %get3A_88] : memref<9x9x1280xf32, #tpu.memory_space<vmem>>, vector<1x1x1280xf32>
    %get3A_90 = vector.shape_cast %get3A_89 : vector<1x1x1280xf32> to vector<1x1280xf32>
    %slice3A_91 = vector.extract_strided_slice %transpose3A {offsets = [16, 0], sizes = [16, 1280], strides = [1, 1]} : vector<128x1280xf32> to vector<16x1280xf32>
    %mul3A_92 = vector.broadcast %get3A_90 : vector<1x1280xf32> to vector<16x1280xf32>
    %mul3A_93 = arith.mulf %mul3A_92, %slice3A_91 : vector<16x1280xf32>
    %add3A = arith.addf %mul3A_77, %mul3A_93 : vector<16x1280xf32>
    %slice3A_94 = vector.extract_strided_slice %transpose3A_59 {offsets = [16, 0], sizes = [16, 1280], strides = [1, 1]} : vector<128x1280xf32> to vector<16x1280xf32>
    %mul3A_95 = vector.broadcast %get3A_90 : vector<1x1280xf32> to vector<16x1280xf32>
    %mul3A_96 = arith.mulf %mul3A_95, %slice3A_94 : vector<16x1280xf32>
    %add3A_97 = arith.addf %mul3A_85, %mul3A_96 : vector<16x1280xf32>
    %get3A_98 = arith.constant 0 : index
    %get3A_99 = arith.constant 2 : index
    %get3A_100 = arith.constant 0 : index
    %get3A_101 = vector.load %arg5[%get3A_98, %get3A_99, %get3A_100] : memref<9x9x1280xf32, #tpu.memory_space<vmem>>, vector<1x1x1280xf32>
    %get3A_102 = vector.shape_cast %get3A_101 : vector<1x1x1280xf32> to vector<1x1280xf32>
    %slice3A_103 = vector.extract_strided_slice %transpose3A {offsets = [32, 0], sizes = [16, 1280], strides = [1, 1]} : vector<128x1280xf32> to vector<16x1280xf32>
    %mul3A_104 = vector.broadcast %get3A_102 : vector<1x1280xf32> to vector<16x1280xf32>
    %mul3A_105 = arith.mulf %mul3A_104, %slice3A_103 : vector<16x1280xf32>
    %add3A_106 = arith.addf %add3A, %mul3A_105 : vector<16x1280xf32>
    %slice3A_107 = vector.extract_strided_slice %transpose3A_59 {offsets = [32, 0], sizes = [16, 1280], strides = [1, 1]} : vector<128x1280xf32> to vector<16x1280xf32>
    %mul3A_108 = vector.broadcast %get3A_102 : vector<1x1280xf32> to vector<16x1280xf32>
    %mul3A_109 = arith.mulf %mul3A_108, %slice3A_107 : vector<16x1280xf32>
    %add3A_110 = arith.addf %add3A_97, %mul3A_109 : vector<16x1280xf32>
    %get3A_111 = arith.constant 0 : index
    %get3A_112 = arith.constant 3 : index
    %get3A_113 = arith.constant 0 : index
    %get3A_114 = vector.load %arg5[%get3A_111, %get3A_112, %get3A_113] : memref<9x9x1280xf32, #tpu.memory_space<vmem>>, vector<1x1x1280xf32>
    %get3A_115 = vector.shape_cast %get3A_114 : vector<1x1x1280xf32> to vector<1x1280xf32>
    %slice3A_116 = vector.extract_strided_slice %transpose3A {offsets = [48, 0], sizes = [16, 1280], strides = [1, 1]} : vector<128x1280xf32> to vector<16x1280xf32>
    %mul3A_117 = vector.broadcast %get3A_115 : vector<1x1280xf32> to vector<16x1280xf32>
    %mul3A_118 = arith.mulf %mul3A_117, %slice3A_116 : vector<16x1280xf32>
    %add3A_119 = arith.addf %add3A_106, %mul3A_118 : vector<16x1280xf32>
    %slice3A_120 = vector.extract_strided_slice %transpose3A_59 {offsets = [48, 0], sizes = [16, 1280], strides = [1, 1]} : vector<128x1280xf32> to vector<16x1280xf32>
    %mul3A_121 = vector.broadcast %get3A_115 : vector<1x1280xf32> to vector<16x1280xf32>
    %mul3A_122 = arith.mulf %mul3A_121, %slice3A_120 : vector<16x1280xf32>
    %add3A_123 = arith.addf %add3A_110, %mul3A_122 : vector<16x1280xf32>
    %get3A_124 = arith.constant 0 : index
    %get3A_125 = arith.constant 4 : index
    %get3A_126 = arith.constant 0 : index
    %get3A_127 = vector.load %arg5[%get3A_124, %get3A_125, %get3A_126] : memref<9x9x1280xf32, #tpu.memory_space<vmem>>, vector<1x1x1280xf32>
    %get3A_128 = vector.shape_cast %get3A_127 : vector<1x1x1280xf32> to vector<1x1280xf32>
    %slice3A_129 = vector.extract_strided_slice %transpose3A {offsets = [64, 0], sizes = [16, 1280], strides = [1, 1]} : vector<128x1280xf32> to vector<16x1280xf32>
    %mul3A_130 = vector.broadcast %get3A_128 : vector<1x1280xf32> to vector<16x1280xf32>
    %mul3A_131 = arith.mulf %mul3A_130, %slice3A_129 : vector<16x1280xf32>
    %add3A_132 = arith.addf %add3A_119, %mul3A_131 : vector<16x1280xf32>
    %slice3A_133 = vector.extract_strided_slice %transpose3A_59 {offsets = [64, 0], sizes = [16, 1280], strides = [1, 1]} : vector<128x1280xf32> to vector<16x1280xf32>
    %mul3A_134 = vector.broadcast %get3A_128 : vector<1x1280xf32> to vector<16x1280xf32>
    %mul3A_135 = arith.mulf %mul3A_134, %slice3A_133 : vector<16x1280xf32>
    %add3A_136 = arith.addf %add3A_123, %mul3A_135 : vector<16x1280xf32>
    %get3A_137 = arith.constant 0 : index
    %get3A_138 = arith.constant 5 : index
    %get3A_139 = arith.constant 0 : index
    %get3A_140 = vector.load %arg5[%get3A_137, %get3A_138, %get3A_139] : memref<9x9x1280xf32, #tpu.memory_space<vmem>>, vector<1x1x1280xf32>
    %get3A_141 = vector.shape_cast %get3A_140 : vector<1x1x1280xf32> to vector<1x1280xf32>
    %slice3A_142 = vector.extract_strided_slice %transpose3A {offsets = [80, 0], sizes = [16, 1280], strides = [1, 1]} : vector<128x1280xf32> to vector<16x1280xf32>
    %mul3A_143 = vector.broadcast %get3A_141 : vector<1x1280xf32> to vector<16x1280xf32>
    %mul3A_144 = arith.mulf %mul3A_143, %slice3A_142 : vector<16x1280xf32>
    %add3A_145 = arith.addf %add3A_132, %mul3A_144 : vector<16x1280xf32>
    %slice3A_146 = vector.extract_strided_slice %transpose3A_59 {offsets = [80, 0], sizes = [16, 1280], strides = [1, 1]} : vector<128x1280xf32> to vector<16x1280xf32>
    %mul3A_147 = vector.broadcast %get3A_141 : vector<1x1280xf32> to vector<16x1280xf32>
    %mul3A_148 = arith.mulf %mul3A_147, %slice3A_146 : vector<16x1280xf32>
    %add3A_149 = arith.addf %add3A_136, %mul3A_148 : vector<16x1280xf32>
    %get3A_150 = arith.constant 0 : index
    %get3A_151 = arith.constant 6 : index
    %get3A_152 = arith.constant 0 : index
    %get3A_153 = vector.load %arg5[%get3A_150, %get3A_151, %get3A_152] : memref<9x9x1280xf32, #tpu.memory_space<vmem>>, vector<1x1x1280xf32>
    %get3A_154 = vector.shape_cast %get3A_153 : vector<1x1x1280xf32> to vector<1x1280xf32>
    %slice3A_155 = vector.extract_strided_slice %transpose3A {offsets = [96, 0], sizes = [16, 1280], strides = [1, 1]} : vector<128x1280xf32> to vector<16x1280xf32>
    %mul3A_156 = vector.broadcast %get3A_154 : vector<1x1280xf32> to vector<16x1280xf32>
    %mul3A_157 = arith.mulf %mul3A_156, %slice3A_155 : vector<16x1280xf32>
    %add3A_158 = arith.addf %add3A_145, %mul3A_157 : vector<16x1280xf32>
    %slice3A_159 = vector.extract_strided_slice %transpose3A_59 {offsets = [96, 0], sizes = [16, 1280], strides = [1, 1]} : vector<128x1280xf32> to vector<16x1280xf32>
    %mul3A_160 = vector.broadcast %get3A_154 : vector<1x1280xf32> to vector<16x1280xf32>
    %mul3A_161 = arith.mulf %mul3A_160, %slice3A_159 : vector<16x1280xf32>
    %add3A_162 = arith.addf %add3A_149, %mul3A_161 : vector<16x1280xf32>
    %get3A_163 = arith.constant 0 : index
    %get3A_164 = arith.constant 7 : index
    %get3A_165 = arith.constant 0 : index
    %get3A_166 = vector.load %arg5[%get3A_163, %get3A_164, %get3A_165] : memref<9x9x1280xf32, #tpu.memory_space<vmem>>, vector<1x1x1280xf32>
    %get3A_167 = vector.shape_cast %get3A_166 : vector<1x1x1280xf32> to vector<1x1280xf32>
    %slice3A_168 = vector.extract_strided_slice %transpose3A {offsets = [112, 0], sizes = [16, 1280], strides = [1, 1]} : vector<128x1280xf32> to vector<16x1280xf32>
    %mul3A_169 = vector.broadcast %get3A_167 : vector<1x1280xf32> to vector<16x1280xf32>
    %mul3A_170 = arith.mulf %mul3A_169, %slice3A_168 : vector<16x1280xf32>
    %add3A_171 = arith.addf %add3A_158, %mul3A_170 : vector<16x1280xf32>
    %slice3A_172 = vector.extract_strided_slice %transpose3A_59 {offsets = [112, 0], sizes = [16, 1280], strides = [1, 1]} : vector<128x1280xf32> to vector<16x1280xf32>
    %mul3A_173 = vector.broadcast %get3A_167 : vector<1x1280xf32> to vector<16x1280xf32>
    %mul3A_174 = arith.mulf %mul3A_173, %slice3A_172 : vector<16x1280xf32>
    %add3A_175 = arith.addf %add3A_162, %mul3A_174 : vector<16x1280xf32>
    %get3A_176 = arith.constant 0 : index
    %get3A_177 = arith.constant 8 : index
    %get3A_178 = arith.constant 0 : index
    %get3A_179 = vector.load %arg5[%get3A_176, %get3A_177, %get3A_178] : memref<9x9x1280xf32, #tpu.memory_space<vmem>>, vector<1x1x1280xf32>
    %get3A_180 = vector.shape_cast %get3A_179 : vector<1x1x1280xf32> to vector<1x1280xf32>
    %mul3A_181 = vector.broadcast %get3A_180 : vector<1x1280xf32> to vector<16x1280xf32>
    %mul3A_182 = arith.mulf %mul3A_181, %get3A_62 : vector<16x1280xf32>
    %add3A_183 = arith.addf %add3A_171, %mul3A_182 : vector<16x1280xf32>
    %mul3A_184 = vector.broadcast %get3A_180 : vector<1x1280xf32> to vector<16x1280xf32>
    %mul3A_185 = arith.mulf %mul3A_184, %get3A_65 : vector<16x1280xf32>
    %add3A_186 = arith.addf %add3A_175, %mul3A_185 : vector<16x1280xf32>
    %get3A_187 = arith.constant 1 : index
    %get3A_188 = arith.constant 0 : index
    %get3A_189 = arith.constant 0 : index
    %get3A_190 = vector.load %arg5[%get3A_187, %get3A_188, %get3A_189] : memref<9x9x1280xf32, #tpu.memory_space<vmem>>, vector<1x1x1280xf32>
    %get3A_191 = vector.shape_cast %get3A_190 : vector<1x1x1280xf32> to vector<1x1280xf32>
    %slice3A_192 = vector.extract_strided_slice %transpose3A {offsets = [0, 0], sizes = [16, 1280], strides = [1, 1]} : vector<128x1280xf32> to vector<16x1280xf32>
    %mul3A_193 = vector.broadcast %get3A_191 : vector<1x1280xf32> to vector<16x1280xf32>
    %mul3A_194 = arith.mulf %mul3A_193, %slice3A_192 : vector<16x1280xf32>
    %get3A_195 = arith.constant 1 : index
    %get3A_196 = arith.constant 0 : index
    %get3A_197 = arith.constant 0 : index
    %get3A_198 = vector.load %arg5[%get3A_195, %get3A_196, %get3A_197] : memref<9x9x1280xf32, #tpu.memory_space<vmem>>, vector<1x1x1280xf32>
    %get3A_199 = vector.shape_cast %get3A_198 : vector<1x1x1280xf32> to vector<1x1280xf32>
    %slice3A_200 = vector.extract_strided_slice %transpose3A_59 {offsets = [0, 0], sizes = [16, 1280], strides = [1, 1]} : vector<128x1280xf32> to vector<16x1280xf32>
    %mul3A_201 = vector.broadcast %get3A_199 : vector<1x1280xf32> to vector<16x1280xf32>
    %mul3A_202 = arith.mulf %mul3A_201, %slice3A_200 : vector<16x1280xf32>
    %get3A_203 = arith.constant 1 : index
    %get3A_204 = arith.constant 1 : index
    %get3A_205 = arith.constant 0 : index
    %get3A_206 = vector.load %arg5[%get3A_203, %get3A_204, %get3A_205] : memref<9x9x1280xf32, #tpu.memory_space<vmem>>, vector<1x1x1280xf32>
    %get3A_207 = vector.shape_cast %get3A_206 : vector<1x1x1280xf32> to vector<1x1280xf32>
    %slice3A_208 = vector.extract_strided_slice %transpose3A {offsets = [16, 0], sizes = [16, 1280], strides = [1, 1]} : vector<128x1280xf32> to vector<16x1280xf32>
    %mul3A_209 = vector.broadcast %get3A_207 : vector<1x1280xf32> to vector<16x1280xf32>
    %mul3A_210 = arith.mulf %mul3A_209, %slice3A_208 : vector<16x1280xf32>
    %add3A_211 = arith.addf %mul3A_194, %mul3A_210 : vector<16x1280xf32>
    %slice3A_212 = vector.extract_strided_slice %transpose3A_59 {offsets = [16, 0], sizes = [16, 1280], strides = [1, 1]} : vector<128x1280xf32> to vector<16x1280xf32>
    %mul3A_213 = vector.broadcast %get3A_207 : vector<1x1280xf32> to vector<16x1280xf32>
    %mul3A_214 = arith.mulf %mul3A_213, %slice3A_212 : vector<16x1280xf32>
    %add3A_215 = arith.addf %mul3A_202, %mul3A_214 : vector<16x1280xf32>
    %get3A_216 = arith.constant 1 : index
    %get3A_217 = arith.constant 2 : index
    %get3A_218 = arith.constant 0 : index
    %get3A_219 = vector.load %arg5[%get3A_216, %get3A_217, %get3A_218] : memref<9x9x1280xf32, #tpu.memory_space<vmem>>, vector<1x1x1280xf32>
    %get3A_220 = vector.shape_cast %get3A_219 : vector<1x1x1280xf32> to vector<1x1280xf32>
    %slice3A_221 = vector.extract_strided_slice %transpose3A {offsets = [32, 0], sizes = [16, 1280], strides = [1, 1]} : vector<128x1280xf32> to vector<16x1280xf32>
    %mul3A_222 = vector.broadcast %get3A_220 : vector<1x1280xf32> to vector<16x1280xf32>
    %mul3A_223 = arith.mulf %mul3A_222, %slice3A_221 : vector<16x1280xf32>
    %add3A_224 = arith.addf %add3A_211, %mul3A_223 : vector<16x1280xf32>
    %slice3A_225 = vector.extract_strided_slice %transpose3A_59 {offsets = [32, 0], sizes = [16, 1280], strides = [1, 1]} : vector<128x1280xf32> to vector<16x1280xf32>
    %mul3A_226 = vector.broadcast %get3A_220 : vector<1x1280xf32> to vector<16x1280xf32>
    %mul3A_227 = arith.mulf %mul3A_226, %slice3A_225 : vector<16x1280xf32>
    %add3A_228 = arith.addf %add3A_215, %mul3A_227 : vector<16x1280xf32>
    %get3A_229 = arith.constant 1 : index
    %get3A_230 = arith.constant 3 : index
    %get3A_231 = arith.constant 0 : index
    %get3A_232 = vector.load %arg5[%get3A_229, %get3A_230, %get3A_231] : memref<9x9x1280xf32, #tpu.memory_space<vmem>>, vector<1x1x1280xf32>
    %get3A_233 = vector.shape_cast %get3A_232 : vector<1x1x1280xf32> to vector<1x1280xf32>
    %slice3A_234 = vector.extract_strided_slice %transpose3A {offsets = [48, 0], sizes = [16, 1280], strides = [1, 1]} : vector<128x1280xf32> to vector<16x1280xf32>
    %mul3A_235 = vector.broadcast %get3A_233 : vector<1x1280xf32> to vector<16x1280xf32>
    %mul3A_236 = arith.mulf %mul3A_235, %slice3A_234 : vector<16x1280xf32>
    %add3A_237 = arith.addf %add3A_224, %mul3A_236 : vector<16x1280xf32>
    %slice3A_238 = vector.extract_strided_slice %transpose3A_59 {offsets = [48, 0], sizes = [16, 1280], strides = [1, 1]} : vector<128x1280xf32> to vector<16x1280xf32>
    %mul3A_239 = vector.broadcast %get3A_233 : vector<1x1280xf32> to vector<16x1280xf32>
    %mul3A_240 = arith.mulf %mul3A_239, %slice3A_238 : vector<16x1280xf32>
    %add3A_241 = arith.addf %add3A_228, %mul3A_240 : vector<16x1280xf32>
    %get3A_242 = arith.constant 1 : index
    %get3A_243 = arith.constant 4 : index
    %get3A_244 = arith.constant 0 : index
    %get3A_245 = vector.load %arg5[%get3A_242, %get3A_243, %get3A_244] : memref<9x9x1280xf32, #tpu.memory_space<vmem>>, vector<1x1x1280xf32>
    %get3A_246 = vector.shape_cast %get3A_245 : vector<1x1x1280xf32> to vector<1x1280xf32>
    %slice3A_247 = vector.extract_strided_slice %transpose3A {offsets = [64, 0], sizes = [16, 1280], strides = [1, 1]} : vector<128x1280xf32> to vector<16x1280xf32>
    %mul3A_248 = vector.broadcast %get3A_246 : vector<1x1280xf32> to vector<16x1280xf32>
    %mul3A_249 = arith.mulf %mul3A_248, %slice3A_247 : vector<16x1280xf32>
    %add3A_250 = arith.addf %add3A_237, %mul3A_249 : vector<16x1280xf32>
    %slice3A_251 = vector.extract_strided_slice %transpose3A_59 {offsets = [64, 0], sizes = [16, 1280], strides = [1, 1]} : vector<128x1280xf32> to vector<16x1280xf32>
    %mul3A_252 = vector.broadcast %get3A_246 : vector<1x1280xf32> to vector<16x1280xf32>
    %mul3A_253 = arith.mulf %mul3A_252, %slice3A_251 : vector<16x1280xf32>
    %add3A_254 = arith.addf %add3A_241, %mul3A_253 : vector<16x1280xf32>
    %get3A_255 = arith.constant 1 : index
    %get3A_256 = arith.constant 5 : index
    %get3A_257 = arith.constant 0 : index
    %get3A_258 = vector.load %arg5[%get3A_255, %get3A_256, %get3A_257] : memref<9x9x1280xf32, #tpu.memory_space<vmem>>, vector<1x1x1280xf32>
    %get3A_259 = vector.shape_cast %get3A_258 : vector<1x1x1280xf32> to vector<1x1280xf32>
    %slice3A_260 = vector.extract_strided_slice %transpose3A {offsets = [80, 0], sizes = [16, 1280], strides = [1, 1]} : vector<128x1280xf32> to vector<16x1280xf32>
    %mul3A_261 = vector.broadcast %get3A_259 : vector<1x1280xf32> to vector<16x1280xf32>
    %mul3A_262 = arith.mulf %mul3A_261, %slice3A_260 : vector<16x1280xf32>
    %add3A_263 = arith.addf %add3A_250, %mul3A_262 : vector<16x1280xf32>
    %slice3A_264 = vector.extract_strided_slice %transpose3A_59 {offsets = [80, 0], sizes = [16, 1280], strides = [1, 1]} : vector<128x1280xf32> to vector<16x1280xf32>
    %mul3A_265 = vector.broadcast %get3A_259 : vector<1x1280xf32> to vector<16x1280xf32>
    %mul3A_266 = arith.mulf %mul3A_265, %slice3A_264 : vector<16x1280xf32>
    %add3A_267 = arith.addf %add3A_254, %mul3A_266 : vector<16x1280xf32>
    %get3A_268 = arith.constant 1 : index
    %get3A_269 = arith.constant 6 : index
    %get3A_270 = arith.constant 0 : index
    %get3A_271 = vector.load %arg5[%get3A_268, %get3A_269, %get3A_270] : memref<9x9x1280xf32, #tpu.memory_space<vmem>>, vector<1x1x1280xf32>
    %get3A_272 = vector.shape_cast %get3A_271 : vector<1x1x1280xf32> to vector<1x1280xf32>
    %slice3A_273 = vector.extract_strided_slice %transpose3A {offsets = [96, 0], sizes = [16, 1280], strides = [1, 1]} : vector<128x1280xf32> to vector<16x1280xf32>
    %mul3A_274 = vector.broadcast %get3A_272 : vector<1x1280xf32> to vector<16x1280xf32>
    %mul3A_275 = arith.mulf %mul3A_274, %slice3A_273 : vector<16x1280xf32>
    %add3A_276 = arith.addf %add3A_263, %mul3A_275 : vector<16x1280xf32>
    %slice3A_277 = vector.extract_strided_slice %transpose3A_59 {offsets = [96, 0], sizes = [16, 1280], strides = [1, 1]} : vector<128x1280xf32> to vector<16x1280xf32>
    %mul3A_278 = vector.broadcast %get3A_272 : vector<1x1280xf32> to vector<16x1280xf32>
    %mul3A_279 = arith.mulf %mul3A_278, %slice3A_277 : vector<16x1280xf32>
    %add3A_280 = arith.addf %add3A_267, %mul3A_279 : vector<16x1280xf32>
    %get3A_281 = arith.constant 1 : index
    %get3A_282 = arith.constant 7 : index
    %get3A_283 = arith.constant 0 : index
    %get3A_284 = vector.load %arg5[%get3A_281, %get3A_282, %get3A_283] : memref<9x9x1280xf32, #tpu.memory_space<vmem>>, vector<1x1x1280xf32>
    %get3A_285 = vector.shape_cast %get3A_284 : vector<1x1x1280xf32> to vector<1x1280xf32>
    %slice3A_286 = vector.extract_strided_slice %transpose3A {offsets = [112, 0], sizes = [16, 1280], strides = [1, 1]} : vector<128x1280xf32> to vector<16x1280xf32>
    %mul3A_287 = vector.broadcast %get3A_285 : vector<1x1280xf32> to vector<16x1280xf32>
    %mul3A_288 = arith.mulf %mul3A_287, %slice3A_286 : vector<16x1280xf32>
    %add3A_289 = arith.addf %add3A_276, %mul3A_288 : vector<16x1280xf32>
    %slice3A_290 = vector.extract_strided_slice %transpose3A_59 {offsets = [112, 0], sizes = [16, 1280], strides = [1, 1]} : vector<128x1280xf32> to vector<16x1280xf32>
    %mul3A_291 = vector.broadcast %get3A_285 : vector<1x1280xf32> to vector<16x1280xf32>
    %mul3A_292 = arith.mulf %mul3A_291, %slice3A_290 : vector<16x1280xf32>
    %add3A_293 = arith.addf %add3A_280, %mul3A_292 : vector<16x1280xf32>
    %get3A_294 = arith.constant 1 : index
    %get3A_295 = arith.constant 8 : index
    %get3A_296 = arith.constant 0 : index
    %get3A_297 = vector.load %arg5[%get3A_294, %get3A_295, %get3A_296] : memref<9x9x1280xf32, #tpu.memory_space<vmem>>, vector<1x1x1280xf32>
    %get3A_298 = vector.shape_cast %get3A_297 : vector<1x1x1280xf32> to vector<1x1280xf32>
    %mul3A_299 = vector.broadcast %get3A_298 : vector<1x1280xf32> to vector<16x1280xf32>
    %mul3A_300 = arith.mulf %mul3A_299, %get3A_62 : vector<16x1280xf32>
    %add3A_301 = arith.addf %add3A_289, %mul3A_300 : vector<16x1280xf32>
    %mul3A_302 = vector.broadcast %get3A_298 : vector<1x1280xf32> to vector<16x1280xf32>
    %mul3A_303 = arith.mulf %mul3A_302, %get3A_65 : vector<16x1280xf32>
    %add3A_304 = arith.addf %add3A_293, %mul3A_303 : vector<16x1280xf32>
    %get3A_305 = arith.constant 2 : index
    %get3A_306 = arith.constant 0 : index
    %get3A_307 = arith.constant 0 : index
    %get3A_308 = vector.load %arg5[%get3A_305, %get3A_306, %get3A_307] : memref<9x9x1280xf32, #tpu.memory_space<vmem>>, vector<1x1x1280xf32>
    %get3A_309 = vector.shape_cast %get3A_308 : vector<1x1x1280xf32> to vector<1x1280xf32>
    %slice3A_310 = vector.extract_strided_slice %transpose3A {offsets = [0, 0], sizes = [16, 1280], strides = [1, 1]} : vector<128x1280xf32> to vector<16x1280xf32>
    %mul3A_311 = vector.broadcast %get3A_309 : vector<1x1280xf32> to vector<16x1280xf32>
    %mul3A_312 = arith.mulf %mul3A_311, %slice3A_310 : vector<16x1280xf32>
    %get3A_313 = arith.constant 2 : index
    %get3A_314 = arith.constant 0 : index
    %get3A_315 = arith.constant 0 : index
    %get3A_316 = vector.load %arg5[%get3A_313, %get3A_314, %get3A_315] : memref<9x9x1280xf32, #tpu.memory_space<vmem>>, vector<1x1x1280xf32>
    %get3A_317 = vector.shape_cast %get3A_316 : vector<1x1x1280xf32> to vector<1x1280xf32>
    %slice3A_318 = vector.extract_strided_slice %transpose3A_59 {offsets = [0, 0], sizes = [16, 1280], strides = [1, 1]} : vector<128x1280xf32> to vector<16x1280xf32>
    %mul3A_319 = vector.broadcast %get3A_317 : vector<1x1280xf32> to vector<16x1280xf32>
    %mul3A_320 = arith.mulf %mul3A_319, %slice3A_318 : vector<16x1280xf32>
    %get3A_321 = arith.constant 2 : index
    %get3A_322 = arith.constant 1 : index
    %get3A_323 = arith.constant 0 : index
    %get3A_324 = vector.load %arg5[%get3A_321, %get3A_322, %get3A_323] : memref<9x9x1280xf32, #tpu.memory_space<vmem>>, vector<1x1x1280xf32>
    %get3A_325 = vector.shape_cast %get3A_324 : vector<1x1x1280xf32> to vector<1x1280xf32>
    %slice3A_326 = vector.extract_strided_slice %transpose3A {offsets = [16, 0], sizes = [16, 1280], strides = [1, 1]} : vector<128x1280xf32> to vector<16x1280xf32>
    %mul3A_327 = vector.broadcast %get3A_325 : vector<1x1280xf32> to vector<16x1280xf32>
    %mul3A_328 = arith.mulf %mul3A_327, %slice3A_326 : vector<16x1280xf32>
    %add3A_329 = arith.addf %mul3A_312, %mul3A_328 : vector<16x1280xf32>
    %slice3A_330 = vector.extract_strided_slice %transpose3A_59 {offsets = [16, 0], sizes = [16, 1280], strides = [1, 1]} : vector<128x1280xf32> to vector<16x1280xf32>
    %mul3A_331 = vector.broadcast %get3A_325 : vector<1x1280xf32> to vector<16x1280xf32>
    %mul3A_332 = arith.mulf %mul3A_331, %slice3A_330 : vector<16x1280xf32>
    %add3A_333 = arith.addf %mul3A_320, %mul3A_332 : vector<16x1280xf32>
    %get3A_334 = arith.constant 2 : index
    %get3A_335 = arith.constant 2 : index
    %get3A_336 = arith.constant 0 : index
    %get3A_337 = vector.load %arg5[%get3A_334, %get3A_335, %get3A_336] : memref<9x9x1280xf32, #tpu.memory_space<vmem>>, vector<1x1x1280xf32>
    %get3A_338 = vector.shape_cast %get3A_337 : vector<1x1x1280xf32> to vector<1x1280xf32>
    %slice3A_339 = vector.extract_strided_slice %transpose3A {offsets = [32, 0], sizes = [16, 1280], strides = [1, 1]} : vector<128x1280xf32> to vector<16x1280xf32>
    %mul3A_340 = vector.broadcast %get3A_338 : vector<1x1280xf32> to vector<16x1280xf32>
    %mul3A_341 = arith.mulf %mul3A_340, %slice3A_339 : vector<16x1280xf32>
    %add3A_342 = arith.addf %add3A_329, %mul3A_341 : vector<16x1280xf32>
    %slice3A_343 = vector.extract_strided_slice %transpose3A_59 {offsets = [32, 0], sizes = [16, 1280], strides = [1, 1]} : vector<128x1280xf32> to vector<16x1280xf32>
    %mul3A_344 = vector.broadcast %get3A_338 : vector<1x1280xf32> to vector<16x1280xf32>
    %mul3A_345 = arith.mulf %mul3A_344, %slice3A_343 : vector<16x1280xf32>
    %add3A_346 = arith.addf %add3A_333, %mul3A_345 : vector<16x1280xf32>
    %get3A_347 = arith.constant 2 : index
    %get3A_348 = arith.constant 3 : index
    %get3A_349 = arith.constant 0 : index
    %get3A_350 = vector.load %arg5[%get3A_347, %get3A_348, %get3A_349] : memref<9x9x1280xf32, #tpu.memory_space<vmem>>, vector<1x1x1280xf32>
    %get3A_351 = vector.shape_cast %get3A_350 : vector<1x1x1280xf32> to vector<1x1280xf32>
    %slice3A_352 = vector.extract_strided_slice %transpose3A {offsets = [48, 0], sizes = [16, 1280], strides = [1, 1]} : vector<128x1280xf32> to vector<16x1280xf32>
    %mul3A_353 = vector.broadcast %get3A_351 : vector<1x1280xf32> to vector<16x1280xf32>
    %mul3A_354 = arith.mulf %mul3A_353, %slice3A_352 : vector<16x1280xf32>
    %add3A_355 = arith.addf %add3A_342, %mul3A_354 : vector<16x1280xf32>
    %slice3A_356 = vector.extract_strided_slice %transpose3A_59 {offsets = [48, 0], sizes = [16, 1280], strides = [1, 1]} : vector<128x1280xf32> to vector<16x1280xf32>
    %mul3A_357 = vector.broadcast %get3A_351 : vector<1x1280xf32> to vector<16x1280xf32>
    %mul3A_358 = arith.mulf %mul3A_357, %slice3A_356 : vector<16x1280xf32>
    %add3A_359 = arith.addf %add3A_346, %mul3A_358 : vector<16x1280xf32>
    %get3A_360 = arith.constant 2 : index
    %get3A_361 = arith.constant 4 : index
    %get3A_362 = arith.constant 0 : index
    %get3A_363 = vector.load %arg5[%get3A_360, %get3A_361, %get3A_362] : memref<9x9x1280xf32, #tpu.memory_space<vmem>>, vector<1x1x1280xf32>
    %get3A_364 = vector.shape_cast %get3A_363 : vector<1x1x1280xf32> to vector<1x1280xf32>
    %slice3A_365 = vector.extract_strided_slice %transpose3A {offsets = [64, 0], sizes = [16, 1280], strides = [1, 1]} : vector<128x1280xf32> to vector<16x1280xf32>
    %mul3A_366 = vector.broadcast %get3A_364 : vector<1x1280xf32> to vector<16x1280xf32>
    %mul3A_367 = arith.mulf %mul3A_366, %slice3A_365 : vector<16x1280xf32>
    %add3A_368 = arith.addf %add3A_355, %mul3A_367 : vector<16x1280xf32>
    %slice3A_369 = vector.extract_strided_slice %transpose3A_59 {offsets = [64, 0], sizes = [16, 1280], strides = [1, 1]} : vector<128x1280xf32> to vector<16x1280xf32>
    %mul3A_370 = vector.broadcast %get3A_364 : vector<1x1280xf32> to vector<16x1280xf32>
    %mul3A_371 = arith.mulf %mul3A_370, %slice3A_369 : vector<16x1280xf32>
    %add3A_372 = arith.addf %add3A_359, %mul3A_371 : vector<16x1280xf32>
    %get3A_373 = arith.constant 2 : index
    %get3A_374 = arith.constant 5 : index
    %get3A_375 = arith.constant 0 : index
    %get3A_376 = vector.load %arg5[%get3A_373, %get3A_374, %get3A_375] : memref<9x9x1280xf32, #tpu.memory_space<vmem>>, vector<1x1x1280xf32>
    %get3A_377 = vector.shape_cast %get3A_376 : vector<1x1x1280xf32> to vector<1x1280xf32>
    %slice3A_378 = vector.extract_strided_slice %transpose3A {offsets = [80, 0], sizes = [16, 1280], strides = [1, 1]} : vector<128x1280xf32> to vector<16x1280xf32>
    %mul3A_379 = vector.broadcast %get3A_377 : vector<1x1280xf32> to vector<16x1280xf32>
    %mul3A_380 = arith.mulf %mul3A_379, %slice3A_378 : vector<16x1280xf32>
    %add3A_381 = arith.addf %add3A_368, %mul3A_380 : vector<16x1280xf32>
    %slice3A_382 = vector.extract_strided_slice %transpose3A_59 {offsets = [80, 0], sizes = [16, 1280], strides = [1, 1]} : vector<128x1280xf32> to vector<16x1280xf32>
    %mul3A_383 = vector.broadcast %get3A_377 : vector<1x1280xf32> to vector<16x1280xf32>
    %mul3A_384 = arith.mulf %mul3A_383, %slice3A_382 : vector<16x1280xf32>
    %add3A_385 = arith.addf %add3A_372, %mul3A_384 : vector<16x1280xf32>
    %get3A_386 = arith.constant 2 : index
    %get3A_387 = arith.constant 6 : index
    %get3A_388 = arith.constant 0 : index
    %get3A_389 = vector.load %arg5[%get3A_386, %get3A_387, %get3A_388] : memref<9x9x1280xf32, #tpu.memory_space<vmem>>, vector<1x1x1280xf32>
    %get3A_390 = vector.shape_cast %get3A_389 : vector<1x1x1280xf32> to vector<1x1280xf32>
    %slice3A_391 = vector.extract_strided_slice %transpose3A {offsets = [96, 0], sizes = [16, 1280], strides = [1, 1]} : vector<128x1280xf32> to vector<16x1280xf32>
    %mul3A_392 = vector.broadcast %get3A_390 : vector<1x1280xf32> to vector<16x1280xf32>
    %mul3A_393 = arith.mulf %mul3A_392, %slice3A_391 : vector<16x1280xf32>
    %add3A_394 = arith.addf %add3A_381, %mul3A_393 : vector<16x1280xf32>
    %slice3A_395 = vector.extract_strided_slice %transpose3A_59 {offsets = [96, 0], sizes = [16, 1280], strides = [1, 1]} : vector<128x1280xf32> to vector<16x1280xf32>
    %mul3A_396 = vector.broadcast %get3A_390 : vector<1x1280xf32> to vector<16x1280xf32>
    %mul3A_397 = arith.mulf %mul3A_396, %slice3A_395 : vector<16x1280xf32>
    %add3A_398 = arith.addf %add3A_385, %mul3A_397 : vector<16x1280xf32>
    %get3A_399 = arith.constant 2 : index
    %get3A_400 = arith.constant 7 : index
    %get3A_401 = arith.constant 0 : index
    %get3A_402 = vector.load %arg5[%get3A_399, %get3A_400, %get3A_401] : memref<9x9x1280xf32, #tpu.memory_space<vmem>>, vector<1x1x1280xf32>
    %get3A_403 = vector.shape_cast %get3A_402 : vector<1x1x1280xf32> to vector<1x1280xf32>
    %slice3A_404 = vector.extract_strided_slice %transpose3A {offsets = [112, 0], sizes = [16, 1280], strides = [1, 1]} : vector<128x1280xf32> to vector<16x1280xf32>
    %mul3A_405 = vector.broadcast %get3A_403 : vector<1x1280xf32> to vector<16x1280xf32>
    %mul3A_406 = arith.mulf %mul3A_405, %slice3A_404 : vector<16x1280xf32>
    %add3A_407 = arith.addf %add3A_394, %mul3A_406 : vector<16x1280xf32>
    %slice3A_408 = vector.extract_strided_slice %transpose3A_59 {offsets = [112, 0], sizes = [16, 1280], strides = [1, 1]} : vector<128x1280xf32> to vector<16x1280xf32>
    %mul3A_409 = vector.broadcast %get3A_403 : vector<1x1280xf32> to vector<16x1280xf32>
    %mul3A_410 = arith.mulf %mul3A_409, %slice3A_408 : vector<16x1280xf32>
    %add3A_411 = arith.addf %add3A_398, %mul3A_410 : vector<16x1280xf32>
    %get3A_412 = arith.constant 2 : index
    %get3A_413 = arith.constant 8 : index
    %get3A_414 = arith.constant 0 : index
    %get3A_415 = vector.load %arg5[%get3A_412, %get3A_413, %get3A_414] : memref<9x9x1280xf32, #tpu.memory_space<vmem>>, vector<1x1x1280xf32>
    %get3A_416 = vector.shape_cast %get3A_415 : vector<1x1x1280xf32> to vector<1x1280xf32>
    %mul3A_417 = vector.broadcast %get3A_416 : vector<1x1280xf32> to vector<16x1280xf32>
    %mul3A_418 = arith.mulf %mul3A_417, %get3A_62 : vector<16x1280xf32>
    %add3A_419 = arith.addf %add3A_407, %mul3A_418 : vector<16x1280xf32>
    %mul3A_420 = vector.broadcast %get3A_416 : vector<1x1280xf32> to vector<16x1280xf32>
    %mul3A_421 = arith.mulf %mul3A_420, %get3A_65 : vector<16x1280xf32>
    %add3A_422 = arith.addf %add3A_411, %mul3A_421 : vector<16x1280xf32>
    %get3A_423 = arith.constant 3 : index
    %get3A_424 = arith.constant 0 : index
    %get3A_425 = arith.constant 0 : index
    %get3A_426 = vector.load %arg5[%get3A_423, %get3A_424, %get3A_425] : memref<9x9x1280xf32, #tpu.memory_space<vmem>>, vector<1x1x1280xf32>
    %get3A_427 = vector.shape_cast %get3A_426 : vector<1x1x1280xf32> to vector<1x1280xf32>
    %slice3A_428 = vector.extract_strided_slice %transpose3A {offsets = [0, 0], sizes = [16, 1280], strides = [1, 1]} : vector<128x1280xf32> to vector<16x1280xf32>
    %mul3A_429 = vector.broadcast %get3A_427 : vector<1x1280xf32> to vector<16x1280xf32>
    %mul3A_430 = arith.mulf %mul3A_429, %slice3A_428 : vector<16x1280xf32>
    %get3A_431 = arith.constant 3 : index
    %get3A_432 = arith.constant 0 : index
    %get3A_433 = arith.constant 0 : index
    %get3A_434 = vector.load %arg5[%get3A_431, %get3A_432, %get3A_433] : memref<9x9x1280xf32, #tpu.memory_space<vmem>>, vector<1x1x1280xf32>
    %get3A_435 = vector.shape_cast %get3A_434 : vector<1x1x1280xf32> to vector<1x1280xf32>
    %slice3A_436 = vector.extract_strided_slice %transpose3A_59 {offsets = [0, 0], sizes = [16, 1280], strides = [1, 1]} : vector<128x1280xf32> to vector<16x1280xf32>
    %mul3A_437 = vector.broadcast %get3A_435 : vector<1x1280xf32> to vector<16x1280xf32>
    %mul3A_438 = arith.mulf %mul3A_437, %slice3A_436 : vector<16x1280xf32>
    %get3A_439 = arith.constant 3 : index
    %get3A_440 = arith.constant 1 : index
    %get3A_441 = arith.constant 0 : index
    %get3A_442 = vector.load %arg5[%get3A_439, %get3A_440, %get3A_441] : memref<9x9x1280xf32, #tpu.memory_space<vmem>>, vector<1x1x1280xf32>
    %get3A_443 = vector.shape_cast %get3A_442 : vector<1x1x1280xf32> to vector<1x1280xf32>
    %slice3A_444 = vector.extract_strided_slice %transpose3A {offsets = [16, 0], sizes = [16, 1280], strides = [1, 1]} : vector<128x1280xf32> to vector<16x1280xf32>
    %mul3A_445 = vector.broadcast %get3A_443 : vector<1x1280xf32> to vector<16x1280xf32>
    %mul3A_446 = arith.mulf %mul3A_445, %slice3A_444 : vector<16x1280xf32>
    %add3A_447 = arith.addf %mul3A_430, %mul3A_446 : vector<16x1280xf32>
    %slice3A_448 = vector.extract_strided_slice %transpose3A_59 {offsets = [16, 0], sizes = [16, 1280], strides = [1, 1]} : vector<128x1280xf32> to vector<16x1280xf32>
    %mul3A_449 = vector.broadcast %get3A_443 : vector<1x1280xf32> to vector<16x1280xf32>
    %mul3A_450 = arith.mulf %mul3A_449, %slice3A_448 : vector<16x1280xf32>
    %add3A_451 = arith.addf %mul3A_438, %mul3A_450 : vector<16x1280xf32>
    %get3A_452 = arith.constant 3 : index
    %get3A_453 = arith.constant 2 : index
    %get3A_454 = arith.constant 0 : index
    %get3A_455 = vector.load %arg5[%get3A_452, %get3A_453, %get3A_454] : memref<9x9x1280xf32, #tpu.memory_space<vmem>>, vector<1x1x1280xf32>
    %get3A_456 = vector.shape_cast %get3A_455 : vector<1x1x1280xf32> to vector<1x1280xf32>
    %slice3A_457 = vector.extract_strided_slice %transpose3A {offsets = [32, 0], sizes = [16, 1280], strides = [1, 1]} : vector<128x1280xf32> to vector<16x1280xf32>
    %mul3A_458 = vector.broadcast %get3A_456 : vector<1x1280xf32> to vector<16x1280xf32>
    %mul3A_459 = arith.mulf %mul3A_458, %slice3A_457 : vector<16x1280xf32>
    %add3A_460 = arith.addf %add3A_447, %mul3A_459 : vector<16x1280xf32>
    %slice3A_461 = vector.extract_strided_slice %transpose3A_59 {offsets = [32, 0], sizes = [16, 1280], strides = [1, 1]} : vector<128x1280xf32> to vector<16x1280xf32>
    %mul3A_462 = vector.broadcast %get3A_456 : vector<1x1280xf32> to vector<16x1280xf32>
    %mul3A_463 = arith.mulf %mul3A_462, %slice3A_461 : vector<16x1280xf32>
    %add3A_464 = arith.addf %add3A_451, %mul3A_463 : vector<16x1280xf32>
    %get3A_465 = arith.constant 3 : index
    %get3A_466 = arith.constant 3 : index
    %get3A_467 = arith.constant 0 : index
    %get3A_468 = vector.load %arg5[%get3A_465, %get3A_466, %get3A_467] : memref<9x9x1280xf32, #tpu.memory_space<vmem>>, vector<1x1x1280xf32>
    %get3A_469 = vector.shape_cast %get3A_468 : vector<1x1x1280xf32> to vector<1x1280xf32>
    %slice3A_470 = vector.extract_strided_slice %transpose3A {offsets = [48, 0], sizes = [16, 1280], strides = [1, 1]} : vector<128x1280xf32> to vector<16x1280xf32>
    %mul3A_471 = vector.broadcast %get3A_469 : vector<1x1280xf32> to vector<16x1280xf32>
    %mul3A_472 = arith.mulf %mul3A_471, %slice3A_470 : vector<16x1280xf32>
    %add3A_473 = arith.addf %add3A_460, %mul3A_472 : vector<16x1280xf32>
    %slice3A_474 = vector.extract_strided_slice %transpose3A_59 {offsets = [48, 0], sizes = [16, 1280], strides = [1, 1]} : vector<128x1280xf32> to vector<16x1280xf32>
    %mul3A_475 = vector.broadcast %get3A_469 : vector<1x1280xf32> to vector<16x1280xf32>
    %mul3A_476 = arith.mulf %mul3A_475, %slice3A_474 : vector<16x1280xf32>
    %add3A_477 = arith.addf %add3A_464, %mul3A_476 : vector<16x1280xf32>
    %get3A_478 = arith.constant 3 : index
    %get3A_479 = arith.constant 4 : index
    %get3A_480 = arith.constant 0 : index
    %get3A_481 = vector.load %arg5[%get3A_478, %get3A_479, %get3A_480] : memref<9x9x1280xf32, #tpu.memory_space<vmem>>, vector<1x1x1280xf32>
    %get3A_482 = vector.shape_cast %get3A_481 : vector<1x1x1280xf32> to vector<1x1280xf32>
    %slice3A_483 = vector.extract_strided_slice %transpose3A {offsets = [64, 0], sizes = [16, 1280], strides = [1, 1]} : vector<128x1280xf32> to vector<16x1280xf32>
    %mul3A_484 = vector.broadcast %get3A_482 : vector<1x1280xf32> to vector<16x1280xf32>
    %mul3A_485 = arith.mulf %mul3A_484, %slice3A_483 : vector<16x1280xf32>
    %add3A_486 = arith.addf %add3A_473, %mul3A_485 : vector<16x1280xf32>
    %slice3A_487 = vector.extract_strided_slice %transpose3A_59 {offsets = [64, 0], sizes = [16, 1280], strides = [1, 1]} : vector<128x1280xf32> to vector<16x1280xf32>
    %mul3A_488 = vector.broadcast %get3A_482 : vector<1x1280xf32> to vector<16x1280xf32>
    %mul3A_489 = arith.mulf %mul3A_488, %slice3A_487 : vector<16x1280xf32>
    %add3A_490 = arith.addf %add3A_477, %mul3A_489 : vector<16x1280xf32>
    %get3A_491 = arith.constant 3 : index
    %get3A_492 = arith.constant 5 : index
    %get3A_493 = arith.constant 0 : index
    %get3A_494 = vector.load %arg5[%get3A_491, %get3A_492, %get3A_493] : memref<9x9x1280xf32, #tpu.memory_space<vmem>>, vector<1x1x1280xf32>
    %get3A_495 = vector.shape_cast %get3A_494 : vector<1x1x1280xf32> to vector<1x1280xf32>
    %slice3A_496 = vector.extract_strided_slice %transpose3A {offsets = [80, 0], sizes = [16, 1280], strides = [1, 1]} : vector<128x1280xf32> to vector<16x1280xf32>
    %mul3A_497 = vector.broadcast %get3A_495 : vector<1x1280xf32> to vector<16x1280xf32>
    %mul3A_498 = arith.mulf %mul3A_497, %slice3A_496 : vector<16x1280xf32>
    %add3A_499 = arith.addf %add3A_486, %mul3A_498 : vector<16x1280xf32>
    %slice3A_500 = vector.extract_strided_slice %transpose3A_59 {offsets = [80, 0], sizes = [16, 1280], strides = [1, 1]} : vector<128x1280xf32> to vector<16x1280xf32>
    %mul3A_501 = vector.broadcast %get3A_495 : vector<1x1280xf32> to vector<16x1280xf32>
    %mul3A_502 = arith.mulf %mul3A_501, %slice3A_500 : vector<16x1280xf32>
    %add3A_503 = arith.addf %add3A_490, %mul3A_502 : vector<16x1280xf32>
    %get3A_504 = arith.constant 3 : index
    %get3A_505 = arith.constant 6 : index
    %get3A_506 = arith.constant 0 : index
    %get3A_507 = vector.load %arg5[%get3A_504, %get3A_505, %get3A_506] : memref<9x9x1280xf32, #tpu.memory_space<vmem>>, vector<1x1x1280xf32>
    %get3A_508 = vector.shape_cast %get3A_507 : vector<1x1x1280xf32> to vector<1x1280xf32>
    %slice3A_509 = vector.extract_strided_slice %transpose3A {offsets = [96, 0], sizes = [16, 1280], strides = [1, 1]} : vector<128x1280xf32> to vector<16x1280xf32>
    %mul3A_510 = vector.broadcast %get3A_508 : vector<1x1280xf32> to vector<16x1280xf32>
    %mul3A_511 = arith.mulf %mul3A_510, %slice3A_509 : vector<16x1280xf32>
    %add3A_512 = arith.addf %add3A_499, %mul3A_511 : vector<16x1280xf32>
    %slice3A_513 = vector.extract_strided_slice %transpose3A_59 {offsets = [96, 0], sizes = [16, 1280], strides = [1, 1]} : vector<128x1280xf32> to vector<16x1280xf32>
    %mul3A_514 = vector.broadcast %get3A_508 : vector<1x1280xf32> to vector<16x1280xf32>
    %mul3A_515 = arith.mulf %mul3A_514, %slice3A_513 : vector<16x1280xf32>
    %add3A_516 = arith.addf %add3A_503, %mul3A_515 : vector<16x1280xf32>
    %get3A_517 = arith.constant 3 : index
    %get3A_518 = arith.constant 7 : index
    %get3A_519 = arith.constant 0 : index
    %get3A_520 = vector.load %arg5[%get3A_517, %get3A_518, %get3A_519] : memref<9x9x1280xf32, #tpu.memory_space<vmem>>, vector<1x1x1280xf32>
    %get3A_521 = vector.shape_cast %get3A_520 : vector<1x1x1280xf32> to vector<1x1280xf32>
    %slice3A_522 = vector.extract_strided_slice %transpose3A {offsets = [112, 0], sizes = [16, 1280], strides = [1, 1]} : vector<128x1280xf32> to vector<16x1280xf32>
    %mul3A_523 = vector.broadcast %get3A_521 : vector<1x1280xf32> to vector<16x1280xf32>
    %mul3A_524 = arith.mulf %mul3A_523, %slice3A_522 : vector<16x1280xf32>
    %add3A_525 = arith.addf %add3A_512, %mul3A_524 : vector<16x1280xf32>
    %slice3A_526 = vector.extract_strided_slice %transpose3A_59 {offsets = [112, 0], sizes = [16, 1280], strides = [1, 1]} : vector<128x1280xf32> to vector<16x1280xf32>
    %mul3A_527 = vector.broadcast %get3A_521 : vector<1x1280xf32> to vector<16x1280xf32>
    %mul3A_528 = arith.mulf %mul3A_527, %slice3A_526 : vector<16x1280xf32>
    %add3A_529 = arith.addf %add3A_516, %mul3A_528 : vector<16x1280xf32>
    %get3A_530 = arith.constant 3 : index
    %get3A_531 = arith.constant 8 : index
    %get3A_532 = arith.constant 0 : index
    %get3A_533 = vector.load %arg5[%get3A_530, %get3A_531, %get3A_532] : memref<9x9x1280xf32, #tpu.memory_space<vmem>>, vector<1x1x1280xf32>
    %get3A_534 = vector.shape_cast %get3A_533 : vector<1x1x1280xf32> to vector<1x1280xf32>
    %mul3A_535 = vector.broadcast %get3A_534 : vector<1x1280xf32> to vector<16x1280xf32>
    %mul3A_536 = arith.mulf %mul3A_535, %get3A_62 : vector<16x1280xf32>
    %add3A_537 = arith.addf %add3A_525, %mul3A_536 : vector<16x1280xf32>
    %mul3A_538 = vector.broadcast %get3A_534 : vector<1x1280xf32> to vector<16x1280xf32>
    %mul3A_539 = arith.mulf %mul3A_538, %get3A_65 : vector<16x1280xf32>
    %add3A_540 = arith.addf %add3A_529, %mul3A_539 : vector<16x1280xf32>
    %get3A_541 = arith.constant 4 : index
    %get3A_542 = arith.constant 0 : index
    %get3A_543 = arith.constant 0 : index
    %get3A_544 = vector.load %arg5[%get3A_541, %get3A_542, %get3A_543] : memref<9x9x1280xf32, #tpu.memory_space<vmem>>, vector<1x1x1280xf32>
    %get3A_545 = vector.shape_cast %get3A_544 : vector<1x1x1280xf32> to vector<1x1280xf32>
    %slice3A_546 = vector.extract_strided_slice %transpose3A {offsets = [0, 0], sizes = [16, 1280], strides = [1, 1]} : vector<128x1280xf32> to vector<16x1280xf32>
    %mul3A_547 = vector.broadcast %get3A_545 : vector<1x1280xf32> to vector<16x1280xf32>
    %mul3A_548 = arith.mulf %mul3A_547, %slice3A_546 : vector<16x1280xf32>
    %get3A_549 = arith.constant 4 : index
    %get3A_550 = arith.constant 0 : index
    %get3A_551 = arith.constant 0 : index
    %get3A_552 = vector.load %arg5[%get3A_549, %get3A_550, %get3A_551] : memref<9x9x1280xf32, #tpu.memory_space<vmem>>, vector<1x1x1280xf32>
    %get3A_553 = vector.shape_cast %get3A_552 : vector<1x1x1280xf32> to vector<1x1280xf32>
    %slice3A_554 = vector.extract_strided_slice %transpose3A_59 {offsets = [0, 0], sizes = [16, 1280], strides = [1, 1]} : vector<128x1280xf32> to vector<16x1280xf32>
    %mul3A_555 = vector.broadcast %get3A_553 : vector<1x1280xf32> to vector<16x1280xf32>
    %mul3A_556 = arith.mulf %mul3A_555, %slice3A_554 : vector<16x1280xf32>
    %get3A_557 = arith.constant 4 : index
    %get3A_558 = arith.constant 1 : index
    %get3A_559 = arith.constant 0 : index
    %get3A_560 = vector.load %arg5[%get3A_557, %get3A_558, %get3A_559] : memref<9x9x1280xf32, #tpu.memory_space<vmem>>, vector<1x1x1280xf32>
    %get3A_561 = vector.shape_cast %get3A_560 : vector<1x1x1280xf32> to vector<1x1280xf32>
    %slice3A_562 = vector.extract_strided_slice %transpose3A {offsets = [16, 0], sizes = [16, 1280], strides = [1, 1]} : vector<128x1280xf32> to vector<16x1280xf32>
    %mul3A_563 = vector.broadcast %get3A_561 : vector<1x1280xf32> to vector<16x1280xf32>
    %mul3A_564 = arith.mulf %mul3A_563, %slice3A_562 : vector<16x1280xf32>
    %add3A_565 = arith.addf %mul3A_548, %mul3A_564 : vector<16x1280xf32>
    %slice3A_566 = vector.extract_strided_slice %transpose3A_59 {offsets = [16, 0], sizes = [16, 1280], strides = [1, 1]} : vector<128x1280xf32> to vector<16x1280xf32>
    %mul3A_567 = vector.broadcast %get3A_561 : vector<1x1280xf32> to vector<16x1280xf32>
    %mul3A_568 = arith.mulf %mul3A_567, %slice3A_566 : vector<16x1280xf32>
    %add3A_569 = arith.addf %mul3A_556, %mul3A_568 : vector<16x1280xf32>
    %get3A_570 = arith.constant 4 : index
    %get3A_571 = arith.constant 2 : index
    %get3A_572 = arith.constant 0 : index
    %get3A_573 = vector.load %arg5[%get3A_570, %get3A_571, %get3A_572] : memref<9x9x1280xf32, #tpu.memory_space<vmem>>, vector<1x1x1280xf32>
    %get3A_574 = vector.shape_cast %get3A_573 : vector<1x1x1280xf32> to vector<1x1280xf32>
    %slice3A_575 = vector.extract_strided_slice %transpose3A {offsets = [32, 0], sizes = [16, 1280], strides = [1, 1]} : vector<128x1280xf32> to vector<16x1280xf32>
    %mul3A_576 = vector.broadcast %get3A_574 : vector<1x1280xf32> to vector<16x1280xf32>
    %mul3A_577 = arith.mulf %mul3A_576, %slice3A_575 : vector<16x1280xf32>
    %add3A_578 = arith.addf %add3A_565, %mul3A_577 : vector<16x1280xf32>
    %slice3A_579 = vector.extract_strided_slice %transpose3A_59 {offsets = [32, 0], sizes = [16, 1280], strides = [1, 1]} : vector<128x1280xf32> to vector<16x1280xf32>
    %mul3A_580 = vector.broadcast %get3A_574 : vector<1x1280xf32> to vector<16x1280xf32>
    %mul3A_581 = arith.mulf %mul3A_580, %slice3A_579 : vector<16x1280xf32>
    %add3A_582 = arith.addf %add3A_569, %mul3A_581 : vector<16x1280xf32>
    %get3A_583 = arith.constant 4 : index
    %get3A_584 = arith.constant 3 : index
    %get3A_585 = arith.constant 0 : index
    %get3A_586 = vector.load %arg5[%get3A_583, %get3A_584, %get3A_585] : memref<9x9x1280xf32, #tpu.memory_space<vmem>>, vector<1x1x1280xf32>
    %get3A_587 = vector.shape_cast %get3A_586 : vector<1x1x1280xf32> to vector<1x1280xf32>
    %slice3A_588 = vector.extract_strided_slice %transpose3A {offsets = [48, 0], sizes = [16, 1280], strides = [1, 1]} : vector<128x1280xf32> to vector<16x1280xf32>
    %mul3A_589 = vector.broadcast %get3A_587 : vector<1x1280xf32> to vector<16x1280xf32>
    %mul3A_590 = arith.mulf %mul3A_589, %slice3A_588 : vector<16x1280xf32>
    %add3A_591 = arith.addf %add3A_578, %mul3A_590 : vector<16x1280xf32>
    %slice3A_592 = vector.extract_strided_slice %transpose3A_59 {offsets = [48, 0], sizes = [16, 1280], strides = [1, 1]} : vector<128x1280xf32> to vector<16x1280xf32>
    %mul3A_593 = vector.broadcast %get3A_587 : vector<1x1280xf32> to vector<16x1280xf32>
    %mul3A_594 = arith.mulf %mul3A_593, %slice3A_592 : vector<16x1280xf32>
    %add3A_595 = arith.addf %add3A_582, %mul3A_594 : vector<16x1280xf32>
    %get3A_596 = arith.constant 4 : index
    %get3A_597 = arith.constant 4 : index
    %get3A_598 = arith.constant 0 : index
    %get3A_599 = vector.load %arg5[%get3A_596, %get3A_597, %get3A_598] : memref<9x9x1280xf32, #tpu.memory_space<vmem>>, vector<1x1x1280xf32>
    %get3A_600 = vector.shape_cast %get3A_599 : vector<1x1x1280xf32> to vector<1x1280xf32>
    %slice3A_601 = vector.extract_strided_slice %transpose3A {offsets = [64, 0], sizes = [16, 1280], strides = [1, 1]} : vector<128x1280xf32> to vector<16x1280xf32>
    %mul3A_602 = vector.broadcast %get3A_600 : vector<1x1280xf32> to vector<16x1280xf32>
    %mul3A_603 = arith.mulf %mul3A_602, %slice3A_601 : vector<16x1280xf32>
    %add3A_604 = arith.addf %add3A_591, %mul3A_603 : vector<16x1280xf32>
    %slice3A_605 = vector.extract_strided_slice %transpose3A_59 {offsets = [64, 0], sizes = [16, 1280], strides = [1, 1]} : vector<128x1280xf32> to vector<16x1280xf32>
    %mul3A_606 = vector.broadcast %get3A_600 : vector<1x1280xf32> to vector<16x1280xf32>
    %mul3A_607 = arith.mulf %mul3A_606, %slice3A_605 : vector<16x1280xf32>
    %add3A_608 = arith.addf %add3A_595, %mul3A_607 : vector<16x1280xf32>
    %get3A_609 = arith.constant 4 : index
    %get3A_610 = arith.constant 5 : index
    %get3A_611 = arith.constant 0 : index
    %get3A_612 = vector.load %arg5[%get3A_609, %get3A_610, %get3A_611] : memref<9x9x1280xf32, #tpu.memory_space<vmem>>, vector<1x1x1280xf32>
    %get3A_613 = vector.shape_cast %get3A_612 : vector<1x1x1280xf32> to vector<1x1280xf32>
    %slice3A_614 = vector.extract_strided_slice %transpose3A {offsets = [80, 0], sizes = [16, 1280], strides = [1, 1]} : vector<128x1280xf32> to vector<16x1280xf32>
    %mul3A_615 = vector.broadcast %get3A_613 : vector<1x1280xf32> to vector<16x1280xf32>
    %mul3A_616 = arith.mulf %mul3A_615, %slice3A_614 : vector<16x1280xf32>
    %add3A_617 = arith.addf %add3A_604, %mul3A_616 : vector<16x1280xf32>
    %slice3A_618 = vector.extract_strided_slice %transpose3A_59 {offsets = [80, 0], sizes = [16, 1280], strides = [1, 1]} : vector<128x1280xf32> to vector<16x1280xf32>
    %mul3A_619 = vector.broadcast %get3A_613 : vector<1x1280xf32> to vector<16x1280xf32>
    %mul3A_620 = arith.mulf %mul3A_619, %slice3A_618 : vector<16x1280xf32>
    %add3A_621 = arith.addf %add3A_608, %mul3A_620 : vector<16x1280xf32>
    %get3A_622 = arith.constant 4 : index
    %get3A_623 = arith.constant 6 : index
    %get3A_624 = arith.constant 0 : index
    %get3A_625 = vector.load %arg5[%get3A_622, %get3A_623, %get3A_624] : memref<9x9x1280xf32, #tpu.memory_space<vmem>>, vector<1x1x1280xf32>
    %get3A_626 = vector.shape_cast %get3A_625 : vector<1x1x1280xf32> to vector<1x1280xf32>
    %slice3A_627 = vector.extract_strided_slice %transpose3A {offsets = [96, 0], sizes = [16, 1280], strides = [1, 1]} : vector<128x1280xf32> to vector<16x1280xf32>
    %mul3A_628 = vector.broadcast %get3A_626 : vector<1x1280xf32> to vector<16x1280xf32>
    %mul3A_629 = arith.mulf %mul3A_628, %slice3A_627 : vector<16x1280xf32>
    %add3A_630 = arith.addf %add3A_617, %mul3A_629 : vector<16x1280xf32>
    %slice3A_631 = vector.extract_strided_slice %transpose3A_59 {offsets = [96, 0], sizes = [16, 1280], strides = [1, 1]} : vector<128x1280xf32> to vector<16x1280xf32>
    %mul3A_632 = vector.broadcast %get3A_626 : vector<1x1280xf32> to vector<16x1280xf32>
    %mul3A_633 = arith.mulf %mul3A_632, %slice3A_631 : vector<16x1280xf32>
    %add3A_634 = arith.addf %add3A_621, %mul3A_633 : vector<16x1280xf32>
    %get3A_635 = arith.constant 4 : index
    %get3A_636 = arith.constant 7 : index
    %get3A_637 = arith.constant 0 : index
    %get3A_638 = vector.load %arg5[%get3A_635, %get3A_636, %get3A_637] : memref<9x9x1280xf32, #tpu.memory_space<vmem>>, vector<1x1x1280xf32>
    %get3A_639 = vector.shape_cast %get3A_638 : vector<1x1x1280xf32> to vector<1x1280xf32>
    %slice3A_640 = vector.extract_strided_slice %transpose3A {offsets = [112, 0], sizes = [16, 1280], strides = [1, 1]} : vector<128x1280xf32> to vector<16x1280xf32>
    %mul3A_641 = vector.broadcast %get3A_639 : vector<1x1280xf32> to vector<16x1280xf32>
    %mul3A_642 = arith.mulf %mul3A_641, %slice3A_640 : vector<16x1280xf32>
    %add3A_643 = arith.addf %add3A_630, %mul3A_642 : vector<16x1280xf32>
    %slice3A_644 = vector.extract_strided_slice %transpose3A_59 {offsets = [112, 0], sizes = [16, 1280], strides = [1, 1]} : vector<128x1280xf32> to vector<16x1280xf32>
    %mul3A_645 = vector.broadcast %get3A_639 : vector<1x1280xf32> to vector<16x1280xf32>
    %mul3A_646 = arith.mulf %mul3A_645, %slice3A_644 : vector<16x1280xf32>
    %add3A_647 = arith.addf %add3A_634, %mul3A_646 : vector<16x1280xf32>
    %get3A_648 = arith.constant 4 : index
    %get3A_649 = arith.constant 8 : index
    %get3A_650 = arith.constant 0 : index
    %get3A_651 = vector.load %arg5[%get3A_648, %get3A_649, %get3A_650] : memref<9x9x1280xf32, #tpu.memory_space<vmem>>, vector<1x1x1280xf32>
    %get3A_652 = vector.shape_cast %get3A_651 : vector<1x1x1280xf32> to vector<1x1280xf32>
    %mul3A_653 = vector.broadcast %get3A_652 : vector<1x1280xf32> to vector<16x1280xf32>
    %mul3A_654 = arith.mulf %mul3A_653, %get3A_62 : vector<16x1280xf32>
    %add3A_655 = arith.addf %add3A_643, %mul3A_654 : vector<16x1280xf32>
    %mul3A_656 = vector.broadcast %get3A_652 : vector<1x1280xf32> to vector<16x1280xf32>
    %mul3A_657 = arith.mulf %mul3A_656, %get3A_65 : vector<16x1280xf32>
    %add3A_658 = arith.addf %add3A_647, %mul3A_657 : vector<16x1280xf32>
    %get3A_659 = arith.constant 5 : index
    %get3A_660 = arith.constant 0 : index
    %get3A_661 = arith.constant 0 : index
    %get3A_662 = vector.load %arg5[%get3A_659, %get3A_660, %get3A_661] : memref<9x9x1280xf32, #tpu.memory_space<vmem>>, vector<1x1x1280xf32>
    %get3A_663 = vector.shape_cast %get3A_662 : vector<1x1x1280xf32> to vector<1x1280xf32>
    %slice3A_664 = vector.extract_strided_slice %transpose3A {offsets = [0, 0], sizes = [16, 1280], strides = [1, 1]} : vector<128x1280xf32> to vector<16x1280xf32>
    %mul3A_665 = vector.broadcast %get3A_663 : vector<1x1280xf32> to vector<16x1280xf32>
    %mul3A_666 = arith.mulf %mul3A_665, %slice3A_664 : vector<16x1280xf32>
    %get3A_667 = arith.constant 5 : index
    %get3A_668 = arith.constant 0 : index
    %get3A_669 = arith.constant 0 : index
    %get3A_670 = vector.load %arg5[%get3A_667, %get3A_668, %get3A_669] : memref<9x9x1280xf32, #tpu.memory_space<vmem>>, vector<1x1x1280xf32>
    %get3A_671 = vector.shape_cast %get3A_670 : vector<1x1x1280xf32> to vector<1x1280xf32>
    %slice3A_672 = vector.extract_strided_slice %transpose3A_59 {offsets = [0, 0], sizes = [16, 1280], strides = [1, 1]} : vector<128x1280xf32> to vector<16x1280xf32>
    %mul3A_673 = vector.broadcast %get3A_671 : vector<1x1280xf32> to vector<16x1280xf32>
    %mul3A_674 = arith.mulf %mul3A_673, %slice3A_672 : vector<16x1280xf32>
    %get3A_675 = arith.constant 5 : index
    %get3A_676 = arith.constant 1 : index
    %get3A_677 = arith.constant 0 : index
    %get3A_678 = vector.load %arg5[%get3A_675, %get3A_676, %get3A_677] : memref<9x9x1280xf32, #tpu.memory_space<vmem>>, vector<1x1x1280xf32>
    %get3A_679 = vector.shape_cast %get3A_678 : vector<1x1x1280xf32> to vector<1x1280xf32>
    %slice3A_680 = vector.extract_strided_slice %transpose3A {offsets = [16, 0], sizes = [16, 1280], strides = [1, 1]} : vector<128x1280xf32> to vector<16x1280xf32>
    %mul3A_681 = vector.broadcast %get3A_679 : vector<1x1280xf32> to vector<16x1280xf32>
    %mul3A_682 = arith.mulf %mul3A_681, %slice3A_680 : vector<16x1280xf32>
    %add3A_683 = arith.addf %mul3A_666, %mul3A_682 : vector<16x1280xf32>
    %slice3A_684 = vector.extract_strided_slice %transpose3A_59 {offsets = [16, 0], sizes = [16, 1280], strides = [1, 1]} : vector<128x1280xf32> to vector<16x1280xf32>
    %mul3A_685 = vector.broadcast %get3A_679 : vector<1x1280xf32> to vector<16x1280xf32>
    %mul3A_686 = arith.mulf %mul3A_685, %slice3A_684 : vector<16x1280xf32>
    %add3A_687 = arith.addf %mul3A_674, %mul3A_686 : vector<16x1280xf32>
    %get3A_688 = arith.constant 5 : index
    %get3A_689 = arith.constant 2 : index
    %get3A_690 = arith.constant 0 : index
    %get3A_691 = vector.load %arg5[%get3A_688, %get3A_689, %get3A_690] : memref<9x9x1280xf32, #tpu.memory_space<vmem>>, vector<1x1x1280xf32>
    %get3A_692 = vector.shape_cast %get3A_691 : vector<1x1x1280xf32> to vector<1x1280xf32>
    %slice3A_693 = vector.extract_strided_slice %transpose3A {offsets = [32, 0], sizes = [16, 1280], strides = [1, 1]} : vector<128x1280xf32> to vector<16x1280xf32>
    %mul3A_694 = vector.broadcast %get3A_692 : vector<1x1280xf32> to vector<16x1280xf32>
    %mul3A_695 = arith.mulf %mul3A_694, %slice3A_693 : vector<16x1280xf32>
    %add3A_696 = arith.addf %add3A_683, %mul3A_695 : vector<16x1280xf32>
    %slice3A_697 = vector.extract_strided_slice %transpose3A_59 {offsets = [32, 0], sizes = [16, 1280], strides = [1, 1]} : vector<128x1280xf32> to vector<16x1280xf32>
    %mul3A_698 = vector.broadcast %get3A_692 : vector<1x1280xf32> to vector<16x1280xf32>
    %mul3A_699 = arith.mulf %mul3A_698, %slice3A_697 : vector<16x1280xf32>
    %add3A_700 = arith.addf %add3A_687, %mul3A_699 : vector<16x1280xf32>
    %get3A_701 = arith.constant 5 : index
    %get3A_702 = arith.constant 3 : index
    %get3A_703 = arith.constant 0 : index
    %get3A_704 = vector.load %arg5[%get3A_701, %get3A_702, %get3A_703] : memref<9x9x1280xf32, #tpu.memory_space<vmem>>, vector<1x1x1280xf32>
    %get3A_705 = vector.shape_cast %get3A_704 : vector<1x1x1280xf32> to vector<1x1280xf32>
    %slice3A_706 = vector.extract_strided_slice %transpose3A {offsets = [48, 0], sizes = [16, 1280], strides = [1, 1]} : vector<128x1280xf32> to vector<16x1280xf32>
    %mul3A_707 = vector.broadcast %get3A_705 : vector<1x1280xf32> to vector<16x1280xf32>
    %mul3A_708 = arith.mulf %mul3A_707, %slice3A_706 : vector<16x1280xf32>
    %add3A_709 = arith.addf %add3A_696, %mul3A_708 : vector<16x1280xf32>
    %slice3A_710 = vector.extract_strided_slice %transpose3A_59 {offsets = [48, 0], sizes = [16, 1280], strides = [1, 1]} : vector<128x1280xf32> to vector<16x1280xf32>
    %mul3A_711 = vector.broadcast %get3A_705 : vector<1x1280xf32> to vector<16x1280xf32>
    %mul3A_712 = arith.mulf %mul3A_711, %slice3A_710 : vector<16x1280xf32>
    %add3A_713 = arith.addf %add3A_700, %mul3A_712 : vector<16x1280xf32>
    %get3A_714 = arith.constant 5 : index
    %get3A_715 = arith.constant 4 : index
    %get3A_716 = arith.constant 0 : index
    %get3A_717 = vector.load %arg5[%get3A_714, %get3A_715, %get3A_716] : memref<9x9x1280xf32, #tpu.memory_space<vmem>>, vector<1x1x1280xf32>
    %get3A_718 = vector.shape_cast %get3A_717 : vector<1x1x1280xf32> to vector<1x1280xf32>
    %slice3A_719 = vector.extract_strided_slice %transpose3A {offsets = [64, 0], sizes = [16, 1280], strides = [1, 1]} : vector<128x1280xf32> to vector<16x1280xf32>
    %mul3A_720 = vector.broadcast %get3A_718 : vector<1x1280xf32> to vector<16x1280xf32>
    %mul3A_721 = arith.mulf %mul3A_720, %slice3A_719 : vector<16x1280xf32>
    %add3A_722 = arith.addf %add3A_709, %mul3A_721 : vector<16x1280xf32>
    %slice3A_723 = vector.extract_strided_slice %transpose3A_59 {offsets = [64, 0], sizes = [16, 1280], strides = [1, 1]} : vector<128x1280xf32> to vector<16x1280xf32>
    %mul3A_724 = vector.broadcast %get3A_718 : vector<1x1280xf32> to vector<16x1280xf32>
    %mul3A_725 = arith.mulf %mul3A_724, %slice3A_723 : vector<16x1280xf32>
    %add3A_726 = arith.addf %add3A_713, %mul3A_725 : vector<16x1280xf32>
    %get3A_727 = arith.constant 5 : index
    %get3A_728 = arith.constant 5 : index
    %get3A_729 = arith.constant 0 : index
    %get3A_730 = vector.load %arg5[%get3A_727, %get3A_728, %get3A_729] : memref<9x9x1280xf32, #tpu.memory_space<vmem>>, vector<1x1x1280xf32>
    %get3A_731 = vector.shape_cast %get3A_730 : vector<1x1x1280xf32> to vector<1x1280xf32>
    %slice3A_732 = vector.extract_strided_slice %transpose3A {offsets = [80, 0], sizes = [16, 1280], strides = [1, 1]} : vector<128x1280xf32> to vector<16x1280xf32>
    %mul3A_733 = vector.broadcast %get3A_731 : vector<1x1280xf32> to vector<16x1280xf32>
    %mul3A_734 = arith.mulf %mul3A_733, %slice3A_732 : vector<16x1280xf32>
    %add3A_735 = arith.addf %add3A_722, %mul3A_734 : vector<16x1280xf32>
    %slice3A_736 = vector.extract_strided_slice %transpose3A_59 {offsets = [80, 0], sizes = [16, 1280], strides = [1, 1]} : vector<128x1280xf32> to vector<16x1280xf32>
    %mul3A_737 = vector.broadcast %get3A_731 : vector<1x1280xf32> to vector<16x1280xf32>
    %mul3A_738 = arith.mulf %mul3A_737, %slice3A_736 : vector<16x1280xf32>
    %add3A_739 = arith.addf %add3A_726, %mul3A_738 : vector<16x1280xf32>
    %get3A_740 = arith.constant 5 : index
    %get3A_741 = arith.constant 6 : index
    %get3A_742 = arith.constant 0 : index
    %get3A_743 = vector.load %arg5[%get3A_740, %get3A_741, %get3A_742] : memref<9x9x1280xf32, #tpu.memory_space<vmem>>, vector<1x1x1280xf32>
    %get3A_744 = vector.shape_cast %get3A_743 : vector<1x1x1280xf32> to vector<1x1280xf32>
    %slice3A_745 = vector.extract_strided_slice %transpose3A {offsets = [96, 0], sizes = [16, 1280], strides = [1, 1]} : vector<128x1280xf32> to vector<16x1280xf32>
    %mul3A_746 = vector.broadcast %get3A_744 : vector<1x1280xf32> to vector<16x1280xf32>
    %mul3A_747 = arith.mulf %mul3A_746, %slice3A_745 : vector<16x1280xf32>
    %add3A_748 = arith.addf %add3A_735, %mul3A_747 : vector<16x1280xf32>
    %slice3A_749 = vector.extract_strided_slice %transpose3A_59 {offsets = [96, 0], sizes = [16, 1280], strides = [1, 1]} : vector<128x1280xf32> to vector<16x1280xf32>
    %mul3A_750 = vector.broadcast %get3A_744 : vector<1x1280xf32> to vector<16x1280xf32>
    %mul3A_751 = arith.mulf %mul3A_750, %slice3A_749 : vector<16x1280xf32>
    %add3A_752 = arith.addf %add3A_739, %mul3A_751 : vector<16x1280xf32>
    %get3A_753 = arith.constant 5 : index
    %get3A_754 = arith.constant 7 : index
    %get3A_755 = arith.constant 0 : index
    %get3A_756 = vector.load %arg5[%get3A_753, %get3A_754, %get3A_755] : memref<9x9x1280xf32, #tpu.memory_space<vmem>>, vector<1x1x1280xf32>
    %get3A_757 = vector.shape_cast %get3A_756 : vector<1x1x1280xf32> to vector<1x1280xf32>
    %slice3A_758 = vector.extract_strided_slice %transpose3A {offsets = [112, 0], sizes = [16, 1280], strides = [1, 1]} : vector<128x1280xf32> to vector<16x1280xf32>
    %mul3A_759 = vector.broadcast %get3A_757 : vector<1x1280xf32> to vector<16x1280xf32>
    %mul3A_760 = arith.mulf %mul3A_759, %slice3A_758 : vector<16x1280xf32>
    %add3A_761 = arith.addf %add3A_748, %mul3A_760 : vector<16x1280xf32>
    %slice3A_762 = vector.extract_strided_slice %transpose3A_59 {offsets = [112, 0], sizes = [16, 1280], strides = [1, 1]} : vector<128x1280xf32> to vector<16x1280xf32>
    %mul3A_763 = vector.broadcast %get3A_757 : vector<1x1280xf32> to vector<16x1280xf32>
    %mul3A_764 = arith.mulf %mul3A_763, %slice3A_762 : vector<16x1280xf32>
    %add3A_765 = arith.addf %add3A_752, %mul3A_764 : vector<16x1280xf32>
    %get3A_766 = arith.constant 5 : index
    %get3A_767 = arith.constant 8 : index
    %get3A_768 = arith.constant 0 : index
    %get3A_769 = vector.load %arg5[%get3A_766, %get3A_767, %get3A_768] : memref<9x9x1280xf32, #tpu.memory_space<vmem>>, vector<1x1x1280xf32>
    %get3A_770 = vector.shape_cast %get3A_769 : vector<1x1x1280xf32> to vector<1x1280xf32>
    %mul3A_771 = vector.broadcast %get3A_770 : vector<1x1280xf32> to vector<16x1280xf32>
    %mul3A_772 = arith.mulf %mul3A_771, %get3A_62 : vector<16x1280xf32>
    %add3A_773 = arith.addf %add3A_761, %mul3A_772 : vector<16x1280xf32>
    %mul3A_774 = vector.broadcast %get3A_770 : vector<1x1280xf32> to vector<16x1280xf32>
    %mul3A_775 = arith.mulf %mul3A_774, %get3A_65 : vector<16x1280xf32>
    %add3A_776 = arith.addf %add3A_765, %mul3A_775 : vector<16x1280xf32>
    %get3A_777 = arith.constant 6 : index
    %get3A_778 = arith.constant 0 : index
    %get3A_779 = arith.constant 0 : index
    %get3A_780 = vector.load %arg5[%get3A_777, %get3A_778, %get3A_779] : memref<9x9x1280xf32, #tpu.memory_space<vmem>>, vector<1x1x1280xf32>
    %get3A_781 = vector.shape_cast %get3A_780 : vector<1x1x1280xf32> to vector<1x1280xf32>
    %slice3A_782 = vector.extract_strided_slice %transpose3A {offsets = [0, 0], sizes = [16, 1280], strides = [1, 1]} : vector<128x1280xf32> to vector<16x1280xf32>
    %mul3A_783 = vector.broadcast %get3A_781 : vector<1x1280xf32> to vector<16x1280xf32>
    %mul3A_784 = arith.mulf %mul3A_783, %slice3A_782 : vector<16x1280xf32>
    %get3A_785 = arith.constant 6 : index
    %get3A_786 = arith.constant 0 : index
    %get3A_787 = arith.constant 0 : index
    %get3A_788 = vector.load %arg5[%get3A_785, %get3A_786, %get3A_787] : memref<9x9x1280xf32, #tpu.memory_space<vmem>>, vector<1x1x1280xf32>
    %get3A_789 = vector.shape_cast %get3A_788 : vector<1x1x1280xf32> to vector<1x1280xf32>
    %slice3A_790 = vector.extract_strided_slice %transpose3A_59 {offsets = [0, 0], sizes = [16, 1280], strides = [1, 1]} : vector<128x1280xf32> to vector<16x1280xf32>
    %mul3A_791 = vector.broadcast %get3A_789 : vector<1x1280xf32> to vector<16x1280xf32>
    %mul3A_792 = arith.mulf %mul3A_791, %slice3A_790 : vector<16x1280xf32>
    %get3A_793 = arith.constant 6 : index
    %get3A_794 = arith.constant 1 : index
    %get3A_795 = arith.constant 0 : index
    %get3A_796 = vector.load %arg5[%get3A_793, %get3A_794, %get3A_795] : memref<9x9x1280xf32, #tpu.memory_space<vmem>>, vector<1x1x1280xf32>
    %get3A_797 = vector.shape_cast %get3A_796 : vector<1x1x1280xf32> to vector<1x1280xf32>
    %slice3A_798 = vector.extract_strided_slice %transpose3A {offsets = [16, 0], sizes = [16, 1280], strides = [1, 1]} : vector<128x1280xf32> to vector<16x1280xf32>
    %mul3A_799 = vector.broadcast %get3A_797 : vector<1x1280xf32> to vector<16x1280xf32>
    %mul3A_800 = arith.mulf %mul3A_799, %slice3A_798 : vector<16x1280xf32>
    %add3A_801 = arith.addf %mul3A_784, %mul3A_800 : vector<16x1280xf32>
    %slice3A_802 = vector.extract_strided_slice %transpose3A_59 {offsets = [16, 0], sizes = [16, 1280], strides = [1, 1]} : vector<128x1280xf32> to vector<16x1280xf32>
    %mul3A_803 = vector.broadcast %get3A_797 : vector<1x1280xf32> to vector<16x1280xf32>
    %mul3A_804 = arith.mulf %mul3A_803, %slice3A_802 : vector<16x1280xf32>
    %add3A_805 = arith.addf %mul3A_792, %mul3A_804 : vector<16x1280xf32>
    %get3A_806 = arith.constant 6 : index
    %get3A_807 = arith.constant 2 : index
    %get3A_808 = arith.constant 0 : index
    %get3A_809 = vector.load %arg5[%get3A_806, %get3A_807, %get3A_808] : memref<9x9x1280xf32, #tpu.memory_space<vmem>>, vector<1x1x1280xf32>
    %get3A_810 = vector.shape_cast %get3A_809 : vector<1x1x1280xf32> to vector<1x1280xf32>
    %slice3A_811 = vector.extract_strided_slice %transpose3A {offsets = [32, 0], sizes = [16, 1280], strides = [1, 1]} : vector<128x1280xf32> to vector<16x1280xf32>
    %mul3A_812 = vector.broadcast %get3A_810 : vector<1x1280xf32> to vector<16x1280xf32>
    %mul3A_813 = arith.mulf %mul3A_812, %slice3A_811 : vector<16x1280xf32>
    %add3A_814 = arith.addf %add3A_801, %mul3A_813 : vector<16x1280xf32>
    %slice3A_815 = vector.extract_strided_slice %transpose3A_59 {offsets = [32, 0], sizes = [16, 1280], strides = [1, 1]} : vector<128x1280xf32> to vector<16x1280xf32>
    %mul3A_816 = vector.broadcast %get3A_810 : vector<1x1280xf32> to vector<16x1280xf32>
    %mul3A_817 = arith.mulf %mul3A_816, %slice3A_815 : vector<16x1280xf32>
    %add3A_818 = arith.addf %add3A_805, %mul3A_817 : vector<16x1280xf32>
    %get3A_819 = arith.constant 6 : index
    %get3A_820 = arith.constant 3 : index
    %get3A_821 = arith.constant 0 : index
    %get3A_822 = vector.load %arg5[%get3A_819, %get3A_820, %get3A_821] : memref<9x9x1280xf32, #tpu.memory_space<vmem>>, vector<1x1x1280xf32>
    %get3A_823 = vector.shape_cast %get3A_822 : vector<1x1x1280xf32> to vector<1x1280xf32>
    %slice3A_824 = vector.extract_strided_slice %transpose3A {offsets = [48, 0], sizes = [16, 1280], strides = [1, 1]} : vector<128x1280xf32> to vector<16x1280xf32>
    %mul3A_825 = vector.broadcast %get3A_823 : vector<1x1280xf32> to vector<16x1280xf32>
    %mul3A_826 = arith.mulf %mul3A_825, %slice3A_824 : vector<16x1280xf32>
    %add3A_827 = arith.addf %add3A_814, %mul3A_826 : vector<16x1280xf32>
    %slice3A_828 = vector.extract_strided_slice %transpose3A_59 {offsets = [48, 0], sizes = [16, 1280], strides = [1, 1]} : vector<128x1280xf32> to vector<16x1280xf32>
    %mul3A_829 = vector.broadcast %get3A_823 : vector<1x1280xf32> to vector<16x1280xf32>
    %mul3A_830 = arith.mulf %mul3A_829, %slice3A_828 : vector<16x1280xf32>
    %add3A_831 = arith.addf %add3A_818, %mul3A_830 : vector<16x1280xf32>
    %get3A_832 = arith.constant 6 : index
    %get3A_833 = arith.constant 4 : index
    %get3A_834 = arith.constant 0 : index
    %get3A_835 = vector.load %arg5[%get3A_832, %get3A_833, %get3A_834] : memref<9x9x1280xf32, #tpu.memory_space<vmem>>, vector<1x1x1280xf32>
    %get3A_836 = vector.shape_cast %get3A_835 : vector<1x1x1280xf32> to vector<1x1280xf32>
    %slice3A_837 = vector.extract_strided_slice %transpose3A {offsets = [64, 0], sizes = [16, 1280], strides = [1, 1]} : vector<128x1280xf32> to vector<16x1280xf32>
    %mul3A_838 = vector.broadcast %get3A_836 : vector<1x1280xf32> to vector<16x1280xf32>
    %mul3A_839 = arith.mulf %mul3A_838, %slice3A_837 : vector<16x1280xf32>
    %add3A_840 = arith.addf %add3A_827, %mul3A_839 : vector<16x1280xf32>
    %slice3A_841 = vector.extract_strided_slice %transpose3A_59 {offsets = [64, 0], sizes = [16, 1280], strides = [1, 1]} : vector<128x1280xf32> to vector<16x1280xf32>
    %mul3A_842 = vector.broadcast %get3A_836 : vector<1x1280xf32> to vector<16x1280xf32>
    %mul3A_843 = arith.mulf %mul3A_842, %slice3A_841 : vector<16x1280xf32>
    %add3A_844 = arith.addf %add3A_831, %mul3A_843 : vector<16x1280xf32>
    %get3A_845 = arith.constant 6 : index
    %get3A_846 = arith.constant 5 : index
    %get3A_847 = arith.constant 0 : index
    %get3A_848 = vector.load %arg5[%get3A_845, %get3A_846, %get3A_847] : memref<9x9x1280xf32, #tpu.memory_space<vmem>>, vector<1x1x1280xf32>
    %get3A_849 = vector.shape_cast %get3A_848 : vector<1x1x1280xf32> to vector<1x1280xf32>
    %slice3A_850 = vector.extract_strided_slice %transpose3A {offsets = [80, 0], sizes = [16, 1280], strides = [1, 1]} : vector<128x1280xf32> to vector<16x1280xf32>
    %mul3A_851 = vector.broadcast %get3A_849 : vector<1x1280xf32> to vector<16x1280xf32>
    %mul3A_852 = arith.mulf %mul3A_851, %slice3A_850 : vector<16x1280xf32>
    %add3A_853 = arith.addf %add3A_840, %mul3A_852 : vector<16x1280xf32>
    %slice3A_854 = vector.extract_strided_slice %transpose3A_59 {offsets = [80, 0], sizes = [16, 1280], strides = [1, 1]} : vector<128x1280xf32> to vector<16x1280xf32>
    %mul3A_855 = vector.broadcast %get3A_849 : vector<1x1280xf32> to vector<16x1280xf32>
    %mul3A_856 = arith.mulf %mul3A_855, %slice3A_854 : vector<16x1280xf32>
    %add3A_857 = arith.addf %add3A_844, %mul3A_856 : vector<16x1280xf32>
    %get3A_858 = arith.constant 6 : index
    %get3A_859 = arith.constant 6 : index
    %get3A_860 = arith.constant 0 : index
    %get3A_861 = vector.load %arg5[%get3A_858, %get3A_859, %get3A_860] : memref<9x9x1280xf32, #tpu.memory_space<vmem>>, vector<1x1x1280xf32>
    %get3A_862 = vector.shape_cast %get3A_861 : vector<1x1x1280xf32> to vector<1x1280xf32>
    %slice3A_863 = vector.extract_strided_slice %transpose3A {offsets = [96, 0], sizes = [16, 1280], strides = [1, 1]} : vector<128x1280xf32> to vector<16x1280xf32>
    %mul3A_864 = vector.broadcast %get3A_862 : vector<1x1280xf32> to vector<16x1280xf32>
    %mul3A_865 = arith.mulf %mul3A_864, %slice3A_863 : vector<16x1280xf32>
    %add3A_866 = arith.addf %add3A_853, %mul3A_865 : vector<16x1280xf32>
    %slice3A_867 = vector.extract_strided_slice %transpose3A_59 {offsets = [96, 0], sizes = [16, 1280], strides = [1, 1]} : vector<128x1280xf32> to vector<16x1280xf32>
    %mul3A_868 = vector.broadcast %get3A_862 : vector<1x1280xf32> to vector<16x1280xf32>
    %mul3A_869 = arith.mulf %mul3A_868, %slice3A_867 : vector<16x1280xf32>
    %add3A_870 = arith.addf %add3A_857, %mul3A_869 : vector<16x1280xf32>
    %get3A_871 = arith.constant 6 : index
    %get3A_872 = arith.constant 7 : index
    %get3A_873 = arith.constant 0 : index
    %get3A_874 = vector.load %arg5[%get3A_871, %get3A_872, %get3A_873] : memref<9x9x1280xf32, #tpu.memory_space<vmem>>, vector<1x1x1280xf32>
    %get3A_875 = vector.shape_cast %get3A_874 : vector<1x1x1280xf32> to vector<1x1280xf32>
    %slice3A_876 = vector.extract_strided_slice %transpose3A {offsets = [112, 0], sizes = [16, 1280], strides = [1, 1]} : vector<128x1280xf32> to vector<16x1280xf32>
    %mul3A_877 = vector.broadcast %get3A_875 : vector<1x1280xf32> to vector<16x1280xf32>
    %mul3A_878 = arith.mulf %mul3A_877, %slice3A_876 : vector<16x1280xf32>
    %add3A_879 = arith.addf %add3A_866, %mul3A_878 : vector<16x1280xf32>
    %slice3A_880 = vector.extract_strided_slice %transpose3A_59 {offsets = [112, 0], sizes = [16, 1280], strides = [1, 1]} : vector<128x1280xf32> to vector<16x1280xf32>
    %mul3A_881 = vector.broadcast %get3A_875 : vector<1x1280xf32> to vector<16x1280xf32>
    %mul3A_882 = arith.mulf %mul3A_881, %slice3A_880 : vector<16x1280xf32>
    %add3A_883 = arith.addf %add3A_870, %mul3A_882 : vector<16x1280xf32>
    %get3A_884 = arith.constant 6 : index
    %get3A_885 = arith.constant 8 : index
    %get3A_886 = arith.constant 0 : index
    %get3A_887 = vector.load %arg5[%get3A_884, %get3A_885, %get3A_886] : memref<9x9x1280xf32, #tpu.memory_space<vmem>>, vector<1x1x1280xf32>
    %get3A_888 = vector.shape_cast %get3A_887 : vector<1x1x1280xf32> to vector<1x1280xf32>
    %mul3A_889 = vector.broadcast %get3A_888 : vector<1x1280xf32> to vector<16x1280xf32>
    %mul3A_890 = arith.mulf %mul3A_889, %get3A_62 : vector<16x1280xf32>
    %add3A_891 = arith.addf %add3A_879, %mul3A_890 : vector<16x1280xf32>
    %mul3A_892 = vector.broadcast %get3A_888 : vector<1x1280xf32> to vector<16x1280xf32>
    %mul3A_893 = arith.mulf %mul3A_892, %get3A_65 : vector<16x1280xf32>
    %add3A_894 = arith.addf %add3A_883, %mul3A_893 : vector<16x1280xf32>
    %get3A_895 = arith.constant 7 : index
    %get3A_896 = arith.constant 0 : index
    %get3A_897 = arith.constant 0 : index
    %get3A_898 = vector.load %arg5[%get3A_895, %get3A_896, %get3A_897] : memref<9x9x1280xf32, #tpu.memory_space<vmem>>, vector<1x1x1280xf32>
    %get3A_899 = vector.shape_cast %get3A_898 : vector<1x1x1280xf32> to vector<1x1280xf32>
    %slice3A_900 = vector.extract_strided_slice %transpose3A {offsets = [0, 0], sizes = [16, 1280], strides = [1, 1]} : vector<128x1280xf32> to vector<16x1280xf32>
    %mul3A_901 = vector.broadcast %get3A_899 : vector<1x1280xf32> to vector<16x1280xf32>
    %mul3A_902 = arith.mulf %mul3A_901, %slice3A_900 : vector<16x1280xf32>
    %get3A_903 = arith.constant 7 : index
    %get3A_904 = arith.constant 0 : index
    %get3A_905 = arith.constant 0 : index
    %get3A_906 = vector.load %arg5[%get3A_903, %get3A_904, %get3A_905] : memref<9x9x1280xf32, #tpu.memory_space<vmem>>, vector<1x1x1280xf32>
    %get3A_907 = vector.shape_cast %get3A_906 : vector<1x1x1280xf32> to vector<1x1280xf32>
    %slice3A_908 = vector.extract_strided_slice %transpose3A_59 {offsets = [0, 0], sizes = [16, 1280], strides = [1, 1]} : vector<128x1280xf32> to vector<16x1280xf32>
    %mul3A_909 = vector.broadcast %get3A_907 : vector<1x1280xf32> to vector<16x1280xf32>
    %mul3A_910 = arith.mulf %mul3A_909, %slice3A_908 : vector<16x1280xf32>
    %get3A_911 = arith.constant 7 : index
    %get3A_912 = arith.constant 1 : index
    %get3A_913 = arith.constant 0 : index
    %get3A_914 = vector.load %arg5[%get3A_911, %get3A_912, %get3A_913] : memref<9x9x1280xf32, #tpu.memory_space<vmem>>, vector<1x1x1280xf32>
    %get3A_915 = vector.shape_cast %get3A_914 : vector<1x1x1280xf32> to vector<1x1280xf32>
    %slice3A_916 = vector.extract_strided_slice %transpose3A {offsets = [16, 0], sizes = [16, 1280], strides = [1, 1]} : vector<128x1280xf32> to vector<16x1280xf32>
    %mul3A_917 = vector.broadcast %get3A_915 : vector<1x1280xf32> to vector<16x1280xf32>
    %mul3A_918 = arith.mulf %mul3A_917, %slice3A_916 : vector<16x1280xf32>
    %add3A_919 = arith.addf %mul3A_902, %mul3A_918 : vector<16x1280xf32>
    %slice3A_920 = vector.extract_strided_slice %transpose3A_59 {offsets = [16, 0], sizes = [16, 1280], strides = [1, 1]} : vector<128x1280xf32> to vector<16x1280xf32>
    %mul3A_921 = vector.broadcast %get3A_915 : vector<1x1280xf32> to vector<16x1280xf32>
    %mul3A_922 = arith.mulf %mul3A_921, %slice3A_920 : vector<16x1280xf32>
    %add3A_923 = arith.addf %mul3A_910, %mul3A_922 : vector<16x1280xf32>
    %get3A_924 = arith.constant 7 : index
    %get3A_925 = arith.constant 2 : index
    %get3A_926 = arith.constant 0 : index
    %get3A_927 = vector.load %arg5[%get3A_924, %get3A_925, %get3A_926] : memref<9x9x1280xf32, #tpu.memory_space<vmem>>, vector<1x1x1280xf32>
    %get3A_928 = vector.shape_cast %get3A_927 : vector<1x1x1280xf32> to vector<1x1280xf32>
    %slice3A_929 = vector.extract_strided_slice %transpose3A {offsets = [32, 0], sizes = [16, 1280], strides = [1, 1]} : vector<128x1280xf32> to vector<16x1280xf32>
    %mul3A_930 = vector.broadcast %get3A_928 : vector<1x1280xf32> to vector<16x1280xf32>
    %mul3A_931 = arith.mulf %mul3A_930, %slice3A_929 : vector<16x1280xf32>
    %add3A_932 = arith.addf %add3A_919, %mul3A_931 : vector<16x1280xf32>
    %slice3A_933 = vector.extract_strided_slice %transpose3A_59 {offsets = [32, 0], sizes = [16, 1280], strides = [1, 1]} : vector<128x1280xf32> to vector<16x1280xf32>
    %mul3A_934 = vector.broadcast %get3A_928 : vector<1x1280xf32> to vector<16x1280xf32>
    %mul3A_935 = arith.mulf %mul3A_934, %slice3A_933 : vector<16x1280xf32>
    %add3A_936 = arith.addf %add3A_923, %mul3A_935 : vector<16x1280xf32>
    %get3A_937 = arith.constant 7 : index
    %get3A_938 = arith.constant 3 : index
    %get3A_939 = arith.constant 0 : index
    %get3A_940 = vector.load %arg5[%get3A_937, %get3A_938, %get3A_939] : memref<9x9x1280xf32, #tpu.memory_space<vmem>>, vector<1x1x1280xf32>
    %get3A_941 = vector.shape_cast %get3A_940 : vector<1x1x1280xf32> to vector<1x1280xf32>
    %slice3A_942 = vector.extract_strided_slice %transpose3A {offsets = [48, 0], sizes = [16, 1280], strides = [1, 1]} : vector<128x1280xf32> to vector<16x1280xf32>
    %mul3A_943 = vector.broadcast %get3A_941 : vector<1x1280xf32> to vector<16x1280xf32>
    %mul3A_944 = arith.mulf %mul3A_943, %slice3A_942 : vector<16x1280xf32>
    %add3A_945 = arith.addf %add3A_932, %mul3A_944 : vector<16x1280xf32>
    %slice3A_946 = vector.extract_strided_slice %transpose3A_59 {offsets = [48, 0], sizes = [16, 1280], strides = [1, 1]} : vector<128x1280xf32> to vector<16x1280xf32>
    %mul3A_947 = vector.broadcast %get3A_941 : vector<1x1280xf32> to vector<16x1280xf32>
    %mul3A_948 = arith.mulf %mul3A_947, %slice3A_946 : vector<16x1280xf32>
    %add3A_949 = arith.addf %add3A_936, %mul3A_948 : vector<16x1280xf32>
    %get3A_950 = arith.constant 7 : index
    %get3A_951 = arith.constant 4 : index
    %get3A_952 = arith.constant 0 : index
    %get3A_953 = vector.load %arg5[%get3A_950, %get3A_951, %get3A_952] : memref<9x9x1280xf32, #tpu.memory_space<vmem>>, vector<1x1x1280xf32>
    %get3A_954 = vector.shape_cast %get3A_953 : vector<1x1x1280xf32> to vector<1x1280xf32>
    %slice3A_955 = vector.extract_strided_slice %transpose3A {offsets = [64, 0], sizes = [16, 1280], strides = [1, 1]} : vector<128x1280xf32> to vector<16x1280xf32>
    %mul3A_956 = vector.broadcast %get3A_954 : vector<1x1280xf32> to vector<16x1280xf32>
    %mul3A_957 = arith.mulf %mul3A_956, %slice3A_955 : vector<16x1280xf32>
    %add3A_958 = arith.addf %add3A_945, %mul3A_957 : vector<16x1280xf32>
    %slice3A_959 = vector.extract_strided_slice %transpose3A_59 {offsets = [64, 0], sizes = [16, 1280], strides = [1, 1]} : vector<128x1280xf32> to vector<16x1280xf32>
    %mul3A_960 = vector.broadcast %get3A_954 : vector<1x1280xf32> to vector<16x1280xf32>
    %mul3A_961 = arith.mulf %mul3A_960, %slice3A_959 : vector<16x1280xf32>
    %add3A_962 = arith.addf %add3A_949, %mul3A_961 : vector<16x1280xf32>
    %get3A_963 = arith.constant 7 : index
    %get3A_964 = arith.constant 5 : index
    %get3A_965 = arith.constant 0 : index
    %get3A_966 = vector.load %arg5[%get3A_963, %get3A_964, %get3A_965] : memref<9x9x1280xf32, #tpu.memory_space<vmem>>, vector<1x1x1280xf32>
    %get3A_967 = vector.shape_cast %get3A_966 : vector<1x1x1280xf32> to vector<1x1280xf32>
    %slice3A_968 = vector.extract_strided_slice %transpose3A {offsets = [80, 0], sizes = [16, 1280], strides = [1, 1]} : vector<128x1280xf32> to vector<16x1280xf32>
    %mul3A_969 = vector.broadcast %get3A_967 : vector<1x1280xf32> to vector<16x1280xf32>
    %mul3A_970 = arith.mulf %mul3A_969, %slice3A_968 : vector<16x1280xf32>
    %add3A_971 = arith.addf %add3A_958, %mul3A_970 : vector<16x1280xf32>
    %slice3A_972 = vector.extract_strided_slice %transpose3A_59 {offsets = [80, 0], sizes = [16, 1280], strides = [1, 1]} : vector<128x1280xf32> to vector<16x1280xf32>
    %mul3A_973 = vector.broadcast %get3A_967 : vector<1x1280xf32> to vector<16x1280xf32>
    %mul3A_974 = arith.mulf %mul3A_973, %slice3A_972 : vector<16x1280xf32>
    %add3A_975 = arith.addf %add3A_962, %mul3A_974 : vector<16x1280xf32>
    %get3A_976 = arith.constant 7 : index
    %get3A_977 = arith.constant 6 : index
    %get3A_978 = arith.constant 0 : index
    %get3A_979 = vector.load %arg5[%get3A_976, %get3A_977, %get3A_978] : memref<9x9x1280xf32, #tpu.memory_space<vmem>>, vector<1x1x1280xf32>
    %get3A_980 = vector.shape_cast %get3A_979 : vector<1x1x1280xf32> to vector<1x1280xf32>
    %slice3A_981 = vector.extract_strided_slice %transpose3A {offsets = [96, 0], sizes = [16, 1280], strides = [1, 1]} : vector<128x1280xf32> to vector<16x1280xf32>
    %mul3A_982 = vector.broadcast %get3A_980 : vector<1x1280xf32> to vector<16x1280xf32>
    %mul3A_983 = arith.mulf %mul3A_982, %slice3A_981 : vector<16x1280xf32>
    %add3A_984 = arith.addf %add3A_971, %mul3A_983 : vector<16x1280xf32>
    %slice3A_985 = vector.extract_strided_slice %transpose3A_59 {offsets = [96, 0], sizes = [16, 1280], strides = [1, 1]} : vector<128x1280xf32> to vector<16x1280xf32>
    %mul3A_986 = vector.broadcast %get3A_980 : vector<1x1280xf32> to vector<16x1280xf32>
    %mul3A_987 = arith.mulf %mul3A_986, %slice3A_985 : vector<16x1280xf32>
    %add3A_988 = arith.addf %add3A_975, %mul3A_987 : vector<16x1280xf32>
    %get3A_989 = arith.constant 7 : index
    %get3A_990 = arith.constant 7 : index
    %get3A_991 = arith.constant 0 : index
    %get3A_992 = vector.load %arg5[%get3A_989, %get3A_990, %get3A_991] : memref<9x9x1280xf32, #tpu.memory_space<vmem>>, vector<1x1x1280xf32>
    %get3A_993 = vector.shape_cast %get3A_992 : vector<1x1x1280xf32> to vector<1x1280xf32>
    %slice3A_994 = vector.extract_strided_slice %transpose3A {offsets = [112, 0], sizes = [16, 1280], strides = [1, 1]} : vector<128x1280xf32> to vector<16x1280xf32>
    %mul3A_995 = vector.broadcast %get3A_993 : vector<1x1280xf32> to vector<16x1280xf32>
    %mul3A_996 = arith.mulf %mul3A_995, %slice3A_994 : vector<16x1280xf32>
    %add3A_997 = arith.addf %add3A_984, %mul3A_996 : vector<16x1280xf32>
    %slice3A_998 = vector.extract_strided_slice %transpose3A_59 {offsets = [112, 0], sizes = [16, 1280], strides = [1, 1]} : vector<128x1280xf32> to vector<16x1280xf32>
    %mul3A_999 = vector.broadcast %get3A_993 : vector<1x1280xf32> to vector<16x1280xf32>
    %mul3A_1000 = arith.mulf %mul3A_999, %slice3A_998 : vector<16x1280xf32>
    %add3A_1001 = arith.addf %add3A_988, %mul3A_1000 : vector<16x1280xf32>
    %get3A_1002 = arith.constant 7 : index
    %get3A_1003 = arith.constant 8 : index
    %get3A_1004 = arith.constant 0 : index
    %get3A_1005 = vector.load %arg5[%get3A_1002, %get3A_1003, %get3A_1004] : memref<9x9x1280xf32, #tpu.memory_space<vmem>>, vector<1x1x1280xf32>
    %get3A_1006 = vector.shape_cast %get3A_1005 : vector<1x1x1280xf32> to vector<1x1280xf32>
    %mul3A_1007 = vector.broadcast %get3A_1006 : vector<1x1280xf32> to vector<16x1280xf32>
    %mul3A_1008 = arith.mulf %mul3A_1007, %get3A_62 : vector<16x1280xf32>
    %add3A_1009 = arith.addf %add3A_997, %mul3A_1008 : vector<16x1280xf32>
    %mul3A_1010 = vector.broadcast %get3A_1006 : vector<1x1280xf32> to vector<16x1280xf32>
    %mul3A_1011 = arith.mulf %mul3A_1010, %get3A_65 : vector<16x1280xf32>
    %add3A_1012 = arith.addf %add3A_1001, %mul3A_1011 : vector<16x1280xf32>
    %get3A_1013 = arith.constant 8 : index
    %get3A_1014 = arith.constant 0 : index
    %get3A_1015 = arith.constant 0 : index
    %get3A_1016 = vector.load %arg5[%get3A_1013, %get3A_1014, %get3A_1015] : memref<9x9x1280xf32, #tpu.memory_space<vmem>>, vector<1x1x1280xf32>
    %get3A_1017 = vector.shape_cast %get3A_1016 : vector<1x1x1280xf32> to vector<1x1280xf32>
    %slice3A_1018 = vector.extract_strided_slice %transpose3A {offsets = [0, 0], sizes = [16, 1280], strides = [1, 1]} : vector<128x1280xf32> to vector<16x1280xf32>
    %mul3A_1019 = vector.broadcast %get3A_1017 : vector<1x1280xf32> to vector<16x1280xf32>
    %mul3A_1020 = arith.mulf %mul3A_1019, %slice3A_1018 : vector<16x1280xf32>
    %get3A_1021 = arith.constant 8 : index
    %get3A_1022 = arith.constant 0 : index
    %get3A_1023 = arith.constant 0 : index
    %get3A_1024 = vector.load %arg5[%get3A_1021, %get3A_1022, %get3A_1023] : memref<9x9x1280xf32, #tpu.memory_space<vmem>>, vector<1x1x1280xf32>
    %get3A_1025 = vector.shape_cast %get3A_1024 : vector<1x1x1280xf32> to vector<1x1280xf32>
    %slice3A_1026 = vector.extract_strided_slice %transpose3A_59 {offsets = [0, 0], sizes = [16, 1280], strides = [1, 1]} : vector<128x1280xf32> to vector<16x1280xf32>
    %mul3A_1027 = vector.broadcast %get3A_1025 : vector<1x1280xf32> to vector<16x1280xf32>
    %mul3A_1028 = arith.mulf %mul3A_1027, %slice3A_1026 : vector<16x1280xf32>
    %get3A_1029 = arith.constant 8 : index
    %get3A_1030 = arith.constant 1 : index
    %get3A_1031 = arith.constant 0 : index
    %get3A_1032 = vector.load %arg5[%get3A_1029, %get3A_1030, %get3A_1031] : memref<9x9x1280xf32, #tpu.memory_space<vmem>>, vector<1x1x1280xf32>
    %get3A_1033 = vector.shape_cast %get3A_1032 : vector<1x1x1280xf32> to vector<1x1280xf32>
    %slice3A_1034 = vector.extract_strided_slice %transpose3A {offsets = [16, 0], sizes = [16, 1280], strides = [1, 1]} : vector<128x1280xf32> to vector<16x1280xf32>
    %mul3A_1035 = vector.broadcast %get3A_1033 : vector<1x1280xf32> to vector<16x1280xf32>
    %mul3A_1036 = arith.mulf %mul3A_1035, %slice3A_1034 : vector<16x1280xf32>
    %add3A_1037 = arith.addf %mul3A_1020, %mul3A_1036 : vector<16x1280xf32>
    %slice3A_1038 = vector.extract_strided_slice %transpose3A_59 {offsets = [16, 0], sizes = [16, 1280], strides = [1, 1]} : vector<128x1280xf32> to vector<16x1280xf32>
    %mul3A_1039 = vector.broadcast %get3A_1033 : vector<1x1280xf32> to vector<16x1280xf32>
    %mul3A_1040 = arith.mulf %mul3A_1039, %slice3A_1038 : vector<16x1280xf32>
    %add3A_1041 = arith.addf %mul3A_1028, %mul3A_1040 : vector<16x1280xf32>
    %get3A_1042 = arith.constant 8 : index
    %get3A_1043 = arith.constant 2 : index
    %get3A_1044 = arith.constant 0 : index
    %get3A_1045 = vector.load %arg5[%get3A_1042, %get3A_1043, %get3A_1044] : memref<9x9x1280xf32, #tpu.memory_space<vmem>>, vector<1x1x1280xf32>
    %get3A_1046 = vector.shape_cast %get3A_1045 : vector<1x1x1280xf32> to vector<1x1280xf32>
    %slice3A_1047 = vector.extract_strided_slice %transpose3A {offsets = [32, 0], sizes = [16, 1280], strides = [1, 1]} : vector<128x1280xf32> to vector<16x1280xf32>
    %mul3A_1048 = vector.broadcast %get3A_1046 : vector<1x1280xf32> to vector<16x1280xf32>
    %mul3A_1049 = arith.mulf %mul3A_1048, %slice3A_1047 : vector<16x1280xf32>
    %add3A_1050 = arith.addf %add3A_1037, %mul3A_1049 : vector<16x1280xf32>
    %slice3A_1051 = vector.extract_strided_slice %transpose3A_59 {offsets = [32, 0], sizes = [16, 1280], strides = [1, 1]} : vector<128x1280xf32> to vector<16x1280xf32>
    %mul3A_1052 = vector.broadcast %get3A_1046 : vector<1x1280xf32> to vector<16x1280xf32>
    %mul3A_1053 = arith.mulf %mul3A_1052, %slice3A_1051 : vector<16x1280xf32>
    %add3A_1054 = arith.addf %add3A_1041, %mul3A_1053 : vector<16x1280xf32>
    %get3A_1055 = arith.constant 8 : index
    %get3A_1056 = arith.constant 3 : index
    %get3A_1057 = arith.constant 0 : index
    %get3A_1058 = vector.load %arg5[%get3A_1055, %get3A_1056, %get3A_1057] : memref<9x9x1280xf32, #tpu.memory_space<vmem>>, vector<1x1x1280xf32>
    %get3A_1059 = vector.shape_cast %get3A_1058 : vector<1x1x1280xf32> to vector<1x1280xf32>
    %slice3A_1060 = vector.extract_strided_slice %transpose3A {offsets = [48, 0], sizes = [16, 1280], strides = [1, 1]} : vector<128x1280xf32> to vector<16x1280xf32>
    %mul3A_1061 = vector.broadcast %get3A_1059 : vector<1x1280xf32> to vector<16x1280xf32>
    %mul3A_1062 = arith.mulf %mul3A_1061, %slice3A_1060 : vector<16x1280xf32>
    %add3A_1063 = arith.addf %add3A_1050, %mul3A_1062 : vector<16x1280xf32>
    %slice3A_1064 = vector.extract_strided_slice %transpose3A_59 {offsets = [48, 0], sizes = [16, 1280], strides = [1, 1]} : vector<128x1280xf32> to vector<16x1280xf32>
    %mul3A_1065 = vector.broadcast %get3A_1059 : vector<1x1280xf32> to vector<16x1280xf32>
    %mul3A_1066 = arith.mulf %mul3A_1065, %slice3A_1064 : vector<16x1280xf32>
    %add3A_1067 = arith.addf %add3A_1054, %mul3A_1066 : vector<16x1280xf32>
    %get3A_1068 = arith.constant 8 : index
    %get3A_1069 = arith.constant 4 : index
    %get3A_1070 = arith.constant 0 : index
    %get3A_1071 = vector.load %arg5[%get3A_1068, %get3A_1069, %get3A_1070] : memref<9x9x1280xf32, #tpu.memory_space<vmem>>, vector<1x1x1280xf32>
    %get3A_1072 = vector.shape_cast %get3A_1071 : vector<1x1x1280xf32> to vector<1x1280xf32>
    %slice3A_1073 = vector.extract_strided_slice %transpose3A {offsets = [64, 0], sizes = [16, 1280], strides = [1, 1]} : vector<128x1280xf32> to vector<16x1280xf32>
    %mul3A_1074 = vector.broadcast %get3A_1072 : vector<1x1280xf32> to vector<16x1280xf32>
    %mul3A_1075 = arith.mulf %mul3A_1074, %slice3A_1073 : vector<16x1280xf32>
    %add3A_1076 = arith.addf %add3A_1063, %mul3A_1075 : vector<16x1280xf32>
    %slice3A_1077 = vector.extract_strided_slice %transpose3A_59 {offsets = [64, 0], sizes = [16, 1280], strides = [1, 1]} : vector<128x1280xf32> to vector<16x1280xf32>
    %mul3A_1078 = vector.broadcast %get3A_1072 : vector<1x1280xf32> to vector<16x1280xf32>
    %mul3A_1079 = arith.mulf %mul3A_1078, %slice3A_1077 : vector<16x1280xf32>
    %add3A_1080 = arith.addf %add3A_1067, %mul3A_1079 : vector<16x1280xf32>
    %get3A_1081 = arith.constant 8 : index
    %get3A_1082 = arith.constant 5 : index
    %get3A_1083 = arith.constant 0 : index
    %get3A_1084 = vector.load %arg5[%get3A_1081, %get3A_1082, %get3A_1083] : memref<9x9x1280xf32, #tpu.memory_space<vmem>>, vector<1x1x1280xf32>
    %get3A_1085 = vector.shape_cast %get3A_1084 : vector<1x1x1280xf32> to vector<1x1280xf32>
    %slice3A_1086 = vector.extract_strided_slice %transpose3A {offsets = [80, 0], sizes = [16, 1280], strides = [1, 1]} : vector<128x1280xf32> to vector<16x1280xf32>
    %mul3A_1087 = vector.broadcast %get3A_1085 : vector<1x1280xf32> to vector<16x1280xf32>
    %mul3A_1088 = arith.mulf %mul3A_1087, %slice3A_1086 : vector<16x1280xf32>
    %add3A_1089 = arith.addf %add3A_1076, %mul3A_1088 : vector<16x1280xf32>
    %slice3A_1090 = vector.extract_strided_slice %transpose3A_59 {offsets = [80, 0], sizes = [16, 1280], strides = [1, 1]} : vector<128x1280xf32> to vector<16x1280xf32>
    %mul3A_1091 = vector.broadcast %get3A_1085 : vector<1x1280xf32> to vector<16x1280xf32>
    %mul3A_1092 = arith.mulf %mul3A_1091, %slice3A_1090 : vector<16x1280xf32>
    %add3A_1093 = arith.addf %add3A_1080, %mul3A_1092 : vector<16x1280xf32>
    %get3A_1094 = arith.constant 8 : index
    %get3A_1095 = arith.constant 6 : index
    %get3A_1096 = arith.constant 0 : index
    %get3A_1097 = vector.load %arg5[%get3A_1094, %get3A_1095, %get3A_1096] : memref<9x9x1280xf32, #tpu.memory_space<vmem>>, vector<1x1x1280xf32>
    %get3A_1098 = vector.shape_cast %get3A_1097 : vector<1x1x1280xf32> to vector<1x1280xf32>
    %slice3A_1099 = vector.extract_strided_slice %transpose3A {offsets = [96, 0], sizes = [16, 1280], strides = [1, 1]} : vector<128x1280xf32> to vector<16x1280xf32>
    %mul3A_1100 = vector.broadcast %get3A_1098 : vector<1x1280xf32> to vector<16x1280xf32>
    %mul3A_1101 = arith.mulf %mul3A_1100, %slice3A_1099 : vector<16x1280xf32>
    %add3A_1102 = arith.addf %add3A_1089, %mul3A_1101 : vector<16x1280xf32>
    %slice3A_1103 = vector.extract_strided_slice %transpose3A_59 {offsets = [96, 0], sizes = [16, 1280], strides = [1, 1]} : vector<128x1280xf32> to vector<16x1280xf32>
    %mul3A_1104 = vector.broadcast %get3A_1098 : vector<1x1280xf32> to vector<16x1280xf32>
    %mul3A_1105 = arith.mulf %mul3A_1104, %slice3A_1103 : vector<16x1280xf32>
    %add3A_1106 = arith.addf %add3A_1093, %mul3A_1105 : vector<16x1280xf32>
    %get3A_1107 = arith.constant 8 : index
    %get3A_1108 = arith.constant 7 : index
    %get3A_1109 = arith.constant 0 : index
    %get3A_1110 = vector.load %arg5[%get3A_1107, %get3A_1108, %get3A_1109] : memref<9x9x1280xf32, #tpu.memory_space<vmem>>, vector<1x1x1280xf32>
    %get3A_1111 = vector.shape_cast %get3A_1110 : vector<1x1x1280xf32> to vector<1x1280xf32>
    %slice3A_1112 = vector.extract_strided_slice %transpose3A {offsets = [112, 0], sizes = [16, 1280], strides = [1, 1]} : vector<128x1280xf32> to vector<16x1280xf32>
    %mul3A_1113 = vector.broadcast %get3A_1111 : vector<1x1280xf32> to vector<16x1280xf32>
    %mul3A_1114 = arith.mulf %mul3A_1113, %slice3A_1112 : vector<16x1280xf32>
    %add3A_1115 = arith.addf %add3A_1102, %mul3A_1114 : vector<16x1280xf32>
    %slice3A_1116 = vector.extract_strided_slice %transpose3A_59 {offsets = [112, 0], sizes = [16, 1280], strides = [1, 1]} : vector<128x1280xf32> to vector<16x1280xf32>
    %mul3A_1117 = vector.broadcast %get3A_1111 : vector<1x1280xf32> to vector<16x1280xf32>
    %mul3A_1118 = arith.mulf %mul3A_1117, %slice3A_1116 : vector<16x1280xf32>
    %add3A_1119 = arith.addf %add3A_1106, %mul3A_1118 : vector<16x1280xf32>
    %get3A_1120 = arith.constant 8 : index
    %get3A_1121 = arith.constant 8 : index
    %get3A_1122 = arith.constant 0 : index
    %get3A_1123 = vector.load %arg5[%get3A_1120, %get3A_1121, %get3A_1122] : memref<9x9x1280xf32, #tpu.memory_space<vmem>>, vector<1x1x1280xf32>
    %get3A_1124 = vector.shape_cast %get3A_1123 : vector<1x1x1280xf32> to vector<1x1280xf32>
    %mul3A_1125 = vector.broadcast %get3A_1124 : vector<1x1280xf32> to vector<16x1280xf32>
    %mul3A_1126 = arith.mulf %mul3A_1125, %get3A_62 : vector<16x1280xf32>
    %add3A_1127 = arith.addf %add3A_1115, %mul3A_1126 : vector<16x1280xf32>
    %mul3A_1128 = vector.broadcast %get3A_1124 : vector<1x1280xf32> to vector<16x1280xf32>
    %mul3A_1129 = arith.mulf %mul3A_1128, %get3A_65 : vector<16x1280xf32>
    %add3A_1130 = arith.addf %add3A_1119, %mul3A_1129 : vector<16x1280xf32>
    %concatenate3A = tpu.concatenate %add3A_183, %add3A_186, %add3A_301, %add3A_304, %add3A_419, %add3A_422, %add3A_537, %add3A_540, %add3A_655, %add3A_658, %add3A_773, %add3A_776, %add3A_891, %add3A_894, %add3A_1009, %add3A_1012, %add3A_1127, %add3A_1130 in 0 : vector<16x1280xf32>, vector<16x1280xf32>, vector<16x1280xf32>, vector<16x1280xf32>, vector<16x1280xf32>, vector<16x1280xf32>, vector<16x1280xf32>, vector<16x1280xf32>, vector<16x1280xf32>, vector<16x1280xf32>, vector<16x1280xf32>, vector<16x1280xf32>, vector<16x1280xf32>, vector<16x1280xf32>, vector<16x1280xf32>, vector<16x1280xf32>, vector<16x1280xf32>, vector<16x1280xf32> -> vector<288x1280xf32>
    %dot_general3A = arith.constant dense<0.000000e+00> : vector<64x1280xf32>
    %dot_general3A_1131 = tpu.matmul %get3A_1, %get3A_68, %dot_general3A {dimension_numbers = #tpu.dot_dimension_numbers<[1], [0], [0], [1], [0, 0, 1, 1], [], []>, transpose_lhs_hint = false} : vector<64x64xf32>, vector<64x1280xf32>, vector<64x1280xf32> -> vector<64x1280xf32>
    %add3A_1132 = vector.broadcast %get3A_4 : vector<64x1xf32> to vector<64x1280xf32>
    %add3A_1133 = arith.addf %dot_general3A_1131, %add3A_1132 : vector<64x1280xf32>
    %reduce_sum3A = arith.constant dense<0.000000e+00> : vector<1280xf32>
    %reduce_sum3A_1134 = vector.multi_reduction <add>, %add3A_1133, %reduce_sum3A [0] : vector<64x1280xf32> to vector<1280xf32>
    %broadcast_in_dim3A = vector.shape_cast %reduce_sum3A_1134 : vector<1280xf32> to vector<1x1280xf32>
    %div3A = arith.constant 6.400000e+01 : f32
    %div3A_1135 = vector.broadcast %div3A : f32 to vector<1x1280xf32>
    %div3A_1136 = arith.divf %broadcast_in_dim3A, %div3A_1135 : vector<1x1280xf32>
    %sub3A = vector.broadcast %div3A_1136 : vector<1x1280xf32> to vector<64x1280xf32>
    %sub3A_1137 = arith.subf %add3A_1133, %sub3A : vector<64x1280xf32>
    %integer_pow3A = arith.mulf %sub3A_1137, %sub3A_1137 : vector<64x1280xf32>
    %reduce_sum3A_1138 = arith.constant dense<0.000000e+00> : vector<1280xf32>
    %reduce_sum3A_1139 = vector.multi_reduction <add>, %integer_pow3A, %reduce_sum3A_1138 [0] : vector<64x1280xf32> to vector<1280xf32>
    %broadcast_in_dim3A_1140 = vector.shape_cast %reduce_sum3A_1139 : vector<1280xf32> to vector<1x1280xf32>
    %div3A_1141 = arith.constant 6.400000e+01 : f32
    %div3A_1142 = vector.broadcast %div3A_1141 : f32 to vector<1x1280xf32>
    %div3A_1143 = arith.divf %broadcast_in_dim3A_1140, %div3A_1142 : vector<1x1280xf32>
    %sub3A_1144 = vector.broadcast %div3A_1136 : vector<1x1280xf32> to vector<64x1280xf32>
    %sub3A_1145 = arith.subf %add3A_1133, %sub3A_1144 : vector<64x1280xf32>
    %add3A_1146 = arith.constant 9.99999974E-6 : f32
    %add3A_1147 = vector.broadcast %add3A_1146 : f32 to vector<1x1280xf32>
    %add3A_1148 = arith.addf %div3A_1143, %add3A_1147 : vector<1x1280xf32>
    %rsqrt3A = math.rsqrt %add3A_1148 : vector<1x1280xf32>
    %mul3A_1149 = vector.broadcast %rsqrt3A : vector<1x1280xf32> to vector<64x1280xf32>
    %mul3A_1150 = arith.mulf %sub3A_1145, %mul3A_1149 : vector<64x1280xf32>
    %mul3A_1151 = vector.broadcast %get3A_7 : vector<64x1xf32> to vector<64x1280xf32>
    %mul3A_1152 = arith.mulf %mul3A_1150, %mul3A_1151 : vector<64x1280xf32>
    %add3A_1153 = vector.broadcast %get3A_10 : vector<64x1xf32> to vector<64x1280xf32>
    %add3A_1154 = arith.addf %mul3A_1152, %add3A_1153 : vector<64x1280xf32>
    %logistic3A = arith.negf %add3A_1154 : vector<64x1280xf32>
    %logistic3A_1155 = math.exp %logistic3A : vector<64x1280xf32>
    %logistic3A_1156 = arith.constant 1.000000e+00 : f32
    %logistic3A_1157 = vector.broadcast %logistic3A_1156 : f32 to vector<64x1280xf32>
    %logistic3A_1158 = arith.addf %logistic3A_1157, %logistic3A_1155 : vector<64x1280xf32>
    %logistic3A_1159 = arith.divf %logistic3A_1157, %logistic3A_1158 : vector<64x1280xf32>
    %mul3A_1160 = arith.mulf %add3A_1154, %logistic3A_1159 : vector<64x1280xf32>
    %dot_general3A_1161 = arith.constant dense<0.000000e+00> : vector<64x1280xf32>
    %dot_general3A_1162 = tpu.matmul %get3A_13, %mul3A_1160, %dot_general3A_1161 {dimension_numbers = #tpu.dot_dimension_numbers<[1], [0], [0], [1], [0, 0, 1, 1], [], []>, transpose_lhs_hint = false} : vector<64x64xf32>, vector<64x1280xf32>, vector<64x1280xf32> -> vector<64x1280xf32>
    %add3A_1163 = vector.broadcast %get3A_16 : vector<64x1xf32> to vector<64x1280xf32>
    %add3A_1164 = arith.addf %dot_general3A_1162, %add3A_1163 : vector<64x1280xf32>
    %reduce_sum3A_1165 = arith.constant dense<0.000000e+00> : vector<1280xf32>
    %reduce_sum3A_1166 = vector.multi_reduction <add>, %add3A_1164, %reduce_sum3A_1165 [0] : vector<64x1280xf32> to vector<1280xf32>
    %broadcast_in_dim3A_1167 = vector.shape_cast %reduce_sum3A_1166 : vector<1280xf32> to vector<1x1280xf32>
    %div3A_1168 = arith.constant 6.400000e+01 : f32
    %div3A_1169 = vector.broadcast %div3A_1168 : f32 to vector<1x1280xf32>
    %div3A_1170 = arith.divf %broadcast_in_dim3A_1167, %div3A_1169 : vector<1x1280xf32>
    %sub3A_1171 = vector.broadcast %div3A_1170 : vector<1x1280xf32> to vector<64x1280xf32>
    %sub3A_1172 = arith.subf %add3A_1164, %sub3A_1171 : vector<64x1280xf32>
    %integer_pow3A_1173 = arith.mulf %sub3A_1172, %sub3A_1172 : vector<64x1280xf32>
    %reduce_sum3A_1174 = arith.constant dense<0.000000e+00> : vector<1280xf32>
    %reduce_sum3A_1175 = vector.multi_reduction <add>, %integer_pow3A_1173, %reduce_sum3A_1174 [0] : vector<64x1280xf32> to vector<1280xf32>
    %broadcast_in_dim3A_1176 = vector.shape_cast %reduce_sum3A_1175 : vector<1280xf32> to vector<1x1280xf32>
    %div3A_1177 = arith.constant 6.400000e+01 : f32
    %div3A_1178 = vector.broadcast %div3A_1177 : f32 to vector<1x1280xf32>
    %div3A_1179 = arith.divf %broadcast_in_dim3A_1176, %div3A_1178 : vector<1x1280xf32>
    %sub3A_1180 = vector.broadcast %div3A_1170 : vector<1x1280xf32> to vector<64x1280xf32>
    %sub3A_1181 = arith.subf %add3A_1164, %sub3A_1180 : vector<64x1280xf32>
    %add3A_1182 = arith.constant 9.99999974E-6 : f32
    %add3A_1183 = vector.broadcast %add3A_1182 : f32 to vector<1x1280xf32>
    %add3A_1184 = arith.addf %div3A_1179, %add3A_1183 : vector<1x1280xf32>
    %rsqrt3A_1185 = math.rsqrt %add3A_1184 : vector<1x1280xf32>
    %mul3A_1186 = vector.broadcast %rsqrt3A_1185 : vector<1x1280xf32> to vector<64x1280xf32>
    %mul3A_1187 = arith.mulf %sub3A_1181, %mul3A_1186 : vector<64x1280xf32>
    %mul3A_1188 = vector.broadcast %get3A_19 : vector<64x1xf32> to vector<64x1280xf32>
    %mul3A_1189 = arith.mulf %mul3A_1187, %mul3A_1188 : vector<64x1280xf32>
    %add3A_1190 = vector.broadcast %get3A_22 : vector<64x1xf32> to vector<64x1280xf32>
    %add3A_1191 = arith.addf %mul3A_1189, %add3A_1190 : vector<64x1280xf32>
    %logistic3A_1192 = arith.negf %add3A_1191 : vector<64x1280xf32>
    %logistic3A_1193 = math.exp %logistic3A_1192 : vector<64x1280xf32>
    %logistic3A_1194 = arith.constant 1.000000e+00 : f32
    %logistic3A_1195 = vector.broadcast %logistic3A_1194 : f32 to vector<64x1280xf32>
    %logistic3A_1196 = arith.addf %logistic3A_1195, %logistic3A_1193 : vector<64x1280xf32>
    %logistic3A_1197 = arith.divf %logistic3A_1195, %logistic3A_1196 : vector<64x1280xf32>
    %mul3A_1198 = arith.mulf %add3A_1191, %logistic3A_1197 : vector<64x1280xf32>
    %dot_general3A_1199 = arith.constant dense<0.000000e+00> : vector<192x1280xf32>
    %dot_general3A_1200 = tpu.matmul %get3A_25, %mul3A_1198, %dot_general3A_1199 {dimension_numbers = #tpu.dot_dimension_numbers<[1], [0], [0], [1], [0, 0, 1, 1], [], []>, transpose_lhs_hint = false} : vector<192x64xf32>, vector<64x1280xf32>, vector<192x1280xf32> -> vector<192x1280xf32>
    %add3A_1201 = vector.broadcast %get3A_28 : vector<192x1xf32> to vector<192x1280xf32>
    %add3A_1202 = arith.addf %dot_general3A_1200, %add3A_1201 : vector<192x1280xf32>
    %slice3A_1203 = vector.extract_strided_slice %concatenate3A {offsets = [0, 0], sizes = [96, 1280], strides = [1, 1]} : vector<288x1280xf32> to vector<96x1280xf32>
    %slice3A_1204 = vector.extract_strided_slice %add3A_1202 {offsets = [0, 0], sizes = [96, 1280], strides = [1, 1]} : vector<192x1280xf32> to vector<96x1280xf32>
    %mul3A_1205 = arith.mulf %slice3A_1203, %slice3A_1204 : vector<96x1280xf32>
    %dot_general3A_1206 = arith.constant dense<0.000000e+00> : vector<160x1280xf32>
    %dot_general3A_1207 = tpu.matmul %get3A_31, %mul3A_1205, %dot_general3A_1206 {dimension_numbers = #tpu.dot_dimension_numbers<[1], [0], [0], [1], [0, 0, 1, 1], [], []>, transpose_lhs_hint = false} : vector<160x96xf32>, vector<96x1280xf32>, vector<160x1280xf32> -> vector<160x1280xf32>
    %add3A_1208 = vector.broadcast %get3A_34 : vector<160x1xf32> to vector<160x1280xf32>
    %add3A_1209 = arith.addf %dot_general3A_1207, %add3A_1208 : vector<160x1280xf32>
    %slice3A_1210 = vector.extract_strided_slice %add3A_1209 {offsets = [0, 0], sizes = [64, 1280], strides = [1, 1]} : vector<160x1280xf32> to vector<64x1280xf32>
    %slice3A_1211 = vector.extract_strided_slice %add3A_1209 {offsets = [64, 0], sizes = [96, 1280], strides = [1, 1]} : vector<160x1280xf32> to vector<96x1280xf32>
    %slice3A_1212 = vector.extract_strided_slice %add3A_1202 {offsets = [96, 0], sizes = [64, 1280], strides = [1, 1]} : vector<192x1280xf32> to vector<64x1280xf32>
    %slice3A_1213 = vector.extract_strided_slice %concatenate3A {offsets = [96, 0], sizes = [64, 1280], strides = [1, 1]} : vector<288x1280xf32> to vector<64x1280xf32>
    %mul3A_1214 = arith.mulf %slice3A_1213, %slice3A_1212 : vector<64x1280xf32>
    %slice3A_1215 = vector.extract_strided_slice %concatenate3A {offsets = [160, 0], sizes = [64, 1280], strides = [1, 1]} : vector<288x1280xf32> to vector<64x1280xf32>
    %mul3A_1216 = arith.mulf %slice3A_1215, %slice3A_1212 : vector<64x1280xf32>
    %dot_general3A_1217 = arith.constant dense<0.000000e+00> : vector<128x1280xf32>
    %dot_general3A_1218 = tpu.matmul %get3A_37, %mul3A_1214, %dot_general3A_1217 {dimension_numbers = #tpu.dot_dimension_numbers<[1], [0], [0], [1], [0, 0, 1, 1], [], []>, transpose_lhs_hint = false} : vector<128x64xf32>, vector<64x1280xf32>, vector<128x1280xf32> -> vector<128x1280xf32>
    %dot_general3A_1219 = arith.constant dense<0.000000e+00> : vector<128x1280xf32>
    %dot_general3A_1220 = tpu.matmul %get3A_37, %mul3A_1216, %dot_general3A_1219 {dimension_numbers = #tpu.dot_dimension_numbers<[1], [0], [0], [1], [0, 0, 1, 1], [], []>, transpose_lhs_hint = false} : vector<128x64xf32>, vector<64x1280xf32>, vector<128x1280xf32> -> vector<128x1280xf32>
    %slice3A_1221 = vector.extract_strided_slice %dot_general3A_1218 {offsets = [0, 0], sizes = [64, 1280], strides = [1, 1]} : vector<128x1280xf32> to vector<64x1280xf32>
    %slice3A_1222 = vector.extract_strided_slice %dot_general3A_1220 {offsets = [64, 0], sizes = [64, 1280], strides = [1, 1]} : vector<128x1280xf32> to vector<64x1280xf32>
    %sub3A_1223 = arith.subf %slice3A_1221, %slice3A_1222 : vector<64x1280xf32>
    %slice3A_1224 = vector.extract_strided_slice %dot_general3A_1220 {offsets = [0, 0], sizes = [64, 1280], strides = [1, 1]} : vector<128x1280xf32> to vector<64x1280xf32>
    %slice3A_1225 = vector.extract_strided_slice %dot_general3A_1218 {offsets = [64, 0], sizes = [64, 1280], strides = [1, 1]} : vector<128x1280xf32> to vector<64x1280xf32>
    %add3A_1226 = arith.addf %slice3A_1224, %slice3A_1225 : vector<64x1280xf32>
    %slice3A_1227 = vector.extract_strided_slice %add3A_1202 {offsets = [160, 0], sizes = [32, 1280], strides = [1, 1]} : vector<192x1280xf32> to vector<32x1280xf32>
    %slice3A_1228 = vector.extract_strided_slice %concatenate3A {offsets = [224, 0], sizes = [32, 1280], strides = [1, 1]} : vector<288x1280xf32> to vector<32x1280xf32>
    %mul3A_1229 = arith.mulf %slice3A_1228, %slice3A_1227 : vector<32x1280xf32>
    %slice3A_1230 = vector.extract_strided_slice %concatenate3A {offsets = [256, 0], sizes = [32, 1280], strides = [1, 1]} : vector<288x1280xf32> to vector<32x1280xf32>
    %mul3A_1231 = arith.mulf %slice3A_1230, %slice3A_1227 : vector<32x1280xf32>
    %dot_general3A_1232 = arith.constant dense<0.000000e+00> : vector<64x1280xf32>
    %dot_general3A_1233 = tpu.matmul %get3A_40, %mul3A_1229, %dot_general3A_1232 {dimension_numbers = #tpu.dot_dimension_numbers<[1], [0], [0], [1], [0, 0, 1, 1], [], []>, transpose_lhs_hint = false} : vector<64x32xf32>, vector<32x1280xf32>, vector<64x1280xf32> -> vector<64x1280xf32>
    %dot_general3A_1234 = arith.constant dense<0.000000e+00> : vector<64x1280xf32>
    %dot_general3A_1235 = tpu.matmul %get3A_40, %mul3A_1231, %dot_general3A_1234 {dimension_numbers = #tpu.dot_dimension_numbers<[1], [0], [0], [1], [0, 0, 1, 1], [], []>, transpose_lhs_hint = false} : vector<64x32xf32>, vector<32x1280xf32>, vector<64x1280xf32> -> vector<64x1280xf32>
    %slice3A_1236 = vector.extract_strided_slice %dot_general3A_1233 {offsets = [0, 0], sizes = [32, 1280], strides = [1, 1]} : vector<64x1280xf32> to vector<32x1280xf32>
    %slice3A_1237 = vector.extract_strided_slice %dot_general3A_1235 {offsets = [32, 0], sizes = [32, 1280], strides = [1, 1]} : vector<64x1280xf32> to vector<32x1280xf32>
    %sub3A_1238 = arith.subf %slice3A_1236, %slice3A_1237 : vector<32x1280xf32>
    %slice3A_1239 = vector.extract_strided_slice %dot_general3A_1235 {offsets = [0, 0], sizes = [32, 1280], strides = [1, 1]} : vector<64x1280xf32> to vector<32x1280xf32>
    %slice3A_1240 = vector.extract_strided_slice %dot_general3A_1233 {offsets = [32, 0], sizes = [32, 1280], strides = [1, 1]} : vector<64x1280xf32> to vector<32x1280xf32>
    %add3A_1241 = arith.addf %slice3A_1239, %slice3A_1240 : vector<32x1280xf32>
    %concatenate3A_1242 = tpu.concatenate %slice3A_1211, %sub3A_1223, %add3A_1226, %sub3A_1238, %add3A_1241 in 0 : vector<96x1280xf32>, vector<64x1280xf32>, vector<64x1280xf32>, vector<32x1280xf32>, vector<32x1280xf32> -> vector<288x1280xf32>
    %logistic3A_1243 = arith.negf %slice3A_1210 : vector<64x1280xf32>
    %logistic3A_1244 = math.exp %logistic3A_1243 : vector<64x1280xf32>
    %logistic3A_1245 = arith.constant 1.000000e+00 : f32
    %logistic3A_1246 = vector.broadcast %logistic3A_1245 : f32 to vector<64x1280xf32>
    %logistic3A_1247 = arith.addf %logistic3A_1246, %logistic3A_1244 : vector<64x1280xf32>
    %logistic3A_1248 = arith.divf %logistic3A_1246, %logistic3A_1247 : vector<64x1280xf32>
    %slice3A_1249 = vector.extract_strided_slice %concatenate3A_1242 {offsets = [0, 0], sizes = [32, 1280], strides = [1, 1]} : vector<288x1280xf32> to vector<32x1280xf32>
    %logistic3A_1250 = arith.negf %slice3A_1249 : vector<32x1280xf32>
    %logistic3A_1251 = math.exp %logistic3A_1250 : vector<32x1280xf32>
    %logistic3A_1252 = arith.constant 1.000000e+00 : f32
    %logistic3A_1253 = vector.broadcast %logistic3A_1252 : f32 to vector<32x1280xf32>
    %logistic3A_1254 = arith.addf %logistic3A_1253, %logistic3A_1251 : vector<32x1280xf32>
    %logistic3A_1255 = arith.divf %logistic3A_1253, %logistic3A_1254 : vector<32x1280xf32>
    %mul3A_1256 = arith.mulf %slice3A_1249, %logistic3A_1255 : vector<32x1280xf32>
    %slice3A_1257 = vector.extract_strided_slice %logistic3A_1248 {offsets = [0, 0], sizes = [32, 1280], strides = [1, 1]} : vector<64x1280xf32> to vector<32x1280xf32>
    %slice3A_1258 = vector.extract_strided_slice %concatenate3A_1242 {offsets = [32, 0], sizes = [32, 1280], strides = [1, 1]} : vector<288x1280xf32> to vector<32x1280xf32>
    %mul3A_1259 = arith.mulf %slice3A_1258, %slice3A_1257 : vector<32x1280xf32>
    %slice3A_1260 = vector.extract_strided_slice %logistic3A_1248 {offsets = [32, 0], sizes = [32, 1280], strides = [1, 1]} : vector<64x1280xf32> to vector<32x1280xf32>
    %slice3A_1261 = vector.extract_strided_slice %concatenate3A_1242 {offsets = [64, 0], sizes = [32, 1280], strides = [1, 1]} : vector<288x1280xf32> to vector<32x1280xf32>
    %mul3A_1262 = arith.mulf %slice3A_1261, %slice3A_1260 : vector<32x1280xf32>
    %slice3A_1263 = vector.extract_strided_slice %logistic3A_1248 {offsets = [0, 0], sizes = [32, 1280], strides = [1, 1]} : vector<64x1280xf32> to vector<32x1280xf32>
    %slice3A_1264 = vector.extract_strided_slice %concatenate3A_1242 {offsets = [96, 0], sizes = [32, 1280], strides = [1, 1]} : vector<288x1280xf32> to vector<32x1280xf32>
    %mul3A_1265 = arith.mulf %slice3A_1264, %slice3A_1263 : vector<32x1280xf32>
    %slice3A_1266 = vector.extract_strided_slice %logistic3A_1248 {offsets = [32, 0], sizes = [32, 1280], strides = [1, 1]} : vector<64x1280xf32> to vector<32x1280xf32>
    %slice3A_1267 = vector.extract_strided_slice %concatenate3A_1242 {offsets = [128, 0], sizes = [32, 1280], strides = [1, 1]} : vector<288x1280xf32> to vector<32x1280xf32>
    %mul3A_1268 = arith.mulf %slice3A_1267, %slice3A_1266 : vector<32x1280xf32>
    %slice3A_1269 = vector.extract_strided_slice %logistic3A_1248 {offsets = [0, 0], sizes = [32, 1280], strides = [1, 1]} : vector<64x1280xf32> to vector<32x1280xf32>
    %slice3A_1270 = vector.extract_strided_slice %concatenate3A_1242 {offsets = [160, 0], sizes = [32, 1280], strides = [1, 1]} : vector<288x1280xf32> to vector<32x1280xf32>
    %mul3A_1271 = arith.mulf %slice3A_1270, %slice3A_1269 : vector<32x1280xf32>
    %slice3A_1272 = vector.extract_strided_slice %logistic3A_1248 {offsets = [32, 0], sizes = [32, 1280], strides = [1, 1]} : vector<64x1280xf32> to vector<32x1280xf32>
    %slice3A_1273 = vector.extract_strided_slice %concatenate3A_1242 {offsets = [192, 0], sizes = [32, 1280], strides = [1, 1]} : vector<288x1280xf32> to vector<32x1280xf32>
    %mul3A_1274 = arith.mulf %slice3A_1273, %slice3A_1272 : vector<32x1280xf32>
    %slice3A_1275 = vector.extract_strided_slice %logistic3A_1248 {offsets = [32, 0], sizes = [32, 1280], strides = [1, 1]} : vector<64x1280xf32> to vector<32x1280xf32>
    %slice3A_1276 = vector.extract_strided_slice %concatenate3A_1242 {offsets = [224, 0], sizes = [32, 1280], strides = [1, 1]} : vector<288x1280xf32> to vector<32x1280xf32>
    %mul3A_1277 = arith.mulf %slice3A_1276, %slice3A_1275 : vector<32x1280xf32>
    %slice3A_1278 = vector.extract_strided_slice %logistic3A_1248 {offsets = [32, 0], sizes = [32, 1280], strides = [1, 1]} : vector<64x1280xf32> to vector<32x1280xf32>
    %slice3A_1279 = vector.extract_strided_slice %concatenate3A_1242 {offsets = [256, 0], sizes = [32, 1280], strides = [1, 1]} : vector<288x1280xf32> to vector<32x1280xf32>
    %mul3A_1280 = arith.mulf %slice3A_1279, %slice3A_1278 : vector<32x1280xf32>
    %concatenate3A_1281 = tpu.concatenate %mul3A_1256, %mul3A_1259, %mul3A_1262, %mul3A_1265, %mul3A_1268, %mul3A_1271, %mul3A_1274, %mul3A_1277, %mul3A_1280 in 0 : vector<32x1280xf32>, vector<32x1280xf32>, vector<32x1280xf32>, vector<32x1280xf32>, vector<32x1280xf32>, vector<32x1280xf32>, vector<32x1280xf32>, vector<32x1280xf32>, vector<32x1280xf32> -> vector<288x1280xf32>
    %slice3A_1282 = vector.extract_strided_slice %concatenate3A_1281 {offsets = [0, 0], sizes = [96, 1280], strides = [1, 1]} : vector<288x1280xf32> to vector<96x1280xf32>
    %dot_general3A_1283 = arith.constant dense<0.000000e+00> : vector<48x1280xf32>
    %dot_general3A_1284 = tpu.matmul %get3A_43, %slice3A_1282, %dot_general3A_1283 {dimension_numbers = #tpu.dot_dimension_numbers<[1], [0], [0], [1], [0, 0, 1, 1], [], []>, transpose_lhs_hint = false} : vector<48x96xf32>, vector<96x1280xf32>, vector<48x1280xf32> -> vector<48x1280xf32>
    %add3A_1285 = vector.broadcast %get3A_46 : vector<48x1xf32> to vector<48x1280xf32>
    %add3A_1286 = arith.addf %dot_general3A_1284, %add3A_1285 : vector<48x1280xf32>
    %slice3A_1287 = vector.extract_strided_slice %concatenate3A_1281 {offsets = [96, 0], sizes = [64, 1280], strides = [1, 1]} : vector<288x1280xf32> to vector<64x1280xf32>
    %slice3A_1288 = vector.extract_strided_slice %concatenate3A_1281 {offsets = [160, 0], sizes = [64, 1280], strides = [1, 1]} : vector<288x1280xf32> to vector<64x1280xf32>
    %dot_general3A_1289 = arith.constant dense<0.000000e+00> : vector<64x1280xf32>
    %dot_general3A_1290 = tpu.matmul %get3A_49, %slice3A_1287, %dot_general3A_1289 {dimension_numbers = #tpu.dot_dimension_numbers<[1], [0], [0], [1], [0, 0, 1, 1], [], []>, transpose_lhs_hint = false} : vector<64x64xf32>, vector<64x1280xf32>, vector<64x1280xf32> -> vector<64x1280xf32>
    %dot_general3A_1291 = arith.constant dense<0.000000e+00> : vector<64x1280xf32>
    %dot_general3A_1292 = tpu.matmul %get3A_49, %slice3A_1288, %dot_general3A_1291 {dimension_numbers = #tpu.dot_dimension_numbers<[1], [0], [0], [1], [0, 0, 1, 1], [], []>, transpose_lhs_hint = false} : vector<64x64xf32>, vector<64x1280xf32>, vector<64x1280xf32> -> vector<64x1280xf32>
    %slice3A_1293 = vector.extract_strided_slice %dot_general3A_1290 {offsets = [0, 0], sizes = [32, 1280], strides = [1, 1]} : vector<64x1280xf32> to vector<32x1280xf32>
    %slice3A_1294 = vector.extract_strided_slice %dot_general3A_1292 {offsets = [32, 0], sizes = [32, 1280], strides = [1, 1]} : vector<64x1280xf32> to vector<32x1280xf32>
    %sub3A_1295 = arith.subf %slice3A_1293, %slice3A_1294 : vector<32x1280xf32>
    %slice3A_1296 = vector.extract_strided_slice %dot_general3A_1292 {offsets = [0, 0], sizes = [32, 1280], strides = [1, 1]} : vector<64x1280xf32> to vector<32x1280xf32>
    %slice3A_1297 = vector.extract_strided_slice %dot_general3A_1290 {offsets = [32, 0], sizes = [32, 1280], strides = [1, 1]} : vector<64x1280xf32> to vector<32x1280xf32>
    %add3A_1298 = arith.addf %slice3A_1296, %slice3A_1297 : vector<32x1280xf32>
    %slice3A_1299 = vector.extract_strided_slice %concatenate3A_1281 {offsets = [224, 0], sizes = [32, 1280], strides = [1, 1]} : vector<288x1280xf32> to vector<32x1280xf32>
    %slice3A_1300 = vector.extract_strided_slice %concatenate3A_1281 {offsets = [256, 0], sizes = [32, 1280], strides = [1, 1]} : vector<288x1280xf32> to vector<32x1280xf32>
    %dot_general3A_1301 = arith.constant dense<0.000000e+00> : vector<32x1280xf32>
    %dot_general3A_1302 = tpu.matmul %get3A_52, %slice3A_1299, %dot_general3A_1301 {dimension_numbers = #tpu.dot_dimension_numbers<[1], [0], [0], [1], [0, 0, 1, 1], [], []>, transpose_lhs_hint = false} : vector<32x32xf32>, vector<32x1280xf32>, vector<32x1280xf32> -> vector<32x1280xf32>
    %dot_general3A_1303 = arith.constant dense<0.000000e+00> : vector<32x1280xf32>
    %dot_general3A_1304 = tpu.matmul %get3A_52, %slice3A_1300, %dot_general3A_1303 {dimension_numbers = #tpu.dot_dimension_numbers<[1], [0], [0], [1], [0, 0, 1, 1], [], []>, transpose_lhs_hint = false} : vector<32x32xf32>, vector<32x1280xf32>, vector<32x1280xf32> -> vector<32x1280xf32>
    %slice3A_1305 = vector.extract_strided_slice %dot_general3A_1302 {offsets = [0, 0], sizes = [16, 1280], strides = [1, 1]} : vector<32x1280xf32> to vector<16x1280xf32>
    %slice3A_1306 = vector.extract_strided_slice %dot_general3A_1304 {offsets = [16, 0], sizes = [16, 1280], strides = [1, 1]} : vector<32x1280xf32> to vector<16x1280xf32>
    %sub3A_1307 = arith.subf %slice3A_1305, %slice3A_1306 : vector<16x1280xf32>
    %slice3A_1308 = vector.extract_strided_slice %dot_general3A_1304 {offsets = [0, 0], sizes = [16, 1280], strides = [1, 1]} : vector<32x1280xf32> to vector<16x1280xf32>
    %slice3A_1309 = vector.extract_strided_slice %dot_general3A_1302 {offsets = [16, 0], sizes = [16, 1280], strides = [1, 1]} : vector<32x1280xf32> to vector<16x1280xf32>
    %add3A_1310 = arith.addf %slice3A_1308, %slice3A_1309 : vector<16x1280xf32>
    %concatenate3A_1311 = tpu.concatenate %add3A_1286, %sub3A_1295, %add3A_1298, %sub3A_1307, %add3A_1310 in 0 : vector<48x1280xf32>, vector<32x1280xf32>, vector<32x1280xf32>, vector<16x1280xf32>, vector<16x1280xf32> -> vector<144x1280xf32>
    %mul3A_1312 = vector.broadcast %get3A_71 : vector<1x1280xf32> to vector<144x1280xf32>
    %mul3A_1313 = arith.mulf %concatenate3A_1311, %mul3A_1312 : vector<144x1280xf32>
    %get3A_1314 = arith.constant 0 : index
    %get3A_1315 = arith.constant 0 : index
    %get3A_1316 = arith.constant 0 : index
    %get3A_1317 = vector.load %arg6[%get3A_1314, %get3A_1315, %get3A_1316] : memref<9x9x1280xf32, #tpu.memory_space<vmem>>, vector<1x1x1280xf32>
    %get3A_1318 = vector.shape_cast %get3A_1317 : vector<1x1x1280xf32> to vector<1x1280xf32>
    %slice3A_1319 = vector.extract_strided_slice %mul3A_1313 {offsets = [0, 0], sizes = [16, 1280], strides = [1, 1]} : vector<144x1280xf32> to vector<16x1280xf32>
    %mul3A_1320 = vector.broadcast %get3A_1318 : vector<1x1280xf32> to vector<16x1280xf32>
    %mul3A_1321 = arith.mulf %mul3A_1320, %slice3A_1319 : vector<16x1280xf32>
    %get3A_1322 = arith.constant 0 : index
    %get3A_1323 = arith.constant 1 : index
    %get3A_1324 = arith.constant 0 : index
    %get3A_1325 = vector.load %arg6[%get3A_1322, %get3A_1323, %get3A_1324] : memref<9x9x1280xf32, #tpu.memory_space<vmem>>, vector<1x1x1280xf32>
    %get3A_1326 = vector.shape_cast %get3A_1325 : vector<1x1x1280xf32> to vector<1x1280xf32>
    %slice3A_1327 = vector.extract_strided_slice %mul3A_1313 {offsets = [16, 0], sizes = [16, 1280], strides = [1, 1]} : vector<144x1280xf32> to vector<16x1280xf32>
    %mul3A_1328 = vector.broadcast %get3A_1326 : vector<1x1280xf32> to vector<16x1280xf32>
    %mul3A_1329 = arith.mulf %mul3A_1328, %slice3A_1327 : vector<16x1280xf32>
    %add3A_1330 = arith.addf %mul3A_1321, %mul3A_1329 : vector<16x1280xf32>
    %get3A_1331 = arith.constant 0 : index
    %get3A_1332 = arith.constant 2 : index
    %get3A_1333 = arith.constant 0 : index
    %get3A_1334 = vector.load %arg6[%get3A_1331, %get3A_1332, %get3A_1333] : memref<9x9x1280xf32, #tpu.memory_space<vmem>>, vector<1x1x1280xf32>
    %get3A_1335 = vector.shape_cast %get3A_1334 : vector<1x1x1280xf32> to vector<1x1280xf32>
    %slice3A_1336 = vector.extract_strided_slice %mul3A_1313 {offsets = [32, 0], sizes = [16, 1280], strides = [1, 1]} : vector<144x1280xf32> to vector<16x1280xf32>
    %mul3A_1337 = vector.broadcast %get3A_1335 : vector<1x1280xf32> to vector<16x1280xf32>
    %mul3A_1338 = arith.mulf %mul3A_1337, %slice3A_1336 : vector<16x1280xf32>
    %add3A_1339 = arith.addf %add3A_1330, %mul3A_1338 : vector<16x1280xf32>
    %get3A_1340 = arith.constant 0 : index
    %get3A_1341 = arith.constant 3 : index
    %get3A_1342 = arith.constant 0 : index
    %get3A_1343 = vector.load %arg6[%get3A_1340, %get3A_1341, %get3A_1342] : memref<9x9x1280xf32, #tpu.memory_space<vmem>>, vector<1x1x1280xf32>
    %get3A_1344 = vector.shape_cast %get3A_1343 : vector<1x1x1280xf32> to vector<1x1280xf32>
    %slice3A_1345 = vector.extract_strided_slice %mul3A_1313 {offsets = [48, 0], sizes = [16, 1280], strides = [1, 1]} : vector<144x1280xf32> to vector<16x1280xf32>
    %mul3A_1346 = vector.broadcast %get3A_1344 : vector<1x1280xf32> to vector<16x1280xf32>
    %mul3A_1347 = arith.mulf %mul3A_1346, %slice3A_1345 : vector<16x1280xf32>
    %add3A_1348 = arith.addf %add3A_1339, %mul3A_1347 : vector<16x1280xf32>
    %get3A_1349 = arith.constant 0 : index
    %get3A_1350 = arith.constant 4 : index
    %get3A_1351 = arith.constant 0 : index
    %get3A_1352 = vector.load %arg6[%get3A_1349, %get3A_1350, %get3A_1351] : memref<9x9x1280xf32, #tpu.memory_space<vmem>>, vector<1x1x1280xf32>
    %get3A_1353 = vector.shape_cast %get3A_1352 : vector<1x1x1280xf32> to vector<1x1280xf32>
    %slice3A_1354 = vector.extract_strided_slice %mul3A_1313 {offsets = [64, 0], sizes = [16, 1280], strides = [1, 1]} : vector<144x1280xf32> to vector<16x1280xf32>
    %mul3A_1355 = vector.broadcast %get3A_1353 : vector<1x1280xf32> to vector<16x1280xf32>
    %mul3A_1356 = arith.mulf %mul3A_1355, %slice3A_1354 : vector<16x1280xf32>
    %add3A_1357 = arith.addf %add3A_1348, %mul3A_1356 : vector<16x1280xf32>
    %get3A_1358 = arith.constant 0 : index
    %get3A_1359 = arith.constant 5 : index
    %get3A_1360 = arith.constant 0 : index
    %get3A_1361 = vector.load %arg6[%get3A_1358, %get3A_1359, %get3A_1360] : memref<9x9x1280xf32, #tpu.memory_space<vmem>>, vector<1x1x1280xf32>
    %get3A_1362 = vector.shape_cast %get3A_1361 : vector<1x1x1280xf32> to vector<1x1280xf32>
    %slice3A_1363 = vector.extract_strided_slice %mul3A_1313 {offsets = [80, 0], sizes = [16, 1280], strides = [1, 1]} : vector<144x1280xf32> to vector<16x1280xf32>
    %mul3A_1364 = vector.broadcast %get3A_1362 : vector<1x1280xf32> to vector<16x1280xf32>
    %mul3A_1365 = arith.mulf %mul3A_1364, %slice3A_1363 : vector<16x1280xf32>
    %add3A_1366 = arith.addf %add3A_1357, %mul3A_1365 : vector<16x1280xf32>
    %get3A_1367 = arith.constant 0 : index
    %get3A_1368 = arith.constant 6 : index
    %get3A_1369 = arith.constant 0 : index
    %get3A_1370 = vector.load %arg6[%get3A_1367, %get3A_1368, %get3A_1369] : memref<9x9x1280xf32, #tpu.memory_space<vmem>>, vector<1x1x1280xf32>
    %get3A_1371 = vector.shape_cast %get3A_1370 : vector<1x1x1280xf32> to vector<1x1280xf32>
    %slice3A_1372 = vector.extract_strided_slice %mul3A_1313 {offsets = [96, 0], sizes = [16, 1280], strides = [1, 1]} : vector<144x1280xf32> to vector<16x1280xf32>
    %mul3A_1373 = vector.broadcast %get3A_1371 : vector<1x1280xf32> to vector<16x1280xf32>
    %mul3A_1374 = arith.mulf %mul3A_1373, %slice3A_1372 : vector<16x1280xf32>
    %add3A_1375 = arith.addf %add3A_1366, %mul3A_1374 : vector<16x1280xf32>
    %get3A_1376 = arith.constant 0 : index
    %get3A_1377 = arith.constant 7 : index
    %get3A_1378 = arith.constant 0 : index
    %get3A_1379 = vector.load %arg6[%get3A_1376, %get3A_1377, %get3A_1378] : memref<9x9x1280xf32, #tpu.memory_space<vmem>>, vector<1x1x1280xf32>
    %get3A_1380 = vector.shape_cast %get3A_1379 : vector<1x1x1280xf32> to vector<1x1280xf32>
    %slice3A_1381 = vector.extract_strided_slice %mul3A_1313 {offsets = [112, 0], sizes = [16, 1280], strides = [1, 1]} : vector<144x1280xf32> to vector<16x1280xf32>
    %mul3A_1382 = vector.broadcast %get3A_1380 : vector<1x1280xf32> to vector<16x1280xf32>
    %mul3A_1383 = arith.mulf %mul3A_1382, %slice3A_1381 : vector<16x1280xf32>
    %add3A_1384 = arith.addf %add3A_1375, %mul3A_1383 : vector<16x1280xf32>
    %get3A_1385 = arith.constant 0 : index
    %get3A_1386 = arith.constant 8 : index
    %get3A_1387 = arith.constant 0 : index
    %get3A_1388 = vector.load %arg6[%get3A_1385, %get3A_1386, %get3A_1387] : memref<9x9x1280xf32, #tpu.memory_space<vmem>>, vector<1x1x1280xf32>
    %get3A_1389 = vector.shape_cast %get3A_1388 : vector<1x1x1280xf32> to vector<1x1280xf32>
    %slice3A_1390 = vector.extract_strided_slice %mul3A_1313 {offsets = [128, 0], sizes = [16, 1280], strides = [1, 1]} : vector<144x1280xf32> to vector<16x1280xf32>
    %mul3A_1391 = vector.broadcast %get3A_1389 : vector<1x1280xf32> to vector<16x1280xf32>
    %mul3A_1392 = arith.mulf %mul3A_1391, %slice3A_1390 : vector<16x1280xf32>
    %add3A_1393 = arith.addf %add3A_1384, %mul3A_1392 : vector<16x1280xf32>
    %get3A_1394 = arith.constant 1 : index
    %get3A_1395 = arith.constant 0 : index
    %get3A_1396 = arith.constant 0 : index
    %get3A_1397 = vector.load %arg6[%get3A_1394, %get3A_1395, %get3A_1396] : memref<9x9x1280xf32, #tpu.memory_space<vmem>>, vector<1x1x1280xf32>
    %get3A_1398 = vector.shape_cast %get3A_1397 : vector<1x1x1280xf32> to vector<1x1280xf32>
    %slice3A_1399 = vector.extract_strided_slice %mul3A_1313 {offsets = [0, 0], sizes = [16, 1280], strides = [1, 1]} : vector<144x1280xf32> to vector<16x1280xf32>
    %mul3A_1400 = vector.broadcast %get3A_1398 : vector<1x1280xf32> to vector<16x1280xf32>
    %mul3A_1401 = arith.mulf %mul3A_1400, %slice3A_1399 : vector<16x1280xf32>
    %get3A_1402 = arith.constant 1 : index
    %get3A_1403 = arith.constant 1 : index
    %get3A_1404 = arith.constant 0 : index
    %get3A_1405 = vector.load %arg6[%get3A_1402, %get3A_1403, %get3A_1404] : memref<9x9x1280xf32, #tpu.memory_space<vmem>>, vector<1x1x1280xf32>
    %get3A_1406 = vector.shape_cast %get3A_1405 : vector<1x1x1280xf32> to vector<1x1280xf32>
    %slice3A_1407 = vector.extract_strided_slice %mul3A_1313 {offsets = [16, 0], sizes = [16, 1280], strides = [1, 1]} : vector<144x1280xf32> to vector<16x1280xf32>
    %mul3A_1408 = vector.broadcast %get3A_1406 : vector<1x1280xf32> to vector<16x1280xf32>
    %mul3A_1409 = arith.mulf %mul3A_1408, %slice3A_1407 : vector<16x1280xf32>
    %add3A_1410 = arith.addf %mul3A_1401, %mul3A_1409 : vector<16x1280xf32>
    %get3A_1411 = arith.constant 1 : index
    %get3A_1412 = arith.constant 2 : index
    %get3A_1413 = arith.constant 0 : index
    %get3A_1414 = vector.load %arg6[%get3A_1411, %get3A_1412, %get3A_1413] : memref<9x9x1280xf32, #tpu.memory_space<vmem>>, vector<1x1x1280xf32>
    %get3A_1415 = vector.shape_cast %get3A_1414 : vector<1x1x1280xf32> to vector<1x1280xf32>
    %slice3A_1416 = vector.extract_strided_slice %mul3A_1313 {offsets = [32, 0], sizes = [16, 1280], strides = [1, 1]} : vector<144x1280xf32> to vector<16x1280xf32>
    %mul3A_1417 = vector.broadcast %get3A_1415 : vector<1x1280xf32> to vector<16x1280xf32>
    %mul3A_1418 = arith.mulf %mul3A_1417, %slice3A_1416 : vector<16x1280xf32>
    %add3A_1419 = arith.addf %add3A_1410, %mul3A_1418 : vector<16x1280xf32>
    %get3A_1420 = arith.constant 1 : index
    %get3A_1421 = arith.constant 3 : index
    %get3A_1422 = arith.constant 0 : index
    %get3A_1423 = vector.load %arg6[%get3A_1420, %get3A_1421, %get3A_1422] : memref<9x9x1280xf32, #tpu.memory_space<vmem>>, vector<1x1x1280xf32>
    %get3A_1424 = vector.shape_cast %get3A_1423 : vector<1x1x1280xf32> to vector<1x1280xf32>
    %slice3A_1425 = vector.extract_strided_slice %mul3A_1313 {offsets = [48, 0], sizes = [16, 1280], strides = [1, 1]} : vector<144x1280xf32> to vector<16x1280xf32>
    %mul3A_1426 = vector.broadcast %get3A_1424 : vector<1x1280xf32> to vector<16x1280xf32>
    %mul3A_1427 = arith.mulf %mul3A_1426, %slice3A_1425 : vector<16x1280xf32>
    %add3A_1428 = arith.addf %add3A_1419, %mul3A_1427 : vector<16x1280xf32>
    %get3A_1429 = arith.constant 1 : index
    %get3A_1430 = arith.constant 4 : index
    %get3A_1431 = arith.constant 0 : index
    %get3A_1432 = vector.load %arg6[%get3A_1429, %get3A_1430, %get3A_1431] : memref<9x9x1280xf32, #tpu.memory_space<vmem>>, vector<1x1x1280xf32>
    %get3A_1433 = vector.shape_cast %get3A_1432 : vector<1x1x1280xf32> to vector<1x1280xf32>
    %slice3A_1434 = vector.extract_strided_slice %mul3A_1313 {offsets = [64, 0], sizes = [16, 1280], strides = [1, 1]} : vector<144x1280xf32> to vector<16x1280xf32>
    %mul3A_1435 = vector.broadcast %get3A_1433 : vector<1x1280xf32> to vector<16x1280xf32>
    %mul3A_1436 = arith.mulf %mul3A_1435, %slice3A_1434 : vector<16x1280xf32>
    %add3A_1437 = arith.addf %add3A_1428, %mul3A_1436 : vector<16x1280xf32>
    %get3A_1438 = arith.constant 1 : index
    %get3A_1439 = arith.constant 5 : index
    %get3A_1440 = arith.constant 0 : index
    %get3A_1441 = vector.load %arg6[%get3A_1438, %get3A_1439, %get3A_1440] : memref<9x9x1280xf32, #tpu.memory_space<vmem>>, vector<1x1x1280xf32>
    %get3A_1442 = vector.shape_cast %get3A_1441 : vector<1x1x1280xf32> to vector<1x1280xf32>
    %slice3A_1443 = vector.extract_strided_slice %mul3A_1313 {offsets = [80, 0], sizes = [16, 1280], strides = [1, 1]} : vector<144x1280xf32> to vector<16x1280xf32>
    %mul3A_1444 = vector.broadcast %get3A_1442 : vector<1x1280xf32> to vector<16x1280xf32>
    %mul3A_1445 = arith.mulf %mul3A_1444, %slice3A_1443 : vector<16x1280xf32>
    %add3A_1446 = arith.addf %add3A_1437, %mul3A_1445 : vector<16x1280xf32>
    %get3A_1447 = arith.constant 1 : index
    %get3A_1448 = arith.constant 6 : index
    %get3A_1449 = arith.constant 0 : index
    %get3A_1450 = vector.load %arg6[%get3A_1447, %get3A_1448, %get3A_1449] : memref<9x9x1280xf32, #tpu.memory_space<vmem>>, vector<1x1x1280xf32>
    %get3A_1451 = vector.shape_cast %get3A_1450 : vector<1x1x1280xf32> to vector<1x1280xf32>
    %slice3A_1452 = vector.extract_strided_slice %mul3A_1313 {offsets = [96, 0], sizes = [16, 1280], strides = [1, 1]} : vector<144x1280xf32> to vector<16x1280xf32>
    %mul3A_1453 = vector.broadcast %get3A_1451 : vector<1x1280xf32> to vector<16x1280xf32>
    %mul3A_1454 = arith.mulf %mul3A_1453, %slice3A_1452 : vector<16x1280xf32>
    %add3A_1455 = arith.addf %add3A_1446, %mul3A_1454 : vector<16x1280xf32>
    %get3A_1456 = arith.constant 1 : index
    %get3A_1457 = arith.constant 7 : index
    %get3A_1458 = arith.constant 0 : index
    %get3A_1459 = vector.load %arg6[%get3A_1456, %get3A_1457, %get3A_1458] : memref<9x9x1280xf32, #tpu.memory_space<vmem>>, vector<1x1x1280xf32>
    %get3A_1460 = vector.shape_cast %get3A_1459 : vector<1x1x1280xf32> to vector<1x1280xf32>
    %slice3A_1461 = vector.extract_strided_slice %mul3A_1313 {offsets = [112, 0], sizes = [16, 1280], strides = [1, 1]} : vector<144x1280xf32> to vector<16x1280xf32>
    %mul3A_1462 = vector.broadcast %get3A_1460 : vector<1x1280xf32> to vector<16x1280xf32>
    %mul3A_1463 = arith.mulf %mul3A_1462, %slice3A_1461 : vector<16x1280xf32>
    %add3A_1464 = arith.addf %add3A_1455, %mul3A_1463 : vector<16x1280xf32>
    %get3A_1465 = arith.constant 1 : index
    %get3A_1466 = arith.constant 8 : index
    %get3A_1467 = arith.constant 0 : index
    %get3A_1468 = vector.load %arg6[%get3A_1465, %get3A_1466, %get3A_1467] : memref<9x9x1280xf32, #tpu.memory_space<vmem>>, vector<1x1x1280xf32>
    %get3A_1469 = vector.shape_cast %get3A_1468 : vector<1x1x1280xf32> to vector<1x1280xf32>
    %slice3A_1470 = vector.extract_strided_slice %mul3A_1313 {offsets = [128, 0], sizes = [16, 1280], strides = [1, 1]} : vector<144x1280xf32> to vector<16x1280xf32>
    %mul3A_1471 = vector.broadcast %get3A_1469 : vector<1x1280xf32> to vector<16x1280xf32>
    %mul3A_1472 = arith.mulf %mul3A_1471, %slice3A_1470 : vector<16x1280xf32>
    %add3A_1473 = arith.addf %add3A_1464, %mul3A_1472 : vector<16x1280xf32>
    %get3A_1474 = arith.constant 2 : index
    %get3A_1475 = arith.constant 0 : index
    %get3A_1476 = arith.constant 0 : index
    %get3A_1477 = vector.load %arg6[%get3A_1474, %get3A_1475, %get3A_1476] : memref<9x9x1280xf32, #tpu.memory_space<vmem>>, vector<1x1x1280xf32>
    %get3A_1478 = vector.shape_cast %get3A_1477 : vector<1x1x1280xf32> to vector<1x1280xf32>
    %slice3A_1479 = vector.extract_strided_slice %mul3A_1313 {offsets = [0, 0], sizes = [16, 1280], strides = [1, 1]} : vector<144x1280xf32> to vector<16x1280xf32>
    %mul3A_1480 = vector.broadcast %get3A_1478 : vector<1x1280xf32> to vector<16x1280xf32>
    %mul3A_1481 = arith.mulf %mul3A_1480, %slice3A_1479 : vector<16x1280xf32>
    %get3A_1482 = arith.constant 2 : index
    %get3A_1483 = arith.constant 1 : index
    %get3A_1484 = arith.constant 0 : index
    %get3A_1485 = vector.load %arg6[%get3A_1482, %get3A_1483, %get3A_1484] : memref<9x9x1280xf32, #tpu.memory_space<vmem>>, vector<1x1x1280xf32>
    %get3A_1486 = vector.shape_cast %get3A_1485 : vector<1x1x1280xf32> to vector<1x1280xf32>
    %slice3A_1487 = vector.extract_strided_slice %mul3A_1313 {offsets = [16, 0], sizes = [16, 1280], strides = [1, 1]} : vector<144x1280xf32> to vector<16x1280xf32>
    %mul3A_1488 = vector.broadcast %get3A_1486 : vector<1x1280xf32> to vector<16x1280xf32>
    %mul3A_1489 = arith.mulf %mul3A_1488, %slice3A_1487 : vector<16x1280xf32>
    %add3A_1490 = arith.addf %mul3A_1481, %mul3A_1489 : vector<16x1280xf32>
    %get3A_1491 = arith.constant 2 : index
    %get3A_1492 = arith.constant 2 : index
    %get3A_1493 = arith.constant 0 : index
    %get3A_1494 = vector.load %arg6[%get3A_1491, %get3A_1492, %get3A_1493] : memref<9x9x1280xf32, #tpu.memory_space<vmem>>, vector<1x1x1280xf32>
    %get3A_1495 = vector.shape_cast %get3A_1494 : vector<1x1x1280xf32> to vector<1x1280xf32>
    %slice3A_1496 = vector.extract_strided_slice %mul3A_1313 {offsets = [32, 0], sizes = [16, 1280], strides = [1, 1]} : vector<144x1280xf32> to vector<16x1280xf32>
    %mul3A_1497 = vector.broadcast %get3A_1495 : vector<1x1280xf32> to vector<16x1280xf32>
    %mul3A_1498 = arith.mulf %mul3A_1497, %slice3A_1496 : vector<16x1280xf32>
    %add3A_1499 = arith.addf %add3A_1490, %mul3A_1498 : vector<16x1280xf32>
    %get3A_1500 = arith.constant 2 : index
    %get3A_1501 = arith.constant 3 : index
    %get3A_1502 = arith.constant 0 : index
    %get3A_1503 = vector.load %arg6[%get3A_1500, %get3A_1501, %get3A_1502] : memref<9x9x1280xf32, #tpu.memory_space<vmem>>, vector<1x1x1280xf32>
    %get3A_1504 = vector.shape_cast %get3A_1503 : vector<1x1x1280xf32> to vector<1x1280xf32>
    %slice3A_1505 = vector.extract_strided_slice %mul3A_1313 {offsets = [48, 0], sizes = [16, 1280], strides = [1, 1]} : vector<144x1280xf32> to vector<16x1280xf32>
    %mul3A_1506 = vector.broadcast %get3A_1504 : vector<1x1280xf32> to vector<16x1280xf32>
    %mul3A_1507 = arith.mulf %mul3A_1506, %slice3A_1505 : vector<16x1280xf32>
    %add3A_1508 = arith.addf %add3A_1499, %mul3A_1507 : vector<16x1280xf32>
    %get3A_1509 = arith.constant 2 : index
    %get3A_1510 = arith.constant 4 : index
    %get3A_1511 = arith.constant 0 : index
    %get3A_1512 = vector.load %arg6[%get3A_1509, %get3A_1510, %get3A_1511] : memref<9x9x1280xf32, #tpu.memory_space<vmem>>, vector<1x1x1280xf32>
    %get3A_1513 = vector.shape_cast %get3A_1512 : vector<1x1x1280xf32> to vector<1x1280xf32>
    %slice3A_1514 = vector.extract_strided_slice %mul3A_1313 {offsets = [64, 0], sizes = [16, 1280], strides = [1, 1]} : vector<144x1280xf32> to vector<16x1280xf32>
    %mul3A_1515 = vector.broadcast %get3A_1513 : vector<1x1280xf32> to vector<16x1280xf32>
    %mul3A_1516 = arith.mulf %mul3A_1515, %slice3A_1514 : vector<16x1280xf32>
    %add3A_1517 = arith.addf %add3A_1508, %mul3A_1516 : vector<16x1280xf32>
    %get3A_1518 = arith.constant 2 : index
    %get3A_1519 = arith.constant 5 : index
    %get3A_1520 = arith.constant 0 : index
    %get3A_1521 = vector.load %arg6[%get3A_1518, %get3A_1519, %get3A_1520] : memref<9x9x1280xf32, #tpu.memory_space<vmem>>, vector<1x1x1280xf32>
    %get3A_1522 = vector.shape_cast %get3A_1521 : vector<1x1x1280xf32> to vector<1x1280xf32>
    %slice3A_1523 = vector.extract_strided_slice %mul3A_1313 {offsets = [80, 0], sizes = [16, 1280], strides = [1, 1]} : vector<144x1280xf32> to vector<16x1280xf32>
    %mul3A_1524 = vector.broadcast %get3A_1522 : vector<1x1280xf32> to vector<16x1280xf32>
    %mul3A_1525 = arith.mulf %mul3A_1524, %slice3A_1523 : vector<16x1280xf32>
    %add3A_1526 = arith.addf %add3A_1517, %mul3A_1525 : vector<16x1280xf32>
    %get3A_1527 = arith.constant 2 : index
    %get3A_1528 = arith.constant 6 : index
    %get3A_1529 = arith.constant 0 : index
    %get3A_1530 = vector.load %arg6[%get3A_1527, %get3A_1528, %get3A_1529] : memref<9x9x1280xf32, #tpu.memory_space<vmem>>, vector<1x1x1280xf32>
    %get3A_1531 = vector.shape_cast %get3A_1530 : vector<1x1x1280xf32> to vector<1x1280xf32>
    %slice3A_1532 = vector.extract_strided_slice %mul3A_1313 {offsets = [96, 0], sizes = [16, 1280], strides = [1, 1]} : vector<144x1280xf32> to vector<16x1280xf32>
    %mul3A_1533 = vector.broadcast %get3A_1531 : vector<1x1280xf32> to vector<16x1280xf32>
    %mul3A_1534 = arith.mulf %mul3A_1533, %slice3A_1532 : vector<16x1280xf32>
    %add3A_1535 = arith.addf %add3A_1526, %mul3A_1534 : vector<16x1280xf32>
    %get3A_1536 = arith.constant 2 : index
    %get3A_1537 = arith.constant 7 : index
    %get3A_1538 = arith.constant 0 : index
    %get3A_1539 = vector.load %arg6[%get3A_1536, %get3A_1537, %get3A_1538] : memref<9x9x1280xf32, #tpu.memory_space<vmem>>, vector<1x1x1280xf32>
    %get3A_1540 = vector.shape_cast %get3A_1539 : vector<1x1x1280xf32> to vector<1x1280xf32>
    %slice3A_1541 = vector.extract_strided_slice %mul3A_1313 {offsets = [112, 0], sizes = [16, 1280], strides = [1, 1]} : vector<144x1280xf32> to vector<16x1280xf32>
    %mul3A_1542 = vector.broadcast %get3A_1540 : vector<1x1280xf32> to vector<16x1280xf32>
    %mul3A_1543 = arith.mulf %mul3A_1542, %slice3A_1541 : vector<16x1280xf32>
    %add3A_1544 = arith.addf %add3A_1535, %mul3A_1543 : vector<16x1280xf32>
    %get3A_1545 = arith.constant 2 : index
    %get3A_1546 = arith.constant 8 : index
    %get3A_1547 = arith.constant 0 : index
    %get3A_1548 = vector.load %arg6[%get3A_1545, %get3A_1546, %get3A_1547] : memref<9x9x1280xf32, #tpu.memory_space<vmem>>, vector<1x1x1280xf32>
    %get3A_1549 = vector.shape_cast %get3A_1548 : vector<1x1x1280xf32> to vector<1x1280xf32>
    %slice3A_1550 = vector.extract_strided_slice %mul3A_1313 {offsets = [128, 0], sizes = [16, 1280], strides = [1, 1]} : vector<144x1280xf32> to vector<16x1280xf32>
    %mul3A_1551 = vector.broadcast %get3A_1549 : vector<1x1280xf32> to vector<16x1280xf32>
    %mul3A_1552 = arith.mulf %mul3A_1551, %slice3A_1550 : vector<16x1280xf32>
    %add3A_1553 = arith.addf %add3A_1544, %mul3A_1552 : vector<16x1280xf32>
    %get3A_1554 = arith.constant 3 : index
    %get3A_1555 = arith.constant 0 : index
    %get3A_1556 = arith.constant 0 : index
    %get3A_1557 = vector.load %arg6[%get3A_1554, %get3A_1555, %get3A_1556] : memref<9x9x1280xf32, #tpu.memory_space<vmem>>, vector<1x1x1280xf32>
    %get3A_1558 = vector.shape_cast %get3A_1557 : vector<1x1x1280xf32> to vector<1x1280xf32>
    %slice3A_1559 = vector.extract_strided_slice %mul3A_1313 {offsets = [0, 0], sizes = [16, 1280], strides = [1, 1]} : vector<144x1280xf32> to vector<16x1280xf32>
    %mul3A_1560 = vector.broadcast %get3A_1558 : vector<1x1280xf32> to vector<16x1280xf32>
    %mul3A_1561 = arith.mulf %mul3A_1560, %slice3A_1559 : vector<16x1280xf32>
    %get3A_1562 = arith.constant 3 : index
    %get3A_1563 = arith.constant 1 : index
    %get3A_1564 = arith.constant 0 : index
    %get3A_1565 = vector.load %arg6[%get3A_1562, %get3A_1563, %get3A_1564] : memref<9x9x1280xf32, #tpu.memory_space<vmem>>, vector<1x1x1280xf32>
    %get3A_1566 = vector.shape_cast %get3A_1565 : vector<1x1x1280xf32> to vector<1x1280xf32>
    %slice3A_1567 = vector.extract_strided_slice %mul3A_1313 {offsets = [16, 0], sizes = [16, 1280], strides = [1, 1]} : vector<144x1280xf32> to vector<16x1280xf32>
    %mul3A_1568 = vector.broadcast %get3A_1566 : vector<1x1280xf32> to vector<16x1280xf32>
    %mul3A_1569 = arith.mulf %mul3A_1568, %slice3A_1567 : vector<16x1280xf32>
    %add3A_1570 = arith.addf %mul3A_1561, %mul3A_1569 : vector<16x1280xf32>
    %get3A_1571 = arith.constant 3 : index
    %get3A_1572 = arith.constant 2 : index
    %get3A_1573 = arith.constant 0 : index
    %get3A_1574 = vector.load %arg6[%get3A_1571, %get3A_1572, %get3A_1573] : memref<9x9x1280xf32, #tpu.memory_space<vmem>>, vector<1x1x1280xf32>
    %get3A_1575 = vector.shape_cast %get3A_1574 : vector<1x1x1280xf32> to vector<1x1280xf32>
    %slice3A_1576 = vector.extract_strided_slice %mul3A_1313 {offsets = [32, 0], sizes = [16, 1280], strides = [1, 1]} : vector<144x1280xf32> to vector<16x1280xf32>
    %mul3A_1577 = vector.broadcast %get3A_1575 : vector<1x1280xf32> to vector<16x1280xf32>
    %mul3A_1578 = arith.mulf %mul3A_1577, %slice3A_1576 : vector<16x1280xf32>
    %add3A_1579 = arith.addf %add3A_1570, %mul3A_1578 : vector<16x1280xf32>
    %get3A_1580 = arith.constant 3 : index
    %get3A_1581 = arith.constant 3 : index
    %get3A_1582 = arith.constant 0 : index
    %get3A_1583 = vector.load %arg6[%get3A_1580, %get3A_1581, %get3A_1582] : memref<9x9x1280xf32, #tpu.memory_space<vmem>>, vector<1x1x1280xf32>
    %get3A_1584 = vector.shape_cast %get3A_1583 : vector<1x1x1280xf32> to vector<1x1280xf32>
    %slice3A_1585 = vector.extract_strided_slice %mul3A_1313 {offsets = [48, 0], sizes = [16, 1280], strides = [1, 1]} : vector<144x1280xf32> to vector<16x1280xf32>
    %mul3A_1586 = vector.broadcast %get3A_1584 : vector<1x1280xf32> to vector<16x1280xf32>
    %mul3A_1587 = arith.mulf %mul3A_1586, %slice3A_1585 : vector<16x1280xf32>
    %add3A_1588 = arith.addf %add3A_1579, %mul3A_1587 : vector<16x1280xf32>
    %get3A_1589 = arith.constant 3 : index
    %get3A_1590 = arith.constant 4 : index
    %get3A_1591 = arith.constant 0 : index
    %get3A_1592 = vector.load %arg6[%get3A_1589, %get3A_1590, %get3A_1591] : memref<9x9x1280xf32, #tpu.memory_space<vmem>>, vector<1x1x1280xf32>
    %get3A_1593 = vector.shape_cast %get3A_1592 : vector<1x1x1280xf32> to vector<1x1280xf32>
    %slice3A_1594 = vector.extract_strided_slice %mul3A_1313 {offsets = [64, 0], sizes = [16, 1280], strides = [1, 1]} : vector<144x1280xf32> to vector<16x1280xf32>
    %mul3A_1595 = vector.broadcast %get3A_1593 : vector<1x1280xf32> to vector<16x1280xf32>
    %mul3A_1596 = arith.mulf %mul3A_1595, %slice3A_1594 : vector<16x1280xf32>
    %add3A_1597 = arith.addf %add3A_1588, %mul3A_1596 : vector<16x1280xf32>
    %get3A_1598 = arith.constant 3 : index
    %get3A_1599 = arith.constant 5 : index
    %get3A_1600 = arith.constant 0 : index
    %get3A_1601 = vector.load %arg6[%get3A_1598, %get3A_1599, %get3A_1600] : memref<9x9x1280xf32, #tpu.memory_space<vmem>>, vector<1x1x1280xf32>
    %get3A_1602 = vector.shape_cast %get3A_1601 : vector<1x1x1280xf32> to vector<1x1280xf32>
    %slice3A_1603 = vector.extract_strided_slice %mul3A_1313 {offsets = [80, 0], sizes = [16, 1280], strides = [1, 1]} : vector<144x1280xf32> to vector<16x1280xf32>
    %mul3A_1604 = vector.broadcast %get3A_1602 : vector<1x1280xf32> to vector<16x1280xf32>
    %mul3A_1605 = arith.mulf %mul3A_1604, %slice3A_1603 : vector<16x1280xf32>
    %add3A_1606 = arith.addf %add3A_1597, %mul3A_1605 : vector<16x1280xf32>
    %get3A_1607 = arith.constant 3 : index
    %get3A_1608 = arith.constant 6 : index
    %get3A_1609 = arith.constant 0 : index
    %get3A_1610 = vector.load %arg6[%get3A_1607, %get3A_1608, %get3A_1609] : memref<9x9x1280xf32, #tpu.memory_space<vmem>>, vector<1x1x1280xf32>
    %get3A_1611 = vector.shape_cast %get3A_1610 : vector<1x1x1280xf32> to vector<1x1280xf32>
    %slice3A_1612 = vector.extract_strided_slice %mul3A_1313 {offsets = [96, 0], sizes = [16, 1280], strides = [1, 1]} : vector<144x1280xf32> to vector<16x1280xf32>
    %mul3A_1613 = vector.broadcast %get3A_1611 : vector<1x1280xf32> to vector<16x1280xf32>
    %mul3A_1614 = arith.mulf %mul3A_1613, %slice3A_1612 : vector<16x1280xf32>
    %add3A_1615 = arith.addf %add3A_1606, %mul3A_1614 : vector<16x1280xf32>
    %get3A_1616 = arith.constant 3 : index
    %get3A_1617 = arith.constant 7 : index
    %get3A_1618 = arith.constant 0 : index
    %get3A_1619 = vector.load %arg6[%get3A_1616, %get3A_1617, %get3A_1618] : memref<9x9x1280xf32, #tpu.memory_space<vmem>>, vector<1x1x1280xf32>
    %get3A_1620 = vector.shape_cast %get3A_1619 : vector<1x1x1280xf32> to vector<1x1280xf32>
    %slice3A_1621 = vector.extract_strided_slice %mul3A_1313 {offsets = [112, 0], sizes = [16, 1280], strides = [1, 1]} : vector<144x1280xf32> to vector<16x1280xf32>
    %mul3A_1622 = vector.broadcast %get3A_1620 : vector<1x1280xf32> to vector<16x1280xf32>
    %mul3A_1623 = arith.mulf %mul3A_1622, %slice3A_1621 : vector<16x1280xf32>
    %add3A_1624 = arith.addf %add3A_1615, %mul3A_1623 : vector<16x1280xf32>
    %get3A_1625 = arith.constant 3 : index
    %get3A_1626 = arith.constant 8 : index
    %get3A_1627 = arith.constant 0 : index
    %get3A_1628 = vector.load %arg6[%get3A_1625, %get3A_1626, %get3A_1627] : memref<9x9x1280xf32, #tpu.memory_space<vmem>>, vector<1x1x1280xf32>
    %get3A_1629 = vector.shape_cast %get3A_1628 : vector<1x1x1280xf32> to vector<1x1280xf32>
    %slice3A_1630 = vector.extract_strided_slice %mul3A_1313 {offsets = [128, 0], sizes = [16, 1280], strides = [1, 1]} : vector<144x1280xf32> to vector<16x1280xf32>
    %mul3A_1631 = vector.broadcast %get3A_1629 : vector<1x1280xf32> to vector<16x1280xf32>
    %mul3A_1632 = arith.mulf %mul3A_1631, %slice3A_1630 : vector<16x1280xf32>
    %add3A_1633 = arith.addf %add3A_1624, %mul3A_1632 : vector<16x1280xf32>
    %get3A_1634 = arith.constant 4 : index
    %get3A_1635 = arith.constant 0 : index
    %get3A_1636 = arith.constant 0 : index
    %get3A_1637 = vector.load %arg6[%get3A_1634, %get3A_1635, %get3A_1636] : memref<9x9x1280xf32, #tpu.memory_space<vmem>>, vector<1x1x1280xf32>
    %get3A_1638 = vector.shape_cast %get3A_1637 : vector<1x1x1280xf32> to vector<1x1280xf32>
    %slice3A_1639 = vector.extract_strided_slice %mul3A_1313 {offsets = [0, 0], sizes = [16, 1280], strides = [1, 1]} : vector<144x1280xf32> to vector<16x1280xf32>
    %mul3A_1640 = vector.broadcast %get3A_1638 : vector<1x1280xf32> to vector<16x1280xf32>
    %mul3A_1641 = arith.mulf %mul3A_1640, %slice3A_1639 : vector<16x1280xf32>
    %get3A_1642 = arith.constant 4 : index
    %get3A_1643 = arith.constant 1 : index
    %get3A_1644 = arith.constant 0 : index
    %get3A_1645 = vector.load %arg6[%get3A_1642, %get3A_1643, %get3A_1644] : memref<9x9x1280xf32, #tpu.memory_space<vmem>>, vector<1x1x1280xf32>
    %get3A_1646 = vector.shape_cast %get3A_1645 : vector<1x1x1280xf32> to vector<1x1280xf32>
    %slice3A_1647 = vector.extract_strided_slice %mul3A_1313 {offsets = [16, 0], sizes = [16, 1280], strides = [1, 1]} : vector<144x1280xf32> to vector<16x1280xf32>
    %mul3A_1648 = vector.broadcast %get3A_1646 : vector<1x1280xf32> to vector<16x1280xf32>
    %mul3A_1649 = arith.mulf %mul3A_1648, %slice3A_1647 : vector<16x1280xf32>
    %add3A_1650 = arith.addf %mul3A_1641, %mul3A_1649 : vector<16x1280xf32>
    %get3A_1651 = arith.constant 4 : index
    %get3A_1652 = arith.constant 2 : index
    %get3A_1653 = arith.constant 0 : index
    %get3A_1654 = vector.load %arg6[%get3A_1651, %get3A_1652, %get3A_1653] : memref<9x9x1280xf32, #tpu.memory_space<vmem>>, vector<1x1x1280xf32>
    %get3A_1655 = vector.shape_cast %get3A_1654 : vector<1x1x1280xf32> to vector<1x1280xf32>
    %slice3A_1656 = vector.extract_strided_slice %mul3A_1313 {offsets = [32, 0], sizes = [16, 1280], strides = [1, 1]} : vector<144x1280xf32> to vector<16x1280xf32>
    %mul3A_1657 = vector.broadcast %get3A_1655 : vector<1x1280xf32> to vector<16x1280xf32>
    %mul3A_1658 = arith.mulf %mul3A_1657, %slice3A_1656 : vector<16x1280xf32>
    %add3A_1659 = arith.addf %add3A_1650, %mul3A_1658 : vector<16x1280xf32>
    %get3A_1660 = arith.constant 4 : index
    %get3A_1661 = arith.constant 3 : index
    %get3A_1662 = arith.constant 0 : index
    %get3A_1663 = vector.load %arg6[%get3A_1660, %get3A_1661, %get3A_1662] : memref<9x9x1280xf32, #tpu.memory_space<vmem>>, vector<1x1x1280xf32>
    %get3A_1664 = vector.shape_cast %get3A_1663 : vector<1x1x1280xf32> to vector<1x1280xf32>
    %slice3A_1665 = vector.extract_strided_slice %mul3A_1313 {offsets = [48, 0], sizes = [16, 1280], strides = [1, 1]} : vector<144x1280xf32> to vector<16x1280xf32>
    %mul3A_1666 = vector.broadcast %get3A_1664 : vector<1x1280xf32> to vector<16x1280xf32>
    %mul3A_1667 = arith.mulf %mul3A_1666, %slice3A_1665 : vector<16x1280xf32>
    %add3A_1668 = arith.addf %add3A_1659, %mul3A_1667 : vector<16x1280xf32>
    %get3A_1669 = arith.constant 4 : index
    %get3A_1670 = arith.constant 4 : index
    %get3A_1671 = arith.constant 0 : index
    %get3A_1672 = vector.load %arg6[%get3A_1669, %get3A_1670, %get3A_1671] : memref<9x9x1280xf32, #tpu.memory_space<vmem>>, vector<1x1x1280xf32>
    %get3A_1673 = vector.shape_cast %get3A_1672 : vector<1x1x1280xf32> to vector<1x1280xf32>
    %slice3A_1674 = vector.extract_strided_slice %mul3A_1313 {offsets = [64, 0], sizes = [16, 1280], strides = [1, 1]} : vector<144x1280xf32> to vector<16x1280xf32>
    %mul3A_1675 = vector.broadcast %get3A_1673 : vector<1x1280xf32> to vector<16x1280xf32>
    %mul3A_1676 = arith.mulf %mul3A_1675, %slice3A_1674 : vector<16x1280xf32>
    %add3A_1677 = arith.addf %add3A_1668, %mul3A_1676 : vector<16x1280xf32>
    %get3A_1678 = arith.constant 4 : index
    %get3A_1679 = arith.constant 5 : index
    %get3A_1680 = arith.constant 0 : index
    %get3A_1681 = vector.load %arg6[%get3A_1678, %get3A_1679, %get3A_1680] : memref<9x9x1280xf32, #tpu.memory_space<vmem>>, vector<1x1x1280xf32>
    %get3A_1682 = vector.shape_cast %get3A_1681 : vector<1x1x1280xf32> to vector<1x1280xf32>
    %slice3A_1683 = vector.extract_strided_slice %mul3A_1313 {offsets = [80, 0], sizes = [16, 1280], strides = [1, 1]} : vector<144x1280xf32> to vector<16x1280xf32>
    %mul3A_1684 = vector.broadcast %get3A_1682 : vector<1x1280xf32> to vector<16x1280xf32>
    %mul3A_1685 = arith.mulf %mul3A_1684, %slice3A_1683 : vector<16x1280xf32>
    %add3A_1686 = arith.addf %add3A_1677, %mul3A_1685 : vector<16x1280xf32>
    %get3A_1687 = arith.constant 4 : index
    %get3A_1688 = arith.constant 6 : index
    %get3A_1689 = arith.constant 0 : index
    %get3A_1690 = vector.load %arg6[%get3A_1687, %get3A_1688, %get3A_1689] : memref<9x9x1280xf32, #tpu.memory_space<vmem>>, vector<1x1x1280xf32>
    %get3A_1691 = vector.shape_cast %get3A_1690 : vector<1x1x1280xf32> to vector<1x1280xf32>
    %slice3A_1692 = vector.extract_strided_slice %mul3A_1313 {offsets = [96, 0], sizes = [16, 1280], strides = [1, 1]} : vector<144x1280xf32> to vector<16x1280xf32>
    %mul3A_1693 = vector.broadcast %get3A_1691 : vector<1x1280xf32> to vector<16x1280xf32>
    %mul3A_1694 = arith.mulf %mul3A_1693, %slice3A_1692 : vector<16x1280xf32>
    %add3A_1695 = arith.addf %add3A_1686, %mul3A_1694 : vector<16x1280xf32>
    %get3A_1696 = arith.constant 4 : index
    %get3A_1697 = arith.constant 7 : index
    %get3A_1698 = arith.constant 0 : index
    %get3A_1699 = vector.load %arg6[%get3A_1696, %get3A_1697, %get3A_1698] : memref<9x9x1280xf32, #tpu.memory_space<vmem>>, vector<1x1x1280xf32>
    %get3A_1700 = vector.shape_cast %get3A_1699 : vector<1x1x1280xf32> to vector<1x1280xf32>
    %slice3A_1701 = vector.extract_strided_slice %mul3A_1313 {offsets = [112, 0], sizes = [16, 1280], strides = [1, 1]} : vector<144x1280xf32> to vector<16x1280xf32>
    %mul3A_1702 = vector.broadcast %get3A_1700 : vector<1x1280xf32> to vector<16x1280xf32>
    %mul3A_1703 = arith.mulf %mul3A_1702, %slice3A_1701 : vector<16x1280xf32>
    %add3A_1704 = arith.addf %add3A_1695, %mul3A_1703 : vector<16x1280xf32>
    %get3A_1705 = arith.constant 4 : index
    %get3A_1706 = arith.constant 8 : index
    %get3A_1707 = arith.constant 0 : index
    %get3A_1708 = vector.load %arg6[%get3A_1705, %get3A_1706, %get3A_1707] : memref<9x9x1280xf32, #tpu.memory_space<vmem>>, vector<1x1x1280xf32>
    %get3A_1709 = vector.shape_cast %get3A_1708 : vector<1x1x1280xf32> to vector<1x1280xf32>
    %slice3A_1710 = vector.extract_strided_slice %mul3A_1313 {offsets = [128, 0], sizes = [16, 1280], strides = [1, 1]} : vector<144x1280xf32> to vector<16x1280xf32>
    %mul3A_1711 = vector.broadcast %get3A_1709 : vector<1x1280xf32> to vector<16x1280xf32>
    %mul3A_1712 = arith.mulf %mul3A_1711, %slice3A_1710 : vector<16x1280xf32>
    %add3A_1713 = arith.addf %add3A_1704, %mul3A_1712 : vector<16x1280xf32>
    %get3A_1714 = arith.constant 5 : index
    %get3A_1715 = arith.constant 0 : index
    %get3A_1716 = arith.constant 0 : index
    %get3A_1717 = vector.load %arg6[%get3A_1714, %get3A_1715, %get3A_1716] : memref<9x9x1280xf32, #tpu.memory_space<vmem>>, vector<1x1x1280xf32>
    %get3A_1718 = vector.shape_cast %get3A_1717 : vector<1x1x1280xf32> to vector<1x1280xf32>
    %slice3A_1719 = vector.extract_strided_slice %mul3A_1313 {offsets = [0, 0], sizes = [16, 1280], strides = [1, 1]} : vector<144x1280xf32> to vector<16x1280xf32>
    %mul3A_1720 = vector.broadcast %get3A_1718 : vector<1x1280xf32> to vector<16x1280xf32>
    %mul3A_1721 = arith.mulf %mul3A_1720, %slice3A_1719 : vector<16x1280xf32>
    %get3A_1722 = arith.constant 5 : index
    %get3A_1723 = arith.constant 1 : index
    %get3A_1724 = arith.constant 0 : index
    %get3A_1725 = vector.load %arg6[%get3A_1722, %get3A_1723, %get3A_1724] : memref<9x9x1280xf32, #tpu.memory_space<vmem>>, vector<1x1x1280xf32>
    %get3A_1726 = vector.shape_cast %get3A_1725 : vector<1x1x1280xf32> to vector<1x1280xf32>
    %slice3A_1727 = vector.extract_strided_slice %mul3A_1313 {offsets = [16, 0], sizes = [16, 1280], strides = [1, 1]} : vector<144x1280xf32> to vector<16x1280xf32>
    %mul3A_1728 = vector.broadcast %get3A_1726 : vector<1x1280xf32> to vector<16x1280xf32>
    %mul3A_1729 = arith.mulf %mul3A_1728, %slice3A_1727 : vector<16x1280xf32>
    %add3A_1730 = arith.addf %mul3A_1721, %mul3A_1729 : vector<16x1280xf32>
    %get3A_1731 = arith.constant 5 : index
    %get3A_1732 = arith.constant 2 : index
    %get3A_1733 = arith.constant 0 : index
    %get3A_1734 = vector.load %arg6[%get3A_1731, %get3A_1732, %get3A_1733] : memref<9x9x1280xf32, #tpu.memory_space<vmem>>, vector<1x1x1280xf32>
    %get3A_1735 = vector.shape_cast %get3A_1734 : vector<1x1x1280xf32> to vector<1x1280xf32>
    %slice3A_1736 = vector.extract_strided_slice %mul3A_1313 {offsets = [32, 0], sizes = [16, 1280], strides = [1, 1]} : vector<144x1280xf32> to vector<16x1280xf32>
    %mul3A_1737 = vector.broadcast %get3A_1735 : vector<1x1280xf32> to vector<16x1280xf32>
    %mul3A_1738 = arith.mulf %mul3A_1737, %slice3A_1736 : vector<16x1280xf32>
    %add3A_1739 = arith.addf %add3A_1730, %mul3A_1738 : vector<16x1280xf32>
    %get3A_1740 = arith.constant 5 : index
    %get3A_1741 = arith.constant 3 : index
    %get3A_1742 = arith.constant 0 : index
    %get3A_1743 = vector.load %arg6[%get3A_1740, %get3A_1741, %get3A_1742] : memref<9x9x1280xf32, #tpu.memory_space<vmem>>, vector<1x1x1280xf32>
    %get3A_1744 = vector.shape_cast %get3A_1743 : vector<1x1x1280xf32> to vector<1x1280xf32>
    %slice3A_1745 = vector.extract_strided_slice %mul3A_1313 {offsets = [48, 0], sizes = [16, 1280], strides = [1, 1]} : vector<144x1280xf32> to vector<16x1280xf32>
    %mul3A_1746 = vector.broadcast %get3A_1744 : vector<1x1280xf32> to vector<16x1280xf32>
    %mul3A_1747 = arith.mulf %mul3A_1746, %slice3A_1745 : vector<16x1280xf32>
    %add3A_1748 = arith.addf %add3A_1739, %mul3A_1747 : vector<16x1280xf32>
    %get3A_1749 = arith.constant 5 : index
    %get3A_1750 = arith.constant 4 : index
    %get3A_1751 = arith.constant 0 : index
    %get3A_1752 = vector.load %arg6[%get3A_1749, %get3A_1750, %get3A_1751] : memref<9x9x1280xf32, #tpu.memory_space<vmem>>, vector<1x1x1280xf32>
    %get3A_1753 = vector.shape_cast %get3A_1752 : vector<1x1x1280xf32> to vector<1x1280xf32>
    %slice3A_1754 = vector.extract_strided_slice %mul3A_1313 {offsets = [64, 0], sizes = [16, 1280], strides = [1, 1]} : vector<144x1280xf32> to vector<16x1280xf32>
    %mul3A_1755 = vector.broadcast %get3A_1753 : vector<1x1280xf32> to vector<16x1280xf32>
    %mul3A_1756 = arith.mulf %mul3A_1755, %slice3A_1754 : vector<16x1280xf32>
    %add3A_1757 = arith.addf %add3A_1748, %mul3A_1756 : vector<16x1280xf32>
    %get3A_1758 = arith.constant 5 : index
    %get3A_1759 = arith.constant 5 : index
    %get3A_1760 = arith.constant 0 : index
    %get3A_1761 = vector.load %arg6[%get3A_1758, %get3A_1759, %get3A_1760] : memref<9x9x1280xf32, #tpu.memory_space<vmem>>, vector<1x1x1280xf32>
    %get3A_1762 = vector.shape_cast %get3A_1761 : vector<1x1x1280xf32> to vector<1x1280xf32>
    %slice3A_1763 = vector.extract_strided_slice %mul3A_1313 {offsets = [80, 0], sizes = [16, 1280], strides = [1, 1]} : vector<144x1280xf32> to vector<16x1280xf32>
    %mul3A_1764 = vector.broadcast %get3A_1762 : vector<1x1280xf32> to vector<16x1280xf32>
    %mul3A_1765 = arith.mulf %mul3A_1764, %slice3A_1763 : vector<16x1280xf32>
    %add3A_1766 = arith.addf %add3A_1757, %mul3A_1765 : vector<16x1280xf32>
    %get3A_1767 = arith.constant 5 : index
    %get3A_1768 = arith.constant 6 : index
    %get3A_1769 = arith.constant 0 : index
    %get3A_1770 = vector.load %arg6[%get3A_1767, %get3A_1768, %get3A_1769] : memref<9x9x1280xf32, #tpu.memory_space<vmem>>, vector<1x1x1280xf32>
    %get3A_1771 = vector.shape_cast %get3A_1770 : vector<1x1x1280xf32> to vector<1x1280xf32>
    %slice3A_1772 = vector.extract_strided_slice %mul3A_1313 {offsets = [96, 0], sizes = [16, 1280], strides = [1, 1]} : vector<144x1280xf32> to vector<16x1280xf32>
    %mul3A_1773 = vector.broadcast %get3A_1771 : vector<1x1280xf32> to vector<16x1280xf32>
    %mul3A_1774 = arith.mulf %mul3A_1773, %slice3A_1772 : vector<16x1280xf32>
    %add3A_1775 = arith.addf %add3A_1766, %mul3A_1774 : vector<16x1280xf32>
    %get3A_1776 = arith.constant 5 : index
    %get3A_1777 = arith.constant 7 : index
    %get3A_1778 = arith.constant 0 : index
    %get3A_1779 = vector.load %arg6[%get3A_1776, %get3A_1777, %get3A_1778] : memref<9x9x1280xf32, #tpu.memory_space<vmem>>, vector<1x1x1280xf32>
    %get3A_1780 = vector.shape_cast %get3A_1779 : vector<1x1x1280xf32> to vector<1x1280xf32>
    %slice3A_1781 = vector.extract_strided_slice %mul3A_1313 {offsets = [112, 0], sizes = [16, 1280], strides = [1, 1]} : vector<144x1280xf32> to vector<16x1280xf32>
    %mul3A_1782 = vector.broadcast %get3A_1780 : vector<1x1280xf32> to vector<16x1280xf32>
    %mul3A_1783 = arith.mulf %mul3A_1782, %slice3A_1781 : vector<16x1280xf32>
    %add3A_1784 = arith.addf %add3A_1775, %mul3A_1783 : vector<16x1280xf32>
    %get3A_1785 = arith.constant 5 : index
    %get3A_1786 = arith.constant 8 : index
    %get3A_1787 = arith.constant 0 : index
    %get3A_1788 = vector.load %arg6[%get3A_1785, %get3A_1786, %get3A_1787] : memref<9x9x1280xf32, #tpu.memory_space<vmem>>, vector<1x1x1280xf32>
    %get3A_1789 = vector.shape_cast %get3A_1788 : vector<1x1x1280xf32> to vector<1x1280xf32>
    %slice3A_1790 = vector.extract_strided_slice %mul3A_1313 {offsets = [128, 0], sizes = [16, 1280], strides = [1, 1]} : vector<144x1280xf32> to vector<16x1280xf32>
    %mul3A_1791 = vector.broadcast %get3A_1789 : vector<1x1280xf32> to vector<16x1280xf32>
    %mul3A_1792 = arith.mulf %mul3A_1791, %slice3A_1790 : vector<16x1280xf32>
    %add3A_1793 = arith.addf %add3A_1784, %mul3A_1792 : vector<16x1280xf32>
    %get3A_1794 = arith.constant 6 : index
    %get3A_1795 = arith.constant 0 : index
    %get3A_1796 = arith.constant 0 : index
    %get3A_1797 = vector.load %arg6[%get3A_1794, %get3A_1795, %get3A_1796] : memref<9x9x1280xf32, #tpu.memory_space<vmem>>, vector<1x1x1280xf32>
    %get3A_1798 = vector.shape_cast %get3A_1797 : vector<1x1x1280xf32> to vector<1x1280xf32>
    %slice3A_1799 = vector.extract_strided_slice %mul3A_1313 {offsets = [0, 0], sizes = [16, 1280], strides = [1, 1]} : vector<144x1280xf32> to vector<16x1280xf32>
    %mul3A_1800 = vector.broadcast %get3A_1798 : vector<1x1280xf32> to vector<16x1280xf32>
    %mul3A_1801 = arith.mulf %mul3A_1800, %slice3A_1799 : vector<16x1280xf32>
    %get3A_1802 = arith.constant 6 : index
    %get3A_1803 = arith.constant 1 : index
    %get3A_1804 = arith.constant 0 : index
    %get3A_1805 = vector.load %arg6[%get3A_1802, %get3A_1803, %get3A_1804] : memref<9x9x1280xf32, #tpu.memory_space<vmem>>, vector<1x1x1280xf32>
    %get3A_1806 = vector.shape_cast %get3A_1805 : vector<1x1x1280xf32> to vector<1x1280xf32>
    %slice3A_1807 = vector.extract_strided_slice %mul3A_1313 {offsets = [16, 0], sizes = [16, 1280], strides = [1, 1]} : vector<144x1280xf32> to vector<16x1280xf32>
    %mul3A_1808 = vector.broadcast %get3A_1806 : vector<1x1280xf32> to vector<16x1280xf32>
    %mul3A_1809 = arith.mulf %mul3A_1808, %slice3A_1807 : vector<16x1280xf32>
    %add3A_1810 = arith.addf %mul3A_1801, %mul3A_1809 : vector<16x1280xf32>
    %get3A_1811 = arith.constant 6 : index
    %get3A_1812 = arith.constant 2 : index
    %get3A_1813 = arith.constant 0 : index
    %get3A_1814 = vector.load %arg6[%get3A_1811, %get3A_1812, %get3A_1813] : memref<9x9x1280xf32, #tpu.memory_space<vmem>>, vector<1x1x1280xf32>
    %get3A_1815 = vector.shape_cast %get3A_1814 : vector<1x1x1280xf32> to vector<1x1280xf32>
    %slice3A_1816 = vector.extract_strided_slice %mul3A_1313 {offsets = [32, 0], sizes = [16, 1280], strides = [1, 1]} : vector<144x1280xf32> to vector<16x1280xf32>
    %mul3A_1817 = vector.broadcast %get3A_1815 : vector<1x1280xf32> to vector<16x1280xf32>
    %mul3A_1818 = arith.mulf %mul3A_1817, %slice3A_1816 : vector<16x1280xf32>
    %add3A_1819 = arith.addf %add3A_1810, %mul3A_1818 : vector<16x1280xf32>
    %get3A_1820 = arith.constant 6 : index
    %get3A_1821 = arith.constant 3 : index
    %get3A_1822 = arith.constant 0 : index
    %get3A_1823 = vector.load %arg6[%get3A_1820, %get3A_1821, %get3A_1822] : memref<9x9x1280xf32, #tpu.memory_space<vmem>>, vector<1x1x1280xf32>
    %get3A_1824 = vector.shape_cast %get3A_1823 : vector<1x1x1280xf32> to vector<1x1280xf32>
    %slice3A_1825 = vector.extract_strided_slice %mul3A_1313 {offsets = [48, 0], sizes = [16, 1280], strides = [1, 1]} : vector<144x1280xf32> to vector<16x1280xf32>
    %mul3A_1826 = vector.broadcast %get3A_1824 : vector<1x1280xf32> to vector<16x1280xf32>
    %mul3A_1827 = arith.mulf %mul3A_1826, %slice3A_1825 : vector<16x1280xf32>
    %add3A_1828 = arith.addf %add3A_1819, %mul3A_1827 : vector<16x1280xf32>
    %get3A_1829 = arith.constant 6 : index
    %get3A_1830 = arith.constant 4 : index
    %get3A_1831 = arith.constant 0 : index
    %get3A_1832 = vector.load %arg6[%get3A_1829, %get3A_1830, %get3A_1831] : memref<9x9x1280xf32, #tpu.memory_space<vmem>>, vector<1x1x1280xf32>
    %get3A_1833 = vector.shape_cast %get3A_1832 : vector<1x1x1280xf32> to vector<1x1280xf32>
    %slice3A_1834 = vector.extract_strided_slice %mul3A_1313 {offsets = [64, 0], sizes = [16, 1280], strides = [1, 1]} : vector<144x1280xf32> to vector<16x1280xf32>
    %mul3A_1835 = vector.broadcast %get3A_1833 : vector<1x1280xf32> to vector<16x1280xf32>
    %mul3A_1836 = arith.mulf %mul3A_1835, %slice3A_1834 : vector<16x1280xf32>
    %add3A_1837 = arith.addf %add3A_1828, %mul3A_1836 : vector<16x1280xf32>
    %get3A_1838 = arith.constant 6 : index
    %get3A_1839 = arith.constant 5 : index
    %get3A_1840 = arith.constant 0 : index
    %get3A_1841 = vector.load %arg6[%get3A_1838, %get3A_1839, %get3A_1840] : memref<9x9x1280xf32, #tpu.memory_space<vmem>>, vector<1x1x1280xf32>
    %get3A_1842 = vector.shape_cast %get3A_1841 : vector<1x1x1280xf32> to vector<1x1280xf32>
    %slice3A_1843 = vector.extract_strided_slice %mul3A_1313 {offsets = [80, 0], sizes = [16, 1280], strides = [1, 1]} : vector<144x1280xf32> to vector<16x1280xf32>
    %mul3A_1844 = vector.broadcast %get3A_1842 : vector<1x1280xf32> to vector<16x1280xf32>
    %mul3A_1845 = arith.mulf %mul3A_1844, %slice3A_1843 : vector<16x1280xf32>
    %add3A_1846 = arith.addf %add3A_1837, %mul3A_1845 : vector<16x1280xf32>
    %get3A_1847 = arith.constant 6 : index
    %get3A_1848 = arith.constant 6 : index
    %get3A_1849 = arith.constant 0 : index
    %get3A_1850 = vector.load %arg6[%get3A_1847, %get3A_1848, %get3A_1849] : memref<9x9x1280xf32, #tpu.memory_space<vmem>>, vector<1x1x1280xf32>
    %get3A_1851 = vector.shape_cast %get3A_1850 : vector<1x1x1280xf32> to vector<1x1280xf32>
    %slice3A_1852 = vector.extract_strided_slice %mul3A_1313 {offsets = [96, 0], sizes = [16, 1280], strides = [1, 1]} : vector<144x1280xf32> to vector<16x1280xf32>
    %mul3A_1853 = vector.broadcast %get3A_1851 : vector<1x1280xf32> to vector<16x1280xf32>
    %mul3A_1854 = arith.mulf %mul3A_1853, %slice3A_1852 : vector<16x1280xf32>
    %add3A_1855 = arith.addf %add3A_1846, %mul3A_1854 : vector<16x1280xf32>
    %get3A_1856 = arith.constant 6 : index
    %get3A_1857 = arith.constant 7 : index
    %get3A_1858 = arith.constant 0 : index
    %get3A_1859 = vector.load %arg6[%get3A_1856, %get3A_1857, %get3A_1858] : memref<9x9x1280xf32, #tpu.memory_space<vmem>>, vector<1x1x1280xf32>
    %get3A_1860 = vector.shape_cast %get3A_1859 : vector<1x1x1280xf32> to vector<1x1280xf32>
    %slice3A_1861 = vector.extract_strided_slice %mul3A_1313 {offsets = [112, 0], sizes = [16, 1280], strides = [1, 1]} : vector<144x1280xf32> to vector<16x1280xf32>
    %mul3A_1862 = vector.broadcast %get3A_1860 : vector<1x1280xf32> to vector<16x1280xf32>
    %mul3A_1863 = arith.mulf %mul3A_1862, %slice3A_1861 : vector<16x1280xf32>
    %add3A_1864 = arith.addf %add3A_1855, %mul3A_1863 : vector<16x1280xf32>
    %get3A_1865 = arith.constant 6 : index
    %get3A_1866 = arith.constant 8 : index
    %get3A_1867 = arith.constant 0 : index
    %get3A_1868 = vector.load %arg6[%get3A_1865, %get3A_1866, %get3A_1867] : memref<9x9x1280xf32, #tpu.memory_space<vmem>>, vector<1x1x1280xf32>
    %get3A_1869 = vector.shape_cast %get3A_1868 : vector<1x1x1280xf32> to vector<1x1280xf32>
    %slice3A_1870 = vector.extract_strided_slice %mul3A_1313 {offsets = [128, 0], sizes = [16, 1280], strides = [1, 1]} : vector<144x1280xf32> to vector<16x1280xf32>
    %mul3A_1871 = vector.broadcast %get3A_1869 : vector<1x1280xf32> to vector<16x1280xf32>
    %mul3A_1872 = arith.mulf %mul3A_1871, %slice3A_1870 : vector<16x1280xf32>
    %add3A_1873 = arith.addf %add3A_1864, %mul3A_1872 : vector<16x1280xf32>
    %get3A_1874 = arith.constant 7 : index
    %get3A_1875 = arith.constant 0 : index
    %get3A_1876 = arith.constant 0 : index
    %get3A_1877 = vector.load %arg6[%get3A_1874, %get3A_1875, %get3A_1876] : memref<9x9x1280xf32, #tpu.memory_space<vmem>>, vector<1x1x1280xf32>
    %get3A_1878 = vector.shape_cast %get3A_1877 : vector<1x1x1280xf32> to vector<1x1280xf32>
    %slice3A_1879 = vector.extract_strided_slice %mul3A_1313 {offsets = [0, 0], sizes = [16, 1280], strides = [1, 1]} : vector<144x1280xf32> to vector<16x1280xf32>
    %mul3A_1880 = vector.broadcast %get3A_1878 : vector<1x1280xf32> to vector<16x1280xf32>
    %mul3A_1881 = arith.mulf %mul3A_1880, %slice3A_1879 : vector<16x1280xf32>
    %get3A_1882 = arith.constant 7 : index
    %get3A_1883 = arith.constant 1 : index
    %get3A_1884 = arith.constant 0 : index
    %get3A_1885 = vector.load %arg6[%get3A_1882, %get3A_1883, %get3A_1884] : memref<9x9x1280xf32, #tpu.memory_space<vmem>>, vector<1x1x1280xf32>
    %get3A_1886 = vector.shape_cast %get3A_1885 : vector<1x1x1280xf32> to vector<1x1280xf32>
    %slice3A_1887 = vector.extract_strided_slice %mul3A_1313 {offsets = [16, 0], sizes = [16, 1280], strides = [1, 1]} : vector<144x1280xf32> to vector<16x1280xf32>
    %mul3A_1888 = vector.broadcast %get3A_1886 : vector<1x1280xf32> to vector<16x1280xf32>
    %mul3A_1889 = arith.mulf %mul3A_1888, %slice3A_1887 : vector<16x1280xf32>
    %add3A_1890 = arith.addf %mul3A_1881, %mul3A_1889 : vector<16x1280xf32>
    %get3A_1891 = arith.constant 7 : index
    %get3A_1892 = arith.constant 2 : index
    %get3A_1893 = arith.constant 0 : index
    %get3A_1894 = vector.load %arg6[%get3A_1891, %get3A_1892, %get3A_1893] : memref<9x9x1280xf32, #tpu.memory_space<vmem>>, vector<1x1x1280xf32>
    %get3A_1895 = vector.shape_cast %get3A_1894 : vector<1x1x1280xf32> to vector<1x1280xf32>
    %slice3A_1896 = vector.extract_strided_slice %mul3A_1313 {offsets = [32, 0], sizes = [16, 1280], strides = [1, 1]} : vector<144x1280xf32> to vector<16x1280xf32>
    %mul3A_1897 = vector.broadcast %get3A_1895 : vector<1x1280xf32> to vector<16x1280xf32>
    %mul3A_1898 = arith.mulf %mul3A_1897, %slice3A_1896 : vector<16x1280xf32>
    %add3A_1899 = arith.addf %add3A_1890, %mul3A_1898 : vector<16x1280xf32>
    %get3A_1900 = arith.constant 7 : index
    %get3A_1901 = arith.constant 3 : index
    %get3A_1902 = arith.constant 0 : index
    %get3A_1903 = vector.load %arg6[%get3A_1900, %get3A_1901, %get3A_1902] : memref<9x9x1280xf32, #tpu.memory_space<vmem>>, vector<1x1x1280xf32>
    %get3A_1904 = vector.shape_cast %get3A_1903 : vector<1x1x1280xf32> to vector<1x1280xf32>
    %slice3A_1905 = vector.extract_strided_slice %mul3A_1313 {offsets = [48, 0], sizes = [16, 1280], strides = [1, 1]} : vector<144x1280xf32> to vector<16x1280xf32>
    %mul3A_1906 = vector.broadcast %get3A_1904 : vector<1x1280xf32> to vector<16x1280xf32>
    %mul3A_1907 = arith.mulf %mul3A_1906, %slice3A_1905 : vector<16x1280xf32>
    %add3A_1908 = arith.addf %add3A_1899, %mul3A_1907 : vector<16x1280xf32>
    %get3A_1909 = arith.constant 7 : index
    %get3A_1910 = arith.constant 4 : index
    %get3A_1911 = arith.constant 0 : index
    %get3A_1912 = vector.load %arg6[%get3A_1909, %get3A_1910, %get3A_1911] : memref<9x9x1280xf32, #tpu.memory_space<vmem>>, vector<1x1x1280xf32>
    %get3A_1913 = vector.shape_cast %get3A_1912 : vector<1x1x1280xf32> to vector<1x1280xf32>
    %slice3A_1914 = vector.extract_strided_slice %mul3A_1313 {offsets = [64, 0], sizes = [16, 1280], strides = [1, 1]} : vector<144x1280xf32> to vector<16x1280xf32>
    %mul3A_1915 = vector.broadcast %get3A_1913 : vector<1x1280xf32> to vector<16x1280xf32>
    %mul3A_1916 = arith.mulf %mul3A_1915, %slice3A_1914 : vector<16x1280xf32>
    %add3A_1917 = arith.addf %add3A_1908, %mul3A_1916 : vector<16x1280xf32>
    %get3A_1918 = arith.constant 7 : index
    %get3A_1919 = arith.constant 5 : index
    %get3A_1920 = arith.constant 0 : index
    %get3A_1921 = vector.load %arg6[%get3A_1918, %get3A_1919, %get3A_1920] : memref<9x9x1280xf32, #tpu.memory_space<vmem>>, vector<1x1x1280xf32>
    %get3A_1922 = vector.shape_cast %get3A_1921 : vector<1x1x1280xf32> to vector<1x1280xf32>
    %slice3A_1923 = vector.extract_strided_slice %mul3A_1313 {offsets = [80, 0], sizes = [16, 1280], strides = [1, 1]} : vector<144x1280xf32> to vector<16x1280xf32>
    %mul3A_1924 = vector.broadcast %get3A_1922 : vector<1x1280xf32> to vector<16x1280xf32>
    %mul3A_1925 = arith.mulf %mul3A_1924, %slice3A_1923 : vector<16x1280xf32>
    %add3A_1926 = arith.addf %add3A_1917, %mul3A_1925 : vector<16x1280xf32>
    %get3A_1927 = arith.constant 7 : index
    %get3A_1928 = arith.constant 6 : index
    %get3A_1929 = arith.constant 0 : index
    %get3A_1930 = vector.load %arg6[%get3A_1927, %get3A_1928, %get3A_1929] : memref<9x9x1280xf32, #tpu.memory_space<vmem>>, vector<1x1x1280xf32>
    %get3A_1931 = vector.shape_cast %get3A_1930 : vector<1x1x1280xf32> to vector<1x1280xf32>
    %slice3A_1932 = vector.extract_strided_slice %mul3A_1313 {offsets = [96, 0], sizes = [16, 1280], strides = [1, 1]} : vector<144x1280xf32> to vector<16x1280xf32>
    %mul3A_1933 = vector.broadcast %get3A_1931 : vector<1x1280xf32> to vector<16x1280xf32>
    %mul3A_1934 = arith.mulf %mul3A_1933, %slice3A_1932 : vector<16x1280xf32>
    %add3A_1935 = arith.addf %add3A_1926, %mul3A_1934 : vector<16x1280xf32>
    %get3A_1936 = arith.constant 7 : index
    %get3A_1937 = arith.constant 7 : index
    %get3A_1938 = arith.constant 0 : index
    %get3A_1939 = vector.load %arg6[%get3A_1936, %get3A_1937, %get3A_1938] : memref<9x9x1280xf32, #tpu.memory_space<vmem>>, vector<1x1x1280xf32>
    %get3A_1940 = vector.shape_cast %get3A_1939 : vector<1x1x1280xf32> to vector<1x1280xf32>
    %slice3A_1941 = vector.extract_strided_slice %mul3A_1313 {offsets = [112, 0], sizes = [16, 1280], strides = [1, 1]} : vector<144x1280xf32> to vector<16x1280xf32>
    %mul3A_1942 = vector.broadcast %get3A_1940 : vector<1x1280xf32> to vector<16x1280xf32>
    %mul3A_1943 = arith.mulf %mul3A_1942, %slice3A_1941 : vector<16x1280xf32>
    %add3A_1944 = arith.addf %add3A_1935, %mul3A_1943 : vector<16x1280xf32>
    %get3A_1945 = arith.constant 7 : index
    %get3A_1946 = arith.constant 8 : index
    %get3A_1947 = arith.constant 0 : index
    %get3A_1948 = vector.load %arg6[%get3A_1945, %get3A_1946, %get3A_1947] : memref<9x9x1280xf32, #tpu.memory_space<vmem>>, vector<1x1x1280xf32>
    %get3A_1949 = vector.shape_cast %get3A_1948 : vector<1x1x1280xf32> to vector<1x1280xf32>
    %slice3A_1950 = vector.extract_strided_slice %mul3A_1313 {offsets = [128, 0], sizes = [16, 1280], strides = [1, 1]} : vector<144x1280xf32> to vector<16x1280xf32>
    %mul3A_1951 = vector.broadcast %get3A_1949 : vector<1x1280xf32> to vector<16x1280xf32>
    %mul3A_1952 = arith.mulf %mul3A_1951, %slice3A_1950 : vector<16x1280xf32>
    %add3A_1953 = arith.addf %add3A_1944, %mul3A_1952 : vector<16x1280xf32>
    %get3A_1954 = arith.constant 8 : index
    %get3A_1955 = arith.constant 0 : index
    %get3A_1956 = arith.constant 0 : index
    %get3A_1957 = vector.load %arg6[%get3A_1954, %get3A_1955, %get3A_1956] : memref<9x9x1280xf32, #tpu.memory_space<vmem>>, vector<1x1x1280xf32>
    %get3A_1958 = vector.shape_cast %get3A_1957 : vector<1x1x1280xf32> to vector<1x1280xf32>
    %slice3A_1959 = vector.extract_strided_slice %mul3A_1313 {offsets = [0, 0], sizes = [16, 1280], strides = [1, 1]} : vector<144x1280xf32> to vector<16x1280xf32>
    %mul3A_1960 = vector.broadcast %get3A_1958 : vector<1x1280xf32> to vector<16x1280xf32>
    %mul3A_1961 = arith.mulf %mul3A_1960, %slice3A_1959 : vector<16x1280xf32>
    %get3A_1962 = arith.constant 8 : index
    %get3A_1963 = arith.constant 1 : index
    %get3A_1964 = arith.constant 0 : index
    %get3A_1965 = vector.load %arg6[%get3A_1962, %get3A_1963, %get3A_1964] : memref<9x9x1280xf32, #tpu.memory_space<vmem>>, vector<1x1x1280xf32>
    %get3A_1966 = vector.shape_cast %get3A_1965 : vector<1x1x1280xf32> to vector<1x1280xf32>
    %slice3A_1967 = vector.extract_strided_slice %mul3A_1313 {offsets = [16, 0], sizes = [16, 1280], strides = [1, 1]} : vector<144x1280xf32> to vector<16x1280xf32>
    %mul3A_1968 = vector.broadcast %get3A_1966 : vector<1x1280xf32> to vector<16x1280xf32>
    %mul3A_1969 = arith.mulf %mul3A_1968, %slice3A_1967 : vector<16x1280xf32>
    %add3A_1970 = arith.addf %mul3A_1961, %mul3A_1969 : vector<16x1280xf32>
    %get3A_1971 = arith.constant 8 : index
    %get3A_1972 = arith.constant 2 : index
    %get3A_1973 = arith.constant 0 : index
    %get3A_1974 = vector.load %arg6[%get3A_1971, %get3A_1972, %get3A_1973] : memref<9x9x1280xf32, #tpu.memory_space<vmem>>, vector<1x1x1280xf32>
    %get3A_1975 = vector.shape_cast %get3A_1974 : vector<1x1x1280xf32> to vector<1x1280xf32>
    %slice3A_1976 = vector.extract_strided_slice %mul3A_1313 {offsets = [32, 0], sizes = [16, 1280], strides = [1, 1]} : vector<144x1280xf32> to vector<16x1280xf32>
    %mul3A_1977 = vector.broadcast %get3A_1975 : vector<1x1280xf32> to vector<16x1280xf32>
    %mul3A_1978 = arith.mulf %mul3A_1977, %slice3A_1976 : vector<16x1280xf32>
    %add3A_1979 = arith.addf %add3A_1970, %mul3A_1978 : vector<16x1280xf32>
    %get3A_1980 = arith.constant 8 : index
    %get3A_1981 = arith.constant 3 : index
    %get3A_1982 = arith.constant 0 : index
    %get3A_1983 = vector.load %arg6[%get3A_1980, %get3A_1981, %get3A_1982] : memref<9x9x1280xf32, #tpu.memory_space<vmem>>, vector<1x1x1280xf32>
    %get3A_1984 = vector.shape_cast %get3A_1983 : vector<1x1x1280xf32> to vector<1x1280xf32>
    %slice3A_1985 = vector.extract_strided_slice %mul3A_1313 {offsets = [48, 0], sizes = [16, 1280], strides = [1, 1]} : vector<144x1280xf32> to vector<16x1280xf32>
    %mul3A_1986 = vector.broadcast %get3A_1984 : vector<1x1280xf32> to vector<16x1280xf32>
    %mul3A_1987 = arith.mulf %mul3A_1986, %slice3A_1985 : vector<16x1280xf32>
    %add3A_1988 = arith.addf %add3A_1979, %mul3A_1987 : vector<16x1280xf32>
    %get3A_1989 = arith.constant 8 : index
    %get3A_1990 = arith.constant 4 : index
    %get3A_1991 = arith.constant 0 : index
    %get3A_1992 = vector.load %arg6[%get3A_1989, %get3A_1990, %get3A_1991] : memref<9x9x1280xf32, #tpu.memory_space<vmem>>, vector<1x1x1280xf32>
    %get3A_1993 = vector.shape_cast %get3A_1992 : vector<1x1x1280xf32> to vector<1x1280xf32>
    %slice3A_1994 = vector.extract_strided_slice %mul3A_1313 {offsets = [64, 0], sizes = [16, 1280], strides = [1, 1]} : vector<144x1280xf32> to vector<16x1280xf32>
    %mul3A_1995 = vector.broadcast %get3A_1993 : vector<1x1280xf32> to vector<16x1280xf32>
    %mul3A_1996 = arith.mulf %mul3A_1995, %slice3A_1994 : vector<16x1280xf32>
    %add3A_1997 = arith.addf %add3A_1988, %mul3A_1996 : vector<16x1280xf32>
    %get3A_1998 = arith.constant 8 : index
    %get3A_1999 = arith.constant 5 : index
    %get3A_2000 = arith.constant 0 : index
    %get3A_2001 = vector.load %arg6[%get3A_1998, %get3A_1999, %get3A_2000] : memref<9x9x1280xf32, #tpu.memory_space<vmem>>, vector<1x1x1280xf32>
    %get3A_2002 = vector.shape_cast %get3A_2001 : vector<1x1x1280xf32> to vector<1x1280xf32>
    %slice3A_2003 = vector.extract_strided_slice %mul3A_1313 {offsets = [80, 0], sizes = [16, 1280], strides = [1, 1]} : vector<144x1280xf32> to vector<16x1280xf32>
    %mul3A_2004 = vector.broadcast %get3A_2002 : vector<1x1280xf32> to vector<16x1280xf32>
    %mul3A_2005 = arith.mulf %mul3A_2004, %slice3A_2003 : vector<16x1280xf32>
    %add3A_2006 = arith.addf %add3A_1997, %mul3A_2005 : vector<16x1280xf32>
    %get3A_2007 = arith.constant 8 : index
    %get3A_2008 = arith.constant 6 : index
    %get3A_2009 = arith.constant 0 : index
    %get3A_2010 = vector.load %arg6[%get3A_2007, %get3A_2008, %get3A_2009] : memref<9x9x1280xf32, #tpu.memory_space<vmem>>, vector<1x1x1280xf32>
    %get3A_2011 = vector.shape_cast %get3A_2010 : vector<1x1x1280xf32> to vector<1x1280xf32>
    %slice3A_2012 = vector.extract_strided_slice %mul3A_1313 {offsets = [96, 0], sizes = [16, 1280], strides = [1, 1]} : vector<144x1280xf32> to vector<16x1280xf32>
    %mul3A_2013 = vector.broadcast %get3A_2011 : vector<1x1280xf32> to vector<16x1280xf32>
    %mul3A_2014 = arith.mulf %mul3A_2013, %slice3A_2012 : vector<16x1280xf32>
    %add3A_2015 = arith.addf %add3A_2006, %mul3A_2014 : vector<16x1280xf32>
    %get3A_2016 = arith.constant 8 : index
    %get3A_2017 = arith.constant 7 : index
    %get3A_2018 = arith.constant 0 : index
    %get3A_2019 = vector.load %arg6[%get3A_2016, %get3A_2017, %get3A_2018] : memref<9x9x1280xf32, #tpu.memory_space<vmem>>, vector<1x1x1280xf32>
    %get3A_2020 = vector.shape_cast %get3A_2019 : vector<1x1x1280xf32> to vector<1x1280xf32>
    %slice3A_2021 = vector.extract_strided_slice %mul3A_1313 {offsets = [112, 0], sizes = [16, 1280], strides = [1, 1]} : vector<144x1280xf32> to vector<16x1280xf32>
    %mul3A_2022 = vector.broadcast %get3A_2020 : vector<1x1280xf32> to vector<16x1280xf32>
    %mul3A_2023 = arith.mulf %mul3A_2022, %slice3A_2021 : vector<16x1280xf32>
    %add3A_2024 = arith.addf %add3A_2015, %mul3A_2023 : vector<16x1280xf32>
    %get3A_2025 = arith.constant 8 : index
    %get3A_2026 = arith.constant 8 : index
    %get3A_2027 = arith.constant 0 : index
    %get3A_2028 = vector.load %arg6[%get3A_2025, %get3A_2026, %get3A_2027] : memref<9x9x1280xf32, #tpu.memory_space<vmem>>, vector<1x1x1280xf32>
    %get3A_2029 = vector.shape_cast %get3A_2028 : vector<1x1x1280xf32> to vector<1x1280xf32>
    %slice3A_2030 = vector.extract_strided_slice %mul3A_1313 {offsets = [128, 0], sizes = [16, 1280], strides = [1, 1]} : vector<144x1280xf32> to vector<16x1280xf32>
    %mul3A_2031 = vector.broadcast %get3A_2029 : vector<1x1280xf32> to vector<16x1280xf32>
    %mul3A_2032 = arith.mulf %mul3A_2031, %slice3A_2030 : vector<16x1280xf32>
    %add3A_2033 = arith.addf %add3A_2024, %mul3A_2032 : vector<16x1280xf32>
    %concatenate3A_2034 = tpu.concatenate %add3A_1393, %add3A_1473, %add3A_1553, %add3A_1633, %add3A_1713, %add3A_1793, %add3A_1873, %add3A_1953, %add3A_2033 in 0 : vector<16x1280xf32>, vector<16x1280xf32>, vector<16x1280xf32>, vector<16x1280xf32>, vector<16x1280xf32>, vector<16x1280xf32>, vector<16x1280xf32>, vector<16x1280xf32>, vector<16x1280xf32> -> vector<144x1280xf32>
    %slice3A_2035 = vector.extract_strided_slice %concatenate3A_2034 {offsets = [0, 0], sizes = [128, 1280], strides = [1, 1]} : vector<144x1280xf32> to vector<128x1280xf32>
    %transpose3A_2036 = tpu.transpose %slice3A_2035, [1, 0] : vector<128x1280xf32> -> vector<1280x128xf32>
    %swap3A = arith.constant 0 : index
    %swap3A_2037 = arith.constant 0 : index
    %swap3A_2038 = vector.load %arg27[%swap3A, %swap3A_2037] : memref<1280x128xf32, #tpu.memory_space<vmem>>, vector<1280x128xf32>
    tpu.vector_store %arg27[%swap3A, %swap3A_2037], %transpose3A_2036 {strides = array<i32>} : memref<1280x128xf32, #tpu.memory_space<vmem>>, vector<1280x128xf32>,
    %slice3A_2039 = vector.extract_strided_slice %concatenate3A_2034 {offsets = [128, 0], sizes = [16, 1280], strides = [1, 1]} : vector<144x1280xf32> to vector<16x1280xf32>
    %swap3A_2040 = arith.constant 0 : index
    %swap3A_2041 = arith.constant 0 : index
    %swap3A_2042 = vector.load %arg28[%swap3A_2040, %swap3A_2041] : memref<16x1280xf32, #tpu.memory_space<vmem>>, vector<16x1280xf32>
    tpu.vector_store %arg28[%swap3A_2040, %swap3A_2041], %slice3A_2039 {strides = array<i32>} : memref<16x1280xf32, #tpu.memory_space<vmem>>, vector<16x1280xf32>,
    return
  }
  func.func @transform_0(%arg0: i32) -> (i32, i32) {
    %c0_i32 = arith.constant 0 : i32
    %c0_i32_0 = arith.constant 0 : i32
    return %arg0, %c0_i32 : i32, i32
  }
  func.func @transform_1(%arg0: i32) -> (i32, i32) {
    %add3A = arith.constant 125 : i32
    %add3A_0 = arith.addi %arg0, %add3A : i32
    %c0_i32 = arith.constant 0 : i32
    %c0_i32_1 = arith.constant 0 : i32
    return %add3A_0, %c0_i32 : i32, i32
  }
  func.func @transform_2(%arg0: i32) -> (i32, i32) {
    %c0_i32 = arith.constant 0 : i32
    %c0_i32_0 = arith.constant 0 : i32
    return %c0_i32, %arg0 : i32, i32
  }
  func.func @transform_3(%arg0: i32) -> (i32, i32) {
    %add3A = arith.constant 125 : i32
    %add3A_0 = arith.addi %arg0, %add3A : i32
    %c0_i32 = arith.constant 0 : i32
    %c0_i32_1 = arith.constant 0 : i32
    return %c0_i32, %add3A_0 : i32, i32
  }
  func.func @transform_4(%arg0: i32) -> (i32, i32, i32) {
    %c0_i32 = arith.constant 0 : i32
    %c0_i32_0 = arith.constant 0 : i32
    %c0_i32_1 = arith.constant 0 : i32
    return %c0_i32, %c0_i32_0, %arg0 : i32, i32, i32
  }
  func.func @transform_5(%arg0: i32) -> (i32, i32, i32) {
    %c0_i32 = arith.constant 0 : i32
    %c0_i32_0 = arith.constant 0 : i32
    %c0_i32_1 = arith.constant 0 : i32
    return %c0_i32, %c0_i32_0, %arg0 : i32, i32, i32
  }
  func.func @transform_6(%arg0: i32) -> (i32, i32) {
    %c0_i32 = arith.constant 0 : i32
    %c0_i32_0 = arith.constant 0 : i32
    return %c0_i32, %arg0 : i32, i32
  }
  func.func @transform_7(%arg0: i32) -> (i32, i32) {
    %c0_i32 = arith.constant 0 : i32
    %c0_i32_0 = arith.constant 0 : i32
    return %c0_i32, %arg0 : i32, i32
  }
  func.func @transform_8(%arg0: i32) -> (i32, i32) {
    %c0_i32 = arith.constant 0 : i32
    %c0_i32_0 = arith.constant 0 : i32
    %c0_i32_1 = arith.constant 0 : i32
    return %c0_i32, %c0_i32_0 : i32, i32
  }
  func.func @transform_9(%arg0: i32) -> (i32, i32) {
    %c0_i32 = arith.constant 0 : i32
    %c0_i32_0 = arith.constant 0 : i32
    %c0_i32_1 = arith.constant 0 : i32
    return %c0_i32, %c0_i32_0 : i32, i32
  }
  func.func @transform_10(%arg0: i32) -> (i32, i32) {
    %c0_i32 = arith.constant 0 : i32
    %c0_i32_0 = arith.constant 0 : i32
    %c0_i32_1 = arith.constant 0 : i32
    return %c0_i32, %c0_i32_0 : i32, i32
  }
  func.func @transform_11(%arg0: i32) -> (i32, i32) {
    %c0_i32 = arith.constant 0 : i32
    %c0_i32_0 = arith.constant 0 : i32
    %c0_i32_1 = arith.constant 0 : i32
    return %c0_i32, %c0_i32_0 : i32, i32
  }
  func.func @transform_12(%arg0: i32) -> (i32, i32) {
    %c0_i32 = arith.constant 0 : i32
    %c0_i32_0 = arith.constant 0 : i32
    %c0_i32_1 = arith.constant 0 : i32
    return %c0_i32, %c0_i32_0 : i32, i32
  }
  func.func @transform_13(%arg0: i32) -> (i32, i32) {
    %c0_i32 = arith.constant 0 : i32
    %c0_i32_0 = arith.constant 0 : i32
    %c0_i32_1 = arith.constant 0 : i32
    return %c0_i32, %c0_i32_0 : i32, i32
  }
  func.func @transform_14(%arg0: i32) -> (i32, i32) {
    %c0_i32 = arith.constant 0 : i32
    %c0_i32_0 = arith.constant 0 : i32
    %c0_i32_1 = arith.constant 0 : i32
    return %c0_i32, %c0_i32_0 : i32, i32
  }
  func.func @transform_15(%arg0: i32) -> (i32, i32) {
    %c0_i32 = arith.constant 0 : i32
    %c0_i32_0 = arith.constant 0 : i32
    %c0_i32_1 = arith.constant 0 : i32
    return %c0_i32, %c0_i32_0 : i32, i32
  }
  func.func @transform_16(%arg0: i32) -> (i32, i32) {
    %c0_i32 = arith.constant 0 : i32
    %c0_i32_0 = arith.constant 0 : i32
    %c0_i32_1 = arith.constant 0 : i32
    return %c0_i32, %c0_i32_0 : i32, i32
  }
  func.func @transform_17(%arg0: i32) -> (i32, i32) {
    %c0_i32 = arith.constant 0 : i32
    %c0_i32_0 = arith.constant 0 : i32
    %c0_i32_1 = arith.constant 0 : i32
    return %c0_i32, %c0_i32_0 : i32, i32
  }
  func.func @transform_18(%arg0: i32) -> (i32, i32) {
    %c0_i32 = arith.constant 0 : i32
    %c0_i32_0 = arith.constant 0 : i32
    %c0_i32_1 = arith.constant 0 : i32
    return %c0_i32, %c0_i32_0 : i32, i32
  }
  func.func @transform_19(%arg0: i32) -> (i32, i32) {
    %c0_i32 = arith.constant 0 : i32
    %c0_i32_0 = arith.constant 0 : i32
    %c0_i32_1 = arith.constant 0 : i32
    return %c0_i32, %c0_i32_0 : i32, i32
  }
  func.func @transform_20(%arg0: i32) -> (i32, i32) {
    %c0_i32 = arith.constant 0 : i32
    %c0_i32_0 = arith.constant 0 : i32
    %c0_i32_1 = arith.constant 0 : i32
    return %c0_i32, %c0_i32_0 : i32, i32
  }
  func.func @transform_21(%arg0: i32) -> (i32, i32) {
    %c0_i32 = arith.constant 0 : i32
    %c0_i32_0 = arith.constant 0 : i32
    %c0_i32_1 = arith.constant 0 : i32
    return %c0_i32, %c0_i32_0 : i32, i32
  }
  func.func @transform_22(%arg0: i32) -> (i32, i32) {
    %c0_i32 = arith.constant 0 : i32
    %c0_i32_0 = arith.constant 0 : i32
    %c0_i32_1 = arith.constant 0 : i32
    return %c0_i32, %c0_i32_0 : i32, i32
  }
  func.func @transform_23(%arg0: i32) -> (i32, i32) {
    %c0_i32 = arith.constant 0 : i32
    %c0_i32_0 = arith.constant 0 : i32
    %c0_i32_1 = arith.constant 0 : i32
    return %c0_i32, %c0_i32_0 : i32, i32
  }
  func.func @transform_24(%arg0: i32) -> (i32, i32) {
    %c0_i32 = arith.constant 0 : i32
    %c0_i32_0 = arith.constant 0 : i32
    %c0_i32_1 = arith.constant 0 : i32
    return %c0_i32, %c0_i32_0 : i32, i32
  }
  func.func @transform_25(%arg0: i32) -> (i32, i32) {
    %c0_i32 = arith.constant 0 : i32
    %c0_i32_0 = arith.constant 0 : i32
    %c0_i32_1 = arith.constant 0 : i32
    return %c0_i32, %c0_i32_0 : i32, i32
  }
  func.func @transform_26(%arg0: i32) -> (i32, i32) {
    %c0_i32 = arith.constant 0 : i32
    %c0_i32_0 = arith.constant 0 : i32
    return %arg0, %c0_i32 : i32, i32
  }
  func.func @transform_27(%arg0: i32) -> (i32, i32) {
    %c0_i32 = arith.constant 0 : i32
    %c0_i32_0 = arith.constant 0 : i32
    return %c0_i32, %arg0 : i32, i32
  }
}

module attributes {stable_mosaic.version = 14 : i64} {
  func.func @_combine_body(%arg0: i32, %arg1: memref<2000x128xf32, #tpu.memory_space<vmem>>, %arg2: memref<2000x128xf32, #tpu.memory_space<vmem>>, %arg3: memref<2000x16xf32, #tpu.memory_space<vmem>>, %arg4: memref<2000x16xf32, #tpu.memory_space<vmem>>, %arg5: memref<2000x144xf32, #tpu.memory_space<vmem>>) attributes {dimension_semantics = [#tpu.dimension_semantics<arbitrary>], iteration_bounds = array<i64: 5>, scalar_prefetch = 0 : i64, scratch_operands = 0 : i64, tpu.core_type = #tpu.core_type<tc>, window_params = [{transform_indices = @transform_0, window_bounds = array<i64: 2000, 128>}, {transform_indices = @transform_1, window_bounds = array<i64: 2000, 128>}, {transform_indices = @transform_2, window_bounds = array<i64: 2000, 16>}, {transform_indices = @transform_3, window_bounds = array<i64: 2000, 16>}, {transform_indices = @transform_4, window_bounds = array<i64: 2000, 144>}]} {
    %get3A = arith.constant 0 : index
    %get3A_0 = arith.constant 0 : index
    %get3A_1 = vector.load %arg1[%get3A, %get3A_0] : memref<2000x128xf32, #tpu.memory_space<vmem>>, vector<2000x128xf32>
    %get3A_2 = arith.constant 0 : index
    %get3A_3 = arith.constant 0 : index
    %get3A_4 = vector.load %arg2[%get3A_2, %get3A_3] : memref<2000x128xf32, #tpu.memory_space<vmem>>, vector<2000x128xf32>
    %add3A = arith.addf %get3A_1, %get3A_4 : vector<2000x128xf32>
    %swap3A = arith.constant 0 : index
    %swap3A_5 = arith.constant 0 : index
    %swap3A_6 = vector.load %arg5[%swap3A, %swap3A_5] : memref<2000x144xf32, #tpu.memory_space<vmem>>, vector<2000x128xf32>
    tpu.vector_store %arg5[%swap3A, %swap3A_5], %add3A {strides = array<i32>} : memref<2000x144xf32, #tpu.memory_space<vmem>>, vector<2000x128xf32>,
    %get3A_7 = arith.constant 0 : index
    %get3A_8 = arith.constant 0 : index
    %get3A_9 = vector.load %arg3[%get3A_7, %get3A_8] : memref<2000x16xf32, #tpu.memory_space<vmem>>, vector<2000x16xf32>
    %get3A_10 = arith.constant 0 : index
    %get3A_11 = arith.constant 0 : index
    %get3A_12 = vector.load %arg4[%get3A_10, %get3A_11] : memref<2000x16xf32, #tpu.memory_space<vmem>>, vector<2000x16xf32>
    %add3A_13 = arith.addf %get3A_9, %get3A_12 : vector<2000x16xf32>
    %swap3A_14 = arith.constant 0 : index
    %swap3A_15 = arith.constant 128 : index
    %swap3A_16 = vector.load %arg5[%swap3A_14, %swap3A_15] : memref<2000x144xf32, #tpu.memory_space<vmem>>, vector<2000x16xf32>
    tpu.vector_store %arg5[%swap3A_14, %swap3A_15], %add3A_13 {strides = array<i32>} : memref<2000x144xf32, #tpu.memory_space<vmem>>, vector<2000x16xf32>,
    return
  }
  func.func @transform_0(%arg0: i32) -> (i32, i32) {
    %c0_i32 = arith.constant 0 : i32
    %c0_i32_0 = arith.constant 0 : i32
    return %arg0, %c0_i32 : i32, i32
  }
  func.func @transform_1(%arg0: i32) -> (i32, i32) {
    %add3A = arith.constant 5 : i32
    %add3A_0 = arith.addi %arg0, %add3A : i32
    %c0_i32 = arith.constant 0 : i32
    %c0_i32_1 = arith.constant 0 : i32
    return %add3A_0, %c0_i32 : i32, i32
  }
  func.func @transform_2(%arg0: i32) -> (i32, i32) {
    %c0_i32 = arith.constant 0 : i32
    %c0_i32_0 = arith.constant 0 : i32
    return %arg0, %c0_i32 : i32, i32
  }
  func.func @transform_3(%arg0: i32) -> (i32, i32) {
    %add3A = arith.constant 5 : i32
    %add3A_0 = arith.addi %arg0, %add3A : i32
    %c0_i32 = arith.constant 0 : i32
    %c0_i32_1 = arith.constant 0 : i32
    return %add3A_0, %c0_i32 : i32, i32
  }
  func.func @transform_4(%arg0: i32) -> (i32, i32) {
    %c0_i32 = arith.constant 0 : i32
    %c0_i32_0 = arith.constant 0 : i32
    return %arg0, %c0_i32 : i32, i32
  }
}

</mosaic_0001>

<sc_bundles>
// kernel: kernel.6.cloned.1.call-start
scs
__scs_entry_jumppad:
0x0: {  	(pc) =	sbr.rel $0x88, $3  }
0x1: {  	(tag) =	ssettag $0x0;
	lr =	simm.s32 $0x1  }
0x2: {  	[smem:$0x3F89] =	sst lr;
	_ =	strace $0xD0000000  }
0x3: {  	_ = 	snop  }
0x4: {  	_ = 	snop  }
0x5: {  	_ = 	snop  }
0x6: {  	_ = 	snop  }
0x7: {  	_ = 	snop  }
__scs_overlays_trampoline_lowered:
0x8: {  	[smem:$0x3F98] =	sst s0  }
0x9: {  	[smem:$0x3F99] =	sst s1  }
0xa: {  	[smem:$0x3F9A] =	sst s2  }
0xb: {  	[smem:$0x3F9B] =	sst s3  }
0xc: {  	[smem:$0x3F9C] =	sst s4  }
0xd: {  	[smem:$0x3F9D] =	sst s5  }
0xe: {  	[smem:$0x3F9E] =	sst s6  }
0xf: {  	[smem:$0x3F9F] =	sst s7  }
0x10: {  	[smem:$0x3FA0] =	sst s8  }
0x11: {  	[smem:$0x3FA1] =	sst s9;
	s0 =	simm.s32 @!p0 $0x0  }
0x12: {  	s1 =	sld [smem:$0x3F87];
	s0 =	simm.s32 @p0 $0x1  }
0x13: {  	[smem:$0x3FA2] =	sst s0;
	s0 =	simm.s32 @!p1 $0x0  }
0x14: {  	s2 =	sld [smem:$0x3F86];
	s0 =	simm.s32 @p1 $0x1  }
0x15: {  	[smem:$0x3FA3] =	sst s0;
	s0 =	simm.s32 @!p2 $0x0  }
0x16: {  	s3 =	sld [smem:$0x3FDB];
	s0 =	simm.s32 @p2 $0x1  }
0x17: {  	s4 =	simm.s32 $0x1BF5;
	[smem:$0x3FA5] =	sst s0  }
0x18: {  	s0 =	sld [smem:$0x3F88];
	_ =	swait.ge [sflag:s4], $0x0  }
0x19: {  	s7 =	sld [smem:$0x3F89]  }
0x1a: {  	s8 =	sadd.s32 $0xFFFFE003, lr  }
0x1b: {  	s9 =	sadd.s32 $0xFFFFFEF7, lr;
	s5 =	simm.s32 $0xFFFFFFFF;
	p2 =	slt.u32 s8, $0xFFFFF086  }
0x1c: {  	p1 =	slt.u32 s9, $0xF7A;
	s5 =	simm.s32 @!p2 $0x0  }
0x1d: {  	s5 =	simm.s32 @p1 $0x1;
	p0 =	seq.s32 s7, s2  }
0x1e: {  	s7 =	smul.u32 @!p0 $0xF7A, s2;
	p2 =	seq.s32 @!p0 s5, $0x0  }
0x1f: {  	s9 =	smul.u32 $0xF7A, s1;
	s8 =	simm.s32 @!p0 $0x1BF5;
	p2 =	por !p2, p0  }
0x20: {  	[sflag:s8] =	ssyncset.s32 @!p0 $0xFFFFF086;
	s6 =	sadd.s32 @!p0 s3, s7;
	s7 =	simm.s32 @!p0 $0x108  }
0x21: {  	s3 =	sadd.s32 s3, s9;
	s6 =	sadd.s32 @!p0 $0x88, s6;
	s7 =	simm.s32 @p2 $0x1082  }
0x22: {  	[simem:s7], [sflag:s8] =	dma.local @!p0 [hbm:s6], $0xF7A  }
0x23: {  	s9 =	sor.u32 $0xD0000000, s2;
	s6 =	simm.s32 $0x108;
	_ =	swait.ge @!p0 [sflag:s8], $0x0  }
0x24: {  	s3 =	sadd.s32 $0x88, s3;
	s6 =	simm.s32 @!p1 $0x1082;
	[sflag:s4] =	ssyncset.s32 $0xFFFFF086  }
0x25: {  	[simem:s6], [sflag:s4] =	dma.local [hbm:s3], $0xF7A  }
0x26: {  	[smem:$0x3F89] =	sst s1;
	(tag) =	ssettag s2;
	_ =	strace s9  }
0x27: {  	s1 =	sld [smem:$0x3F99]  }
0x28: {  	s2 =	sld [smem:$0x3F9A]  }
0x29: {  	s4 =	sld [smem:$0x3F9C]  }
0x2a: {  	p0 =	seq.s32 s5, $0x0;
	s5 =	sld [smem:$0x3F9D]  }
0x2b: {  	s6 =	sld [smem:$0x3F9E]  }
0x2c: {  	s7 =	sld [smem:$0x3F9F]  }
0x2d: {  	s3 =	simm.s32 $0x108;
	s8 =	sld [smem:$0x3FA0]  }
0x2e: {  	s3 =	simm.s32 @!p0 $0x1082;
	s9 =	sld [smem:$0x3FA1]  }
0x2f: {  	lr =	sadd.s32 s0, s3;
	s0 =	sld [smem:$0x3F98]  }
0x30: {  	s3 =	sld [smem:$0x3F9B]  }
0x31: {  	[smem:$0x3FA4] =	sst s10  }
0x32: {  	s10 =	sld [smem:$0x3FA2];
	_ =	sdelay $0x3  }
0x33: {  	p0 =	seq.s32 s10, $0x1;
	s10 =	sld [smem:$0x3FA4];
	_ =	sdelay $0x3  }
0x34: {  	[smem:$0x3FA4] =	sst s10  }
0x35: {  	s10 =	sld [smem:$0x3FA3];
	_ =	sdelay $0x3  }
0x36: {  	p1 =	seq.s32 s10, $0x1;
	s10 =	sld [smem:$0x3FA4];
	_ =	sdelay $0x3  }
0x37: {  	[smem:$0x3FA4] =	sst s10  }
0x38: {  	s10 =	sld [smem:$0x3FA5]  }
0x39: {  	_ = 	snop;
	(pc) =	sbr.ind lr, $3  }
0x3a: {  	_ = 	snop  }
0x3b: {  	_ = 	snop  }
0x3c: {  	p2 =	seq.s32 s10, $0x1;
	s10 =	sld [smem:$0x3FA4]  }
0x3d: {  	_ =	shalt  }
0x3e: {  	_ =	shalt  }
0x3f: {  	_ =	shalt  }
0x40: {  	_ =	shalt  }
0x41: {  	_ =	shalt  }
0x42: {  	_ =	shalt  }
0x43: {  	_ =	shalt  }
0x44: {  	_ =	shalt  }
0x45: {  	_ =	shalt  }
0x46: {  	_ =	shalt  }
0x47: {  	_ =	shalt  }
0x48: {  	_ =	shalt  }
0x49: {  	_ =	shalt  }
0x4a: {  	_ =	shalt  }
0x4b: {  	_ =	shalt  }
0x4c: {  	_ =	shalt  }
0x4d: {  	_ =	shalt  }
0x4e: {  	_ =	shalt  }
0x4f: {  	_ =	shalt  }
0x50: {  	_ =	shalt  }
0x51: {  	_ =	shalt  }
0x52: {  	_ =	shalt  }
0x53: {  	_ =	shalt  }
0x54: {  	_ =	shalt  }
0x55: {  	_ =	shalt  }
0x56: {  	_ =	shalt  }
0x57: {  	_ =	shalt  }
0x58: {  	_ =	shalt  }
0x59: {  	_ =	shalt  }
0x5a: {  	_ =	shalt  }
0x5b: {  	_ =	shalt  }
0x5c: {  	_ =	shalt  }
0x5d: {  	_ =	shalt  }
0x5e: {  	_ =	shalt  }
0x5f: {  	_ =	shalt  }
0x60: {  	_ =	shalt  }
0x61: {  	_ =	shalt  }
0x62: {  	_ =	shalt  }
0x63: {  	_ =	shalt  }
0x64: {  	_ =	shalt  }
0x65: {  	_ =	shalt  }
0x66: {  	_ =	shalt  }
0x67: {  	_ =	shalt  }
0x68: {  	_ =	shalt  }
0x69: {  	_ =	shalt  }
0x6a: {  	_ =	shalt  }
0x6b: {  	_ =	shalt  }
0x6c: {  	_ =	shalt  }
0x6d: {  	_ =	shalt  }
0x6e: {  	_ =	shalt  }
0x6f: {  	_ =	shalt  }
0x70: {  	_ =	shalt  }
0x71: {  	_ =	shalt  }
0x72: {  	_ =	shalt  }
0x73: {  	_ =	shalt  }
0x74: {  	_ =	shalt  }
0x75: {  	_ =	shalt  }
0x76: {  	_ =	shalt  }
0x77: {  	_ =	shalt  }
0x78: {  	_ =	shalt  }
0x79: {  	_ =	shalt  }
0x7a: {  	_ =	shalt  }
0x7b: {  	_ =	shalt  }
0x7c: {  	_ =	shalt  }
0x7d: {  	_ =	shalt  }
0x7e: {  	_ =	shalt  }
0x7f: {  	_ =	shalt  }
0x80: {  	_ =	shalt  }
0x81: {  	_ =	shalt  }
0x82: {  	_ =	shalt  }
0x83: {  	_ =	shalt  }
0x84: {  	_ =	shalt  }
0x85: {  	_ =	shalt  }
0x86: {  	_ =	shalt  }
0x87: {  	_ =	shalt  }
.Lfunc_end0:
.L_simem_size_0:
called_computation_lowered:
.L_overlay_start_0:
0x88: {  	s2 =	sld [smem:$0x3FD9]  }
0x89: {  	s3 =	sld [smem:$0x3FFE];
	_ =	sdelay $0x1  }
0x8a: {  	s1 =	srdreg.scid  }
0x8b: {  	s0 =	sand.u32 $0x1, s1  }
0x8c: {  	s17 =	sshll.u32 s0, $0xA;
	s2 =	sadd.s32 s3, s2  }
0x8d: {  	s2 =	sadd.s32 s2, s17  }
0x8e: {  	[smem:$0x3FB0] =	sst s2  }
0x8f: {  	_ = 	snop  }
0x90: {  	s2 =	sld [smem:$0x3FD0];
	(tm) =	ssettm $0x1  }
0x91: {  	s18 =	sld [smem:$0x3FFB];
	_ =	sdelay $0x3  }
0x92: {  	_ =	strace s18  }
0x93: {  	s3 =	sld [smem:$0x3FFC];
	_ =	sdelay $0x3  }
0x94: {  	_ =	strace s3  }
0x95: {  	s3 =	sld [smem:$0x3FFD];
	_ =	sdelay $0x3  }
0x96: {  	_ =	strace s3  }
0x97: {  	_ =	strace $0x8FFFFFFF  }
0x98: {  	s19 =	sld [smem:$0x3FDB];
	_ =	sdelay $0x1  }
0x99: {  	s4 =	simm.s32 $_scs_section_size  }
0x9a: {  	s5 =	simm.s32 $_size__tile_overlayer_lowered;
	s6 =	simm.s32 $_tile_overlayer_lowered  }
0x9b: {  	s22 =	simm.s32 $0x1BFF;
	s21 =	sshll.u32 s6, $0x1;
	s3 =	sadd.s32 s4, s19  }
0x9c: {  	s7 =	simm.s32 $0x0;
	s20 =	sshll.u32 s5, $0x1;
	s5 =	sadd.s32 s21, s3  }
0x9d: {  	[timem:s7], [sflag:s22] =	dma.local [hbm:s5], s20  }
0x9e: {  	_ =	swait.ge [sflag:s22], s20  }
0x9f: {  	s4 =	ssub.s32 $0x0, s20;
	[sflag:s22] =	ssyncset.done $0x0  }
0xa0: {  	[sflag:s22] =	ssyncadd.s32 s4;
	_ =	sdelay $0x1  }
0xa1: {  	s23 =	simm.s32 $0x1B8B  }
0xa2: {  	_ =	swait.ge [sflag:s23], $0x1  }
0xa3: {  	[sflag:s23] =	ssyncset.done $0x0  }
0xa4: {  	s25 =	simm.s32 $0x1B8E;
	s24 =	sld [smem:$0x3FFE];
	[sflag:s23] =	ssyncadd.s32 $0xFFFFFFFF  }
0xa5: {  	s26 =	simm.s32 $execute0_lowered;
	[smem:$0x3FD2] =	sst s25  }
0xa6: {  	s5 =	sshll.u32 s26, $0x1;
	_ =	strace $0x80000046;
	[dreg:$0x1] =	wrdreg $0xFFFFFFFF  }
0xa7: {  	s28 =	simm.s32 $_size_execute0_lowered;
	s3 =	sadd.s32 s3, s5;
	[dreg:$0x0] =	wrdreg $0x0  }
0xa8: {  	s5 =	sshll.u32 s28, $0x1;
	[dreg:$0x2] =	wrdreg s3  }
0xa9: {  	[dreg:$0x3] =	wrdreg s5  }
0xaa: {  	[dreg:$0x4] =	wrdreg $0xC0  }
0xab: {  	_ =	task [dreg:s7], $0x5FFFF  }
0xac: {  	[dreg:$0x1] =	wrdreg $0xFFFFFFFF  }
0xad: {  	[dreg:$0x0] =	wrdreg $0x60  }
0xae: {  	[dreg:$0x2] =	wrdreg s2  }
0xaf: {  	[dreg:$0x3] =	wrdreg s24  }
0xb0: {  	[dreg:$0x4] =	wrdreg $0x9  }
0xb1: {  	_ =	task.clear_ibuf [dreg:s7], $0x5FFFF;
	_ =	strace $0x90000046  }
0xb2: {  	s29 =	simm.s32 $0x9;
	_ =	strace $0x80000048  }
0xb3: {  	_ =	swait.ge [sflag:s29], $0x1  }
0xb4: {  	[sflag:s29] =	ssyncadd.s32 $0xFFFFFFFF  }
0xb5: {  	_ =	strace $0x90000048  }
0xb6: {  	_ =	sfence  }
0xb7: {  	s30 =	sld [smem:$0x0];
	_ =	sdelay $0x2  }
0xb8: {  	s31 =	sshll.u32 s1, $0xD;
	s1 =	sshrl.u32 s1, $0x2  }
0xb9: {  	s3 =	sand.u32 $0x4000, s31;
	s1 =	sadd.s32 s1, s30  }
0xba: {  	s0 =	sor.u32 s3, s0;
	s1 =	sshll.u32 s1, $0x11  }
0xbb: {  	s0 =	sor.u32 s1, s0  }
0xbc: {  	s0 =	sadd.s32 $0x8F2B, s0  }
0xbd: {  	[sflag:s0] =	ssyncadd.remote.s32 $0x1  }
0xbe: {  	_ =	sfence.sel $0xFFFF  }
0xbf: {  	[dreg:$0x0] =	wrdreg $0xFFFFFFFF;
	(pc) =	sbr.abs _section_cstart, $3  }
0xc0: {  	[dreg:$0x1] =	wrdreg $0xFFFFFFFF  }
0xc1: {  	_ =	task.clear_ibuf [dreg:s7], $0x2FFFF;
	_ =	strace $0x9FFFFFFF  }
0xc2: {  	(tm) =	ssettm $0x7FFFFFFF  }
0xc3: {  	_ =	shalt  }
tec
execute0_lowered:
.L_overlay_start_1:
0x0: {  	(tag) =	ssettag $0x1  }
0x1: {  	s1 =	rddreg [dreg:$0x0]  }
0x2: {  	s5 =	rddreg [dreg:$0x1]  }
0x3: {  	s0 =	rddreg [dreg:$0x2];
	s3 =	simm.s32 $0x0;
	s2 =	stileid.u32  }
0x4: {  	s7 =	srdreg.scid;
	[smem:$0x7FF] =	sst s3  }
0x5: {  	s4 =	sadd.s32 $0x3800, s5;
	s6 =	sshll.u32 s2, $0x7;
	s8 =	sshll.u32 s2, $0xE  }
0x6: {  	s9 =	sand.u32 $0x1, s7;
	s26 =	sshll.u32 s2, $0xB;
	s30 =	sshll.u32 s2, $0x1  }
0x7: {  	_ =	strace $0x80000047;
	s6 =	sadd.s32 s6, s5;
	s25 =	sadd.s32 s8, s5  }
0x8: {  	s10 =	ssub.s32 $0x2, s9;
	s8 =	sadd.s32 s26, s5;
	s11 =	sshll.u32 s9, $0x6  }
0x9: {  	s29 =	sshll.u32 s9, $0xD;
	s31 =	sshll.u32 s9, $0xA;
	s9 =	sor.u32 s9, s30  }
0xa: {  	s28 =	sshrl.u32 s10, $0x1;
	s6 =	sadd.s32 s11, s6;
	s7 =	sadd.s32 s29, s25  }
0xb: {  	s8 =	sadd.s32 s31, s8;
	s5 =	ssub.s32 s10, s28;
	s6 =	sadd.s32 $0x8800, s6  }
0xc: {  	s7 =	sadd.s32 $0xAEA00, s7;
	s8 =	sadd.s32 $0x12600, s8;
	s5 =	smax.u32 s5, $0x1  }
.LBB2_1:
0xd: {  	s10 =	sadd.s32 $0x0, s9  }
0xe: {  	p0 =	sgt.u32 s10, $0x270  }
0xf: {  	s10 =	simm.s32 @!p0 $0x0;
	s11 =	simm.s32 @!p0 $0x2  }
0x10: {  	[tilespmem:s10], [sflag:$0x2] =	stream.linear.gather @!p0 [hbm4b:s6+s10], $0x200, $0x38;
	[tilespmem:$0x12200] =	vst v63  }
0x11: {  	_ =	swait.ge @!p0 [sflag:s11], $0x200  }
0x12: {  	[sflag:s11] =	ssyncset.done @!p0 $0x0;
	p0 =	por p0, p0  }
0x13: {  	[sflag:s11] =	ssyncadd.s32 @!p0 $0xFFFFFE00;
	s11 =	simm.s32 @!p0 $0x80;
	s12 =	simm.s32 @!p0 $0x200  }
0x14: {  	[tilespmem:s12], [sflag:$0x1] =	stream.indirect.gather @!p0 [hbm4b:s1+s11], $0x80, s10, s11, $0xb8;
	[tilespmem:$0x12200] =	vst v63  }
0x15: {  	s13 =	simm.s32 @!p0 $0x10200  }
0x16: {  	[tilespmem:s13], [sflag:$0x1] =	stream.indirect.gather @!p0 [hbm4b:s4+s11], $0x10, s10, s11, $0xb8;
	[tilespmem:$0x12200] =	vst v63  }
0x17: {  	s14 =	simm.s32 @!p0 $0x4200  }
0x18: {  	[tilespmem:s14], [sflag:$0x1] =	stream.indirect.gather @!p0 [hbm4b:s1+s11], $0x80, s11, s11, $0xb8;
	[tilespmem:$0x12200] =	vst v63  }
0x19: {  	s14 =	simm.s32 @!p0 $0x10A00  }
0x1a: {  	[tilespmem:s14], [sflag:$0x1] =	stream.indirect.gather @!p0 [hbm4b:s4+s11], $0x10, s11, s11, $0xb8;
	[tilespmem:$0x12200] =	vst v63  }
0x1b: {  	s15 =	simm.s32 @!p0 $0x8200;
	s14 =	simm.s32 @!p0 $0x100  }
0x1c: {  	[tilespmem:s15], [sflag:$0x1] =	stream.indirect.gather @!p0 [hbm4b:s1+s11], $0x80, s14, s11, $0xb8;
	[tilespmem:$0x12200] =	vst v63  }
0x1d: {  	s15 =	simm.s32 @!p0 $0x11200  }
0x1e: {  	[tilespmem:s15], [sflag:$0x1] =	stream.indirect.gather @!p0 [hbm4b:s4+s11], $0x10, s14, s11, $0xb8;
	[tilespmem:$0x12200] =	vst v63  }
0x1f: {  	s15 =	simm.s32 @!p0 $0x180;
	s14 =	simm.s32 @!p0 $0xC200  }
0x20: {  	[tilespmem:s14], [sflag:$0x1] =	stream.indirect.gather @!p0 [hbm4b:s1+s11], $0x80, s15, s11, $0xb8;
	[tilespmem:$0x12200] =	vst v63  }
0x21: {  	s16 =	simm.s32 @!p0 $0x11A00;
	s14 =	simm.s32 @!p0 $0x1  }
0x22: {  	[tilespmem:s16], [sflag:$0x1] =	stream.indirect.gather @!p0 [hbm4b:s4+s11], $0x10, s15, s11, $0xb8;
	[tilespmem:$0x12200] =	vst v63  }
0x23: {  	_ =	swait.ge @!p0 [sflag:s14], $0x4000  }
0x24: {  	[sflag:s14] =	ssyncset.done @!p0 $0x0  }
0x25: {  	[sflag:s14] =	ssyncadd.s32 @!p0 $0xFFFFC000  }
0x26: {  	_ =	swait.ge @!p0 [sflag:s14], $0x800  }
0x27: {  	[sflag:s14] =	ssyncset.done @!p0 $0x0  }
0x28: {  	[sflag:s14] =	ssyncadd.s32 @!p0 $0xFFFFF800  }
0x29: {  	_ =	swait.ge @!p0 [sflag:s14], $0x4000  }
0x2a: {  	[sflag:s14] =	ssyncset.done @!p0 $0x0  }
0x2b: {  	[sflag:s14] =	ssyncadd.s32 @!p0 $0xFFFFC000  }
0x2c: {  	_ =	swait.ge @!p0 [sflag:s14], $0x800  }
0x2d: {  	[sflag:s14] =	ssyncset.done @!p0 $0x0  }
0x2e: {  	[sflag:s14] =	ssyncadd.s32 @!p0 $0xFFFFF800  }
0x2f: {  	_ =	swait.ge @!p0 [sflag:s14], $0x4000  }
0x30: {  	[sflag:s14] =	ssyncset.done @!p0 $0x0  }
0x31: {  	[sflag:s14] =	ssyncadd.s32 @!p0 $0xFFFFC000  }
0x32: {  	_ =	swait.ge @!p0 [sflag:s14], $0x800  }
0x33: {  	[sflag:s14] =	ssyncset.done @!p0 $0x0  }
0x34: {  	[sflag:s14] =	ssyncadd.s32 @!p0 $0xFFFFF800  }
0x35: {  	_ =	swait.ge @!p0 [sflag:s14], $0x4000  }
0x36: {  	[sflag:s14] =	ssyncset.done @!p0 $0x0  }
0x37: {  	[sflag:s14] =	ssyncadd.s32 @!p0 $0xFFFFC000  }
0x38: {  	_ =	swait.ge @!p0 [sflag:s14], $0x800  }
0x39: {  	[sflag:s14] =	ssyncset.done @!p0 $0x0  }
0x3a: {  	[sflag:s14] =	ssyncadd.s32 @!p0 $0xFFFFF800  }
0x3b: {  	[hbm4b:s7+s10] =	stream.linear.scatter @!p0 [tilespmem:s12], [sflag:$0x1], $0x10000, $0x38;
	[tilespmem:$0x12200] =	vst v63  }
0x3c: {  	_ = 	snop  }
0x3d: {  	[hbm4b:s8+s10] =	stream.linear.scatter @!p0 [tilespmem:s13], [sflag:$0x1], $0x2000, $0x38;
	[tilespmem:$0x12200] =	vst v63  }
0x3e: {  	_ =	swait.ge @!p0 [sflag:s14], $0x10000  }
0x3f: {  	s31 =	sadd.s32 $0x20, s9;
	[sflag:s14] =	ssyncset.done @!p0 $0x0  }
0x40: {  	p2 =	sgt.u32 s31, $0x270;
	[sflag:s14] =	ssyncadd.s32 @!p0 $0xFFFF0000  }
0x41: {  	s11 =	sadd.s32 $0x40000, s7;
	s12 =	simm.s32 $0x40;
	_ =	swait.ge @!p0 [sflag:s14], $0x2000  }
0x42: {  	s10 =	sadd.s32 $0x8000, s8;
	s13 =	sadd.s32 $0x800, s6;
	[sflag:s14] =	ssyncset.done @!p0 $0x0  }
.LBB2_2:
0x43: {  	s16 =	simm.s32 @!p2 $0x0;
	s17 =	simm.s32 @!p2 $0x2;
	[sflag:s14] =	ssyncadd.s32 @!p0 $0xFFFFE000  }
0x44: {  	[tilespmem:s16], [sflag:$0x2] =	stream.linear.gather @!p2 [hbm4b:s13+s16], $0x200, $0x38;
	[tilespmem:$0x12200] =	vst v63  }
0x45: {  	s15 =	smov.u32 s12;
	s12 =	sadd.s32 $0x20, s12;
	_ =	swait.ge @!p2 [sflag:s17], $0x200  }
0x46: {  	p0 =	por p2, p2;
	p1 =	sne.s32 s12, $0x280;
	[sflag:s17] =	ssyncset.done @!p2 $0x0  }
0x47: {  	s19 =	simm.s32 @!p0 $0x80;
	[sflag:s17] =	ssyncadd.s32 @!p0 $0xFFFFFE00;
	s17 =	simm.s32 @!p0 $0x200  }
0x48: {  	[tilespmem:s17], [sflag:$0x1] =	stream.indirect.gather @!p0 [hbm4b:s1+s19], $0x80, s16, s19, $0xb8;
	[tilespmem:$0x12200] =	vst v63  }
0x49: {  	s18 =	simm.s32 @!p0 $0x10200  }
0x4a: {  	[tilespmem:s18], [sflag:$0x1] =	stream.indirect.gather @!p0 [hbm4b:s4+s19], $0x10, s16, s19, $0xb8;
	[tilespmem:$0x12200] =	vst v63  }
0x4b: {  	s14 =	simm.s32 @!p0 $0x4200  }
0x4c: {  	[tilespmem:s14], [sflag:$0x1] =	stream.indirect.gather @!p0 [hbm4b:s1+s19], $0x80, s19, s19, $0xb8;
	[tilespmem:$0x12200] =	vst v63  }
0x4d: {  	s14 =	simm.s32 @!p0 $0x10A00  }
0x4e: {  	[tilespmem:s14], [sflag:$0x1] =	stream.indirect.gather @!p0 [hbm4b:s4+s19], $0x10, s19, s19, $0xb8;
	[tilespmem:$0x12200] =	vst v63  }
0x4f: {  	s20 =	simm.s32 @!p0 $0x8200;
	s14 =	simm.s32 @!p0 $0x100  }
0x50: {  	[tilespmem:s20], [sflag:$0x1] =	stream.indirect.gather @!p0 [hbm4b:s1+s19], $0x80, s14, s19, $0xb8;
	[tilespmem:$0x12200] =	vst v63  }
0x51: {  	s20 =	simm.s32 @!p0 $0x11200  }
0x52: {  	[tilespmem:s20], [sflag:$0x1] =	stream.indirect.gather @!p0 [hbm4b:s4+s19], $0x10, s14, s19, $0xb8;
	[tilespmem:$0x12200] =	vst v63  }
0x53: {  	s20 =	simm.s32 @!p0 $0x180;
	s14 =	simm.s32 @!p0 $0xC200  }
0x54: {  	[tilespmem:s14], [sflag:$0x1] =	stream.indirect.gather @!p0 [hbm4b:s1+s19], $0x80, s20, s19, $0xb8;
	[tilespmem:$0x12200] =	vst v63  }
0x55: {  	s21 =	simm.s32 @!p0 $0x11A00;
	s14 =	simm.s32 @!p0 $0x1  }
0x56: {  	[tilespmem:s21], [sflag:$0x1] =	stream.indirect.gather @!p0 [hbm4b:s4+s19], $0x10, s20, s19, $0xb8;
	[tilespmem:$0x12200] =	vst v63  }
0x57: {  	_ =	swait.ge @!p0 [sflag:s14], $0x4000  }
0x58: {  	[sflag:s14] =	ssyncset.done @!p0 $0x0  }
0x59: {  	[sflag:s14] =	ssyncadd.s32 @!p0 $0xFFFFC000  }
0x5a: {  	_ =	swait.ge @!p0 [sflag:s14], $0x800  }
0x5b: {  	[sflag:s14] =	ssyncset.done @!p0 $0x0  }
0x5c: {  	[sflag:s14] =	ssyncadd.s32 @!p0 $0xFFFFF800  }
0x5d: {  	_ =	swait.ge @!p0 [sflag:s14], $0x4000  }
0x5e: {  	[sflag:s14] =	ssyncset.done @!p0 $0x0  }
0x5f: {  	[sflag:s14] =	ssyncadd.s32 @!p0 $0xFFFFC000  }
0x60: {  	_ =	swait.ge @!p0 [sflag:s14], $0x800  }
0x61: {  	[sflag:s14] =	ssyncset.done @!p0 $0x0  }
0x62: {  	[sflag:s14] =	ssyncadd.s32 @!p0 $0xFFFFF800  }
0x63: {  	_ =	swait.ge @!p0 [sflag:s14], $0x4000  }
0x64: {  	[sflag:s14] =	ssyncset.done @!p0 $0x0  }
0x65: {  	[sflag:s14] =	ssyncadd.s32 @!p0 $0xFFFFC000  }
0x66: {  	_ =	swait.ge @!p0 [sflag:s14], $0x800  }
0x67: {  	[sflag:s14] =	ssyncset.done @!p0 $0x0  }
0x68: {  	[sflag:s14] =	ssyncadd.s32 @!p0 $0xFFFFF800  }
0x69: {  	_ =	swait.ge @!p0 [sflag:s14], $0x4000  }
0x6a: {  	[sflag:s14] =	ssyncset.done @!p0 $0x0  }
0x6b: {  	[sflag:s14] =	ssyncadd.s32 @!p0 $0xFFFFC000  }
0x6c: {  	_ =	swait.ge @!p0 [sflag:s14], $0x800  }
0x6d: {  	[sflag:s14] =	ssyncset.done @!p0 $0x0  }
0x6e: {  	[sflag:s14] =	ssyncadd.s32 @!p0 $0xFFFFF800  }
0x6f: {  	[hbm4b:s11+s16] =	stream.linear.scatter @!p0 [tilespmem:s17], [sflag:$0x1], $0x10000, $0x38;
	[tilespmem:$0x12200] =	vst v63  }
0x70: {  	_ = 	snop  }
0x71: {  	[hbm4b:s10+s16] =	stream.linear.scatter @!p0 [tilespmem:s18], [sflag:$0x1], $0x2000, $0x38;
	[tilespmem:$0x12200] =	vst v63  }
.Ltmp0:
0x72: {  	_ =	swait.ge @!p0 [sflag:s14], $0x10000;
	(pc) =	sbr.rel @p1 .LBB2_2-.Ltmp0, $4  }
0x73: {  	[sflag:s14] =	ssyncset.done @!p0 $0x0  }
0x74: {  	s10 =	sadd.s32 $0x8000, s10;
	[sflag:s14] =	ssyncadd.s32 @!p0 $0xFFFF0000  }
0x75: {  	s15 =	sadd.s32 s15, s9;
	s11 =	sadd.s32 $0x40000, s11;
	_ =	swait.ge @!p0 [sflag:s14], $0x2000  }
0x76: {  	s13 =	sadd.s32 $0x800, s13;
	p2 =	sgt.u32 s15, $0x270;
	[sflag:s14] =	ssyncset.done @!p0 $0x0  }
0x77: {  	s12 =	simm.s32 @!p2 $0x0;
	s15 =	simm.s32 @!p2 $0x2;
	[sflag:s14] =	ssyncadd.s32 @!p0 $0xFFFFE000  }
0x78: {  	[tilespmem:s12], [sflag:$0x2] =	stream.linear.gather @!p2 [hbm4b:s13+s12], $0x200, $0x38;
	[tilespmem:$0x12200] =	vst v63  }
0x79: {  	_ =	swait.ge @!p2 [sflag:s15], $0x200  }
0x7a: {  	p0 =	por p2, p2;
	[sflag:s15] =	ssyncset.done @!p2 $0x0  }
0x7b: {  	s13 =	simm.s32 @!p0 $0x80;
	s14 =	simm.s32 @!p0 $0x200;
	[sflag:s15] =	ssyncadd.s32 @!p0 $0xFFFFFE00  }
0x7c: {  	[tilespmem:s14], [sflag:$0x1] =	stream.indirect.gather @!p0 [hbm4b:s1+s13], $0x80, s12, s13, $0xb8;
	[tilespmem:$0x12200] =	vst v63  }
0x7d: {  	s15 =	simm.s32 @!p0 $0x10200  }
0x7e: {  	[tilespmem:s15], [sflag:$0x1] =	stream.indirect.gather @!p0 [hbm4b:s4+s13], $0x10, s12, s13, $0xb8;
	[tilespmem:$0x12200] =	vst v63  }
0x7f: {  	s16 =	simm.s32 @!p0 $0x4200  }
0x80: {  	[tilespmem:s16], [sflag:$0x1] =	stream.indirect.gather @!p0 [hbm4b:s1+s13], $0x80, s13, s13, $0xb8;
	[tilespmem:$0x12200] =	vst v63  }
0x81: {  	s16 =	simm.s32 @!p0 $0x10A00  }
0x82: {  	[tilespmem:s16], [sflag:$0x1] =	stream.indirect.gather @!p0 [hbm4b:s4+s13], $0x10, s13, s13, $0xb8;
	[tilespmem:$0x12200] =	vst v63  }
0x83: {  	s17 =	simm.s32 @!p0 $0x8200;
	s16 =	simm.s32 @!p0 $0x100  }
0x84: {  	[tilespmem:s17], [sflag:$0x1] =	stream.indirect.gather @!p0 [hbm4b:s1+s13], $0x80, s16, s13, $0xb8;
	[tilespmem:$0x12200] =	vst v63  }
0x85: {  	s17 =	simm.s32 @!p0 $0x11200  }
0x86: {  	[tilespmem:s17], [sflag:$0x1] =	stream.indirect.gather @!p0 [hbm4b:s4+s13], $0x10, s16, s13, $0xb8;
	[tilespmem:$0x12200] =	vst v63  }
0x87: {  	s16 =	simm.s32 @!p0 $0x180;
	s17 =	simm.s32 @!p0 $0xC200  }
0x88: {  	[tilespmem:s17], [sflag:$0x1] =	stream.indirect.gather @!p0 [hbm4b:s1+s13], $0x80, s16, s13, $0xb8;
	[tilespmem:$0x12200] =	vst v63  }
0x89: {  	s18 =	simm.s32 @!p0 $0x1;
	s17 =	simm.s32 @!p0 $0x11A00  }
0x8a: {  	[tilespmem:s17], [sflag:$0x1] =	stream.indirect.gather @!p0 [hbm4b:s4+s13], $0x10, s16, s13, $0xb8;
	[tilespmem:$0x12200] =	vst v63  }
0x8b: {  	_ =	swait.ge @!p0 [sflag:s18], $0x4000  }
0x8c: {  	[sflag:s18] =	ssyncset.done @!p0 $0x0  }
0x8d: {  	[sflag:s18] =	ssyncadd.s32 @!p0 $0xFFFFC000  }
0x8e: {  	_ =	swait.ge @!p0 [sflag:s18], $0x800  }
0x8f: {  	[sflag:s18] =	ssyncset.done @!p0 $0x0  }
0x90: {  	[sflag:s18] =	ssyncadd.s32 @!p0 $0xFFFFF800  }
0x91: {  	_ =	swait.ge @!p0 [sflag:s18], $0x4000  }
0x92: {  	[sflag:s18] =	ssyncset.done @!p0 $0x0  }
0x93: {  	[sflag:s18] =	ssyncadd.s32 @!p0 $0xFFFFC000  }
0x94: {  	_ =	swait.ge @!p0 [sflag:s18], $0x800  }
0x95: {  	[sflag:s18] =	ssyncset.done @!p0 $0x0  }
0x96: {  	[sflag:s18] =	ssyncadd.s32 @!p0 $0xFFFFF800  }
0x97: {  	_ =	swait.ge @!p0 [sflag:s18], $0x4000  }
0x98: {  	[sflag:s18] =	ssyncset.done @!p0 $0x0  }
0x99: {  	[sflag:s18] =	ssyncadd.s32 @!p0 $0xFFFFC000  }
0x9a: {  	_ =	swait.ge @!p0 [sflag:s18], $0x800  }
0x9b: {  	[sflag:s18] =	ssyncset.done @!p0 $0x0  }
0x9c: {  	[sflag:s18] =	ssyncadd.s32 @!p0 $0xFFFFF800  }
0x9d: {  	_ =	swait.ge @!p0 [sflag:s18], $0x4000  }
0x9e: {  	[sflag:s18] =	ssyncset.done @!p0 $0x0  }
0x9f: {  	[sflag:s18] =	ssyncadd.s32 @!p0 $0xFFFFC000  }
0xa0: {  	_ =	swait.ge @!p0 [sflag:s18], $0x800  }
0xa1: {  	[sflag:s18] =	ssyncset.done @!p0 $0x0  }
0xa2: {  	[sflag:s18] =	ssyncadd.s32 @!p0 $0xFFFFF800  }
0xa3: {  	[hbm4b:s11+s12] =	stream.linear.scatter @!p0 [tilespmem:s14], [sflag:$0x1], $0x10000, $0x38;
	[tilespmem:$0x12200] =	vst v63  }
0xa4: {  	s3 =	sadd.s32 $0x1, s3  }
0xa5: {  	[hbm4b:s10+s12] =	stream.linear.scatter @!p0 [tilespmem:s15], [sflag:$0x1], $0x2000, $0x38;
	[tilespmem:$0x12200] =	vst v63  }
0xa6: {  	p1 =	sne.s32 s3, s5;
	_ =	swait.ge @!p0 [sflag:s18], $0x10000  }
.Ltmp1:
0xa7: {  	[sflag:s18] =	ssyncset.done @!p0 $0x0;
	(pc) =	sbr.rel @p1 .LBB2_1-.Ltmp1, $4  }
0xa8: {  	[sflag:s18] =	ssyncadd.s32 @!p0 $0xFFFF0000  }
0xa9: {  	_ =	swait.ge @!p0 [sflag:s18], $0x2000  }
0xaa: {  	[sflag:s18] =	ssyncset.done @!p0 $0x0  }
0xab: {  	[sflag:s18] =	ssyncadd.s32 @!p0 $0xFFFFE000  }
0xac: {  	_ =	sfence.sel $0x180000  }
0xad: {  	[bflag:$0x0] =	sbarrier.arrive $0xFFFF  }
0xae: {  	p0 =	sne.s32 s2, $0x0;
	_ =	strace $0x90000047  }
0xaf: {  	s0 =	sadd.s32 @!p0 $0x100000, s0;
	[bflag:$0x2] =	sbarrier.arrive $0xFFFF  }
0xb0: {  	[sflag:s0] =	ssyncadd.tile.s32 @!p0 $0x1;
	_ =	shalt  }
.Lfunc_end2:
_tile_overlayer_lowered:
.L_overlay_start_2:
0xb1: {  	(tag) =	ssettag $0x2  }
0xb2: {  	s0 =	rddreg [dreg:$0x0];
	s2 =	stileid.u32  }
0xb3: {  	s1 =	rddreg [dreg:$0x1];
	p0 =	sne.s32 s2, $0x0  }
0xb4: {  	s3 =	rddreg [dreg:$0x2];
	[bflag:$0x3] =	sbarrier.arrive $0xFFFF;
	s2 =	simm.s32 @!p0 $0x1C02  }
0xb5: {  	[timem:s3], [sflag:s2] =	dma.local @!p0 [hbm:s0], s1  }
0xb6: {  	s0 =	simm.s32 @!p0 $0x2  }
0xb7: {  	_ =	swait.ge @!p0 [sflag:s0], s1  }
0xb8: {  	s1 =	ssub.s32 @!p0 $0x0, s1;
	[sflag:s0] =	ssyncset.done @!p0 $0x0  }
0xb9: {  	[sflag:s0] =	ssyncadd.s32 @!p0 s1  }
0xba: {  	[bflag:$0x3] =	sbarrier.arrive $0xFFFF  }
0xbb: {  	_ =	shalt  }

// kernel: kernel.9.cloned.1.call-start
scs
__scs_entry_jumppad:
0x0: {  	(pc) =	sbr.rel $0x88, $3  }
0x1: {  	(tag) =	ssettag $0x0;
	lr =	simm.s32 $0x1  }
0x2: {  	[smem:$0x3F89] =	sst lr;
	_ =	strace $0xD0000000  }
0x3: {  	_ = 	snop  }
0x4: {  	_ = 	snop  }
0x5: {  	_ = 	snop  }
0x6: {  	_ = 	snop  }
0x7: {  	_ = 	snop  }
__scs_overlays_trampoline_lowered:
0x8: {  	[smem:$0x3F98] =	sst s0  }
0x9: {  	[smem:$0x3F99] =	sst s1  }
0xa: {  	[smem:$0x3F9A] =	sst s2  }
0xb: {  	[smem:$0x3F9B] =	sst s3  }
0xc: {  	[smem:$0x3F9C] =	sst s4  }
0xd: {  	[smem:$0x3F9D] =	sst s5  }
0xe: {  	[smem:$0x3F9E] =	sst s6  }
0xf: {  	[smem:$0x3F9F] =	sst s7  }
0x10: {  	[smem:$0x3FA0] =	sst s8  }
0x11: {  	[smem:$0x3FA1] =	sst s9;
	s0 =	simm.s32 @!p0 $0x0  }
0x12: {  	s1 =	sld [smem:$0x3F87];
	s0 =	simm.s32 @p0 $0x1  }
0x13: {  	[smem:$0x3FA2] =	sst s0;
	s0 =	simm.s32 @!p1 $0x0  }
0x14: {  	s2 =	sld [smem:$0x3F86];
	s0 =	simm.s32 @p1 $0x1  }
0x15: {  	[smem:$0x3FA3] =	sst s0;
	s0 =	simm.s32 @!p2 $0x0  }
0x16: {  	s3 =	sld [smem:$0x3FDB];
	s0 =	simm.s32 @p2 $0x1  }
0x17: {  	s4 =	simm.s32 $0x1BF5;
	[smem:$0x3FA5] =	sst s0  }
0x18: {  	s0 =	sld [smem:$0x3F88];
	_ =	swait.ge [sflag:s4], $0x0  }
0x19: {  	s7 =	sld [smem:$0x3F89]  }
0x1a: {  	s8 =	sadd.s32 $0xFFFFE003, lr  }
0x1b: {  	s9 =	sadd.s32 $0xFFFFFEF7, lr;
	s5 =	simm.s32 $0xFFFFFFFF;
	p2 =	slt.u32 s8, $0xFFFFF086  }
0x1c: {  	p1 =	slt.u32 s9, $0xF7A;
	s5 =	simm.s32 @!p2 $0x0  }
0x1d: {  	s5 =	simm.s32 @p1 $0x1;
	p0 =	seq.s32 s7, s2  }
0x1e: {  	s7 =	smul.u32 @!p0 $0xF7A, s2;
	p2 =	seq.s32 @!p0 s5, $0x0  }
0x1f: {  	s9 =	smul.u32 $0xF7A, s1;
	s8 =	simm.s32 @!p0 $0x1BF5;
	p2 =	por !p2, p0  }
0x20: {  	[sflag:s8] =	ssyncset.s32 @!p0 $0xFFFFF086;
	s6 =	sadd.s32 @!p0 s3, s7;
	s7 =	simm.s32 @!p0 $0x108  }
0x21: {  	s3 =	sadd.s32 s3, s9;
	s6 =	sadd.s32 @!p0 $0x88, s6;
	s7 =	simm.s32 @p2 $0x1082  }
0x22: {  	[simem:s7], [sflag:s8] =	dma.local @!p0 [hbm:s6], $0xF7A  }
0x23: {  	s9 =	sor.u32 $0xD0000000, s2;
	s6 =	simm.s32 $0x108;
	_ =	swait.ge @!p0 [sflag:s8], $0x0  }
0x24: {  	s3 =	sadd.s32 $0x88, s3;
	s6 =	simm.s32 @!p1 $0x1082;
	[sflag:s4] =	ssyncset.s32 $0xFFFFF086  }
0x25: {  	[simem:s6], [sflag:s4] =	dma.local [hbm:s3], $0xF7A  }
0x26: {  	[smem:$0x3F89] =	sst s1;
	(tag) =	ssettag s2;
	_ =	strace s9  }
0x27: {  	s1 =	sld [smem:$0x3F99]  }
0x28: {  	s2 =	sld [smem:$0x3F9A]  }
0x29: {  	s4 =	sld [smem:$0x3F9C]  }
0x2a: {  	p0 =	seq.s32 s5, $0x0;
	s5 =	sld [smem:$0x3F9D]  }
0x2b: {  	s6 =	sld [smem:$0x3F9E]  }
0x2c: {  	s7 =	sld [smem:$0x3F9F]  }
0x2d: {  	s3 =	simm.s32 $0x108;
	s8 =	sld [smem:$0x3FA0]  }
0x2e: {  	s3 =	simm.s32 @!p0 $0x1082;
	s9 =	sld [smem:$0x3FA1]  }
0x2f: {  	lr =	sadd.s32 s0, s3;
	s0 =	sld [smem:$0x3F98]  }
0x30: {  	s3 =	sld [smem:$0x3F9B]  }
0x31: {  	[smem:$0x3FA4] =	sst s10  }
0x32: {  	s10 =	sld [smem:$0x3FA2];
	_ =	sdelay $0x3  }
0x33: {  	p0 =	seq.s32 s10, $0x1;
	s10 =	sld [smem:$0x3FA4];
	_ =	sdelay $0x3  }
0x34: {  	[smem:$0x3FA4] =	sst s10  }
0x35: {  	s10 =	sld [smem:$0x3FA3];
	_ =	sdelay $0x3  }
0x36: {  	p1 =	seq.s32 s10, $0x1;
	s10 =	sld [smem:$0x3FA4];
	_ =	sdelay $0x3  }
0x37: {  	[smem:$0x3FA4] =	sst s10  }
0x38: {  	s10 =	sld [smem:$0x3FA5]  }
0x39: {  	_ = 	snop;
	(pc) =	sbr.ind lr, $3  }
0x3a: {  	_ = 	snop  }
0x3b: {  	_ = 	snop  }
0x3c: {  	p2 =	seq.s32 s10, $0x1;
	s10 =	sld [smem:$0x3FA4]  }
0x3d: {  	_ =	shalt  }
0x3e: {  	_ =	shalt  }
0x3f: {  	_ =	shalt  }
0x40: {  	_ =	shalt  }
0x41: {  	_ =	shalt  }
0x42: {  	_ =	shalt  }
0x43: {  	_ =	shalt  }
0x44: {  	_ =	shalt  }
0x45: {  	_ =	shalt  }
0x46: {  	_ =	shalt  }
0x47: {  	_ =	shalt  }
0x48: {  	_ =	shalt  }
0x49: {  	_ =	shalt  }
0x4a: {  	_ =	shalt  }
0x4b: {  	_ =	shalt  }
0x4c: {  	_ =	shalt  }
0x4d: {  	_ =	shalt  }
0x4e: {  	_ =	shalt  }
0x4f: {  	_ =	shalt  }
0x50: {  	_ =	shalt  }
0x51: {  	_ =	shalt  }
0x52: {  	_ =	shalt  }
0x53: {  	_ =	shalt  }
0x54: {  	_ =	shalt  }
0x55: {  	_ =	shalt  }
0x56: {  	_ =	shalt  }
0x57: {  	_ =	shalt  }
0x58: {  	_ =	shalt  }
0x59: {  	_ =	shalt  }
0x5a: {  	_ =	shalt  }
0x5b: {  	_ =	shalt  }
0x5c: {  	_ =	shalt  }
0x5d: {  	_ =	shalt  }
0x5e: {  	_ =	shalt  }
0x5f: {  	_ =	shalt  }
0x60: {  	_ =	shalt  }
0x61: {  	_ =	shalt  }
0x62: {  	_ =	shalt  }
0x63: {  	_ =	shalt  }
0x64: {  	_ =	shalt  }
0x65: {  	_ =	shalt  }
0x66: {  	_ =	shalt  }
0x67: {  	_ =	shalt  }
0x68: {  	_ =	shalt  }
0x69: {  	_ =	shalt  }
0x6a: {  	_ =	shalt  }
0x6b: {  	_ =	shalt  }
0x6c: {  	_ =	shalt  }
0x6d: {  	_ =	shalt  }
0x6e: {  	_ =	shalt  }
0x6f: {  	_ =	shalt  }
0x70: {  	_ =	shalt  }
0x71: {  	_ =	shalt  }
0x72: {  	_ =	shalt  }
0x73: {  	_ =	shalt  }
0x74: {  	_ =	shalt  }
0x75: {  	_ =	shalt  }
0x76: {  	_ =	shalt  }
0x77: {  	_ =	shalt  }
0x78: {  	_ =	shalt  }
0x79: {  	_ =	shalt  }
0x7a: {  	_ =	shalt  }
0x7b: {  	_ =	shalt  }
0x7c: {  	_ =	shalt  }
0x7d: {  	_ =	shalt  }
0x7e: {  	_ =	shalt  }
0x7f: {  	_ =	shalt  }
0x80: {  	_ =	shalt  }
0x81: {  	_ =	shalt  }
0x82: {  	_ =	shalt  }
0x83: {  	_ =	shalt  }
0x84: {  	_ =	shalt  }
0x85: {  	_ =	shalt  }
0x86: {  	_ =	shalt  }
0x87: {  	_ =	shalt  }
.Lfunc_end0:
.L_simem_size_0:
called_computation.1_lowered:
.L_overlay_start_0:
0x88: {  	s2 =	sld [smem:$0x3FD9]  }
0x89: {  	s3 =	sld [smem:$0x3FFE];
	_ =	sdelay $0x1  }
0x8a: {  	s1 =	srdreg.scid  }
0x8b: {  	s0 =	sand.u32 $0x1, s1  }
0x8c: {  	s17 =	sshll.u32 s0, $0xA;
	s2 =	sadd.s32 s3, s2  }
0x8d: {  	s2 =	sadd.s32 s2, s17  }
0x8e: {  	[smem:$0x3FB0] =	sst s2  }
0x8f: {  	_ = 	snop  }
0x90: {  	s2 =	sld [smem:$0x3FD0];
	(tm) =	ssettm $0x1  }
0x91: {  	s18 =	sld [smem:$0x3FFB];
	_ =	sdelay $0x3  }
0x92: {  	_ =	strace s18  }
0x93: {  	s3 =	sld [smem:$0x3FFC];
	_ =	sdelay $0x3  }
0x94: {  	_ =	strace s3  }
0x95: {  	s3 =	sld [smem:$0x3FFD];
	_ =	sdelay $0x3  }
0x96: {  	_ =	strace s3  }
0x97: {  	_ =	strace $0x8FFFFFFF  }
0x98: {  	s19 =	sld [smem:$0x3FDB];
	_ =	sdelay $0x1  }
0x99: {  	s4 =	simm.s32 $_scs_section_size  }
0x9a: {  	s5 =	simm.s32 $_size__tile_overlayer_lowered;
	s6 =	simm.s32 $_tile_overlayer_lowered  }
0x9b: {  	s22 =	simm.s32 $0x1BFF;
	s21 =	sshll.u32 s6, $0x1;
	s3 =	sadd.s32 s4, s19  }
0x9c: {  	s7 =	simm.s32 $0x0;
	s20 =	sshll.u32 s5, $0x1;
	s5 =	sadd.s32 s21, s3  }
0x9d: {  	[timem:s7], [sflag:s22] =	dma.local [hbm:s5], s20  }
0x9e: {  	_ =	swait.ge [sflag:s22], s20  }
0x9f: {  	s4 =	ssub.s32 $0x0, s20;
	[sflag:s22] =	ssyncset.done $0x0  }
0xa0: {  	[sflag:s22] =	ssyncadd.s32 s4;
	_ =	sdelay $0x1  }
0xa1: {  	s23 =	simm.s32 $0x1B8B  }
0xa2: {  	_ =	swait.ge [sflag:s23], $0x1  }
0xa3: {  	[sflag:s23] =	ssyncset.done $0x0  }
0xa4: {  	s25 =	simm.s32 $0x1B8E;
	s24 =	sld [smem:$0x3FFE];
	[sflag:s23] =	ssyncadd.s32 $0xFFFFFFFF  }
0xa5: {  	s26 =	simm.s32 $execute0_lowered;
	[smem:$0x3FD2] =	sst s25  }
0xa6: {  	s5 =	sshll.u32 s26, $0x1;
	_ =	strace $0x80000049;
	[dreg:$0x1] =	wrdreg $0xFFFFFFFF  }
0xa7: {  	s28 =	simm.s32 $_size_execute0_lowered;
	s3 =	sadd.s32 s3, s5;
	[dreg:$0x0] =	wrdreg $0x0  }
0xa8: {  	s5 =	sshll.u32 s28, $0x1;
	[dreg:$0x2] =	wrdreg s3  }
0xa9: {  	[dreg:$0x3] =	wrdreg s5  }
0xaa: {  	[dreg:$0x4] =	wrdreg $0xC0  }
0xab: {  	_ =	task [dreg:s7], $0x5FFFF  }
0xac: {  	[dreg:$0x1] =	wrdreg $0xFFFFFFFF  }
0xad: {  	[dreg:$0x0] =	wrdreg $0x60  }
0xae: {  	[dreg:$0x2] =	wrdreg s24  }
0xaf: {  	[dreg:$0x3] =	wrdreg s2  }
0xb0: {  	[dreg:$0x4] =	wrdreg $0x91000  }
0xb1: {  	[dreg:$0x5] =	wrdreg $0x1C9800  }
0xb2: {  	[dreg:$0x6] =	wrdreg $0x9  }
0xb3: {  	_ =	task.clear_ibuf [dreg:s7], $0x7FFFF;
	_ =	strace $0x90000049  }
0xb4: {  	s29 =	simm.s32 $0x9;
	_ =	strace $0x8000004B  }
0xb5: {  	_ =	swait.ge [sflag:s29], $0x1  }
0xb6: {  	[sflag:s29] =	ssyncadd.s32 $0xFFFFFFFF  }
0xb7: {  	_ =	strace $0x9000004B  }
0xb8: {  	_ =	sfence  }
0xb9: {  	s30 =	sld [smem:$0x0];
	_ =	sdelay $0x2  }
0xba: {  	s31 =	sshll.u32 s1, $0xD;
	s1 =	sshrl.u32 s1, $0x2  }
0xbb: {  	s3 =	sand.u32 $0x4000, s31;
	s1 =	sadd.s32 s1, s30  }
0xbc: {  	s0 =	sor.u32 s3, s0;
	s1 =	sshll.u32 s1, $0x11  }
0xbd: {  	s0 =	sor.u32 s1, s0  }
0xbe: {  	s0 =	sadd.s32 $0x8F2B, s0  }
0xbf: {  	[sflag:s0] =	ssyncadd.remote.s32 $0x1  }
0xc0: {  	_ =	sfence.sel $0xFFFF  }
0xc1: {  	[dreg:$0x0] =	wrdreg $0xFFFFFFFF;
	(pc) =	sbr.abs _section_cstart, $3  }
0xc2: {  	[dreg:$0x1] =	wrdreg $0xFFFFFFFF  }
0xc3: {  	_ =	task.clear_ibuf [dreg:s7], $0x2FFFF;
	_ =	strace $0x9FFFFFFF  }
0xc4: {  	(tm) =	ssettm $0x7FFFFFFF  }
0xc5: {  	_ =	shalt  }
tec
execute0_lowered:
.L_overlay_start_1:
0x0: {  	(tag) =	ssettag $0x1  }
0x1: {  	s1 =	rddreg [dreg:$0x0]  }
0x2: {  	s7 =	rddreg [dreg:$0x1]  }
0x3: {  	s2 =	srdreg.scid;
	s0 =	stileid.u32  }
0x4: {  	s8 =	sadd.s32 $0x595A00, s1;
	s9 =	sadd.s32 $0x590A00, s1;
	s6 =	sand.u32 $0x1, s2  }
0x5: {  	s10 =	sadd.s32 $0x4800, s1;
	s15 =	sshll.u32 s0, $0x8;
	s17 =	smul.u32 $0xC8, s0  }
0x6: {  	s2 =	sor.u32 $0x30, s0;
	s26 =	sshll.u32 s0, $0xC;
	s29 =	sshll.u32 s0, $0x5  }
0x7: {  	p0 =	sne.s32 s0, $0x0;
	s3 =	sshll.u32 s6, $0x7;
	s12 =	smul.u32 $0x2710, s6  }
0x8: {  	s4 =	ssub.s32 $0x2, s6;
	s21 =	smul.u32 $0xC8, s2;
	s28 =	sshll.u32 s6, $0xB  }
0x9: {  	s30 =	sshll.u32 s6, $0x4;
	s6 =	sshll.u32 s6, $0x8;
	p1 =	sgt.u32 s2, $0x31  }
0xa: {  	s11 =	sor.u32 s3, s15;
	s16 =	sshrl.u32 s4, $0x1;
	s3 =	sor.u32 $0x20, s0  }
0xb: {  	s15 =	sor.u32 $0x26000, s11;
	s5 =	ssub.s32 s4, s16;
	s4 =	sor.u32 $0x10, s0  }
0xc: {  	s16 =	sor.u32 $0x27000, s11;
	s14 =	sadd.s32 s12, s17;
	s19 =	smul.u32 $0xC8, s3  }
0xd: {  	s13 =	sshll.u32 s15, $0x4;
	s17 =	smul.u32 $0xC8, s4;
	s18 =	sshll.u32 s14, $0x4  }
0xe: {  	s14 =	sshll.u32 s14, $0x1;
	s31 =	sshll.u32 s16, $0x4;
	s5 =	smax.u32 s5, $0x1  }
0xf: {  	s18 =	sadd.s32 s10, s18;
	s14 =	sadd.s32 s7, s14;
	s20 =	sadd.s32 s12, s19  }
0x10: {  	s13 =	sadd.s32 s8, s13;
	s19 =	sadd.s32 s8, s31;
	[dreg:$0x5] =	wrdreg s18  }
0x11: {  	s31 =	smul.u32 $0x3200, s0;
	s17 =	sadd.s32 s12, s17;
	[dreg:$0x6] =	wrdreg s14  }
0x12: {  	s23 =	sshll.u32 s20, $0x4;
	s24 =	sshll.u32 s20, $0x1;
	[dreg:$0xd] =	wrdreg s13  }
0x13: {  	s12 =	sadd.s32 s12, s21;
	[dreg:$0xe] =	wrdreg s19;
	s20 =	sshrl.u32 s15, $0x3  }
0x14: {  	s21 =	sshrl.u32 s16, $0x3;
	s19 =	rddreg [dreg:$0x3];
	s18 =	sshll.u32 s17, $0x4  }
0x15: {  	s17 =	sshll.u32 s17, $0x1;
	s25 =	sshll.u32 s12, $0x4;
	s14 =	sadd.s32 s10, s18  }
0x16: {  	s12 =	sshll.u32 s12, $0x1;
	s22 =	sadd.s32 s7, s17;
	[dreg:$0x7] =	wrdreg s14  }
0x17: {  	s18 =	sor.u32 s28, s26;
	[dreg:$0x8] =	wrdreg s22;
	s14 =	sadd.s32 s10, s23  }
0x18: {  	s10 =	sadd.s32 s10, s25;
	s17 =	sadd.s32 s18, s8;
	s22 =	sadd.s32 s9, s21  }
0x19: {  	s23 =	sshrl.u32 s11, $0x3;
	s25 =	sadd.s32 $0x274800, s1;
	[dreg:$0x9] =	wrdreg s14  }
0x1a: {  	s21 =	sadd.s32 $0x3800, s1;
	s14 =	sadd.s32 s7, s24;
	[dreg:$0xb] =	wrdreg s10  }
0x1b: {  	s7 =	sadd.s32 s7, s12;
	s12 =	sor.u32 s30, s29;
	[dreg:$0x10] =	wrdreg s22  }
0x1c: {  	s24 =	sshll.u32 s15, $0x1;
	s30 =	smul.u32 $0x19000, s0;
	s22 =	sadd.s32 $0x4600, s1  }
0x1d: {  	s10 =	sshll.u32 s0, $0x6;
	s15 =	smul.u32 $0x19000, s3;
	[dreg:$0xa] =	wrdreg s14  }
0x1e: {  	s3 =	smul.u32 $0x3200, s3;
	[dreg:$0xc] =	wrdreg s7;
	s7 =	sadd.s32 s26, s8  }
0x1f: {  	s8 =	sadd.s32 s9, s20;
	s11 =	sadd.s32 s12, s9;
	s14 =	simm.s32 $0x0  }
0x20: {  	s26 =	sshll.u32 s16, $0x1;
	s16 =	rddreg [dreg:$0x2];
	s12 =	sshrl.u32 s31, $0x2  }
0x21: {  	[dreg:$0xf] =	wrdreg s8;
	s8 =	sadd.s32 s23, s9;
	s13 =	sadd.s32 s28, s7  }
0x22: {  	[smem:$0x7FF] =	sst s14;
	s7 =	sadd.s32 s25, s24;
	s9 =	smul.u32 $0x19000, s4  }
0x23: {  	s28 =	sshll.u32 s0, $0x9;
	s4 =	smul.u32 $0x3200, s4;
	s0 =	sadd.s32 s12, s19  }
0x24: {  	s23 =	smul.u32 $0x19000, s2;
	s1 =	sshrl.u32 s15, $0x2;
	[dreg:$0x11] =	wrdreg s8  }
0x25: {  	s2 =	smul.u32 $0x3200, s2;
	s15 =	simm.s32 $0x1;
	[dreg:$0x12] =	wrdreg s7  }
0x26: {  	s7 =	sadd.s32 s25, s26;
	s29 =	sor.u32 s6, s28;
	s8 =	sadd.s32 s28, s25  }
0x27: {  	s24 =	sadd.s32 s1, s16;
	[dreg:$0x13] =	wrdreg s7;
	s6 =	sadd.s32 s6, s8  }
0x28: {  	s1 =	sadd.s32 $0x10000, s17;
	s7 =	sadd.s32 s29, s25;
	[dreg:$0x14] =	wrdreg s6  }
0x29: {  	s8 =	sshrl.u32 s30, $0x2;
	_ =	strace $0x8000004A;
	[dreg:$0x15] =	wrdreg s5  }
0x2a: {  	s18 =	sshrl.u32 s9, $0x2;
	s28 =	sshrl.u32 s2, $0x2;
	[dreg:$0x18] =	wrdreg s0  }
0x2b: {  	s20 =	sshrl.u32 s4, $0x2;
	s29 =	sadd.s32 s28, s19;
	[dreg:$0x1b] =	wrdreg s24  }
0x2c: {  	s25 =	sshrl.u32 s3, $0x2;
	s30 =	sadd.s32 $0x200, s11;
	[dreg:$0x1e] =	wrdreg s29  }
0x2d: {  	s26 =	sshrl.u32 s23, $0x2;
	s31 =	sadd.s32 $0x2000, s7;
	[dreg:$0x1f] =	wrdreg s30  }
0x2e: {  	s4 =	sor.u32 $0x1C03, s10;
	s9 =	simm.s32 $0x4880;
	[smem:$0x7FD] =	sst s31  }
0x2f: {  	s11 =	simm.s32 $0x8900;
	s5 =	sadd.s32 s8, s16;
	[dreg:$0x17] =	wrdreg s10  }
0x30: {  	s6 =	simm.s32 $0x2;
	s0 =	sadd.s32 s18, s16;
	[dreg:$0x16] =	wrdreg s5  }
0x31: {  	s7 =	simm.s32 $0x80;
	[dreg:$0x19] =	wrdreg s0;
	s0 =	sadd.s32 s20, s19  }
0x32: {  	s8 =	simm.s32 $0x4080;
	[dreg:$0x1a] =	wrdreg s0;
	s0 =	sadd.s32 s25, s19  }
0x33: {  	s10 =	simm.s32 $0x4900;
	[dreg:$0x1c] =	wrdreg s0;
	s0 =	sadd.s32 s26, s16  }
0x34: {  	s18 =	simm.s32 $0x0;
	s5 =	simm.s32 $0x3;
	[dreg:$0x1d] =	wrdreg s0  }
.LBB2_1:
0x35: {  	s0 =	rddreg [dreg:$0x16]  }
0x36: {  	s0 =	sshrl.u32 s0, $0x3  }
0x37: {  	[smem:$0x7FB] =	sst s0  }
0x38: {  	[spmem:s0], [sflag:s4] =	dma.local [hbm:s21], $0xC80  }
0x39: {  	_ =	swait.ge [sflag:s5], $0xC80  }
0x3a: {  	s2 =	rddreg [dreg:$0x18]  }
0x3b: {  	[sflag:s5] =	ssyncset.done $0x0;
	s26 =	rddreg [dreg:$0x17];
	s0 =	sshrl.u32 s2, $0x3  }
0x3c: {  	[sflag:s5] =	ssyncadd.s32 $0xFFFFF380;
	s23 =	sor.u32 $0x1C02, s26;
	[smem:$0x7FC] =	sst s0  }
0x3d: {  	[spmem:s0], [sflag:s23] =	dma.local [hbm:s22], $0x190  }
0x3e: {  	_ =	swait.ge [sflag:s6], $0x190  }
0x3f: {  	[sflag:s6] =	ssyncset.done $0x0;
	s3 =	rddreg [dreg:$0x19]  }
0x40: {  	[sflag:s6] =	ssyncadd.s32 $0xFFFFFE70;
	s28 =	sshrl.u32 s3, $0x3  }
0x41: {  	[spmem:s28], [sflag:s4] =	dma.local [hbm:s21], $0xC80  }
0x42: {  	_ =	swait.ge [sflag:s5], $0xC80  }
0x43: {  	[sflag:s5] =	ssyncset.done $0x0;
	s12 =	rddreg [dreg:$0x1a]  }
0x44: {  	[sflag:s5] =	ssyncadd.s32 $0xFFFFF380;
	s25 =	sshrl.u32 s12, $0x3  }
0x45: {  	[spmem:s25], [sflag:s23] =	dma.local [hbm:s22], $0x190  }
0x46: {  	_ =	swait.ge [sflag:s6], $0x190  }
0x47: {  	[sflag:s6] =	ssyncset.done $0x0;
	s17 =	rddreg [dreg:$0x1b]  }
0x48: {  	[sflag:s6] =	ssyncadd.s32 $0xFFFFFE70;
	s29 =	sshrl.u32 s17, $0x3  }
0x49: {  	[spmem:s29], [sflag:s4] =	dma.local [hbm:s21], $0xC80  }
0x4a: {  	_ =	swait.ge [sflag:s5], $0xC80  }
0x4b: {  	[sflag:s5] =	ssyncset.done $0x0;
	s20 =	rddreg [dreg:$0x1c]  }
0x4c: {  	[sflag:s5] =	ssyncadd.s32 $0xFFFFF380;
	s30 =	sshrl.u32 s20, $0x3  }
0x4d: {  	[spmem:s30], [sflag:s23] =	dma.local [hbm:s22], $0x190  }
0x4e: {  	_ =	swait.ge [sflag:s6], $0x190  }
0x4f: {  	[sflag:s6] =	ssyncset.done $0x0;
	s0 =	rddreg [dreg:$0x1d]  }
0x50: {  	[sflag:s6] =	ssyncadd.s32 $0xFFFFFE70;
	s31 =	sshrl.u32 @!p1 s0, $0x3;
	s0 =	simm.s32 @!p1 $0x3  }
0x51: {  	[spmem:s31], [sflag:s4] =	dma.local @!p1 [hbm:s21], $0xC80  }
0x52: {  	_ =	swait.ge @!p1 [sflag:s0], $0xC80  }
0x53: {  	[sflag:s0] =	ssyncset.done @!p1 $0x0  }
0x54: {  	[sflag:s0] =	ssyncadd.s32 @!p1 $0xFFFFF380;
	s0 =	rddreg [dreg:$0x1e]  }
0x55: {  	s17 =	sshrl.u32 @!p1 s0, $0x3;
	s0 =	simm.s32 @!p1 $0x2  }
0x56: {  	[spmem:s17], [sflag:s23] =	dma.local @!p1 [hbm:s22], $0x190  }
0x57: {  	_ =	swait.ge @!p1 [sflag:s0], $0x190  }
0x58: {  	[sflag:s0] =	ssyncset.done @!p1 $0x0  }
0x59: {  	[sflag:s0] =	ssyncadd.s32 @!p1 $0xFFFFFE70  }
0x5a: {  	[bflag:$0x0] =	sbarrier.arrive $0xFFFF  }
0x5b: {  	s2 =	rddreg [dreg:$0x11]  }
0x5c: {  	[tilespmem:s14], [sflag:$0x1] =	stream.linear.gather [hbm4b:s2+s14], $0x80, $0x38;
	[tilespmem:$0x1F090] =	vst v63  }
0x5d: {  	s24 =	sadd.s32 $0x0, s13  }
0x5e: {  	[tilespmem:s7], [sflag:$0x1] =	stream.linear.gather [hbm4b:s24+s14], $0x4000, $0x38;
	[tilespmem:$0x1F090] =	vst v63  }
0x5f: {  	s3 =	rddreg [dreg:$0x14]  }
0x60: {  	[tilespmem:s8], [sflag:$0x1] =	stream.linear.gather [hbm4b:s3+s14], $0x800, $0x38;
	[tilespmem:$0x1F090] =	vst v63  }
0x61: {  	s24 =	rddreg [dreg:$0x1f]  }
0x62: {  	[tilespmem:s9], [sflag:$0x1] =	stream.linear.gather [hbm4b:s24+s14], $0x80, $0x38;
	[tilespmem:$0x1F090] =	vst v63  }
0x63: {  	s26 =	sadd.s32 $0x0, s1  }
0x64: {  	[tilespmem:s10], [sflag:$0x1] =	stream.linear.gather [hbm4b:s26+s14], $0x4000, $0x38;
	[tilespmem:$0x1F090] =	vst v63  }
0x65: {  	s26 =	sld [smem:$0x7FD];
	_ =	sdelay $0x2  }
0x66: {  	[tilespmem:s11], [sflag:$0x1] =	stream.linear.gather [hbm4b:s26+s14], $0x800, $0x38;
	[tilespmem:$0x1F090] =	vst v63  }
0x67: {  	_ =	swait.ge [sflag:s15], $0x80  }
0x68: {  	[sflag:s15] =	ssyncset.done $0x0  }
0x69: {  	[sflag:s15] =	ssyncadd.s32 $0xFFFFFF80  }
0x6a: {  	_ =	swait.ge [sflag:s15], $0x4000  }
0x6b: {  	[sflag:s15] =	ssyncset.done $0x0  }
0x6c: {  	[sflag:s15] =	ssyncadd.s32 $0xFFFFC000  }
0x6d: {  	_ =	swait.ge [sflag:s15], $0x800  }
0x6e: {  	[sflag:s15] =	ssyncset.done $0x0  }
0x6f: {  	[sflag:s15] =	ssyncadd.s32 $0xFFFFF800  }
0x70: {  	[spmem:s16] =	stream.indirect.scatter.add.f32 [tilespmem:s7], [sflag:$0x2], $0x80, s14, s7, $0xb8;
	[tilespmem:$0x1F090] =	vst v63  }
0x71: {  	_ =	swait.ge [sflag:s6], $0x4000  }
0x72: {  	[sflag:s6] =	ssyncset.done $0x0  }
0x73: {  	[sflag:s6] =	ssyncadd.s32 $0xFFFFC000  }
0x74: {  	[spmem:s19] =	stream.indirect.scatter.add.f32 [tilespmem:s8], [sflag:$0x2], $0x10, s14, s7, $0xb8;
	[tilespmem:$0x1F090] =	vst v63  }
0x75: {  	_ =	swait.ge [sflag:s6], $0x800  }
0x76: {  	[sflag:s6] =	ssyncset.done $0x0  }
0x77: {  	[sflag:s6] =	ssyncadd.s32 $0xFFFFF800  }
0x78: {  	_ =	swait.ge [sflag:s15], $0x80  }
0x79: {  	[sflag:s15] =	ssyncset.done $0x0  }
0x7a: {  	[sflag:s15] =	ssyncadd.s32 $0xFFFFFF80  }
0x7b: {  	_ =	swait.ge [sflag:s15], $0x4000  }
0x7c: {  	[sflag:s15] =	ssyncset.done $0x0  }
0x7d: {  	[sflag:s15] =	ssyncadd.s32 $0xFFFFC000  }
0x7e: {  	_ =	swait.ge [sflag:s15], $0x800  }
0x7f: {  	[sflag:s15] =	ssyncset.done $0x0  }
0x80: {  	[sflag:s15] =	ssyncadd.s32 $0xFFFFF800  }
0x81: {  	[spmem:s16] =	stream.indirect.scatter.add.f32 [tilespmem:s10], [sflag:$0x2], $0x80, s9, s7, $0xb8;
	[tilespmem:$0x1F090] =	vst v63  }
0x82: {  	_ =	swait.ge [sflag:s6], $0x4000  }
0x83: {  	[sflag:s6] =	ssyncset.done $0x0  }
0x84: {  	s0 =	simm.s32 $0x20000;
	[sflag:s6] =	ssyncadd.s32 $0xFFFFC000  }
0x85: {  	[spmem:s19] =	stream.indirect.scatter.add.f32 [tilespmem:s11], [sflag:$0x2], $0x10, s9, s7, $0xb8;
	[tilespmem:$0x1F090] =	vst v63  }
0x86: {  	s12 =	sadd.s32 $0x400, s2;
	s20 =	sadd.s32 $0x4000, s3;
	_ =	swait.ge [sflag:s6], $0x800  }
0x87: {  	s2 =	smov.u32 s24;
	s3 =	smov.u32 s26;
	[sflag:s6] =	ssyncset.done $0x0  }
.LBB2_2:
0x88: {  	[sflag:s6] =	ssyncadd.s32 $0xFFFFF800  }
0x89: {  	s2 =	sadd.s32 $0x400, s2;
	s3 =	sadd.s32 $0x4000, s3;
	s24 =	smov.u32 s0  }
0x8a: {  	[tilespmem:s14], [sflag:$0x1] =	stream.linear.gather [hbm4b:s12+s14], $0x80, $0x38;
	[tilespmem:$0x1F090] =	vst v63  }
0x8b: {  	p2 =	sne.s32 s0, $0x240000;
	s0 =	sadd.s32 $0x20000, s0;
	s26 =	sadd.s32 s24, s13  }
0x8c: {  	[tilespmem:s7], [sflag:$0x1] =	stream.linear.gather [hbm4b:s26+s14], $0x4000, $0x38;
	[tilespmem:$0x1F090] =	vst v63  }
0x8d: {  	_ = 	snop  }
0x8e: {  	[tilespmem:s8], [sflag:$0x1] =	stream.linear.gather [hbm4b:s20+s14], $0x800, $0x38;
	[tilespmem:$0x1F090] =	vst v63  }
0x8f: {  	_ = 	snop  }
0x90: {  	[tilespmem:s9], [sflag:$0x1] =	stream.linear.gather [hbm4b:s2+s14], $0x80, $0x38;
	[tilespmem:$0x1F090] =	vst v63  }
0x91: {  	s24 =	sadd.s32 s24, s1  }
0x92: {  	[tilespmem:s10], [sflag:$0x1] =	stream.linear.gather [hbm4b:s24+s14], $0x4000, $0x38;
	[tilespmem:$0x1F090] =	vst v63  }
0x93: {  	_ = 	snop  }
0x94: {  	[tilespmem:s11], [sflag:$0x1] =	stream.linear.gather [hbm4b:s3+s14], $0x800, $0x38;
	[tilespmem:$0x1F090] =	vst v63  }
0x95: {  	_ =	swait.ge [sflag:s15], $0x80  }
0x96: {  	[sflag:s15] =	ssyncset.done $0x0  }
0x97: {  	[sflag:s15] =	ssyncadd.s32 $0xFFFFFF80  }
0x98: {  	_ =	swait.ge [sflag:s15], $0x4000  }
0x99: {  	[sflag:s15] =	ssyncset.done $0x0  }
0x9a: {  	[sflag:s15] =	ssyncadd.s32 $0xFFFFC000  }
0x9b: {  	_ =	swait.ge [sflag:s15], $0x800  }
0x9c: {  	[sflag:s15] =	ssyncset.done $0x0  }
0x9d: {  	[sflag:s15] =	ssyncadd.s32 $0xFFFFF800  }
0x9e: {  	[spmem:s16] =	stream.indirect.scatter.add.f32 [tilespmem:s7], [sflag:$0x2], $0x80, s14, s7, $0xb8;
	[tilespmem:$0x1F090] =	vst v63  }
0x9f: {  	_ =	swait.ge [sflag:s6], $0x4000  }
0xa0: {  	[sflag:s6] =	ssyncset.done $0x0  }
0xa1: {  	[sflag:s6] =	ssyncadd.s32 $0xFFFFC000  }
0xa2: {  	[spmem:s19] =	stream.indirect.scatter.add.f32 [tilespmem:s8], [sflag:$0x2], $0x10, s14, s7, $0xb8;
	[tilespmem:$0x1F090] =	vst v63  }
0xa3: {  	_ =	swait.ge [sflag:s6], $0x800  }
0xa4: {  	[sflag:s6] =	ssyncset.done $0x0  }
0xa5: {  	[sflag:s6] =	ssyncadd.s32 $0xFFFFF800  }
0xa6: {  	_ =	swait.ge [sflag:s15], $0x80  }
0xa7: {  	[sflag:s15] =	ssyncset.done $0x0  }
0xa8: {  	[sflag:s15] =	ssyncadd.s32 $0xFFFFFF80  }
0xa9: {  	_ =	swait.ge [sflag:s15], $0x4000  }
0xaa: {  	[sflag:s15] =	ssyncset.done $0x0  }
0xab: {  	[sflag:s15] =	ssyncadd.s32 $0xFFFFC000  }
0xac: {  	_ =	swait.ge [sflag:s15], $0x800  }
0xad: {  	[sflag:s15] =	ssyncset.done $0x0  }
0xae: {  	[sflag:s15] =	ssyncadd.s32 $0xFFFFF800  }
0xaf: {  	[spmem:s16] =	stream.indirect.scatter.add.f32 [tilespmem:s10], [sflag:$0x2], $0x80, s9, s7, $0xb8;
	[tilespmem:$0x1F090] =	vst v63  }
0xb0: {  	_ =	swait.ge [sflag:s6], $0x4000  }
.Ltmp0:
0xb1: {  	[sflag:s6] =	ssyncset.done $0x0;
	(pc) =	sbr.rel @p2 .LBB2_2-.Ltmp0, $4  }
0xb2: {  	[sflag:s6] =	ssyncadd.s32 $0xFFFFC000  }
0xb3: {  	[spmem:s19] =	stream.indirect.scatter.add.f32 [tilespmem:s11], [sflag:$0x2], $0x10, s9, s7, $0xb8;
	[tilespmem:$0x1F090] =	vst v63  }
0xb4: {  	_ =	swait.ge [sflag:s6], $0x800  }
0xb5: {  	s12 =	sadd.s32 $0x400, s12;
	s20 =	sadd.s32 $0x4000, s20;
	[sflag:s6] =	ssyncset.done $0x0  }
0xb6: {  	[sflag:s6] =	ssyncadd.s32 $0xFFFFF800;
	s0 =	rddreg [dreg:$0xf]  }
0xb7: {  	[tilespmem:s14], [sflag:$0x1] =	stream.linear.gather [hbm4b:s0+s14], $0x80, $0x38;
	[tilespmem:$0x1F090] =	vst v63  }
0xb8: {  	s24 =	rddreg [dreg:$0xd]  }
0xb9: {  	[tilespmem:s7], [sflag:$0x1] =	stream.linear.gather [hbm4b:s24+s14], $0x4000, $0x38;
	[tilespmem:$0x1F090] =	vst v63  }
0xba: {  	s26 =	rddreg [dreg:$0x12]  }
0xbb: {  	[tilespmem:s8], [sflag:$0x1] =	stream.linear.gather [hbm4b:s26+s14], $0x800, $0x38;
	[tilespmem:$0x1F090] =	vst v63  }
0xbc: {  	_ =	swait.ge [sflag:s15], $0x80  }
0xbd: {  	[sflag:s15] =	ssyncset.done $0x0  }
0xbe: {  	[sflag:s15] =	ssyncadd.s32 $0xFFFFFF80  }
0xbf: {  	_ =	swait.ge [sflag:s15], $0x4000  }
0xc0: {  	[sflag:s15] =	ssyncset.done $0x0  }
0xc1: {  	[sflag:s15] =	ssyncadd.s32 $0xFFFFC000  }
0xc2: {  	_ =	swait.ge [sflag:s15], $0x800  }
0xc3: {  	[sflag:s15] =	ssyncset.done $0x0  }
0xc4: {  	[sflag:s15] =	ssyncadd.s32 $0xFFFFF800  }
0xc5: {  	[spmem:s16] =	stream.indirect.scatter.add.f32 [tilespmem:s7], [sflag:$0x2], $0x80, s14, s7, $0xb8;
	[tilespmem:$0x1F090] =	vst v63  }
0xc6: {  	_ =	swait.ge [sflag:s6], $0x4000  }
0xc7: {  	[sflag:s6] =	ssyncset.done $0x0  }
0xc8: {  	[sflag:s6] =	ssyncadd.s32 $0xFFFFC000  }
0xc9: {  	[spmem:s19] =	stream.indirect.scatter.add.f32 [tilespmem:s8], [sflag:$0x2], $0x10, s14, s7, $0xb8;
	[tilespmem:$0x1F090] =	vst v63  }
0xca: {  	_ =	swait.ge [sflag:s6], $0x800  }
0xcb: {  	s2 =	simm.s32 @!p0 $0x4880;
	[sflag:s6] =	ssyncset.done $0x0  }
0xcc: {  	s0 =	simm.s32 @!p0 $0x0;
	s3 =	rddreg [dreg:$0x10];
	[sflag:s6] =	ssyncadd.s32 $0xFFFFF800  }
0xcd: {  	[tilespmem:s2], [sflag:$0x1] =	stream.linear.gather @!p0 [hbm4b:s3+s0], $0x80, $0x38;
	[tilespmem:$0x1F090] =	vst v63  }
0xce: {  	s12 =	rddreg [dreg:$0xe];
	s3 =	simm.s32 @!p0 $0x4900  }
0xcf: {  	[tilespmem:s3], [sflag:$0x1] =	stream.linear.gather @!p0 [hbm4b:s12+s0], $0x4000, $0x38;
	[tilespmem:$0x1F090] =	vst v63  }
0xd0: {  	s20 =	rddreg [dreg:$0x13];
	s12 =	simm.s32 @!p0 $0x8900  }
0xd1: {  	[tilespmem:s12], [sflag:$0x1] =	stream.linear.gather @!p0 [hbm4b:s20+s0], $0x800, $0x38;
	[tilespmem:$0x1F090] =	vst v63  }
0xd2: {  	s0 =	simm.s32 @!p0 $0x1  }
0xd3: {  	_ =	swait.ge @!p0 [sflag:s0], $0x80  }
0xd4: {  	[sflag:s0] =	ssyncset.done @!p0 $0x0  }
0xd5: {  	[sflag:s0] =	ssyncadd.s32 @!p0 $0xFFFFFF80  }
0xd6: {  	_ =	swait.ge @!p0 [sflag:s0], $0x4000  }
0xd7: {  	[sflag:s0] =	ssyncset.done @!p0 $0x0  }
0xd8: {  	[sflag:s0] =	ssyncadd.s32 @!p0 $0xFFFFC000  }
0xd9: {  	_ =	swait.ge @!p0 [sflag:s0], $0x800  }
0xda: {  	[sflag:s0] =	ssyncset.done @!p0 $0x0  }
0xdb: {  	[sflag:s0] =	ssyncadd.s32 @!p0 $0xFFFFF800;
	s0 =	simm.s32 @!p0 $0x80  }
0xdc: {  	[spmem:s16] =	stream.indirect.scatter.add.f32 @!p0 [tilespmem:s3], [sflag:$0x2], $0x80, s2, s0, $0xb8;
	[tilespmem:$0x1F090] =	vst v63  }
0xdd: {  	s3 =	simm.s32 @!p0 $0x2  }
0xde: {  	_ =	swait.ge @!p0 [sflag:s3], $0x4000  }
0xdf: {  	[sflag:s3] =	ssyncset.done @!p0 $0x0  }
0xe0: {  	[sflag:s3] =	ssyncadd.s32 @!p0 $0xFFFFC000  }
0xe1: {  	[spmem:s19] =	stream.indirect.scatter.add.f32 @!p0 [tilespmem:s12], [sflag:$0x2], $0x10, s2, s0, $0xb8;
	[tilespmem:$0x1F090] =	vst v63  }
0xe2: {  	_ =	swait.ge @!p0 [sflag:s3], $0x800  }
0xe3: {  	[sflag:s3] =	ssyncset.done @!p0 $0x0  }
0xe4: {  	[sflag:s3] =	ssyncadd.s32 @!p0 $0xFFFFF800  }
0xe5: {  	[bflag:$0x0] =	sbarrier.arrive $0xFFFF  }
0xe6: {  	s3 =	sld [smem:$0x7FB];
	_ =	sdelay $0x1  }
0xe7: {  	s2 =	rddreg [dreg:$0x5]  }
0xe8: {  	[hbm:s2], [sflag:s4] =	dma.local [spmem:s3], $0xC80  }
0xe9: {  	_ =	swait.ge [sflag:s5], $0xC80  }
0xea: {  	s20 =	sld [smem:$0x7FC]  }
0xeb: {  	[sflag:s5] =	ssyncset.done $0x0  }
0xec: {  	s12 =	rddreg [dreg:$0x6];
	[sflag:s5] =	ssyncadd.s32 $0xFFFFF380  }
0xed: {  	[hbm:s12], [sflag:s23] =	dma.local [spmem:s20], $0x190  }
0xee: {  	_ =	swait.ge [sflag:s6], $0x190  }
0xef: {  	[sflag:s6] =	ssyncset.done $0x0  }
0xf0: {  	s24 =	rddreg [dreg:$0x7];
	[sflag:s6] =	ssyncadd.s32 $0xFFFFFE70  }
0xf1: {  	[hbm:s24], [sflag:s4] =	dma.local [spmem:s28], $0xC80  }
0xf2: {  	_ =	swait.ge [sflag:s5], $0xC80  }
0xf3: {  	[sflag:s5] =	ssyncset.done $0x0  }
0xf4: {  	s26 =	rddreg [dreg:$0x8];
	[sflag:s5] =	ssyncadd.s32 $0xFFFFF380  }
0xf5: {  	[hbm:s26], [sflag:s23] =	dma.local [spmem:s25], $0x190  }
0xf6: {  	_ =	swait.ge [sflag:s6], $0x190  }
0xf7: {  	[sflag:s6] =	ssyncset.done $0x0  }
0xf8: {  	s28 =	rddreg [dreg:$0x9];
	[sflag:s6] =	ssyncadd.s32 $0xFFFFFE70  }
0xf9: {  	[hbm:s28], [sflag:s4] =	dma.local [spmem:s29], $0xC80  }
0xfa: {  	_ =	swait.ge [sflag:s5], $0xC80  }
0xfb: {  	[sflag:s5] =	ssyncset.done $0x0  }
0xfc: {  	s29 =	rddreg [dreg:$0xa];
	[sflag:s5] =	ssyncadd.s32 $0xFFFFF380  }
0xfd: {  	[hbm:s29], [sflag:s23] =	dma.local [spmem:s30], $0x190  }
0xfe: {  	_ =	swait.ge [sflag:s6], $0x190  }
0xff: {  	[sflag:s6] =	ssyncset.done $0x0  }
0x100: {  	s0 =	rddreg [dreg:$0xb];
	[sflag:s6] =	ssyncadd.s32 $0xFFFFFE70  }
0x101: {  	[hbm:s0], [sflag:s4] =	dma.local @!p1 [spmem:s31], $0xC80  }
0x102: {  	s0 =	simm.s32 @!p1 $0x3  }
0x103: {  	_ =	swait.ge @!p1 [sflag:s0], $0xC80  }
0x104: {  	[sflag:s0] =	ssyncset.done @!p1 $0x0  }
0x105: {  	[sflag:s0] =	ssyncadd.s32 @!p1 $0xFFFFF380;
	s0 =	rddreg [dreg:$0xc]  }
0x106: {  	[hbm:s0], [sflag:s23] =	dma.local @!p1 [spmem:s17], $0x190  }
0x107: {  	s0 =	simm.s32 @!p1 $0x2  }
0x108: {  	_ =	swait.ge @!p1 [sflag:s0], $0x190  }
0x109: {  	s18 =	sadd.s32 $0x1, s18;
	s31 =	rddreg [dreg:$0x15]  }
0x10a: {  	p2 =	sne.s32 s18, s31  }
.Ltmp1:
0x10b: {  	_ = 	snop;
	(pc) =	sbr.rel @p2 .LBB2_1-.Ltmp1, $3  }
0x10c: {  	_ =	sdelay $0x1  }
0x10d: {  	[sflag:s0] =	ssyncset.done @!p1 $0x0  }
0x10e: {  	[sflag:s0] =	ssyncadd.s32 @!p1 $0xFFFFFE70  }
0x10f: {  	_ =	sfence.sel $0x180000  }
0x110: {  	[bflag:$0x0] =	sbarrier.arrive $0xFFFF  }
0x111: {  	_ =	strace $0x9000004A  }
0x112: {  	[bflag:$0x2] =	sbarrier.arrive $0xFFFF  }
0x113: {  	s0 =	rddreg [dreg:$0x4]  }
0x114: {  	s0 =	sadd.s32 @!p0 $0x100000, s0  }
0x115: {  	[sflag:s0] =	ssyncadd.tile.s32 @!p0 $0x1;
	_ =	shalt  }
.Lfunc_end2:
_tile_overlayer_lowered:
.L_overlay_start_2:
0x116: {  	(tag) =	ssettag $0x2  }
0x117: {  	s0 =	rddreg [dreg:$0x0];
	s2 =	stileid.u32  }
0x118: {  	s1 =	rddreg [dreg:$0x1];
	p0 =	sne.s32 s2, $0x0  }
0x119: {  	s3 =	rddreg [dreg:$0x2];
	[bflag:$0x3] =	sbarrier.arrive $0xFFFF;
	s2 =	simm.s32 @!p0 $0x1C02  }
0x11a: {  	[timem:s3], [sflag:s2] =	dma.local @!p0 [hbm:s0], s1  }
0x11b: {  	s0 =	simm.s32 @!p0 $0x2  }
0x11c: {  	_ =	swait.ge @!p0 [sflag:s0], s1  }
0x11d: {  	s1 =	ssub.s32 @!p0 $0x0, s1;
	[sflag:s0] =	ssyncset.done @!p0 $0x0  }
0x11e: {  	[sflag:s0] =	ssyncadd.s32 @!p0 s1  }
0x11f: {  	[bflag:$0x3] =	sbarrier.arrive $0xFFFF  }
0x120: {  	_ =	shalt  }

</sc_bundles>
